<compile_context>
chip_gen: v7x
topology: tpu7x:2x2x1
jax: 0.10.2.dev20260603
libtpu: 0.0.44.dev20260713+nightly
codegen_flags: <defaults>
</compile_context>

<pallas_src>
import functools

import jax
import jax.numpy as jnp
from jax import lax
from jax.experimental import pallas as pl
from jax.experimental.pallas import tpu as pltpu
from jax.experimental.pallas import tpu_sc as plsc

N = 50000
N0 = 25000
E = 800000
R = 4
G = 128
NGROUPS = 6400
E_PAD = NGROUPS * G
NC = 2
NS = 16
NW = NC * NS

K1_WG = NGROUPS // NW
K1_CG = 10
K1_NCH = K1_WG // K1_CG
K1_CE = K1_CG * G

K2_TG = NGROUPS // NS
K2_CG = 5
K2_NCH = K2_TG // K2_CG
K2_CE = K2_CG * G

DEN_ROWS = 3136
DEN_ROWS_LAST = N - 15 * DEN_ROWS


def _iota16():
    return lax.iota(jnp.int32, 16)


def _zero_wk(ref, rows, width):
    z = jnp.zeros((16,), jnp.float32)

    def body(t, carry):
        lin = t * 16 + _iota16()
        plsc.store_scatter(ref, [lin // width, lin % width], z)
        return carry
    lax.fori_loop(0, rows * width // 16, body, 0)


def _zero_w8(ref, rows):
    _zero_wk(ref, rows, 8)


def _make_k1(H):
    mesh = plsc.VectorSubcoreMesh(core_axis_name="c", subcore_axis_name="s",
                                  num_cores=NC, num_subcores=NS)
    out_type = (
        jax.ShapeDtypeStruct((H, E_PAD), jnp.float32),
        jax.ShapeDtypeStruct((2, N, 8), jnp.float32),
    )
    scratch = [
        pltpu.VMEM((K1_CG, 3, G), jnp.int32),
        pltpu.VMEM((K1_CE,), jnp.int32),
        pltpu.VMEM((K1_CE,), jnp.int32),
        pltpu.VMEM((K1_CE,), jnp.int32),
        pltpu.VMEM((K1_CE, 16), jnp.float32),
        pltpu.VMEM((K1_CE, 16), jnp.float32),
        pltpu.VMEM((K1_CE, 8), jnp.float32),
        pltpu.VMEM((H, K1_CE), jnp.float32),
        pltpu.VMEM_SHARED((N, 8), jnp.float32),
        pltpu.SemaphoreType.DMA,
        pltpu.SemaphoreType.DMA,
    ]

    @functools.partial(pl.kernel, out_type=out_type, mesh=mesh,
                       compiler_params=pltpu.CompilerParams(
                           use_tc_tiling_on_sc=False, needs_layout_passes=False),
                       scratch_types=scratch)
    def k1(qk_hbm, eG, ex_out, den_out,
           eb, rowsD, rowsS, dstv, qkd, qks, pair, exb,
           den_sp, sem0, sem1):
        c = lax.axis_index("c")
        s = lax.axis_index("s")
        wid = s * NC + c

        _zero_w8(pair, K1_CE)
        nf, rm = divmod(DEN_ROWS, K1_CE)
        nf_l, rm_l = divmod(DEN_ROWS_LAST, K1_CE)
        base_row = s * DEN_ROWS

        @pl.when(s < 15)
        def _():
            for q in range(nf):
                pltpu.sync_copy(pair, den_sp.at[pl.ds(base_row + q * K1_CE, K1_CE)])
            if rm:
                pltpu.sync_copy(pair.at[pl.ds(0, rm)],
                                den_sp.at[pl.ds(base_row + nf * K1_CE, rm)])

        @pl.when(s == 15)
        def _():
            for q in range(nf_l):
                pltpu.sync_copy(pair, den_sp.at[pl.ds(base_row + q * K1_CE, K1_CE)])
            if rm_l:
                pltpu.sync_copy(pair.at[pl.ds(0, rm_l)],
                                den_sp.at[pl.ds(base_row + nf_l * K1_CE, rm_l)])

        plsc.subcore_barrier()

        def chunk(ci, _):
            base_g = wid * K1_WG + ci * K1_CG
            pltpu.sync_copy(eG.at[pl.ds(base_g, K1_CG)], eb)

            def rows_body(t, _2):
                g = t // 8
                k = (t % 8) * 16
                sv = eb[g, 0, pl.ds(k, 16)]
                dv = eb[g, 1, pl.ds(k, 16)]
                ev = eb[g, 2, pl.ds(k, 16)]
                evN = ev * N
                rowsD[pl.ds(t * 16, 16)] = evN + dv
                rowsS[pl.ds(t * 16, 16)] = evN + sv
                dstv[pl.ds(t * 16, 16)] = dv
                return _2
            lax.fori_loop(0, K1_CG * 8, rows_body, 0)

            cp0 = pltpu.async_copy(qk_hbm.at[rowsD], qkd, sem0)
            cp1 = pltpu.async_copy(qk_hbm.at[rowsS], qks, sem1)
            cp0.wait()
            cp1.wait()

            edge0 = (wid * K1_WG + ci * K1_CG) * G

            def ex_body(t, _2):
                rvec = t * 16 + _iota16()
                eid = edge0 + rvec
                valid = eid < E
                for h in range(H):
                    qh = plsc.load_gather(qkd, [rvec, jnp.full((16,), h, jnp.int32)])
                    kh = plsc.load_gather(qks, [rvec, jnp.full((16,), H + h, jnp.int32)])
                    sc = qh + kh
                    a = jnp.where(sc >= 0.0, sc, 0.2 * sc)
                    exv = jnp.where(valid, jnp.exp(a), 0.0)
                    exb[h, pl.ds(t * 16, 16)] = exv
                    plsc.store_scatter(pair, [rvec, jnp.full((16,), h, jnp.int32)], exv)
                return _2
            lax.fori_loop(0, K1_CG * 8, ex_body, 0)

            for h in range(H):
                pltpu.sync_copy(exb.at[h], ex_out.at[h, pl.ds(edge0, K1_CE)])

            pltpu.async_copy(pair, den_sp.at[dstv], sem0, add=True).wait()
            return _
        lax.fori_loop(0, K1_NCH, chunk, 0)

        plsc.subcore_barrier()

        @pl.when(s < 15)
        def _():
            pltpu.sync_copy(den_sp.at[pl.ds(s * DEN_ROWS, DEN_ROWS)],
                            den_out.at[c, pl.ds(s * DEN_ROWS, DEN_ROWS)])

        @pl.when(s == 15)
        def _():
            pltpu.sync_copy(den_sp.at[pl.ds(15 * DEN_ROWS, DEN_ROWS_LAST)],
                            den_out.at[c, pl.ds(15 * DEN_ROWS, DEN_ROWS_LAST)])

    return k1


def _make_k2(W, h_from_core, H):
    mesh = plsc.VectorSubcoreMesh(core_axis_name="c", subcore_axis_name="s",
                                  num_cores=NC, num_subcores=NS)
    out_type = jax.ShapeDtypeStruct((2, N, W), jnp.float32)
    scratch = [
        pltpu.VMEM((K2_CG, 3, G), jnp.int32),
        pltpu.VMEM((K2_CE,), jnp.int32),
        pltpu.VMEM((K2_CE,), jnp.int32),
        pltpu.VMEM((K2_CE, W), jnp.float32),
        pltpu.VMEM((K2_CE,), jnp.float32),
        pltpu.VMEM_SHARED((N, W), jnp.float32),
        pltpu.SemaphoreType.DMA,
        pltpu.SemaphoreType.DMA,
    ]
    NV = W // 16

    @functools.partial(pl.kernel, out_type=out_type, mesh=mesh,
                       compiler_params=pltpu.CompilerParams(
                           use_tc_tiling_on_sc=False, needs_layout_passes=False),
                       scratch_types=scratch)
    def k2(xr_hbm, eG, ex_hbm, agg_out,
           eb, rows, dstv, msg, exbuf, agg_sp, sem0, sem1):
        c = lax.axis_index("c")
        s = lax.axis_index("s")
        c_off = c * (R * N)

        def zero_m16(t, _):
            r = t // NV
            v = (t % NV) * 16
            msg[r, pl.ds(v, 16)] = jnp.zeros((16,), jnp.float32)
            return _
        lax.fori_loop(0, K2_CE * NV, zero_m16, 0)

        base_row = s * DEN_ROWS

        nfull, rem = divmod(DEN_ROWS, K2_CE)
        nfull_l, rem_l = divmod(DEN_ROWS_LAST, K2_CE)

        @pl.when(s < 15)
        def _():
            for q in range(nfull):
                pltpu.sync_copy(msg, agg_sp.at[pl.ds(base_row + q * K2_CE, K2_CE)])
            if rem:
                pltpu.sync_copy(msg.at[pl.ds(0, rem)],
                                agg_sp.at[pl.ds(base_row + nfull * K2_CE, rem)])

        @pl.when(s == 15)
        def _():
            for q in range(nfull_l):
                pltpu.sync_copy(msg, agg_sp.at[pl.ds(base_row + q * K2_CE, K2_CE)])
            if rem_l:
                pltpu.sync_copy(msg.at[pl.ds(0, rem_l)],
                                agg_sp.at[pl.ds(base_row + nfull_l * K2_CE, rem_l)])

        plsc.subcore_barrier()

        def chunk(ci, _):
            base_g = s * K2_TG + ci * K2_CG
            pltpu.sync_copy(eG.at[pl.ds(base_g, K2_CG)], eb)

            def rows_body(t, _2):
                g = t // 8
                k = (t % 8) * 16
                sv = eb[g, 0, pl.ds(k, 16)]
                ev = eb[g, 2, pl.ds(k, 16)]
                rows[pl.ds(t * 16, 16)] = c_off + ev * N + sv
                dstv[pl.ds(t * 16, 16)] = eb[g, 1, pl.ds(k, 16)]
                return _2
            lax.fori_loop(0, K2_CG * 8, rows_body, 0)

            edge0 = base_g * G
            if h_from_core:
                excp = pltpu.async_copy(ex_hbm.at[c, pl.ds(edge0, K2_CE)],
                                        exbuf, sem1)
            else:
                excp = pltpu.async_copy(ex_hbm.at[0, pl.ds(edge0, K2_CE)],
                                        exbuf, sem1)

            cp0 = pltpu.async_copy(xr_hbm.at[rows], msg, sem0)
            excp.wait()
            cp0.wait()

            def sc_body(t, _2):
                for u in range(4):
                    e = t * 4 + u
                    sv = plsc.load_gather(exbuf, [jnp.full((16,), e, jnp.int32)])
                    for v in range(NV):
                        blk = msg[e, pl.ds(v * 16, 16)]
                        msg[e, pl.ds(v * 16, 16)] = blk * sv
                return _2
            lax.fori_loop(0, K2_CE // 4, sc_body, 0)

            pltpu.async_copy(msg, agg_sp.at[dstv], sem0, add=True).wait()
            return _
        lax.fori_loop(0, K2_NCH, chunk, 0)

        plsc.subcore_barrier()

        @pl.when(s < 15)
        def _():
            pltpu.sync_copy(agg_sp.at[pl.ds(base_row, DEN_ROWS)],
                            agg_out.at[c, pl.ds(base_row, DEN_ROWS)])

        @pl.when(s == 15)
        def _():
            pltpu.sync_copy(agg_sp.at[pl.ds(base_row, DEN_ROWS_LAST)],
                            agg_out.at[c, pl.ds(base_row, DEN_ROWS_LAST)])

    return k2


KM_CG = 5
KM_CE = KM_CG * G
KM_NCH = K2_TG // KM_CG


def _make_km2():
    W = 16
    mesh = plsc.VectorSubcoreMesh(core_axis_name="c", subcore_axis_name="s",
                                  num_cores=NC, num_subcores=NS)
    out_type = (
        jax.ShapeDtypeStruct((2, N, W), jnp.float32),
        jax.ShapeDtypeStruct((2, N, 8), jnp.float32),
    )
    scratch = [
        pltpu.VMEM((KM_CG, 3, G), jnp.int32),
        pltpu.VMEM((KM_CE,), jnp.int32),
        pltpu.VMEM((KM_CE,), jnp.int32),
        pltpu.VMEM((KM_CE,), jnp.int32),
        pltpu.VMEM((KM_CE,), jnp.int32),
        pltpu.VMEM((KM_CE, 16), jnp.float32),
        pltpu.VMEM((KM_CE, 16), jnp.float32),
        pltpu.VMEM((KM_CE, W), jnp.float32),
        pltpu.VMEM((KM_CE, 8), jnp.float32),
        pltpu.VMEM((KM_CE,), jnp.float32),
        pltpu.VMEM_SHARED((N, W), jnp.float32),
        pltpu.VMEM_SHARED((N, 8), jnp.float32),
        pltpu.SemaphoreType.DMA,
        pltpu.SemaphoreType.DMA,
    ]

    @functools.partial(pl.kernel, out_type=out_type, mesh=mesh,
                       compiler_params=pltpu.CompilerParams(
                           use_tc_tiling_on_sc=False, needs_layout_passes=False),
                       scratch_types=scratch)
    def km2(xr_hbm, qk_hbm, eG, agg_out, den_out,
            eb, rowsD, rowsS, rowsM, dstv, qkd, qks, msg, pair,
            exbuf, agg_sp, den_sp, sem0, sem1):
        c = lax.axis_index("c")
        s = lax.axis_index("s")
        c_off = c * (R * N)

        def zero_m16(t, _):
            msg[t, pl.ds(0, 16)] = jnp.zeros((16,), jnp.float32)
            return _
        lax.fori_loop(0, KM_CE, zero_m16, 0)
        _zero_wk(pair, KM_CE, 8)

        base_row = s * DEN_ROWS

        @pl.when(s < 15)
        def _():
            for q in range(DEN_ROWS // KM_CE):
                pltpu.sync_copy(msg, agg_sp.at[pl.ds(base_row + q * KM_CE, KM_CE)])
                pltpu.sync_copy(pair, den_sp.at[pl.ds(base_row + q * KM_CE, KM_CE)])
            rem = DEN_ROWS % KM_CE
            if rem:
                off = base_row + (DEN_ROWS // KM_CE) * KM_CE
                pltpu.sync_copy(msg.at[pl.ds(0, rem)], agg_sp.at[pl.ds(off, rem)])
                pltpu.sync_copy(pair.at[pl.ds(0, rem)], den_sp.at[pl.ds(off, rem)])

        @pl.when(s == 15)
        def _():
            for q in range(DEN_ROWS_LAST // KM_CE):
                pltpu.sync_copy(msg, agg_sp.at[pl.ds(base_row + q * KM_CE, KM_CE)])
                pltpu.sync_copy(pair, den_sp.at[pl.ds(base_row + q * KM_CE, KM_CE)])
            rem = DEN_ROWS_LAST % KM_CE
            if rem:
                off = base_row + (DEN_ROWS_LAST // KM_CE) * KM_CE
                pltpu.sync_copy(msg.at[pl.ds(0, rem)], agg_sp.at[pl.ds(off, rem)])
                pltpu.sync_copy(pair.at[pl.ds(0, rem)], den_sp.at[pl.ds(off, rem)])

        plsc.subcore_barrier()

        def chunk(ci, _):
            base_g = s * K2_TG + ci * KM_CG
            pltpu.sync_copy(eG.at[pl.ds(base_g, KM_CG)], eb)

            def rows_body(t, _2):
                g = t // 8
                k = (t % 8) * 16
                sv = eb[g, 0, pl.ds(k, 16)]
                dv = eb[g, 1, pl.ds(k, 16)]
                ev = eb[g, 2, pl.ds(k, 16)]
                evN = ev * N
                rowsD[pl.ds(t * 16, 16)] = evN + dv
                rs = evN + sv
                rowsS[pl.ds(t * 16, 16)] = rs
                rowsM[pl.ds(t * 16, 16)] = rs + c_off
                dstv[pl.ds(t * 16, 16)] = dv
                return _2
            lax.fori_loop(0, KM_CG * 8, rows_body, 0)

            cp0 = pltpu.async_copy(qk_hbm.at[rowsD], qkd, sem0)
            cp1 = pltpu.async_copy(qk_hbm.at[rowsS], qks, sem0)
            cp2 = pltpu.async_copy(xr_hbm.at[rowsM], msg, sem1)
            cp0.wait()
            cp1.wait()
            cp2.wait()

            edge0 = base_g * G

            def ex_body(t, _2):
                rvec = t * 16 + _iota16()
                eid = edge0 + rvec
                valid = eid < E
                q = plsc.load_gather(qkd, [rvec, jnp.full((16,), 0, jnp.int32)])
                k = plsc.load_gather(qks, [rvec, jnp.full((16,), 1, jnp.int32)])
                sc = q + k
                a = jnp.where(sc >= 0.0, sc, 0.2 * sc)
                exv = jnp.where(valid, jnp.exp(a), 0.0)
                exbuf[pl.ds(t * 16, 16)] = exv
                plsc.store_scatter(pair, [rvec, jnp.full((16,), 0, jnp.int32)], exv)
                return _2
            lax.fori_loop(0, KM_CE // 16, ex_body, 0)

            def sc_body(t, _2):
                for u in range(4):
                    e = t * 4 + u
                    sv = plsc.load_gather(exbuf, [jnp.full((16,), e, jnp.int32)])
                    msg[e, pl.ds(0, 16)] = msg[e, pl.ds(0, 16)] * sv
                return _2
            lax.fori_loop(0, KM_CE // 4, sc_body, 0)

            cp0 = pltpu.async_copy(msg, agg_sp.at[dstv], sem0, add=True)
            cp1 = pltpu.async_copy(pair, den_sp.at[dstv], sem1, add=True)
            cp0.wait()
            cp1.wait()
            return _
        lax.fori_loop(0, KM_NCH, chunk, 0)

        plsc.subcore_barrier()

        @pl.when(s < 15)
        def _():
            pltpu.sync_copy(agg_sp.at[pl.ds(base_row, DEN_ROWS)],
                            agg_out.at[c, pl.ds(base_row, DEN_ROWS)])
            pltpu.sync_copy(den_sp.at[pl.ds(base_row, DEN_ROWS)],
                            den_out.at[c, pl.ds(base_row, DEN_ROWS)])

        @pl.when(s == 15)
        def _():
            pltpu.sync_copy(agg_sp.at[pl.ds(base_row, DEN_ROWS_LAST)],
                            agg_out.at[c, pl.ds(base_row, DEN_ROWS_LAST)])
            pltpu.sync_copy(den_sp.at[pl.ds(base_row, DEN_ROWS_LAST)],
                            den_out.at[c, pl.ds(base_row, DEN_ROWS_LAST)])

    return km2


def _tc_proj(xs, Ws, bs):
    NB = 1000

    def body(x_ref, w_ref, b_ref, o_ref):
        m = jnp.dot(x_ref[0], w_ref[0], preferred_element_type=jnp.float32)
        o_ref[0] = jnp.maximum(m + b_ref[0, 0], 0.0)

    return pl.pallas_call(
        body,
        grid=(2, N0 // NB),
        in_specs=[
            pl.BlockSpec((1, NB, 256), lambda t, nb: (t, nb, 0)),
            pl.BlockSpec((1, 256, 64), lambda t, nb: (t, 0, 0)),
            pl.BlockSpec((1, 1, 64), lambda t, nb: (t, 0, 0)),
        ],
        out_specs=pl.BlockSpec((1, NB, 64), lambda t, nb: (t, nb, 0)),
        out_shape=jax.ShapeDtypeStruct((2, N0, 64), jnp.float32),
    )(xs, Ws, bs)


def _tc_tables(x, w, qkw, W):
    NB = 2000
    F = x.shape[1]

    def body(x_ref, w_ref, qkw_ref, xr_ref, qk_ref):
        m = jnp.dot(x_ref[...], w_ref[0], preferred_element_type=jnp.float32)
        xr_ref[0, 0] = m[:, :W]
        xr_ref[1, 0] = m[:, W:]
        qk_ref[0] = jnp.dot(x_ref[...], qkw_ref[0],
                            preferred_element_type=jnp.float32)

    return pl.pallas_call(
        body,
        grid=(R, N // NB),
        in_specs=[
            pl.BlockSpec((NB, F), lambda r, nb: (nb, 0)),
            pl.BlockSpec((1, F, 2 * W), lambda r, nb: (r, 0, 0)),
            pl.BlockSpec((1, F, 16), lambda r, nb: (r, 0, 0)),
        ],
        out_specs=[
            pl.BlockSpec((2, 1, NB, W), lambda r, nb: (0, r, nb, 0)),
            pl.BlockSpec((1, NB, 16), lambda r, nb: (r, nb, 0)),
        ],
        out_shape=[
            jax.ShapeDtypeStruct((2, R, N, W), jnp.float32),
            jax.ShapeDtypeStruct((R, N, 16), jnp.float32),
        ],
    )(x, w, qkw)


def _tc_layer1_epilogue(agg, den, b1):
    NB = 2000

    def body(a_ref, d_ref, b_ref, o_ref):
        dsum = d_ref[0] + d_ref[1]
        r0 = 1.0 / (dsum[:, 0:1] + 1e-16)
        r1 = 1.0 / (dsum[:, 1:2] + 1e-16)
        y = jnp.concatenate([a_ref[0] * r0, a_ref[1] * r1], axis=1)
        o_ref[...] = jnp.maximum(y + b_ref[...], 0.0)

    return pl.pallas_call(
        body,
        grid=(N // NB,),
        in_specs=[
            pl.BlockSpec((2, NB, 32), lambda nb: (0, nb, 0)),
            pl.BlockSpec((2, NB, 8), lambda nb: (0, nb, 0)),
            pl.BlockSpec((64,), lambda nb: (0,)),
        ],
        out_specs=pl.BlockSpec((NB, 64), lambda nb: (nb, 0)),
        out_shape=jax.ShapeDtypeStruct((N, 64), jnp.float32),
    )(agg, den, b1)


def _tc_head(agg2, den2, b2, lin_W, lin_b):
    NB = 1000

    def body(a_ref, d_ref, b_ref, lw_ref, lb_ref, o_ref):
        r0 = 1.0 / (d_ref[0][:, 0:1] + 1e-16)
        y = jnp.concatenate([a_ref[0], a_ref[1]], axis=1) * r0
        y = jnp.maximum(y + b_ref[...], 0.0)
        o_ref[...] = jnp.dot(y, lw_ref[...],
                             preferred_element_type=jnp.float32) + lb_ref[...]

    return pl.pallas_call(
        body,
        grid=(N0 // NB,),
        in_specs=[
            pl.BlockSpec((2, NB, 16), lambda nb: (0, nb, 0)),
            pl.BlockSpec((2, NB, 8), lambda nb: (0, nb, 0)),
            pl.BlockSpec((32,), lambda nb: (0,)),
            pl.BlockSpec((32, 8), lambda nb: (0, 0)),
            pl.BlockSpec((8,), lambda nb: (0,)),
        ],
        out_specs=pl.BlockSpec((NB, 8), lambda nb: (nb, 0)),
        out_shape=jax.ShapeDtypeStruct((N0, 8), jnp.float32),
    )(agg2, den2, b2, lin_W, lin_b)


_SC_KERNELS = {}


def _sc_kernels():
    if not _SC_KERNELS:
        _SC_KERNELS["k1l1"] = _make_k1(2)
        _SC_KERNELS["k2l1"] = _make_k2(32, True, 2)
        _SC_KERNELS["km2"] = _make_km2()
    return _SC_KERNELS


def _qkw(w, q, k, H):
    qk = jnp.einsum('rio,oh->rih', w, jnp.concatenate([q, k], axis=1))
    pad = 16 - 2 * H
    return jnp.pad(qk, ((0, 0), (0, 0), (0, pad)))


def kernel(x0, x1, edge_index, edge_type, proj0_W, proj0_b, proj1_W, proj1_b,
           w1, q1, k1, b1, w2, q2, k2, b2, lin_W, lin_b):
    ei = edge_index.astype(jnp.int32)
    et = edge_type.astype(jnp.int32)
    padn = E_PAD - E
    eG = jnp.stack([
        jnp.pad(ei[0], (0, padn)).reshape(NGROUPS, G),
        jnp.pad(ei[1], (0, padn)).reshape(NGROUPS, G),
        jnp.pad(et, (0, padn)).reshape(NGROUPS, G),
    ], axis=1)

    xs = jnp.stack([x0, x1])
    Ws = jnp.stack([proj0_W, proj1_W])
    bs = jnp.stack([proj0_b, proj1_b]).reshape(2, 1, 64)

    x = _tc_proj(xs, Ws, bs).reshape(N, 64)

    xr1, qk1 = _tc_tables(x, w1, _qkw(w1, q1, k1, 2), 32)
    xr1 = xr1.reshape(2 * R * N, 32)
    qk1 = qk1.reshape(R * N, 16)
    sck = _sc_kernels()
    ex1, den1 = sck["k1l1"](qk1, eG)
    agg1 = sck["k2l1"](xr1, eG, ex1)
    x2 = _tc_layer1_epilogue(agg1, den1, b1)

    xr2, qk2 = _tc_tables(x2, w2, _qkw(w2, q2, k2, 1), 16)
    xr2 = xr2.reshape(2 * R * N, 16)
    qk2 = qk2.reshape(R * N, 16)
    agg2, den2 = sck["km2"](xr2, qk2, eG)

    return _tc_head(agg2, den2, b2, lin_W, lin_b)

# --- scband reference (transcript-rebuilt; emitter-appended) ---
"""Pipeline reference for scband-bipartite-rgat-27049704030449 (READ-ONLY COPY).

The authoritative reference and input builder live on the scoring server;
editing this copy changes nothing except your own understanding.
"""

import jax, jax.numpy as jnp
import numpy as np

N_NODES = 50000
N0 = 25000
E = 800000
IN_RAW = 256
PROJ = 64
R = 4
HEADS1, OUT1 = 2, 32
HEADS2, OUT2 = 1, 32
NUM_LABELS = 8


def _rgat(x, edge_index, edge_type, weight, q, k, bias, heads, out_ch, num_nodes):
    # Faithful PyG RGATConv (additive-self-attention, across-relation, concat=True)
    src = edge_index[0]
    dst = edge_index[1]
    # per-relation transform then gather (same math as per-edge bmm with weight[edge_type])
    xr = jnp.einsum('ni,rio->nro', x, weight)  # [N, R, H*O]
    out_i = xr[dst, edge_type]  # [E, H*O]
    out_j = xr[src, edge_type]  # [E, H*O]
    qi = out_i @ q  # [E, H]
    kj = out_j @ k  # [E, H]
    alpha = jax.nn.leaky_relu(qi + kj, negative_slope=0.2)
    amax = jax.ops.segment_max(alpha, dst, num_segments=num_nodes)
    amax = jnp.where(jnp.isfinite(amax), amax, 0.0)
    ex = jnp.exp(alpha - amax[dst])
    denom = jax.ops.segment_sum(ex, dst, num_segments=num_nodes)
    att = ex / (denom[dst] + 1e-16)
    msg = out_j.reshape(-1, heads, out_ch) * att[:, :, None]
    agg = jax.ops.segment_sum(msg.reshape(-1, heads * out_ch), dst, num_segments=num_nodes)
    return agg + bias


def setup_inputs(seed: int = 0):
    key = jax.random.key(seed)
    ks = jax.random.split(key, 20)
    d = {}
    d['x0'] = jax.random.normal(ks[0], (N0, IN_RAW), dtype=jnp.float32)
    d['x1'] = jax.random.normal(ks[1], (N_NODES - N0, IN_RAW), dtype=jnp.float32)
    d['edge_index'] = jax.random.randint(ks[2], (2, E), 0, N_NODES)
    d['edge_type'] = jax.random.randint(ks[3], (E,), 0, R)
    s = 0.05
    d['proj0_W'] = jax.random.normal(ks[4], (IN_RAW, PROJ), dtype=jnp.float32) * s
    d['proj0_b'] = jnp.zeros((PROJ,), dtype=jnp.float32)
    d['proj1_W'] = jax.random.normal(ks[5], (IN_RAW, PROJ), dtype=jnp.float32) * s
    d['proj1_b'] = jnp.zeros((PROJ,), dtype=jnp.float32)
    d['w1'] = jax.random.normal(ks[6], (R, PROJ, HEADS1 * OUT1), dtype=jnp.float32) * s
    d['q1'] = jax.random.normal(ks[7], (HEADS1 * OUT1, HEADS1), dtype=jnp.float32) * s
    d['k1'] = jax.random.normal(ks[8], (HEADS1 * OUT1, HEADS1), dtype=jnp.float32) * s
    d['b1'] = jnp.zeros((HEADS1 * OUT1,), dtype=jnp.float32)
    d['w2'] = jax.random.normal(ks[9], (R, HEADS1 * OUT1, HEADS2 * OUT2), dtype=jnp.float32) * s
    d['q2'] = jax.random.normal(ks[10], (HEADS2 * OUT2, HEADS2), dtype=jnp.float32) * s
    d['k2'] = jax.random.normal(ks[11], (HEADS2 * OUT2, HEADS2), dtype=jnp.float32) * s
    d['b2'] = jnp.zeros((HEADS2 * OUT2,), dtype=jnp.float32)
    d['lin_W'] = jax.random.normal(ks[12], (HEADS2 * OUT2, NUM_LABELS), dtype=jnp.float32) * s
    d['lin_b'] = jnp.zeros((NUM_LABELS,), dtype=jnp.float32)
    return d


def reference(x0, x1, edge_index, edge_type, proj0_W, proj0_b, proj1_W, proj1_b,
              w1, q1, k1, b1, w2, q2, k2, b2, lin_W, lin_b):
    # per-omic projection + relu (HeteroData per-node-type features)
    h0 = jax.nn.relu(x0 @ proj0_W + proj0_b)
    h1 = jax.nn.relu(x1 @ proj1_W + proj1_b)
    # to_homogeneous: concat node features; node_type==0 are first N0 nodes
    x = jnp.concatenate([h0, h1], axis=0)
    x = _rgat(x, edge_index, edge_type, w1, q1, k1, b1, HEADS1, OUT1, N_NODES)
    x = jax.nn.relu(x)
    x = _rgat(x, edge_index, edge_type, w2, q2, k2, b2, HEADS2, OUT2, N_NODES)
    x = jax.nn.relu(x)
    return x[:N0] @ lin_W + lin_b

if __name__ == "__main__":
    import jax
    _d = setup_inputs()
    print(jax.jit(kernel)(*tuple(_d.values())))

</pallas_src>

<mosaic_0001>
#map = affine_map<(d0, d1) -> (0, 0)>
#map1 = affine_map<(d0, d1) -> (0, 0, 0)>
module attributes {stable_mosaic.version = 14 : i64} {
  func.func @km2(%arg0: i32, %arg1: i32, %arg2: memref<400000x16xf32, #tpu.memory_space<hbm>>, %arg3: memref<200000x16xf32, #tpu.memory_space<hbm>>, %arg4: memref<6400x3x128xi32, #tpu.memory_space<hbm>>, %arg5: memref<2x50000x16xf32, #tpu.memory_space<hbm>>, %arg6: memref<2x50000x8xf32, #tpu.memory_space<hbm>>, %arg7: memref<5x3x128xi32, #tpu.memory_space<vmem>>, %arg8: memref<640xi32, #tpu.memory_space<vmem>>, %arg9: memref<640xi32, #tpu.memory_space<vmem>>, %arg10: memref<640xi32, #tpu.memory_space<vmem>>, %arg11: memref<640xi32, #tpu.memory_space<vmem>>, %arg12: memref<640x16xf32, #tpu.memory_space<vmem>>, %arg13: memref<640x16xf32, #tpu.memory_space<vmem>>, %arg14: memref<640x16xf32, #tpu.memory_space<vmem>>, %arg15: memref<640x8xf32, #tpu.memory_space<vmem>>, %arg16: memref<640xf32, #tpu.memory_space<vmem>>, %arg17: memref<50000x16xf32, #tpu.memory_space<vmem_shared>>, %arg18: memref<50000x8xf32, #tpu.memory_space<vmem_shared>>, %arg19: memref<!tpu.dma_semaphore, #tpu.memory_space<semaphore_mem>>, %arg20: memref<!tpu.dma_semaphore, #tpu.memory_space<semaphore_mem>>) attributes {dimension_semantics = [#tpu.dimension_semantics<core_parallel>, #tpu.dimension_semantics<subcore_parallel>], iteration_bounds = array<i64: 2, 16>, scalar_prefetch = 0 : i64, scratch_operands = 14 : i64, tpu.core_type = #tpu.core_type<sc_vector_subcore>, window_params = [{transform_indices = #map}, {transform_indices = #map}, {transform_indices = #map1}, {transform_indices = #map1}, {transform_indices = #map1}]} {
    %mul3A = arith.constant 200000 : i32
    %mul3A_0 = arith.muli %arg0, %mul3A : i32
    %scan3A = arith.constant 0 : i32
    %scan3A_1 = arith.constant 0 : i32
    %scan3A_2 = arith.constant 640 : i32
    %scan3A_3 = arith.addi %scan3A_1, %scan3A_2 : i32
    %scan3A_4 = arith.constant 1 : i32
    scf.for %scan3A_38 = %scan3A_1 to %scan3A_3 step %scan3A_4  : i32 {
      %broadcast_in_dim3A_39 = arith.constant 0.000000e+00 : f32
      %broadcast_in_dim3A_40 = vector.broadcast %broadcast_in_dim3A_39 : f32 to vector<16xf32>
      %swap3A = arith.index_cast %scan3A_38 : i32 to index
      %swap3A_41 = arith.constant 0 : index
      %swap3A_42 = tpu.vector_load %arg14[%swap3A, %swap3A_41] {strides = array<i32>} : memref<640x16xf32, #tpu.memory_space<vmem>>, vector<16xf32>,
      tpu.vector_store %arg14[%swap3A, %swap3A_41], %broadcast_in_dim3A_40 {strides = array<i32>} : memref<640x16xf32, #tpu.memory_space<vmem>>, vector<16xf32>,
    }
    %scan3A_5 = arith.constant 640 : i32
    %broadcast_in_dim3A = arith.constant 0.000000e+00 : f32
    %broadcast_in_dim3A_6 = vector.broadcast %broadcast_in_dim3A : f32 to vector<16xf32>
    %scan3A_7 = arith.constant 0 : i32
    %scan3A_8 = arith.constant 0 : i32
    %scan3A_9 = arith.constant 320 : i32
    %scan3A_10 = arith.addi %scan3A_8, %scan3A_9 : i32
    %scan3A_11 = arith.constant 1 : i32
    scf.for %scan3A_38 = %scan3A_8 to %scan3A_10 step %scan3A_11  : i32 {
      %mul3A_39 = arith.constant 16 : i32
      %mul3A_40 = arith.muli %scan3A_38, %mul3A_39 : i32
      %iota3A = tpu.iota {dimensions = array<i32: 0>} : vector<16xi32>
      %add3A = vector.broadcast %mul3A_40 : i32 to vector<16xi32>
      %add3A_41 = arith.addi %add3A, %iota3A : vector<16xi32>
      %jit3A = arith.constant 8 : i32
      %div3A = vector.broadcast %jit3A : i32 to vector<16xi32>
      %div3A_42 = arith.divsi %add3A_41, %div3A : vector<16xi32>
      %sign3A = arith.constant 0 : i32
      %sign3A_43 = vector.broadcast %sign3A : i32 to vector<16xi32>
      %sign3A_44 = arith.cmpi sgt, %add3A_41, %sign3A_43 : vector<16xi32>
      %sign3A_45 = arith.extui %sign3A_44 : vector<16xi1> to vector<16xi32>
      %sign3A_46 = arith.constant 0 : i32
      %sign3A_47 = vector.broadcast %sign3A_46 : i32 to vector<16xi32>
      %sign3A_48 = arith.cmpi slt, %add3A_41, %sign3A_47 : vector<16xi32>
      %sign3A_49 = arith.extui %sign3A_48 : vector<16xi1> to vector<16xi32>
      %sign3A_50 = arith.subi %sign3A_45, %sign3A_49 : vector<16xi32>
      %sign3A_51 = arith.constant 0 : i32
      %sign3A_52 = arith.cmpi sgt, %jit3A, %sign3A_51 : i32
      %sign3A_53 = arith.extui %sign3A_52 : i1 to i32
      %sign3A_54 = arith.constant 0 : i32
      %sign3A_55 = arith.cmpi slt, %jit3A, %sign3A_54 : i32
      %sign3A_56 = arith.extui %sign3A_55 : i1 to i32
      %sign3A_57 = arith.subi %sign3A_53, %sign3A_56 : i32
      %ne3A = vector.broadcast %sign3A_57 : i32 to vector<16xi32>
      %ne3A_58 = arith.cmpi ne, %sign3A_50, %ne3A : vector<16xi32>
      %rem3A = vector.broadcast %jit3A : i32 to vector<16xi32>
      %rem3A_59 = arith.remsi %add3A_41, %rem3A : vector<16xi32>
      %ne3A_60 = arith.constant 0 : i32
      %ne3A_61 = vector.broadcast %ne3A_60 : i32 to vector<16xi32>
      %ne3A_62 = arith.cmpi ne, %rem3A_59, %ne3A_61 : vector<16xi32>
      %and3A = arith.andi %ne3A_58, %ne3A_62 : vector<16xi1>
      %sub3A = arith.constant 1 : i32
      %sub3A_63 = vector.broadcast %sub3A : i32 to vector<16xi32>
      %sub3A_64 = arith.subi %div3A_42, %sub3A_63 : vector<16xi32>
      %select_n3A = arith.select %and3A, %sub3A_64, %div3A_42 : vector<16xi1>, vector<16xi32>
      %jit3A_65 = arith.constant 8 : i32
      %eq3A_66 = arith.constant 0 : i32
      %eq3A_67 = arith.cmpi eq, %jit3A_65, %eq3A_66 : i32
      %jit3A_68 = arith.constant 1 : i32
      %select_n3A_69 = arith.select %eq3A_67, %jit3A_68, %jit3A_65 : i32
      %rem3A_70 = vector.broadcast %select_n3A_69 : i32 to vector<16xi32>
      %rem3A_71 = arith.remsi %add3A_41, %rem3A_70 : vector<16xi32>
      %ne3A_72 = arith.constant 0 : i32
      %ne3A_73 = vector.broadcast %ne3A_72 : i32 to vector<16xi32>
      %ne3A_74 = arith.cmpi ne, %rem3A_71, %ne3A_73 : vector<16xi32>
      %lt3A_75 = arith.constant 0 : i32
      %lt3A_76 = vector.broadcast %lt3A_75 : i32 to vector<16xi32>
      %lt3A_77 = arith.cmpi slt, %rem3A_71, %lt3A_76 : vector<16xi32>
      %lt3A_78 = arith.constant 0 : i32
      %lt3A_79 = arith.cmpi slt, %select_n3A_69, %lt3A_78 : i32
      %ne3A_80 = vector.broadcast %lt3A_79 : i1 to vector<16xi1>
      %ne3A_81 = vector.broadcast %ne3A_80 : vector<16xi1> to vector<16xi1>
      %ne3A_82 = arith.xori %lt3A_77, %ne3A_81 : vector<16xi1>
      %and3A_83 = arith.andi %ne3A_82, %ne3A_74 : vector<16xi1>
      %add3A_84 = vector.broadcast %select_n3A_69 : i32 to vector<16xi32>
      %add3A_85 = arith.addi %rem3A_71, %add3A_84 : vector<16xi32>
      %select_n3A_86 = arith.select %and3A_83, %add3A_85, %rem3A_71 : vector<16xi1>, vector<16xi32>
      tpu.vector_store_idx %arg15[%select_n3A, %select_n3A_86], %broadcast_in_dim3A_6 : memref<640x8xf32, #tpu.memory_space<vmem>>[vector<16xi32>, vector<16xi32>], vector<16xf32>,
    }
    %scan3A_12 = arith.constant 320 : i32
    %mul3A_13 = arith.constant 3136 : i32
    %mul3A_14 = arith.muli %arg1, %mul3A_13 : i32
    %lt3A = arith.constant 15 : i32
    %lt3A_15 = arith.cmpi slt, %arg1, %lt3A : i32
    %convert_element_type3A = arith.extui %lt3A_15 : i1 to i32
    %cond3A = arith.constant 0 : i32
    %cond3A_16 = arith.cmpi ne, %convert_element_type3A, %cond3A : i32
    scf.if %cond3A_16 {
      %add3A = arith.constant 0 : i32
      %add3A_38 = arith.addi %mul3A_14, %add3A : i32
      "tpu.region"() ({
        %run_scoped3A = tpu.sem_alloc : memref<!tpu.dma_semaphore, #tpu.memory_space<semaphore_mem>>
        %dma_start3A = arith.constant 0 : i32
        %dma_start3A_55 = tpu.memref_slice %arg17[%add3A_38, %dma_start3A] : memref<50000x16xf32, #tpu.memory_space<vmem_shared>> -> memref<640x16xf32, #tpu.memory_space<vmem_shared>>
        %dma_start3A_56 = arith.constant 0 : i32
        %dma_start3A_57 = tpu.memref_slice %arg17[%add3A_38, %dma_start3A_56] : memref<50000x16xf32, #tpu.memory_space<vmem_shared>> -> memref<640x16xf32, #tpu.memory_space<vmem_shared>>
        tpu.enqueue_dma source(%arg14 : memref<640x16xf32, #tpu.memory_space<vmem>>) target(%dma_start3A_57 : memref<640x16xf32, #tpu.memory_space<vmem_shared>>) target_semaphore(%run_scoped3A : memref<!tpu.dma_semaphore, #tpu.memory_space<semaphore_mem>>)
        %dma_wait3A = arith.constant 0 : i32
        %dma_wait3A_58 = tpu.memref_slice %arg17[%add3A_38, %dma_wait3A] : memref<50000x16xf32, #tpu.memory_space<vmem_shared>> -> memref<640x16xf32, #tpu.memory_space<vmem_shared>>
        %dma_wait3A_59 = arith.constant 0 : i32
        %dma_wait3A_60 = tpu.memref_slice %arg17[%add3A_38, %dma_wait3A_59] : memref<50000x16xf32, #tpu.memory_space<vmem_shared>> -> memref<640x16xf32, #tpu.memory_space<vmem_shared>>
        tpu.wait_dma2 semaphore(%run_scoped3A : memref<!tpu.dma_semaphore, #tpu.memory_space<semaphore_mem>>) src(%arg14 : memref<640x16xf32, #tpu.memory_space<vmem>>) dst(%dma_wait3A_60 : memref<640x16xf32, #tpu.memory_space<vmem_shared>>)
        tpu.yield
      }) : () -> ()
      %add3A_39 = arith.constant 0 : i32
      %add3A_40 = arith.addi %mul3A_14, %add3A_39 : i32
      "tpu.region"() ({
        %run_scoped3A = tpu.sem_alloc : memref<!tpu.dma_semaphore, #tpu.memory_space<semaphore_mem>>
        %dma_start3A = arith.constant 0 : i32
        %dma_start3A_55 = tpu.memref_slice %arg18[%add3A_40, %dma_start3A] : memref<50000x8xf32, #tpu.memory_space<vmem_shared>> -> memref<640x8xf32, #tpu.memory_space<vmem_shared>>
        %dma_start3A_56 = arith.constant 0 : i32
        %dma_start3A_57 = tpu.memref_slice %arg18[%add3A_40, %dma_start3A_56] : memref<50000x8xf32, #tpu.memory_space<vmem_shared>> -> memref<640x8xf32, #tpu.memory_space<vmem_shared>>
        tpu.enqueue_dma source(%arg15 : memref<640x8xf32, #tpu.memory_space<vmem>>) target(%dma_start3A_57 : memref<640x8xf32, #tpu.memory_space<vmem_shared>>) target_semaphore(%run_scoped3A : memref<!tpu.dma_semaphore, #tpu.memory_space<semaphore_mem>>)
        %dma_wait3A = arith.constant 0 : i32
        %dma_wait3A_58 = tpu.memref_slice %arg18[%add3A_40, %dma_wait3A] : memref<50000x8xf32, #tpu.memory_space<vmem_shared>> -> memref<640x8xf32, #tpu.memory_space<vmem_shared>>
        %dma_wait3A_59 = arith.constant 0 : i32
        %dma_wait3A_60 = tpu.memref_slice %arg18[%add3A_40, %dma_wait3A_59] : memref<50000x8xf32, #tpu.memory_space<vmem_shared>> -> memref<640x8xf32, #tpu.memory_space<vmem_shared>>
        tpu.wait_dma2 semaphore(%run_scoped3A : memref<!tpu.dma_semaphore, #tpu.memory_space<semaphore_mem>>) src(%arg15 : memref<640x8xf32, #tpu.memory_space<vmem>>) dst(%dma_wait3A_60 : memref<640x8xf32, #tpu.memory_space<vmem_shared>>)
        tpu.yield
      }) : () -> ()
      %add3A_41 = arith.constant 640 : i32
      %add3A_42 = arith.addi %mul3A_14, %add3A_41 : i32
      "tpu.region"() ({
        %run_scoped3A = tpu.sem_alloc : memref<!tpu.dma_semaphore, #tpu.memory_space<semaphore_mem>>
        %dma_start3A = arith.constant 0 : i32
        %dma_start3A_55 = tpu.memref_slice %arg17[%add3A_42, %dma_start3A] : memref<50000x16xf32, #tpu.memory_space<vmem_shared>> -> memref<640x16xf32, #tpu.memory_space<vmem_shared>>
        %dma_start3A_56 = arith.constant 0 : i32
        %dma_start3A_57 = tpu.memref_slice %arg17[%add3A_42, %dma_start3A_56] : memref<50000x16xf32, #tpu.memory_space<vmem_shared>> -> memref<640x16xf32, #tpu.memory_space<vmem_shared>>
        tpu.enqueue_dma source(%arg14 : memref<640x16xf32, #tpu.memory_space<vmem>>) target(%dma_start3A_57 : memref<640x16xf32, #tpu.memory_space<vmem_shared>>) target_semaphore(%run_scoped3A : memref<!tpu.dma_semaphore, #tpu.memory_space<semaphore_mem>>)
        %dma_wait3A = arith.constant 0 : i32
        %dma_wait3A_58 = tpu.memref_slice %arg17[%add3A_42, %dma_wait3A] : memref<50000x16xf32, #tpu.memory_space<vmem_shared>> -> memref<640x16xf32, #tpu.memory_space<vmem_shared>>
        %dma_wait3A_59 = arith.constant 0 : i32
        %dma_wait3A_60 = tpu.memref_slice %arg17[%add3A_42, %dma_wait3A_59] : memref<50000x16xf32, #tpu.memory_space<vmem_shared>> -> memref<640x16xf32, #tpu.memory_space<vmem_shared>>
        tpu.wait_dma2 semaphore(%run_scoped3A : memref<!tpu.dma_semaphore, #tpu.memory_space<semaphore_mem>>) src(%arg14 : memref<640x16xf32, #tpu.memory_space<vmem>>) dst(%dma_wait3A_60 : memref<640x16xf32, #tpu.memory_space<vmem_shared>>)
        tpu.yield
      }) : () -> ()
      %add3A_43 = arith.constant 640 : i32
      %add3A_44 = arith.addi %mul3A_14, %add3A_43 : i32
      "tpu.region"() ({
        %run_scoped3A = tpu.sem_alloc : memref<!tpu.dma_semaphore, #tpu.memory_space<semaphore_mem>>
        %dma_start3A = arith.constant 0 : i32
        %dma_start3A_55 = tpu.memref_slice %arg18[%add3A_44, %dma_start3A] : memref<50000x8xf32, #tpu.memory_space<vmem_shared>> -> memref<640x8xf32, #tpu.memory_space<vmem_shared>>
        %dma_start3A_56 = arith.constant 0 : i32
        %dma_start3A_57 = tpu.memref_slice %arg18[%add3A_44, %dma_start3A_56] : memref<50000x8xf32, #tpu.memory_space<vmem_shared>> -> memref<640x8xf32, #tpu.memory_space<vmem_shared>>
        tpu.enqueue_dma source(%arg15 : memref<640x8xf32, #tpu.memory_space<vmem>>) target(%dma_start3A_57 : memref<640x8xf32, #tpu.memory_space<vmem_shared>>) target_semaphore(%run_scoped3A : memref<!tpu.dma_semaphore, #tpu.memory_space<semaphore_mem>>)
        %dma_wait3A = arith.constant 0 : i32
        %dma_wait3A_58 = tpu.memref_slice %arg18[%add3A_44, %dma_wait3A] : memref<50000x8xf32, #tpu.memory_space<vmem_shared>> -> memref<640x8xf32, #tpu.memory_space<vmem_shared>>
        %dma_wait3A_59 = arith.constant 0 : i32
        %dma_wait3A_60 = tpu.memref_slice %arg18[%add3A_44, %dma_wait3A_59] : memref<50000x8xf32, #tpu.memory_space<vmem_shared>> -> memref<640x8xf32, #tpu.memory_space<vmem_shared>>
        tpu.wait_dma2 semaphore(%run_scoped3A : memref<!tpu.dma_semaphore, #tpu.memory_space<semaphore_mem>>) src(%arg15 : memref<640x8xf32, #tpu.memory_space<vmem>>) dst(%dma_wait3A_60 : memref<640x8xf32, #tpu.memory_space<vmem_shared>>)
        tpu.yield
      }) : () -> ()
      %add3A_45 = arith.constant 1280 : i32
      %add3A_46 = arith.addi %mul3A_14, %add3A_45 : i32
      "tpu.region"() ({
        %run_scoped3A = tpu.sem_alloc : memref<!tpu.dma_semaphore, #tpu.memory_space<semaphore_mem>>
        %dma_start3A = arith.constant 0 : i32
        %dma_start3A_55 = tpu.memref_slice %arg17[%add3A_46, %dma_start3A] : memref<50000x16xf32, #tpu.memory_space<vmem_shared>> -> memref<640x16xf32, #tpu.memory_space<vmem_shared>>
        %dma_start3A_56 = arith.constant 0 : i32
        %dma_start3A_57 = tpu.memref_slice %arg17[%add3A_46, %dma_start3A_56] : memref<50000x16xf32, #tpu.memory_space<vmem_shared>> -> memref<640x16xf32, #tpu.memory_space<vmem_shared>>
        tpu.enqueue_dma source(%arg14 : memref<640x16xf32, #tpu.memory_space<vmem>>) target(%dma_start3A_57 : memref<640x16xf32, #tpu.memory_space<vmem_shared>>) target_semaphore(%run_scoped3A : memref<!tpu.dma_semaphore, #tpu.memory_space<semaphore_mem>>)
        %dma_wait3A = arith.constant 0 : i32
        %dma_wait3A_58 = tpu.memref_slice %arg17[%add3A_46, %dma_wait3A] : memref<50000x16xf32, #tpu.memory_space<vmem_shared>> -> memref<640x16xf32, #tpu.memory_space<vmem_shared>>
        %dma_wait3A_59 = arith.constant 0 : i32
        %dma_wait3A_60 = tpu.memref_slice %arg17[%add3A_46, %dma_wait3A_59] : memref<50000x16xf32, #tpu.memory_space<vmem_shared>> -> memref<640x16xf32, #tpu.memory_space<vmem_shared>>
        tpu.wait_dma2 semaphore(%run_scoped3A : memref<!tpu.dma_semaphore, #tpu.memory_space<semaphore_mem>>) src(%arg14 : memref<640x16xf32, #tpu.memory_space<vmem>>) dst(%dma_wait3A_60 : memref<640x16xf32, #tpu.memory_space<vmem_shared>>)
        tpu.yield
      }) : () -> ()
      %add3A_47 = arith.constant 1280 : i32
      %add3A_48 = arith.addi %mul3A_14, %add3A_47 : i32
      "tpu.region"() ({
        %run_scoped3A = tpu.sem_alloc : memref<!tpu.dma_semaphore, #tpu.memory_space<semaphore_mem>>
        %dma_start3A = arith.constant 0 : i32
        %dma_start3A_55 = tpu.memref_slice %arg18[%add3A_48, %dma_start3A] : memref<50000x8xf32, #tpu.memory_space<vmem_shared>> -> memref<640x8xf32, #tpu.memory_space<vmem_shared>>
        %dma_start3A_56 = arith.constant 0 : i32
        %dma_start3A_57 = tpu.memref_slice %arg18[%add3A_48, %dma_start3A_56] : memref<50000x8xf32, #tpu.memory_space<vmem_shared>> -> memref<640x8xf32, #tpu.memory_space<vmem_shared>>
        tpu.enqueue_dma source(%arg15 : memref<640x8xf32, #tpu.memory_space<vmem>>) target(%dma_start3A_57 : memref<640x8xf32, #tpu.memory_space<vmem_shared>>) target_semaphore(%run_scoped3A : memref<!tpu.dma_semaphore, #tpu.memory_space<semaphore_mem>>)
        %dma_wait3A = arith.constant 0 : i32
        %dma_wait3A_58 = tpu.memref_slice %arg18[%add3A_48, %dma_wait3A] : memref<50000x8xf32, #tpu.memory_space<vmem_shared>> -> memref<640x8xf32, #tpu.memory_space<vmem_shared>>
        %dma_wait3A_59 = arith.constant 0 : i32
        %dma_wait3A_60 = tpu.memref_slice %arg18[%add3A_48, %dma_wait3A_59] : memref<50000x8xf32, #tpu.memory_space<vmem_shared>> -> memref<640x8xf32, #tpu.memory_space<vmem_shared>>
        tpu.wait_dma2 semaphore(%run_scoped3A : memref<!tpu.dma_semaphore, #tpu.memory_space<semaphore_mem>>) src(%arg15 : memref<640x8xf32, #tpu.memory_space<vmem>>) dst(%dma_wait3A_60 : memref<640x8xf32, #tpu.memory_space<vmem_shared>>)
        tpu.yield
      }) : () -> ()
      %add3A_49 = arith.constant 1920 : i32
      %add3A_50 = arith.addi %mul3A_14, %add3A_49 : i32
      "tpu.region"() ({
        %run_scoped3A = tpu.sem_alloc : memref<!tpu.dma_semaphore, #tpu.memory_space<semaphore_mem>>
        %dma_start3A = arith.constant 0 : i32
        %dma_start3A_55 = tpu.memref_slice %arg17[%add3A_50, %dma_start3A] : memref<50000x16xf32, #tpu.memory_space<vmem_shared>> -> memref<640x16xf32, #tpu.memory_space<vmem_shared>>
        %dma_start3A_56 = arith.constant 0 : i32
        %dma_start3A_57 = tpu.memref_slice %arg17[%add3A_50, %dma_start3A_56] : memref<50000x16xf32, #tpu.memory_space<vmem_shared>> -> memref<640x16xf32, #tpu.memory_space<vmem_shared>>
        tpu.enqueue_dma source(%arg14 : memref<640x16xf32, #tpu.memory_space<vmem>>) target(%dma_start3A_57 : memref<640x16xf32, #tpu.memory_space<vmem_shared>>) target_semaphore(%run_scoped3A : memref<!tpu.dma_semaphore, #tpu.memory_space<semaphore_mem>>)
        %dma_wait3A = arith.constant 0 : i32
        %dma_wait3A_58 = tpu.memref_slice %arg17[%add3A_50, %dma_wait3A] : memref<50000x16xf32, #tpu.memory_space<vmem_shared>> -> memref<640x16xf32, #tpu.memory_space<vmem_shared>>
        %dma_wait3A_59 = arith.constant 0 : i32
        %dma_wait3A_60 = tpu.memref_slice %arg17[%add3A_50, %dma_wait3A_59] : memref<50000x16xf32, #tpu.memory_space<vmem_shared>> -> memref<640x16xf32, #tpu.memory_space<vmem_shared>>
        tpu.wait_dma2 semaphore(%run_scoped3A : memref<!tpu.dma_semaphore, #tpu.memory_space<semaphore_mem>>) src(%arg14 : memref<640x16xf32, #tpu.memory_space<vmem>>) dst(%dma_wait3A_60 : memref<640x16xf32, #tpu.memory_space<vmem_shared>>)
        tpu.yield
      }) : () -> ()
      %add3A_51 = arith.constant 1920 : i32
      %add3A_52 = arith.addi %mul3A_14, %add3A_51 : i32
      "tpu.region"() ({
        %run_scoped3A = tpu.sem_alloc : memref<!tpu.dma_semaphore, #tpu.memory_space<semaphore_mem>>
        %dma_start3A = arith.constant 0 : i32
        %dma_start3A_55 = tpu.memref_slice %arg18[%add3A_52, %dma_start3A] : memref<50000x8xf32, #tpu.memory_space<vmem_shared>> -> memref<640x8xf32, #tpu.memory_space<vmem_shared>>
        %dma_start3A_56 = arith.constant 0 : i32
        %dma_start3A_57 = tpu.memref_slice %arg18[%add3A_52, %dma_start3A_56] : memref<50000x8xf32, #tpu.memory_space<vmem_shared>> -> memref<640x8xf32, #tpu.memory_space<vmem_shared>>
        tpu.enqueue_dma source(%arg15 : memref<640x8xf32, #tpu.memory_space<vmem>>) target(%dma_start3A_57 : memref<640x8xf32, #tpu.memory_space<vmem_shared>>) target_semaphore(%run_scoped3A : memref<!tpu.dma_semaphore, #tpu.memory_space<semaphore_mem>>)
        %dma_wait3A = arith.constant 0 : i32
        %dma_wait3A_58 = tpu.memref_slice %arg18[%add3A_52, %dma_wait3A] : memref<50000x8xf32, #tpu.memory_space<vmem_shared>> -> memref<640x8xf32, #tpu.memory_space<vmem_shared>>
        %dma_wait3A_59 = arith.constant 0 : i32
        %dma_wait3A_60 = tpu.memref_slice %arg18[%add3A_52, %dma_wait3A_59] : memref<50000x8xf32, #tpu.memory_space<vmem_shared>> -> memref<640x8xf32, #tpu.memory_space<vmem_shared>>
        tpu.wait_dma2 semaphore(%run_scoped3A : memref<!tpu.dma_semaphore, #tpu.memory_space<semaphore_mem>>) src(%arg15 : memref<640x8xf32, #tpu.memory_space<vmem>>) dst(%dma_wait3A_60 : memref<640x8xf32, #tpu.memory_space<vmem_shared>>)
        tpu.yield
      }) : () -> ()
      %add3A_53 = arith.constant 2560 : i32
      %add3A_54 = arith.addi %mul3A_14, %add3A_53 : i32
      "tpu.region"() ({
        %run_scoped3A = tpu.sem_alloc : memref<!tpu.dma_semaphore, #tpu.memory_space<semaphore_mem>>
        %dma_start3A = arith.constant 0 : i32
        %dma_start3A_55 = arith.constant 0 : i32
        %dma_start3A_56 = tpu.memref_slice %arg14[%dma_start3A, %dma_start3A_55] : memref<640x16xf32, #tpu.memory_space<vmem>> -> memref<576x16xf32, #tpu.memory_space<vmem>>
        %dma_start3A_57 = arith.constant 0 : i32
        %dma_start3A_58 = tpu.memref_slice %arg17[%add3A_54, %dma_start3A_57] : memref<50000x16xf32, #tpu.memory_space<vmem_shared>> -> memref<576x16xf32, #tpu.memory_space<vmem_shared>>
        %dma_start3A_59 = arith.constant 0 : i32
        %dma_start3A_60 = tpu.memref_slice %arg17[%add3A_54, %dma_start3A_59] : memref<50000x16xf32, #tpu.memory_space<vmem_shared>> -> memref<576x16xf32, #tpu.memory_space<vmem_shared>>
        %dma_start3A_61 = arith.constant 0 : i32
        %dma_start3A_62 = arith.constant 0 : i32
        %dma_start3A_63 = tpu.memref_slice %arg14[%dma_start3A_61, %dma_start3A_62] : memref<640x16xf32, #tpu.memory_space<vmem>> -> memref<576x16xf32, #tpu.memory_space<vmem>>
        tpu.enqueue_dma source(%dma_start3A_63 : memref<576x16xf32, #tpu.memory_space<vmem>>) target(%dma_start3A_60 : memref<576x16xf32, #tpu.memory_space<vmem_shared>>) target_semaphore(%run_scoped3A : memref<!tpu.dma_semaphore, #tpu.memory_space<semaphore_mem>>)
        %dma_wait3A = arith.constant 0 : i32
        %dma_wait3A_64 = arith.constant 0 : i32
        %dma_wait3A_65 = tpu.memref_slice %arg14[%dma_wait3A, %dma_wait3A_64] : memref<640x16xf32, #tpu.memory_space<vmem>> -> memref<576x16xf32, #tpu.memory_space<vmem>>
        %dma_wait3A_66 = arith.constant 0 : i32
        %dma_wait3A_67 = tpu.memref_slice %arg17[%add3A_54, %dma_wait3A_66] : memref<50000x16xf32, #tpu.memory_space<vmem_shared>> -> memref<576x16xf32, #tpu.memory_space<vmem_shared>>
        %dma_wait3A_68 = arith.constant 0 : i32
        %dma_wait3A_69 = tpu.memref_slice %arg17[%add3A_54, %dma_wait3A_68] : memref<50000x16xf32, #tpu.memory_space<vmem_shared>> -> memref<576x16xf32, #tpu.memory_space<vmem_shared>>
        %dma_wait3A_70 = arith.constant 0 : i32
        %dma_wait3A_71 = arith.constant 0 : i32
        %dma_wait3A_72 = tpu.memref_slice %arg14[%dma_wait3A_70, %dma_wait3A_71] : memref<640x16xf32, #tpu.memory_space<vmem>> -> memref<576x16xf32, #tpu.memory_space<vmem>>
        tpu.wait_dma2 semaphore(%run_scoped3A : memref<!tpu.dma_semaphore, #tpu.memory_space<semaphore_mem>>) src(%dma_wait3A_72 : memref<576x16xf32, #tpu.memory_space<vmem>>) dst(%dma_wait3A_69 : memref<576x16xf32, #tpu.memory_space<vmem_shared>>)
        tpu.yield
      }) : () -> ()
      "tpu.region"() ({
        %run_scoped3A = tpu.sem_alloc : memref<!tpu.dma_semaphore, #tpu.memory_space<semaphore_mem>>
        %dma_start3A = arith.constant 0 : i32
        %dma_start3A_55 = arith.constant 0 : i32
        %dma_start3A_56 = tpu.memref_slice %arg15[%dma_start3A, %dma_start3A_55] : memref<640x8xf32, #tpu.memory_space<vmem>> -> memref<576x8xf32, #tpu.memory_space<vmem>>
        %dma_start3A_57 = arith.constant 0 : i32
        %dma_start3A_58 = tpu.memref_slice %arg18[%add3A_54, %dma_start3A_57] : memref<50000x8xf32, #tpu.memory_space<vmem_shared>> -> memref<576x8xf32, #tpu.memory_space<vmem_shared>>
        %dma_start3A_59 = arith.constant 0 : i32
        %dma_start3A_60 = tpu.memref_slice %arg18[%add3A_54, %dma_start3A_59] : memref<50000x8xf32, #tpu.memory_space<vmem_shared>> -> memref<576x8xf32, #tpu.memory_space<vmem_shared>>
        %dma_start3A_61 = arith.constant 0 : i32
        %dma_start3A_62 = arith.constant 0 : i32
        %dma_start3A_63 = tpu.memref_slice %arg15[%dma_start3A_61, %dma_start3A_62] : memref<640x8xf32, #tpu.memory_space<vmem>> -> memref<576x8xf32, #tpu.memory_space<vmem>>
        tpu.enqueue_dma source(%dma_start3A_63 : memref<576x8xf32, #tpu.memory_space<vmem>>) target(%dma_start3A_60 : memref<576x8xf32, #tpu.memory_space<vmem_shared>>) target_semaphore(%run_scoped3A : memref<!tpu.dma_semaphore, #tpu.memory_space<semaphore_mem>>)
        %dma_wait3A = arith.constant 0 : i32
        %dma_wait3A_64 = arith.constant 0 : i32
        %dma_wait3A_65 = tpu.memref_slice %arg15[%dma_wait3A, %dma_wait3A_64] : memref<640x8xf32, #tpu.memory_space<vmem>> -> memref<576x8xf32, #tpu.memory_space<vmem>>
        %dma_wait3A_66 = arith.constant 0 : i32
        %dma_wait3A_67 = tpu.memref_slice %arg18[%add3A_54, %dma_wait3A_66] : memref<50000x8xf32, #tpu.memory_space<vmem_shared>> -> memref<576x8xf32, #tpu.memory_space<vmem_shared>>
        %dma_wait3A_68 = arith.constant 0 : i32
        %dma_wait3A_69 = tpu.memref_slice %arg18[%add3A_54, %dma_wait3A_68] : memref<50000x8xf32, #tpu.memory_space<vmem_shared>> -> memref<576x8xf32, #tpu.memory_space<vmem_shared>>
        %dma_wait3A_70 = arith.constant 0 : i32
        %dma_wait3A_71 = arith.constant 0 : i32
        %dma_wait3A_72 = tpu.memref_slice %arg15[%dma_wait3A_70, %dma_wait3A_71] : memref<640x8xf32, #tpu.memory_space<vmem>> -> memref<576x8xf32, #tpu.memory_space<vmem>>
        tpu.wait_dma2 semaphore(%run_scoped3A : memref<!tpu.dma_semaphore, #tpu.memory_space<semaphore_mem>>) src(%dma_wait3A_72 : memref<576x8xf32, #tpu.memory_space<vmem>>) dst(%dma_wait3A_69 : memref<576x8xf32, #tpu.memory_space<vmem_shared>>)
        tpu.yield
      }) : () -> ()
    } else {
    }
    %eq3A = arith.constant 15 : i32
    %eq3A_17 = arith.cmpi eq, %arg1, %eq3A : i32
    %convert_element_type3A_18 = arith.extui %eq3A_17 : i1 to i32
    %cond3A_19 = arith.constant 0 : i32
    %cond3A_20 = arith.cmpi ne, %convert_element_type3A_18, %cond3A_19 : i32
    scf.if %cond3A_20 {
      %add3A = arith.constant 0 : i32
      %add3A_38 = arith.addi %mul3A_14, %add3A : i32
      "tpu.region"() ({
        %run_scoped3A = tpu.sem_alloc : memref<!tpu.dma_semaphore, #tpu.memory_space<semaphore_mem>>
        %dma_start3A = arith.constant 0 : i32
        %dma_start3A_55 = tpu.memref_slice %arg17[%add3A_38, %dma_start3A] : memref<50000x16xf32, #tpu.memory_space<vmem_shared>> -> memref<640x16xf32, #tpu.memory_space<vmem_shared>>
        %dma_start3A_56 = arith.constant 0 : i32
        %dma_start3A_57 = tpu.memref_slice %arg17[%add3A_38, %dma_start3A_56] : memref<50000x16xf32, #tpu.memory_space<vmem_shared>> -> memref<640x16xf32, #tpu.memory_space<vmem_shared>>
        tpu.enqueue_dma source(%arg14 : memref<640x16xf32, #tpu.memory_space<vmem>>) target(%dma_start3A_57 : memref<640x16xf32, #tpu.memory_space<vmem_shared>>) target_semaphore(%run_scoped3A : memref<!tpu.dma_semaphore, #tpu.memory_space<semaphore_mem>>)
        %dma_wait3A = arith.constant 0 : i32
        %dma_wait3A_58 = tpu.memref_slice %arg17[%add3A_38, %dma_wait3A] : memref<50000x16xf32, #tpu.memory_space<vmem_shared>> -> memref<640x16xf32, #tpu.memory_space<vmem_shared>>
        %dma_wait3A_59 = arith.constant 0 : i32
        %dma_wait3A_60 = tpu.memref_slice %arg17[%add3A_38, %dma_wait3A_59] : memref<50000x16xf32, #tpu.memory_space<vmem_shared>> -> memref<640x16xf32, #tpu.memory_space<vmem_shared>>
        tpu.wait_dma2 semaphore(%run_scoped3A : memref<!tpu.dma_semaphore, #tpu.memory_space<semaphore_mem>>) src(%arg14 : memref<640x16xf32, #tpu.memory_space<vmem>>) dst(%dma_wait3A_60 : memref<640x16xf32, #tpu.memory_space<vmem_shared>>)
        tpu.yield
      }) : () -> ()
      %add3A_39 = arith.constant 0 : i32
      %add3A_40 = arith.addi %mul3A_14, %add3A_39 : i32
      "tpu.region"() ({
        %run_scoped3A = tpu.sem_alloc : memref<!tpu.dma_semaphore, #tpu.memory_space<semaphore_mem>>
        %dma_start3A = arith.constant 0 : i32
        %dma_start3A_55 = tpu.memref_slice %arg18[%add3A_40, %dma_start3A] : memref<50000x8xf32, #tpu.memory_space<vmem_shared>> -> memref<640x8xf32, #tpu.memory_space<vmem_shared>>
        %dma_start3A_56 = arith.constant 0 : i32
        %dma_start3A_57 = tpu.memref_slice %arg18[%add3A_40, %dma_start3A_56] : memref<50000x8xf32, #tpu.memory_space<vmem_shared>> -> memref<640x8xf32, #tpu.memory_space<vmem_shared>>
        tpu.enqueue_dma source(%arg15 : memref<640x8xf32, #tpu.memory_space<vmem>>) target(%dma_start3A_57 : memref<640x8xf32, #tpu.memory_space<vmem_shared>>) target_semaphore(%run_scoped3A : memref<!tpu.dma_semaphore, #tpu.memory_space<semaphore_mem>>)
        %dma_wait3A = arith.constant 0 : i32
        %dma_wait3A_58 = tpu.memref_slice %arg18[%add3A_40, %dma_wait3A] : memref<50000x8xf32, #tpu.memory_space<vmem_shared>> -> memref<640x8xf32, #tpu.memory_space<vmem_shared>>
        %dma_wait3A_59 = arith.constant 0 : i32
        %dma_wait3A_60 = tpu.memref_slice %arg18[%add3A_40, %dma_wait3A_59] : memref<50000x8xf32, #tpu.memory_space<vmem_shared>> -> memref<640x8xf32, #tpu.memory_space<vmem_shared>>
        tpu.wait_dma2 semaphore(%run_scoped3A : memref<!tpu.dma_semaphore, #tpu.memory_space<semaphore_mem>>) src(%arg15 : memref<640x8xf32, #tpu.memory_space<vmem>>) dst(%dma_wait3A_60 : memref<640x8xf32, #tpu.memory_space<vmem_shared>>)
        tpu.yield
      }) : () -> ()
      %add3A_41 = arith.constant 640 : i32
      %add3A_42 = arith.addi %mul3A_14, %add3A_41 : i32
      "tpu.region"() ({
        %run_scoped3A = tpu.sem_alloc : memref<!tpu.dma_semaphore, #tpu.memory_space<semaphore_mem>>
        %dma_start3A = arith.constant 0 : i32
        %dma_start3A_55 = tpu.memref_slice %arg17[%add3A_42, %dma_start3A] : memref<50000x16xf32, #tpu.memory_space<vmem_shared>> -> memref<640x16xf32, #tpu.memory_space<vmem_shared>>
        %dma_start3A_56 = arith.constant 0 : i32
        %dma_start3A_57 = tpu.memref_slice %arg17[%add3A_42, %dma_start3A_56] : memref<50000x16xf32, #tpu.memory_space<vmem_shared>> -> memref<640x16xf32, #tpu.memory_space<vmem_shared>>
        tpu.enqueue_dma source(%arg14 : memref<640x16xf32, #tpu.memory_space<vmem>>) target(%dma_start3A_57 : memref<640x16xf32, #tpu.memory_space<vmem_shared>>) target_semaphore(%run_scoped3A : memref<!tpu.dma_semaphore, #tpu.memory_space<semaphore_mem>>)
        %dma_wait3A = arith.constant 0 : i32
        %dma_wait3A_58 = tpu.memref_slice %arg17[%add3A_42, %dma_wait3A] : memref<50000x16xf32, #tpu.memory_space<vmem_shared>> -> memref<640x16xf32, #tpu.memory_space<vmem_shared>>
        %dma_wait3A_59 = arith.constant 0 : i32
        %dma_wait3A_60 = tpu.memref_slice %arg17[%add3A_42, %dma_wait3A_59] : memref<50000x16xf32, #tpu.memory_space<vmem_shared>> -> memref<640x16xf32, #tpu.memory_space<vmem_shared>>
        tpu.wait_dma2 semaphore(%run_scoped3A : memref<!tpu.dma_semaphore, #tpu.memory_space<semaphore_mem>>) src(%arg14 : memref<640x16xf32, #tpu.memory_space<vmem>>) dst(%dma_wait3A_60 : memref<640x16xf32, #tpu.memory_space<vmem_shared>>)
        tpu.yield
      }) : () -> ()
      %add3A_43 = arith.constant 640 : i32
      %add3A_44 = arith.addi %mul3A_14, %add3A_43 : i32
      "tpu.region"() ({
        %run_scoped3A = tpu.sem_alloc : memref<!tpu.dma_semaphore, #tpu.memory_space<semaphore_mem>>
        %dma_start3A = arith.constant 0 : i32
        %dma_start3A_55 = tpu.memref_slice %arg18[%add3A_44, %dma_start3A] : memref<50000x8xf32, #tpu.memory_space<vmem_shared>> -> memref<640x8xf32, #tpu.memory_space<vmem_shared>>
        %dma_start3A_56 = arith.constant 0 : i32
        %dma_start3A_57 = tpu.memref_slice %arg18[%add3A_44, %dma_start3A_56] : memref<50000x8xf32, #tpu.memory_space<vmem_shared>> -> memref<640x8xf32, #tpu.memory_space<vmem_shared>>
        tpu.enqueue_dma source(%arg15 : memref<640x8xf32, #tpu.memory_space<vmem>>) target(%dma_start3A_57 : memref<640x8xf32, #tpu.memory_space<vmem_shared>>) target_semaphore(%run_scoped3A : memref<!tpu.dma_semaphore, #tpu.memory_space<semaphore_mem>>)
        %dma_wait3A = arith.constant 0 : i32
        %dma_wait3A_58 = tpu.memref_slice %arg18[%add3A_44, %dma_wait3A] : memref<50000x8xf32, #tpu.memory_space<vmem_shared>> -> memref<640x8xf32, #tpu.memory_space<vmem_shared>>
        %dma_wait3A_59 = arith.constant 0 : i32
        %dma_wait3A_60 = tpu.memref_slice %arg18[%add3A_44, %dma_wait3A_59] : memref<50000x8xf32, #tpu.memory_space<vmem_shared>> -> memref<640x8xf32, #tpu.memory_space<vmem_shared>>
        tpu.wait_dma2 semaphore(%run_scoped3A : memref<!tpu.dma_semaphore, #tpu.memory_space<semaphore_mem>>) src(%arg15 : memref<640x8xf32, #tpu.memory_space<vmem>>) dst(%dma_wait3A_60 : memref<640x8xf32, #tpu.memory_space<vmem_shared>>)
        tpu.yield
      }) : () -> ()
      %add3A_45 = arith.constant 1280 : i32
      %add3A_46 = arith.addi %mul3A_14, %add3A_45 : i32
      "tpu.region"() ({
        %run_scoped3A = tpu.sem_alloc : memref<!tpu.dma_semaphore, #tpu.memory_space<semaphore_mem>>
        %dma_start3A = arith.constant 0 : i32
        %dma_start3A_55 = tpu.memref_slice %arg17[%add3A_46, %dma_start3A] : memref<50000x16xf32, #tpu.memory_space<vmem_shared>> -> memref<640x16xf32, #tpu.memory_space<vmem_shared>>
        %dma_start3A_56 = arith.constant 0 : i32
        %dma_start3A_57 = tpu.memref_slice %arg17[%add3A_46, %dma_start3A_56] : memref<50000x16xf32, #tpu.memory_space<vmem_shared>> -> memref<640x16xf32, #tpu.memory_space<vmem_shared>>
        tpu.enqueue_dma source(%arg14 : memref<640x16xf32, #tpu.memory_space<vmem>>) target(%dma_start3A_57 : memref<640x16xf32, #tpu.memory_space<vmem_shared>>) target_semaphore(%run_scoped3A : memref<!tpu.dma_semaphore, #tpu.memory_space<semaphore_mem>>)
        %dma_wait3A = arith.constant 0 : i32
        %dma_wait3A_58 = tpu.memref_slice %arg17[%add3A_46, %dma_wait3A] : memref<50000x16xf32, #tpu.memory_space<vmem_shared>> -> memref<640x16xf32, #tpu.memory_space<vmem_shared>>
        %dma_wait3A_59 = arith.constant 0 : i32
        %dma_wait3A_60 = tpu.memref_slice %arg17[%add3A_46, %dma_wait3A_59] : memref<50000x16xf32, #tpu.memory_space<vmem_shared>> -> memref<640x16xf32, #tpu.memory_space<vmem_shared>>
        tpu.wait_dma2 semaphore(%run_scoped3A : memref<!tpu.dma_semaphore, #tpu.memory_space<semaphore_mem>>) src(%arg14 : memref<640x16xf32, #tpu.memory_space<vmem>>) dst(%dma_wait3A_60 : memref<640x16xf32, #tpu.memory_space<vmem_shared>>)
        tpu.yield
      }) : () -> ()
      %add3A_47 = arith.constant 1280 : i32
      %add3A_48 = arith.addi %mul3A_14, %add3A_47 : i32
      "tpu.region"() ({
        %run_scoped3A = tpu.sem_alloc : memref<!tpu.dma_semaphore, #tpu.memory_space<semaphore_mem>>
        %dma_start3A = arith.constant 0 : i32
        %dma_start3A_55 = tpu.memref_slice %arg18[%add3A_48, %dma_start3A] : memref<50000x8xf32, #tpu.memory_space<vmem_shared>> -> memref<640x8xf32, #tpu.memory_space<vmem_shared>>
        %dma_start3A_56 = arith.constant 0 : i32
        %dma_start3A_57 = tpu.memref_slice %arg18[%add3A_48, %dma_start3A_56] : memref<50000x8xf32, #tpu.memory_space<vmem_shared>> -> memref<640x8xf32, #tpu.memory_space<vmem_shared>>
        tpu.enqueue_dma source(%arg15 : memref<640x8xf32, #tpu.memory_space<vmem>>) target(%dma_start3A_57 : memref<640x8xf32, #tpu.memory_space<vmem_shared>>) target_semaphore(%run_scoped3A : memref<!tpu.dma_semaphore, #tpu.memory_space<semaphore_mem>>)
        %dma_wait3A = arith.constant 0 : i32
        %dma_wait3A_58 = tpu.memref_slice %arg18[%add3A_48, %dma_wait3A] : memref<50000x8xf32, #tpu.memory_space<vmem_shared>> -> memref<640x8xf32, #tpu.memory_space<vmem_shared>>
        %dma_wait3A_59 = arith.constant 0 : i32
        %dma_wait3A_60 = tpu.memref_slice %arg18[%add3A_48, %dma_wait3A_59] : memref<50000x8xf32, #tpu.memory_space<vmem_shared>> -> memref<640x8xf32, #tpu.memory_space<vmem_shared>>
        tpu.wait_dma2 semaphore(%run_scoped3A : memref<!tpu.dma_semaphore, #tpu.memory_space<semaphore_mem>>) src(%arg15 : memref<640x8xf32, #tpu.memory_space<vmem>>) dst(%dma_wait3A_60 : memref<640x8xf32, #tpu.memory_space<vmem_shared>>)
        tpu.yield
      }) : () -> ()
      %add3A_49 = arith.constant 1920 : i32
      %add3A_50 = arith.addi %mul3A_14, %add3A_49 : i32
      "tpu.region"() ({
        %run_scoped3A = tpu.sem_alloc : memref<!tpu.dma_semaphore, #tpu.memory_space<semaphore_mem>>
        %dma_start3A = arith.constant 0 : i32
        %dma_start3A_55 = tpu.memref_slice %arg17[%add3A_50, %dma_start3A] : memref<50000x16xf32, #tpu.memory_space<vmem_shared>> -> memref<640x16xf32, #tpu.memory_space<vmem_shared>>
        %dma_start3A_56 = arith.constant 0 : i32
        %dma_start3A_57 = tpu.memref_slice %arg17[%add3A_50, %dma_start3A_56] : memref<50000x16xf32, #tpu.memory_space<vmem_shared>> -> memref<640x16xf32, #tpu.memory_space<vmem_shared>>
        tpu.enqueue_dma source(%arg14 : memref<640x16xf32, #tpu.memory_space<vmem>>) target(%dma_start3A_57 : memref<640x16xf32, #tpu.memory_space<vmem_shared>>) target_semaphore(%run_scoped3A : memref<!tpu.dma_semaphore, #tpu.memory_space<semaphore_mem>>)
        %dma_wait3A = arith.constant 0 : i32
        %dma_wait3A_58 = tpu.memref_slice %arg17[%add3A_50, %dma_wait3A] : memref<50000x16xf32, #tpu.memory_space<vmem_shared>> -> memref<640x16xf32, #tpu.memory_space<vmem_shared>>
        %dma_wait3A_59 = arith.constant 0 : i32
        %dma_wait3A_60 = tpu.memref_slice %arg17[%add3A_50, %dma_wait3A_59] : memref<50000x16xf32, #tpu.memory_space<vmem_shared>> -> memref<640x16xf32, #tpu.memory_space<vmem_shared>>
        tpu.wait_dma2 semaphore(%run_scoped3A : memref<!tpu.dma_semaphore, #tpu.memory_space<semaphore_mem>>) src(%arg14 : memref<640x16xf32, #tpu.memory_space<vmem>>) dst(%dma_wait3A_60 : memref<640x16xf32, #tpu.memory_space<vmem_shared>>)
        tpu.yield
      }) : () -> ()
      %add3A_51 = arith.constant 1920 : i32
      %add3A_52 = arith.addi %mul3A_14, %add3A_51 : i32
      "tpu.region"() ({
        %run_scoped3A = tpu.sem_alloc : memref<!tpu.dma_semaphore, #tpu.memory_space<semaphore_mem>>
        %dma_start3A = arith.constant 0 : i32
        %dma_start3A_55 = tpu.memref_slice %arg18[%add3A_52, %dma_start3A] : memref<50000x8xf32, #tpu.memory_space<vmem_shared>> -> memref<640x8xf32, #tpu.memory_space<vmem_shared>>
        %dma_start3A_56 = arith.constant 0 : i32
        %dma_start3A_57 = tpu.memref_slice %arg18[%add3A_52, %dma_start3A_56] : memref<50000x8xf32, #tpu.memory_space<vmem_shared>> -> memref<640x8xf32, #tpu.memory_space<vmem_shared>>
        tpu.enqueue_dma source(%arg15 : memref<640x8xf32, #tpu.memory_space<vmem>>) target(%dma_start3A_57 : memref<640x8xf32, #tpu.memory_space<vmem_shared>>) target_semaphore(%run_scoped3A : memref<!tpu.dma_semaphore, #tpu.memory_space<semaphore_mem>>)
        %dma_wait3A = arith.constant 0 : i32
        %dma_wait3A_58 = tpu.memref_slice %arg18[%add3A_52, %dma_wait3A] : memref<50000x8xf32, #tpu.memory_space<vmem_shared>> -> memref<640x8xf32, #tpu.memory_space<vmem_shared>>
        %dma_wait3A_59 = arith.constant 0 : i32
        %dma_wait3A_60 = tpu.memref_slice %arg18[%add3A_52, %dma_wait3A_59] : memref<50000x8xf32, #tpu.memory_space<vmem_shared>> -> memref<640x8xf32, #tpu.memory_space<vmem_shared>>
        tpu.wait_dma2 semaphore(%run_scoped3A : memref<!tpu.dma_semaphore, #tpu.memory_space<semaphore_mem>>) src(%arg15 : memref<640x8xf32, #tpu.memory_space<vmem>>) dst(%dma_wait3A_60 : memref<640x8xf32, #tpu.memory_space<vmem_shared>>)
        tpu.yield
      }) : () -> ()
      %add3A_53 = arith.constant 2560 : i32
      %add3A_54 = arith.addi %mul3A_14, %add3A_53 : i32
      "tpu.region"() ({
        %run_scoped3A = tpu.sem_alloc : memref<!tpu.dma_semaphore, #tpu.memory_space<semaphore_mem>>
        %dma_start3A = arith.constant 0 : i32
        %dma_start3A_55 = arith.constant 0 : i32
        %dma_start3A_56 = tpu.memref_slice %arg14[%dma_start3A, %dma_start3A_55] : memref<640x16xf32, #tpu.memory_space<vmem>> -> memref<400x16xf32, #tpu.memory_space<vmem>>
        %dma_start3A_57 = arith.constant 0 : i32
        %dma_start3A_58 = tpu.memref_slice %arg17[%add3A_54, %dma_start3A_57] : memref<50000x16xf32, #tpu.memory_space<vmem_shared>> -> memref<400x16xf32, #tpu.memory_space<vmem_shared>>
        %dma_start3A_59 = arith.constant 0 : i32
        %dma_start3A_60 = tpu.memref_slice %arg17[%add3A_54, %dma_start3A_59] : memref<50000x16xf32, #tpu.memory_space<vmem_shared>> -> memref<400x16xf32, #tpu.memory_space<vmem_shared>>
        %dma_start3A_61 = arith.constant 0 : i32
        %dma_start3A_62 = arith.constant 0 : i32
        %dma_start3A_63 = tpu.memref_slice %arg14[%dma_start3A_61, %dma_start3A_62] : memref<640x16xf32, #tpu.memory_space<vmem>> -> memref<400x16xf32, #tpu.memory_space<vmem>>
        tpu.enqueue_dma source(%dma_start3A_63 : memref<400x16xf32, #tpu.memory_space<vmem>>) target(%dma_start3A_60 : memref<400x16xf32, #tpu.memory_space<vmem_shared>>) target_semaphore(%run_scoped3A : memref<!tpu.dma_semaphore, #tpu.memory_space<semaphore_mem>>)
        %dma_wait3A = arith.constant 0 : i32
        %dma_wait3A_64 = arith.constant 0 : i32
        %dma_wait3A_65 = tpu.memref_slice %arg14[%dma_wait3A, %dma_wait3A_64] : memref<640x16xf32, #tpu.memory_space<vmem>> -> memref<400x16xf32, #tpu.memory_space<vmem>>
        %dma_wait3A_66 = arith.constant 0 : i32
        %dma_wait3A_67 = tpu.memref_slice %arg17[%add3A_54, %dma_wait3A_66] : memref<50000x16xf32, #tpu.memory_space<vmem_shared>> -> memref<400x16xf32, #tpu.memory_space<vmem_shared>>
        %dma_wait3A_68 = arith.constant 0 : i32
        %dma_wait3A_69 = tpu.memref_slice %arg17[%add3A_54, %dma_wait3A_68] : memref<50000x16xf32, #tpu.memory_space<vmem_shared>> -> memref<400x16xf32, #tpu.memory_space<vmem_shared>>
        %dma_wait3A_70 = arith.constant 0 : i32
        %dma_wait3A_71 = arith.constant 0 : i32
        %dma_wait3A_72 = tpu.memref_slice %arg14[%dma_wait3A_70, %dma_wait3A_71] : memref<640x16xf32, #tpu.memory_space<vmem>> -> memref<400x16xf32, #tpu.memory_space<vmem>>
        tpu.wait_dma2 semaphore(%run_scoped3A : memref<!tpu.dma_semaphore, #tpu.memory_space<semaphore_mem>>) src(%dma_wait3A_72 : memref<400x16xf32, #tpu.memory_space<vmem>>) dst(%dma_wait3A_69 : memref<400x16xf32, #tpu.memory_space<vmem_shared>>)
        tpu.yield
      }) : () -> ()
      "tpu.region"() ({
        %run_scoped3A = tpu.sem_alloc : memref<!tpu.dma_semaphore, #tpu.memory_space<semaphore_mem>>
        %dma_start3A = arith.constant 0 : i32
        %dma_start3A_55 = arith.constant 0 : i32
        %dma_start3A_56 = tpu.memref_slice %arg15[%dma_start3A, %dma_start3A_55] : memref<640x8xf32, #tpu.memory_space<vmem>> -> memref<400x8xf32, #tpu.memory_space<vmem>>
        %dma_start3A_57 = arith.constant 0 : i32
        %dma_start3A_58 = tpu.memref_slice %arg18[%add3A_54, %dma_start3A_57] : memref<50000x8xf32, #tpu.memory_space<vmem_shared>> -> memref<400x8xf32, #tpu.memory_space<vmem_shared>>
        %dma_start3A_59 = arith.constant 0 : i32
        %dma_start3A_60 = tpu.memref_slice %arg18[%add3A_54, %dma_start3A_59] : memref<50000x8xf32, #tpu.memory_space<vmem_shared>> -> memref<400x8xf32, #tpu.memory_space<vmem_shared>>
        %dma_start3A_61 = arith.constant 0 : i32
        %dma_start3A_62 = arith.constant 0 : i32
        %dma_start3A_63 = tpu.memref_slice %arg15[%dma_start3A_61, %dma_start3A_62] : memref<640x8xf32, #tpu.memory_space<vmem>> -> memref<400x8xf32, #tpu.memory_space<vmem>>
        tpu.enqueue_dma source(%dma_start3A_63 : memref<400x8xf32, #tpu.memory_space<vmem>>) target(%dma_start3A_60 : memref<400x8xf32, #tpu.memory_space<vmem_shared>>) target_semaphore(%run_scoped3A : memref<!tpu.dma_semaphore, #tpu.memory_space<semaphore_mem>>)
        %dma_wait3A = arith.constant 0 : i32
        %dma_wait3A_64 = arith.constant 0 : i32
        %dma_wait3A_65 = tpu.memref_slice %arg15[%dma_wait3A, %dma_wait3A_64] : memref<640x8xf32, #tpu.memory_space<vmem>> -> memref<400x8xf32, #tpu.memory_space<vmem>>
        %dma_wait3A_66 = arith.constant 0 : i32
        %dma_wait3A_67 = tpu.memref_slice %arg18[%add3A_54, %dma_wait3A_66] : memref<50000x8xf32, #tpu.memory_space<vmem_shared>> -> memref<400x8xf32, #tpu.memory_space<vmem_shared>>
        %dma_wait3A_68 = arith.constant 0 : i32
        %dma_wait3A_69 = tpu.memref_slice %arg18[%add3A_54, %dma_wait3A_68] : memref<50000x8xf32, #tpu.memory_space<vmem_shared>> -> memref<400x8xf32, #tpu.memory_space<vmem_shared>>
        %dma_wait3A_70 = arith.constant 0 : i32
        %dma_wait3A_71 = arith.constant 0 : i32
        %dma_wait3A_72 = tpu.memref_slice %arg15[%dma_wait3A_70, %dma_wait3A_71] : memref<640x8xf32, #tpu.memory_space<vmem>> -> memref<400x8xf32, #tpu.memory_space<vmem>>
        tpu.wait_dma2 semaphore(%run_scoped3A : memref<!tpu.dma_semaphore, #tpu.memory_space<semaphore_mem>>) src(%dma_wait3A_72 : memref<400x8xf32, #tpu.memory_space<vmem>>) dst(%dma_wait3A_69 : memref<400x8xf32, #tpu.memory_space<vmem_shared>>)
        tpu.yield
      }) : () -> ()
    } else {
    }
    %barrier3A = arith.constant 0 : index
    tpu.barrier barrier_id(%barrier3A)
    %scan3A_21 = arith.constant 0 : i32
    %scan3A_22 = arith.constant 0 : i32
    %scan3A_23 = arith.constant 80 : i32
    %scan3A_24 = arith.addi %scan3A_22, %scan3A_23 : i32
    %scan3A_25 = arith.constant 1 : i32
    scf.for %scan3A_38 = %scan3A_22 to %scan3A_24 step %scan3A_25  : i32 {
      %mul3A_39 = arith.constant 400 : i32
      %mul3A_40 = arith.muli %arg1, %mul3A_39 : i32
      %mul3A_41 = arith.constant 5 : i32
      %mul3A_42 = arith.muli %scan3A_38, %mul3A_41 : i32
      %add3A = arith.addi %mul3A_40, %mul3A_42 : i32
      "tpu.region"() ({
        %run_scoped3A = tpu.sem_alloc : memref<!tpu.dma_semaphore, #tpu.memory_space<semaphore_mem>>
        %dma_start3A_91 = arith.constant 0 : i32
        %dma_start3A_92 = arith.constant 0 : i32
        %dma_start3A_93 = tpu.memref_slice %arg4[%add3A, %dma_start3A_91, %dma_start3A_92] : memref<6400x3x128xi32, #tpu.memory_space<hbm>> -> memref<5x3x128xi32, #tpu.memory_space<hbm>>
        %dma_start3A_94 = arith.constant 0 : i32
        %dma_start3A_95 = arith.constant 0 : i32
        %dma_start3A_96 = tpu.memref_slice %arg4[%add3A, %dma_start3A_94, %dma_start3A_95] : memref<6400x3x128xi32, #tpu.memory_space<hbm>> -> memref<5x3x128xi32, #tpu.memory_space<hbm>>
        tpu.enqueue_dma source(%dma_start3A_96 : memref<5x3x128xi32, #tpu.memory_space<hbm>>) target(%arg7 : memref<5x3x128xi32, #tpu.memory_space<vmem>>) target_semaphore(%run_scoped3A : memref<!tpu.dma_semaphore, #tpu.memory_space<semaphore_mem>>)
        %dma_wait3A_97 = arith.constant 0 : i32
        %dma_wait3A_98 = arith.constant 0 : i32
        %dma_wait3A_99 = tpu.memref_slice %arg4[%add3A, %dma_wait3A_97, %dma_wait3A_98] : memref<6400x3x128xi32, #tpu.memory_space<hbm>> -> memref<5x3x128xi32, #tpu.memory_space<hbm>>
        %dma_wait3A_100 = arith.constant 0 : i32
        %dma_wait3A_101 = arith.constant 0 : i32
        %dma_wait3A_102 = tpu.memref_slice %arg4[%add3A, %dma_wait3A_100, %dma_wait3A_101] : memref<6400x3x128xi32, #tpu.memory_space<hbm>> -> memref<5x3x128xi32, #tpu.memory_space<hbm>>
        tpu.wait_dma2 semaphore(%run_scoped3A : memref<!tpu.dma_semaphore, #tpu.memory_space<semaphore_mem>>) src(%dma_wait3A_102 : memref<5x3x128xi32, #tpu.memory_space<hbm>>) dst(%arg7 : memref<5x3x128xi32, #tpu.memory_space<vmem>>)
        tpu.yield
      }) : () -> ()
      %scan3A_43 = arith.constant 0 : i32
      %scan3A_44 = arith.constant 0 : i32
      %scan3A_45 = arith.constant 40 : i32
      %scan3A_46 = arith.addi %scan3A_44, %scan3A_45 : i32
      %scan3A_47 = arith.constant 1 : i32
      scf.for %scan3A_91 = %scan3A_44 to %scan3A_46 step %scan3A_47  : i32 {
        %jit3A = arith.constant 8 : i32
        %div3A = arith.divsi %scan3A_91, %jit3A : i32
        %sign3A = arith.constant 0 : i32
        %sign3A_92 = arith.cmpi sgt, %scan3A_91, %sign3A : i32
        %sign3A_93 = arith.extui %sign3A_92 : i1 to i32
        %sign3A_94 = arith.constant 0 : i32
        %sign3A_95 = arith.cmpi slt, %scan3A_91, %sign3A_94 : i32
        %sign3A_96 = arith.extui %sign3A_95 : i1 to i32
        %sign3A_97 = arith.subi %sign3A_93, %sign3A_96 : i32
        %sign3A_98 = arith.constant 0 : i32
        %sign3A_99 = arith.cmpi sgt, %jit3A, %sign3A_98 : i32
        %sign3A_100 = arith.extui %sign3A_99 : i1 to i32
        %sign3A_101 = arith.constant 0 : i32
        %sign3A_102 = arith.cmpi slt, %jit3A, %sign3A_101 : i32
        %sign3A_103 = arith.extui %sign3A_102 : i1 to i32
        %sign3A_104 = arith.subi %sign3A_100, %sign3A_103 : i32
        %ne3A = arith.cmpi ne, %sign3A_97, %sign3A_104 : i32
        %rem3A = arith.remsi %scan3A_91, %jit3A : i32
        %ne3A_105 = arith.constant 0 : i32
        %ne3A_106 = arith.cmpi ne, %rem3A, %ne3A_105 : i32
        %and3A = arith.andi %ne3A, %ne3A_106 : i1
        %sub3A = arith.constant 1 : i32
        %sub3A_107 = arith.subi %div3A, %sub3A : i32
        %select_n3A = arith.select %and3A, %sub3A_107, %div3A : i32
        %jit3A_108 = arith.constant 8 : i32
        %eq3A_109 = arith.constant 0 : i32
        %eq3A_110 = arith.cmpi eq, %jit3A_108, %eq3A_109 : i32
        %jit3A_111 = arith.constant 1 : i32
        %select_n3A_112 = arith.select %eq3A_110, %jit3A_111, %jit3A_108 : i32
        %rem3A_113 = arith.remsi %scan3A_91, %select_n3A_112 : i32
        %ne3A_114 = arith.constant 0 : i32
        %ne3A_115 = arith.cmpi ne, %rem3A_113, %ne3A_114 : i32
        %lt3A_116 = arith.constant 0 : i32
        %lt3A_117 = arith.cmpi slt, %rem3A_113, %lt3A_116 : i32
        %lt3A_118 = arith.constant 0 : i32
        %lt3A_119 = arith.cmpi slt, %select_n3A_112, %lt3A_118 : i32
        %ne3A_120 = arith.xori %lt3A_117, %lt3A_119 : i1
        %and3A_121 = arith.andi %ne3A_120, %ne3A_115 : i1
        %add3A_122 = arith.addi %rem3A_113, %select_n3A_112 : i32
        %select_n3A_123 = arith.select %and3A_121, %add3A_122, %rem3A_113 : i32
        %mul3A_124 = arith.constant 16 : i32
        %mul3A_125 = arith.muli %select_n3A_123, %mul3A_124 : i32
        %get3A = arith.constant 0 : i32
        %get3A_126 = arith.index_cast %select_n3A : i32 to index
        %get3A_127 = arith.index_cast %get3A : i32 to index
        %get3A_128 = arith.index_cast %mul3A_125 : i32 to index
        %get3A_129 = tpu.vector_load %arg7[%get3A_126, %get3A_127, %get3A_128] {strides = array<i32>} : memref<5x3x128xi32, #tpu.memory_space<vmem>>, vector<16xi32>,
        %get3A_130 = arith.constant 1 : i32
        %get3A_131 = arith.index_cast %select_n3A : i32 to index
        %get3A_132 = arith.index_cast %get3A_130 : i32 to index
        %get3A_133 = arith.index_cast %mul3A_125 : i32 to index
        %get3A_134 = tpu.vector_load %arg7[%get3A_131, %get3A_132, %get3A_133] {strides = array<i32>} : memref<5x3x128xi32, #tpu.memory_space<vmem>>, vector<16xi32>,
        %get3A_135 = arith.constant 2 : i32
        %get3A_136 = arith.index_cast %select_n3A : i32 to index
        %get3A_137 = arith.index_cast %get3A_135 : i32 to index
        %get3A_138 = arith.index_cast %mul3A_125 : i32 to index
        %get3A_139 = tpu.vector_load %arg7[%get3A_136, %get3A_137, %get3A_138] {strides = array<i32>} : memref<5x3x128xi32, #tpu.memory_space<vmem>>, vector<16xi32>,
        %mul3A_140 = arith.constant 50000 : i32
        %mul3A_141 = vector.broadcast %mul3A_140 : i32 to vector<16xi32>
        %mul3A_142 = arith.muli %get3A_139, %mul3A_141 : vector<16xi32>
        %add3A_143 = arith.addi %mul3A_142, %get3A_134 : vector<16xi32>
        %mul3A_144 = arith.constant 16 : i32
        %mul3A_145 = arith.muli %scan3A_91, %mul3A_144 : i32
        %swap3A = arith.index_cast %mul3A_145 : i32 to index
        %swap3A_146 = tpu.vector_load %arg8[%swap3A] {strides = array<i32>} : memref<640xi32, #tpu.memory_space<vmem>>, vector<16xi32>,
        tpu.vector_store %arg8[%swap3A], %add3A_143 {strides = array<i32>} : memref<640xi32, #tpu.memory_space<vmem>>, vector<16xi32>,
        %add3A_147 = arith.addi %mul3A_142, %get3A_129 : vector<16xi32>
        %mul3A_148 = arith.constant 16 : i32
        %mul3A_149 = arith.muli %scan3A_91, %mul3A_148 : i32
        %swap3A_150 = arith.index_cast %mul3A_149 : i32 to index
        %swap3A_151 = tpu.vector_load %arg9[%swap3A_150] {strides = array<i32>} : memref<640xi32, #tpu.memory_space<vmem>>, vector<16xi32>,
        tpu.vector_store %arg9[%swap3A_150], %add3A_147 {strides = array<i32>} : memref<640xi32, #tpu.memory_space<vmem>>, vector<16xi32>,
        %add3A_152 = vector.broadcast %mul3A_0 : i32 to vector<16xi32>
        %add3A_153 = arith.addi %add3A_147, %add3A_152 : vector<16xi32>
        %mul3A_154 = arith.constant 16 : i32
        %mul3A_155 = arith.muli %scan3A_91, %mul3A_154 : i32
        %swap3A_156 = arith.index_cast %mul3A_155 : i32 to index
        %swap3A_157 = tpu.vector_load %arg10[%swap3A_156] {strides = array<i32>} : memref<640xi32, #tpu.memory_space<vmem>>, vector<16xi32>,
        tpu.vector_store %arg10[%swap3A_156], %add3A_153 {strides = array<i32>} : memref<640xi32, #tpu.memory_space<vmem>>, vector<16xi32>,
        %mul3A_158 = arith.constant 16 : i32
        %mul3A_159 = arith.muli %scan3A_91, %mul3A_158 : i32
        %swap3A_160 = arith.index_cast %mul3A_159 : i32 to index
        %swap3A_161 = tpu.vector_load %arg11[%swap3A_160] {strides = array<i32>} : memref<640xi32, #tpu.memory_space<vmem>>, vector<16xi32>,
        tpu.vector_store %arg11[%swap3A_160], %get3A_134 {strides = array<i32>} : memref<640xi32, #tpu.memory_space<vmem>>, vector<16xi32>,
      }
      %scan3A_48 = arith.constant 40 : i32
      %dma_start3A = arith.constant 0 : i32
      %dma_start3A_49 = arith.constant 0 : i32
      %dma_start3A_50 = tpu.memref_slice %arg3[%dma_start3A, %dma_start3A_49] : memref<200000x16xf32, #tpu.memory_space<hbm>> -> memref<200000x16xf32, #tpu.memory_space<hbm>>
      tpu.enqueue_indirect_dma source(%dma_start3A_50 : memref<200000x16xf32, #tpu.memory_space<hbm>>) target(%arg12 : memref<640x16xf32, #tpu.memory_space<vmem>>) offsets(%arg8 : memref<640xi32, #tpu.memory_space<vmem>>) semaphore(%arg19 : memref<!tpu.dma_semaphore, #tpu.memory_space<semaphore_mem>>)
      %dma_start3A_51 = arith.constant 0 : i32
      %dma_start3A_52 = arith.constant 0 : i32
      %dma_start3A_53 = tpu.memref_slice %arg3[%dma_start3A_51, %dma_start3A_52] : memref<200000x16xf32, #tpu.memory_space<hbm>> -> memref<200000x16xf32, #tpu.memory_space<hbm>>
      tpu.enqueue_indirect_dma source(%dma_start3A_53 : memref<200000x16xf32, #tpu.memory_space<hbm>>) target(%arg13 : memref<640x16xf32, #tpu.memory_space<vmem>>) offsets(%arg9 : memref<640xi32, #tpu.memory_space<vmem>>) semaphore(%arg19 : memref<!tpu.dma_semaphore, #tpu.memory_space<semaphore_mem>>)
      %dma_start3A_54 = arith.constant 0 : i32
      %dma_start3A_55 = arith.constant 0 : i32
      %dma_start3A_56 = tpu.memref_slice %arg2[%dma_start3A_54, %dma_start3A_55] : memref<400000x16xf32, #tpu.memory_space<hbm>> -> memref<400000x16xf32, #tpu.memory_space<hbm>>
      tpu.enqueue_indirect_dma source(%dma_start3A_56 : memref<400000x16xf32, #tpu.memory_space<hbm>>) target(%arg14 : memref<640x16xf32, #tpu.memory_space<vmem>>) offsets(%arg10 : memref<640xi32, #tpu.memory_space<vmem>>) semaphore(%arg20 : memref<!tpu.dma_semaphore, #tpu.memory_space<semaphore_mem>>)
      %dma_wait3A = arith.constant 0 : i32
      %dma_wait3A_57 = arith.constant 0 : i32
      %dma_wait3A_58 = tpu.memref_slice %arg3[%dma_wait3A, %dma_wait3A_57] : memref<200000x16xf32, #tpu.memory_space<hbm>> -> memref<200000x16xf32, #tpu.memory_space<hbm>>
      tpu.wait_indirect_dma semaphore(%arg19 : memref<!tpu.dma_semaphore, #tpu.memory_space<semaphore_mem>>) src(%dma_wait3A_58 : memref<200000x16xf32, #tpu.memory_space<hbm>>) dst(%arg12 : memref<640x16xf32, #tpu.memory_space<vmem>>)
      %dma_wait3A_59 = arith.constant 0 : i32
      %dma_wait3A_60 = arith.constant 0 : i32
      %dma_wait3A_61 = tpu.memref_slice %arg3[%dma_wait3A_59, %dma_wait3A_60] : memref<200000x16xf32, #tpu.memory_space<hbm>> -> memref<200000x16xf32, #tpu.memory_space<hbm>>
      tpu.wait_indirect_dma semaphore(%arg19 : memref<!tpu.dma_semaphore, #tpu.memory_space<semaphore_mem>>) src(%dma_wait3A_61 : memref<200000x16xf32, #tpu.memory_space<hbm>>) dst(%arg13 : memref<640x16xf32, #tpu.memory_space<vmem>>)
      %dma_wait3A_62 = arith.constant 0 : i32
      %dma_wait3A_63 = arith.constant 0 : i32
      %dma_wait3A_64 = tpu.memref_slice %arg2[%dma_wait3A_62, %dma_wait3A_63] : memref<400000x16xf32, #tpu.memory_space<hbm>> -> memref<400000x16xf32, #tpu.memory_space<hbm>>
      tpu.wait_indirect_dma semaphore(%arg20 : memref<!tpu.dma_semaphore, #tpu.memory_space<semaphore_mem>>) src(%dma_wait3A_64 : memref<400000x16xf32, #tpu.memory_space<hbm>>) dst(%arg14 : memref<640x16xf32, #tpu.memory_space<vmem>>)
      %mul3A_65 = arith.constant 128 : i32
      %mul3A_66 = arith.muli %add3A, %mul3A_65 : i32
      %scan3A_67 = arith.constant 0 : i32
      %scan3A_68 = arith.constant 0 : i32
      %scan3A_69 = arith.constant 40 : i32
      %scan3A_70 = arith.addi %scan3A_68, %scan3A_69 : i32
      %scan3A_71 = arith.constant 1 : i32
      scf.for %scan3A_91 = %scan3A_68 to %scan3A_70 step %scan3A_71  : i32 {
        %mul3A_92 = arith.constant 16 : i32
        %mul3A_93 = arith.muli %scan3A_91, %mul3A_92 : i32
        %iota3A = tpu.iota {dimensions = array<i32: 0>} : vector<16xi32>
        %add3A_94 = vector.broadcast %mul3A_93 : i32 to vector<16xi32>
        %add3A_95 = arith.addi %add3A_94, %iota3A : vector<16xi32>
        %add3A_96 = vector.broadcast %mul3A_66 : i32 to vector<16xi32>
        %add3A_97 = arith.addi %add3A_96, %add3A_95 : vector<16xi32>
        %lt3A_98 = arith.constant 800000 : i32
        %lt3A_99 = vector.broadcast %lt3A_98 : i32 to vector<16xi32>
        %lt3A_100 = arith.cmpi slt, %add3A_97, %lt3A_99 : vector<16xi32>
        %broadcast_in_dim3A_101 = arith.constant 0 : i32
        %broadcast_in_dim3A_102 = vector.broadcast %broadcast_in_dim3A_101 : i32 to vector<16xi32>
        %gather3A = tpu.vector_load_idx %arg12[%add3A_95, %broadcast_in_dim3A_102] : memref<640x16xf32, #tpu.memory_space<vmem>>[vector<16xi32>, vector<16xi32>], vector<16xf32>,
        %broadcast_in_dim3A_103 = arith.constant 1 : i32
        %broadcast_in_dim3A_104 = vector.broadcast %broadcast_in_dim3A_103 : i32 to vector<16xi32>
        %gather3A_105 = tpu.vector_load_idx %arg13[%add3A_95, %broadcast_in_dim3A_104] : memref<640x16xf32, #tpu.memory_space<vmem>>[vector<16xi32>, vector<16xi32>], vector<16xf32>,
        %add3A_106 = arith.addf %gather3A, %gather3A_105 : vector<16xf32>
        %ge3A = arith.constant 0.000000e+00 : f32
        %ge3A_107 = vector.broadcast %ge3A : f32 to vector<16xf32>
        %ge3A_108 = arith.cmpf oge, %add3A_106, %ge3A_107 : vector<16xf32>
        %mul3A_109 = arith.constant 2.000000e-01 : f32
        %mul3A_110 = vector.broadcast %mul3A_109 : f32 to vector<16xf32>
        %mul3A_111 = arith.mulf %mul3A_110, %add3A_106 : vector<16xf32>
        %select_n3A = arith.select %ge3A_108, %add3A_106, %mul3A_111 : vector<16xi1>, vector<16xf32>
        %exp3A = math.exp %select_n3A : vector<16xf32>
        %jit3A = arith.constant 0.000000e+00 : f32
        %broadcast_in_dim3A_112 = vector.broadcast %jit3A : f32 to vector<16xf32>
        %select_n3A_113 = arith.select %lt3A_100, %exp3A, %broadcast_in_dim3A_112 : vector<16xi1>, vector<16xf32>
        %mul3A_114 = arith.constant 16 : i32
        %mul3A_115 = arith.muli %scan3A_91, %mul3A_114 : i32
        %swap3A = arith.index_cast %mul3A_115 : i32 to index
        %swap3A_116 = tpu.vector_load %arg16[%swap3A] {strides = array<i32>} : memref<640xf32, #tpu.memory_space<vmem>>, vector<16xf32>,
        tpu.vector_store %arg16[%swap3A], %select_n3A_113 {strides = array<i32>} : memref<640xf32, #tpu.memory_space<vmem>>, vector<16xf32>,
        %broadcast_in_dim3A_117 = arith.constant 0 : i32
        %broadcast_in_dim3A_118 = vector.broadcast %broadcast_in_dim3A_117 : i32 to vector<16xi32>
        tpu.vector_store_idx %arg15[%add3A_95, %broadcast_in_dim3A_118], %select_n3A_113 : memref<640x8xf32, #tpu.memory_space<vmem>>[vector<16xi32>, vector<16xi32>], vector<16xf32>,
      }
      %scan3A_72 = arith.constant 40 : i32
      %scan3A_73 = arith.constant 0 : i32
      %scan3A_74 = arith.constant 0 : i32
      %scan3A_75 = arith.constant 160 : i32
      %scan3A_76 = arith.addi %scan3A_74, %scan3A_75 : i32
      %scan3A_77 = arith.constant 1 : i32
      scf.for %scan3A_91 = %scan3A_74 to %scan3A_76 step %scan3A_77  : i32 {
        %mul3A_92 = arith.constant 4 : i32
        %mul3A_93 = arith.muli %scan3A_91, %mul3A_92 : i32
        %add3A_94 = arith.constant 0 : i32
        %add3A_95 = arith.addi %mul3A_93, %add3A_94 : i32
        %broadcast_in_dim3A_96 = vector.broadcast %add3A_95 : i32 to vector<16xi32>
        %gather3A = tpu.vector_load_idx %arg16[%broadcast_in_dim3A_96] : memref<640xf32, #tpu.memory_space<vmem>>[vector<16xi32>], vector<16xf32>,
        %get3A = arith.index_cast %add3A_95 : i32 to index
        %get3A_97 = arith.constant 0 : index
        %get3A_98 = tpu.vector_load %arg14[%get3A, %get3A_97] {strides = array<i32>} : memref<640x16xf32, #tpu.memory_space<vmem>>, vector<16xf32>,
        %mul3A_99 = arith.mulf %get3A_98, %gather3A : vector<16xf32>
        %swap3A = arith.index_cast %add3A_95 : i32 to index
        %swap3A_100 = arith.constant 0 : index
        %swap3A_101 = tpu.vector_load %arg14[%swap3A, %swap3A_100] {strides = array<i32>} : memref<640x16xf32, #tpu.memory_space<vmem>>, vector<16xf32>,
        tpu.vector_store %arg14[%swap3A, %swap3A_100], %mul3A_99 {strides = array<i32>} : memref<640x16xf32, #tpu.memory_space<vmem>>, vector<16xf32>,
        %mul3A_102 = arith.constant 4 : i32
        %mul3A_103 = arith.muli %scan3A_91, %mul3A_102 : i32
        %add3A_104 = arith.constant 1 : i32
        %add3A_105 = arith.addi %mul3A_103, %add3A_104 : i32
        %broadcast_in_dim3A_106 = vector.broadcast %add3A_105 : i32 to vector<16xi32>
        %gather3A_107 = tpu.vector_load_idx %arg16[%broadcast_in_dim3A_106] : memref<640xf32, #tpu.memory_space<vmem>>[vector<16xi32>], vector<16xf32>,
        %get3A_108 = arith.index_cast %add3A_105 : i32 to index
        %get3A_109 = arith.constant 0 : index
        %get3A_110 = tpu.vector_load %arg14[%get3A_108, %get3A_109] {strides = array<i32>} : memref<640x16xf32, #tpu.memory_space<vmem>>, vector<16xf32>,
        %mul3A_111 = arith.mulf %get3A_110, %gather3A_107 : vector<16xf32>
        %swap3A_112 = arith.index_cast %add3A_105 : i32 to index
        %swap3A_113 = arith.constant 0 : index
        %swap3A_114 = tpu.vector_load %arg14[%swap3A_112, %swap3A_113] {strides = array<i32>} : memref<640x16xf32, #tpu.memory_space<vmem>>, vector<16xf32>,
        tpu.vector_store %arg14[%swap3A_112, %swap3A_113], %mul3A_111 {strides = array<i32>} : memref<640x16xf32, #tpu.memory_space<vmem>>, vector<16xf32>,
        %mul3A_115 = arith.constant 4 : i32
        %mul3A_116 = arith.muli %scan3A_91, %mul3A_115 : i32
        %add3A_117 = arith.constant 2 : i32
        %add3A_118 = arith.addi %mul3A_116, %add3A_117 : i32
        %broadcast_in_dim3A_119 = vector.broadcast %add3A_118 : i32 to vector<16xi32>
        %gather3A_120 = tpu.vector_load_idx %arg16[%broadcast_in_dim3A_119] : memref<640xf32, #tpu.memory_space<vmem>>[vector<16xi32>], vector<16xf32>,
        %get3A_121 = arith.index_cast %add3A_118 : i32 to index
        %get3A_122 = arith.constant 0 : index
        %get3A_123 = tpu.vector_load %arg14[%get3A_121, %get3A_122] {strides = array<i32>} : memref<640x16xf32, #tpu.memory_space<vmem>>, vector<16xf32>,
        %mul3A_124 = arith.mulf %get3A_123, %gather3A_120 : vector<16xf32>
        %swap3A_125 = arith.index_cast %add3A_118 : i32 to index
        %swap3A_126 = arith.constant 0 : index
        %swap3A_127 = tpu.vector_load %arg14[%swap3A_125, %swap3A_126] {strides = array<i32>} : memref<640x16xf32, #tpu.memory_space<vmem>>, vector<16xf32>,
        tpu.vector_store %arg14[%swap3A_125, %swap3A_126], %mul3A_124 {strides = array<i32>} : memref<640x16xf32, #tpu.memory_space<vmem>>, vector<16xf32>,
        %mul3A_128 = arith.constant 4 : i32
        %mul3A_129 = arith.muli %scan3A_91, %mul3A_128 : i32
        %add3A_130 = arith.constant 3 : i32
        %add3A_131 = arith.addi %mul3A_129, %add3A_130 : i32
        %broadcast_in_dim3A_132 = vector.broadcast %add3A_131 : i32 to vector<16xi32>
        %gather3A_133 = tpu.vector_load_idx %arg16[%broadcast_in_dim3A_132] : memref<640xf32, #tpu.memory_space<vmem>>[vector<16xi32>], vector<16xf32>,
        %get3A_134 = arith.index_cast %add3A_131 : i32 to index
        %get3A_135 = arith.constant 0 : index
        %get3A_136 = tpu.vector_load %arg14[%get3A_134, %get3A_135] {strides = array<i32>} : memref<640x16xf32, #tpu.memory_space<vmem>>, vector<16xf32>,
        %mul3A_137 = arith.mulf %get3A_136, %gather3A_133 : vector<16xf32>
        %swap3A_138 = arith.index_cast %add3A_131 : i32 to index
        %swap3A_139 = arith.constant 0 : index
        %swap3A_140 = tpu.vector_load %arg14[%swap3A_138, %swap3A_139] {strides = array<i32>} : memref<640x16xf32, #tpu.memory_space<vmem>>, vector<16xf32>,
        tpu.vector_store %arg14[%swap3A_138, %swap3A_139], %mul3A_137 {strides = array<i32>} : memref<640x16xf32, #tpu.memory_space<vmem>>, vector<16xf32>,
      }
      %scan3A_78 = arith.constant 160 : i32
      %dma_start3A_79 = arith.constant 0 : i32
      %dma_start3A_80 = arith.constant 0 : i32
      %dma_start3A_81 = tpu.memref_slice %arg17[%dma_start3A_79, %dma_start3A_80] : memref<50000x16xf32, #tpu.memory_space<vmem_shared>> -> memref<50000x16xf32, #tpu.memory_space<vmem_shared>>
      tpu.enqueue_indirect_dma source(%arg14 : memref<640x16xf32, #tpu.memory_space<vmem>>) target(%dma_start3A_81 : memref<50000x16xf32, #tpu.memory_space<vmem_shared>>) offsets(%arg11 : memref<640xi32, #tpu.memory_space<vmem>>) semaphore(%arg19 : memref<!tpu.dma_semaphore, #tpu.memory_space<semaphore_mem>>) {add = true}
      %dma_start3A_82 = arith.constant 0 : i32
      %dma_start3A_83 = arith.constant 0 : i32
      %dma_start3A_84 = tpu.memref_slice %arg18[%dma_start3A_82, %dma_start3A_83] : memref<50000x8xf32, #tpu.memory_space<vmem_shared>> -> memref<50000x8xf32, #tpu.memory_space<vmem_shared>>
      tpu.enqueue_indirect_dma source(%arg15 : memref<640x8xf32, #tpu.memory_space<vmem>>) target(%dma_start3A_84 : memref<50000x8xf32, #tpu.memory_space<vmem_shared>>) offsets(%arg11 : memref<640xi32, #tpu.memory_space<vmem>>) semaphore(%arg20 : memref<!tpu.dma_semaphore, #tpu.memory_space<semaphore_mem>>) {add = true}
      %dma_wait3A_85 = arith.constant 0 : i32
      %dma_wait3A_86 = arith.constant 0 : i32
      %dma_wait3A_87 = tpu.memref_slice %arg17[%dma_wait3A_85, %dma_wait3A_86] : memref<50000x16xf32, #tpu.memory_space<vmem_shared>> -> memref<50000x16xf32, #tpu.memory_space<vmem_shared>>
      tpu.wait_indirect_dma semaphore(%arg19 : memref<!tpu.dma_semaphore, #tpu.memory_space<semaphore_mem>>) src(%arg14 : memref<640x16xf32, #tpu.memory_space<vmem>>) dst(%dma_wait3A_87 : memref<50000x16xf32, #tpu.memory_space<vmem_shared>>)
      %dma_wait3A_88 = arith.constant 0 : i32
      %dma_wait3A_89 = arith.constant 0 : i32
      %dma_wait3A_90 = tpu.memref_slice %arg18[%dma_wait3A_88, %dma_wait3A_89] : memref<50000x8xf32, #tpu.memory_space<vmem_shared>> -> memref<50000x8xf32, #tpu.memory_space<vmem_shared>>
      tpu.wait_indirect_dma semaphore(%arg20 : memref<!tpu.dma_semaphore, #tpu.memory_space<semaphore_mem>>) src(%arg15 : memref<640x8xf32, #tpu.memory_space<vmem>>) dst(%dma_wait3A_90 : memref<50000x8xf32, #tpu.memory_space<vmem_shared>>)
    }
    %scan3A_26 = arith.constant 80 : i32
    %barrier3A_27 = arith.constant 0 : index
    tpu.barrier barrier_id(%barrier3A_27)
    %lt3A_28 = arith.constant 15 : i32
    %lt3A_29 = arith.cmpi slt, %arg1, %lt3A_28 : i32
    %convert_element_type3A_30 = arith.extui %lt3A_29 : i1 to i32
    %cond3A_31 = arith.constant 0 : i32
    %cond3A_32 = arith.cmpi ne, %convert_element_type3A_30, %cond3A_31 : i32
    scf.if %cond3A_32 {
      "tpu.region"() ({
        %run_scoped3A = tpu.sem_alloc : memref<!tpu.dma_semaphore, #tpu.memory_space<semaphore_mem>>
        %dma_start3A = arith.constant 0 : i32
        %dma_start3A_38 = tpu.memref_slice %arg5[%arg0, %mul3A_14, %dma_start3A] : memref<2x50000x16xf32, #tpu.memory_space<hbm>> -> memref<1x3136x16xf32, #tpu.memory_space<hbm>>
        %dma_start3A_39 = tpu.memref_squeeze %dma_start3A_38 : memref<1x3136x16xf32, #tpu.memory_space<hbm>> -> memref<3136x16xf32, #tpu.memory_space<hbm>>
        %dma_start3A_40 = arith.constant 0 : i32
        %dma_start3A_41 = tpu.memref_slice %arg17[%mul3A_14, %dma_start3A_40] : memref<50000x16xf32, #tpu.memory_space<vmem_shared>> -> memref<3136x16xf32, #tpu.memory_space<vmem_shared>>
        tpu.enqueue_dma source(%dma_start3A_41 : memref<3136x16xf32, #tpu.memory_space<vmem_shared>>) target(%dma_start3A_39 : memref<3136x16xf32, #tpu.memory_space<hbm>>) target_semaphore(%run_scoped3A : memref<!tpu.dma_semaphore, #tpu.memory_space<semaphore_mem>>)
        %dma_wait3A = arith.constant 0 : i32
        %dma_wait3A_42 = tpu.memref_slice %arg5[%arg0, %mul3A_14, %dma_wait3A] : memref<2x50000x16xf32, #tpu.memory_space<hbm>> -> memref<1x3136x16xf32, #tpu.memory_space<hbm>>
        %dma_wait3A_43 = tpu.memref_squeeze %dma_wait3A_42 : memref<1x3136x16xf32, #tpu.memory_space<hbm>> -> memref<3136x16xf32, #tpu.memory_space<hbm>>
        %dma_wait3A_44 = arith.constant 0 : i32
        %dma_wait3A_45 = tpu.memref_slice %arg17[%mul3A_14, %dma_wait3A_44] : memref<50000x16xf32, #tpu.memory_space<vmem_shared>> -> memref<3136x16xf32, #tpu.memory_space<vmem_shared>>
        tpu.wait_dma2 semaphore(%run_scoped3A : memref<!tpu.dma_semaphore, #tpu.memory_space<semaphore_mem>>) src(%dma_wait3A_45 : memref<3136x16xf32, #tpu.memory_space<vmem_shared>>) dst(%dma_wait3A_43 : memref<3136x16xf32, #tpu.memory_space<hbm>>)
        tpu.yield
      }) : () -> ()
      "tpu.region"() ({
        %run_scoped3A = tpu.sem_alloc : memref<!tpu.dma_semaphore, #tpu.memory_space<semaphore_mem>>
        %dma_start3A = arith.constant 0 : i32
        %dma_start3A_38 = tpu.memref_slice %arg6[%arg0, %mul3A_14, %dma_start3A] : memref<2x50000x8xf32, #tpu.memory_space<hbm>> -> memref<1x3136x8xf32, #tpu.memory_space<hbm>>
        %dma_start3A_39 = tpu.memref_squeeze %dma_start3A_38 : memref<1x3136x8xf32, #tpu.memory_space<hbm>> -> memref<3136x8xf32, #tpu.memory_space<hbm>>
        %dma_start3A_40 = arith.constant 0 : i32
        %dma_start3A_41 = tpu.memref_slice %arg18[%mul3A_14, %dma_start3A_40] : memref<50000x8xf32, #tpu.memory_space<vmem_shared>> -> memref<3136x8xf32, #tpu.memory_space<vmem_shared>>
        tpu.enqueue_dma source(%dma_start3A_41 : memref<3136x8xf32, #tpu.memory_space<vmem_shared>>) target(%dma_start3A_39 : memref<3136x8xf32, #tpu.memory_space<hbm>>) target_semaphore(%run_scoped3A : memref<!tpu.dma_semaphore, #tpu.memory_space<semaphore_mem>>)
        %dma_wait3A = arith.constant 0 : i32
        %dma_wait3A_42 = tpu.memref_slice %arg6[%arg0, %mul3A_14, %dma_wait3A] : memref<2x50000x8xf32, #tpu.memory_space<hbm>> -> memref<1x3136x8xf32, #tpu.memory_space<hbm>>
        %dma_wait3A_43 = tpu.memref_squeeze %dma_wait3A_42 : memref<1x3136x8xf32, #tpu.memory_space<hbm>> -> memref<3136x8xf32, #tpu.memory_space<hbm>>
        %dma_wait3A_44 = arith.constant 0 : i32
        %dma_wait3A_45 = tpu.memref_slice %arg18[%mul3A_14, %dma_wait3A_44] : memref<50000x8xf32, #tpu.memory_space<vmem_shared>> -> memref<3136x8xf32, #tpu.memory_space<vmem_shared>>
        tpu.wait_dma2 semaphore(%run_scoped3A : memref<!tpu.dma_semaphore, #tpu.memory_space<semaphore_mem>>) src(%dma_wait3A_45 : memref<3136x8xf32, #tpu.memory_space<vmem_shared>>) dst(%dma_wait3A_43 : memref<3136x8xf32, #tpu.memory_space<hbm>>)
        tpu.yield
      }) : () -> ()
    } else {
    }
    %eq3A_33 = arith.constant 15 : i32
    %eq3A_34 = arith.cmpi eq, %arg1, %eq3A_33 : i32
    %convert_element_type3A_35 = arith.extui %eq3A_34 : i1 to i32
    %cond3A_36 = arith.constant 0 : i32
    %cond3A_37 = arith.cmpi ne, %convert_element_type3A_35, %cond3A_36 : i32
    scf.if %cond3A_37 {
      "tpu.region"() ({
        %run_scoped3A = tpu.sem_alloc : memref<!tpu.dma_semaphore, #tpu.memory_space<semaphore_mem>>
        %dma_start3A = arith.constant 0 : i32
        %dma_start3A_38 = tpu.memref_slice %arg5[%arg0, %mul3A_14, %dma_start3A] : memref<2x50000x16xf32, #tpu.memory_space<hbm>> -> memref<1x2960x16xf32, #tpu.memory_space<hbm>>
        %dma_start3A_39 = tpu.memref_squeeze %dma_start3A_38 : memref<1x2960x16xf32, #tpu.memory_space<hbm>> -> memref<2960x16xf32, #tpu.memory_space<hbm>>
        %dma_start3A_40 = arith.constant 0 : i32
        %dma_start3A_41 = tpu.memref_slice %arg17[%mul3A_14, %dma_start3A_40] : memref<50000x16xf32, #tpu.memory_space<vmem_shared>> -> memref<2960x16xf32, #tpu.memory_space<vmem_shared>>
        tpu.enqueue_dma source(%dma_start3A_41 : memref<2960x16xf32, #tpu.memory_space<vmem_shared>>) target(%dma_start3A_39 : memref<2960x16xf32, #tpu.memory_space<hbm>>) target_semaphore(%run_scoped3A : memref<!tpu.dma_semaphore, #tpu.memory_space<semaphore_mem>>)
        %dma_wait3A = arith.constant 0 : i32
        %dma_wait3A_42 = tpu.memref_slice %arg5[%arg0, %mul3A_14, %dma_wait3A] : memref<2x50000x16xf32, #tpu.memory_space<hbm>> -> memref<1x2960x16xf32, #tpu.memory_space<hbm>>
        %dma_wait3A_43 = tpu.memref_squeeze %dma_wait3A_42 : memref<1x2960x16xf32, #tpu.memory_space<hbm>> -> memref<2960x16xf32, #tpu.memory_space<hbm>>
        %dma_wait3A_44 = arith.constant 0 : i32
        %dma_wait3A_45 = tpu.memref_slice %arg17[%mul3A_14, %dma_wait3A_44] : memref<50000x16xf32, #tpu.memory_space<vmem_shared>> -> memref<2960x16xf32, #tpu.memory_space<vmem_shared>>
        tpu.wait_dma2 semaphore(%run_scoped3A : memref<!tpu.dma_semaphore, #tpu.memory_space<semaphore_mem>>) src(%dma_wait3A_45 : memref<2960x16xf32, #tpu.memory_space<vmem_shared>>) dst(%dma_wait3A_43 : memref<2960x16xf32, #tpu.memory_space<hbm>>)
        tpu.yield
      }) : () -> ()
      "tpu.region"() ({
        %run_scoped3A = tpu.sem_alloc : memref<!tpu.dma_semaphore, #tpu.memory_space<semaphore_mem>>
        %dma_start3A = arith.constant 0 : i32
        %dma_start3A_38 = tpu.memref_slice %arg6[%arg0, %mul3A_14, %dma_start3A] : memref<2x50000x8xf32, #tpu.memory_space<hbm>> -> memref<1x2960x8xf32, #tpu.memory_space<hbm>>
        %dma_start3A_39 = tpu.memref_squeeze %dma_start3A_38 : memref<1x2960x8xf32, #tpu.memory_space<hbm>> -> memref<2960x8xf32, #tpu.memory_space<hbm>>
        %dma_start3A_40 = arith.constant 0 : i32
        %dma_start3A_41 = tpu.memref_slice %arg18[%mul3A_14, %dma_start3A_40] : memref<50000x8xf32, #tpu.memory_space<vmem_shared>> -> memref<2960x8xf32, #tpu.memory_space<vmem_shared>>
        tpu.enqueue_dma source(%dma_start3A_41 : memref<2960x8xf32, #tpu.memory_space<vmem_shared>>) target(%dma_start3A_39 : memref<2960x8xf32, #tpu.memory_space<hbm>>) target_semaphore(%run_scoped3A : memref<!tpu.dma_semaphore, #tpu.memory_space<semaphore_mem>>)
        %dma_wait3A = arith.constant 0 : i32
        %dma_wait3A_42 = tpu.memref_slice %arg6[%arg0, %mul3A_14, %dma_wait3A] : memref<2x50000x8xf32, #tpu.memory_space<hbm>> -> memref<1x2960x8xf32, #tpu.memory_space<hbm>>
        %dma_wait3A_43 = tpu.memref_squeeze %dma_wait3A_42 : memref<1x2960x8xf32, #tpu.memory_space<hbm>> -> memref<2960x8xf32, #tpu.memory_space<hbm>>
        %dma_wait3A_44 = arith.constant 0 : i32
        %dma_wait3A_45 = tpu.memref_slice %arg18[%mul3A_14, %dma_wait3A_44] : memref<50000x8xf32, #tpu.memory_space<vmem_shared>> -> memref<2960x8xf32, #tpu.memory_space<vmem_shared>>
        tpu.wait_dma2 semaphore(%run_scoped3A : memref<!tpu.dma_semaphore, #tpu.memory_space<semaphore_mem>>) src(%dma_wait3A_45 : memref<2960x8xf32, #tpu.memory_space<vmem_shared>>) dst(%dma_wait3A_43 : memref<2960x8xf32, #tpu.memory_space<hbm>>)
        tpu.yield
      }) : () -> ()
    } else {
    }
    return
  }
}

#map = affine_map<(d0, d1) -> (0, 0)>
#map1 = affine_map<(d0, d1) -> (0, 0, 0)>
module attributes {stable_mosaic.version = 14 : i64} {
  func.func @k1(%arg0: i32, %arg1: i32, %arg2: memref<200000x16xf32, #tpu.memory_space<hbm>>, %arg3: memref<6400x3x128xi32, #tpu.memory_space<hbm>>, %arg4: memref<2x819200xf32, #tpu.memory_space<hbm>>, %arg5: memref<2x50000x8xf32, #tpu.memory_space<hbm>>, %arg6: memref<10x3x128xi32, #tpu.memory_space<vmem>>, %arg7: memref<1280xi32, #tpu.memory_space<vmem>>, %arg8: memref<1280xi32, #tpu.memory_space<vmem>>, %arg9: memref<1280xi32, #tpu.memory_space<vmem>>, %arg10: memref<1280x16xf32, #tpu.memory_space<vmem>>, %arg11: memref<1280x16xf32, #tpu.memory_space<vmem>>, %arg12: memref<1280x8xf32, #tpu.memory_space<vmem>>, %arg13: memref<2x1280xf32, #tpu.memory_space<vmem>>, %arg14: memref<50000x8xf32, #tpu.memory_space<vmem_shared>>, %arg15: memref<!tpu.dma_semaphore, #tpu.memory_space<semaphore_mem>>, %arg16: memref<!tpu.dma_semaphore, #tpu.memory_space<semaphore_mem>>) attributes {dimension_semantics = [#tpu.dimension_semantics<core_parallel>, #tpu.dimension_semantics<subcore_parallel>], iteration_bounds = array<i64: 2, 16>, scalar_prefetch = 0 : i64, scratch_operands = 11 : i64, tpu.core_type = #tpu.core_type<sc_vector_subcore>, window_params = [{transform_indices = #map}, {transform_indices = #map1}, {transform_indices = #map}, {transform_indices = #map1}]} {
    %mul3A = arith.constant 2 : i32
    %mul3A_0 = arith.muli %arg1, %mul3A : i32
    %add3A = arith.addi %mul3A_0, %arg0 : i32
    %broadcast_in_dim3A = arith.constant 0.000000e+00 : f32
    %broadcast_in_dim3A_1 = vector.broadcast %broadcast_in_dim3A : f32 to vector<16xf32>
    %scan3A = arith.constant 0 : i32
    %scan3A_2 = arith.constant 0 : i32
    %scan3A_3 = arith.constant 640 : i32
    %scan3A_4 = arith.addi %scan3A_2, %scan3A_3 : i32
    %scan3A_5 = arith.constant 1 : i32
    scf.for %scan3A_32 = %scan3A_2 to %scan3A_4 step %scan3A_5  : i32 {
      %mul3A_33 = arith.constant 16 : i32
      %mul3A_34 = arith.muli %scan3A_32, %mul3A_33 : i32
      %iota3A = tpu.iota {dimensions = array<i32: 0>} : vector<16xi32>
      %add3A_35 = vector.broadcast %mul3A_34 : i32 to vector<16xi32>
      %add3A_36 = arith.addi %add3A_35, %iota3A : vector<16xi32>
      %jit3A = arith.constant 8 : i32
      %div3A = vector.broadcast %jit3A : i32 to vector<16xi32>
      %div3A_37 = arith.divsi %add3A_36, %div3A : vector<16xi32>
      %sign3A = arith.constant 0 : i32
      %sign3A_38 = vector.broadcast %sign3A : i32 to vector<16xi32>
      %sign3A_39 = arith.cmpi sgt, %add3A_36, %sign3A_38 : vector<16xi32>
      %sign3A_40 = arith.extui %sign3A_39 : vector<16xi1> to vector<16xi32>
      %sign3A_41 = arith.constant 0 : i32
      %sign3A_42 = vector.broadcast %sign3A_41 : i32 to vector<16xi32>
      %sign3A_43 = arith.cmpi slt, %add3A_36, %sign3A_42 : vector<16xi32>
      %sign3A_44 = arith.extui %sign3A_43 : vector<16xi1> to vector<16xi32>
      %sign3A_45 = arith.subi %sign3A_40, %sign3A_44 : vector<16xi32>
      %sign3A_46 = arith.constant 0 : i32
      %sign3A_47 = arith.cmpi sgt, %jit3A, %sign3A_46 : i32
      %sign3A_48 = arith.extui %sign3A_47 : i1 to i32
      %sign3A_49 = arith.constant 0 : i32
      %sign3A_50 = arith.cmpi slt, %jit3A, %sign3A_49 : i32
      %sign3A_51 = arith.extui %sign3A_50 : i1 to i32
      %sign3A_52 = arith.subi %sign3A_48, %sign3A_51 : i32
      %ne3A = vector.broadcast %sign3A_52 : i32 to vector<16xi32>
      %ne3A_53 = arith.cmpi ne, %sign3A_45, %ne3A : vector<16xi32>
      %rem3A = vector.broadcast %jit3A : i32 to vector<16xi32>
      %rem3A_54 = arith.remsi %add3A_36, %rem3A : vector<16xi32>
      %ne3A_55 = arith.constant 0 : i32
      %ne3A_56 = vector.broadcast %ne3A_55 : i32 to vector<16xi32>
      %ne3A_57 = arith.cmpi ne, %rem3A_54, %ne3A_56 : vector<16xi32>
      %and3A = arith.andi %ne3A_53, %ne3A_57 : vector<16xi1>
      %sub3A = arith.constant 1 : i32
      %sub3A_58 = vector.broadcast %sub3A : i32 to vector<16xi32>
      %sub3A_59 = arith.subi %div3A_37, %sub3A_58 : vector<16xi32>
      %select_n3A = arith.select %and3A, %sub3A_59, %div3A_37 : vector<16xi1>, vector<16xi32>
      %jit3A_60 = arith.constant 8 : i32
      %eq3A_61 = arith.constant 0 : i32
      %eq3A_62 = arith.cmpi eq, %jit3A_60, %eq3A_61 : i32
      %jit3A_63 = arith.constant 1 : i32
      %select_n3A_64 = arith.select %eq3A_62, %jit3A_63, %jit3A_60 : i32
      %rem3A_65 = vector.broadcast %select_n3A_64 : i32 to vector<16xi32>
      %rem3A_66 = arith.remsi %add3A_36, %rem3A_65 : vector<16xi32>
      %ne3A_67 = arith.constant 0 : i32
      %ne3A_68 = vector.broadcast %ne3A_67 : i32 to vector<16xi32>
      %ne3A_69 = arith.cmpi ne, %rem3A_66, %ne3A_68 : vector<16xi32>
      %lt3A_70 = arith.constant 0 : i32
      %lt3A_71 = vector.broadcast %lt3A_70 : i32 to vector<16xi32>
      %lt3A_72 = arith.cmpi slt, %rem3A_66, %lt3A_71 : vector<16xi32>
      %lt3A_73 = arith.constant 0 : i32
      %lt3A_74 = arith.cmpi slt, %select_n3A_64, %lt3A_73 : i32
      %ne3A_75 = vector.broadcast %lt3A_74 : i1 to vector<16xi1>
      %ne3A_76 = vector.broadcast %ne3A_75 : vector<16xi1> to vector<16xi1>
      %ne3A_77 = arith.xori %lt3A_72, %ne3A_76 : vector<16xi1>
      %and3A_78 = arith.andi %ne3A_77, %ne3A_69 : vector<16xi1>
      %add3A_79 = vector.broadcast %select_n3A_64 : i32 to vector<16xi32>
      %add3A_80 = arith.addi %rem3A_66, %add3A_79 : vector<16xi32>
      %select_n3A_81 = arith.select %and3A_78, %add3A_80, %rem3A_66 : vector<16xi1>, vector<16xi32>
      tpu.vector_store_idx %arg12[%select_n3A, %select_n3A_81], %broadcast_in_dim3A_1 : memref<1280x8xf32, #tpu.memory_space<vmem>>[vector<16xi32>, vector<16xi32>], vector<16xf32>,
    }
    %scan3A_6 = arith.constant 640 : i32
    %mul3A_7 = arith.constant 3136 : i32
    %mul3A_8 = arith.muli %arg1, %mul3A_7 : i32
    %lt3A = arith.constant 15 : i32
    %lt3A_9 = arith.cmpi slt, %arg1, %lt3A : i32
    %convert_element_type3A = arith.extui %lt3A_9 : i1 to i32
    %cond3A = arith.constant 0 : i32
    %cond3A_10 = arith.cmpi ne, %convert_element_type3A, %cond3A : i32
    scf.if %cond3A_10 {
      %add3A_32 = arith.constant 0 : i32
      %add3A_33 = arith.addi %mul3A_8, %add3A_32 : i32
      "tpu.region"() ({
        %run_scoped3A = tpu.sem_alloc : memref<!tpu.dma_semaphore, #tpu.memory_space<semaphore_mem>>
        %dma_start3A = arith.constant 0 : i32
        %dma_start3A_38 = tpu.memref_slice %arg14[%add3A_33, %dma_start3A] : memref<50000x8xf32, #tpu.memory_space<vmem_shared>> -> memref<1280x8xf32, #tpu.memory_space<vmem_shared>>
        %dma_start3A_39 = arith.constant 0 : i32
        %dma_start3A_40 = tpu.memref_slice %arg14[%add3A_33, %dma_start3A_39] : memref<50000x8xf32, #tpu.memory_space<vmem_shared>> -> memref<1280x8xf32, #tpu.memory_space<vmem_shared>>
        tpu.enqueue_dma source(%arg12 : memref<1280x8xf32, #tpu.memory_space<vmem>>) target(%dma_start3A_40 : memref<1280x8xf32, #tpu.memory_space<vmem_shared>>) target_semaphore(%run_scoped3A : memref<!tpu.dma_semaphore, #tpu.memory_space<semaphore_mem>>)
        %dma_wait3A = arith.constant 0 : i32
        %dma_wait3A_41 = tpu.memref_slice %arg14[%add3A_33, %dma_wait3A] : memref<50000x8xf32, #tpu.memory_space<vmem_shared>> -> memref<1280x8xf32, #tpu.memory_space<vmem_shared>>
        %dma_wait3A_42 = arith.constant 0 : i32
        %dma_wait3A_43 = tpu.memref_slice %arg14[%add3A_33, %dma_wait3A_42] : memref<50000x8xf32, #tpu.memory_space<vmem_shared>> -> memref<1280x8xf32, #tpu.memory_space<vmem_shared>>
        tpu.wait_dma2 semaphore(%run_scoped3A : memref<!tpu.dma_semaphore, #tpu.memory_space<semaphore_mem>>) src(%arg12 : memref<1280x8xf32, #tpu.memory_space<vmem>>) dst(%dma_wait3A_43 : memref<1280x8xf32, #tpu.memory_space<vmem_shared>>)
        tpu.yield
      }) : () -> ()
      %add3A_34 = arith.constant 1280 : i32
      %add3A_35 = arith.addi %mul3A_8, %add3A_34 : i32
      "tpu.region"() ({
        %run_scoped3A = tpu.sem_alloc : memref<!tpu.dma_semaphore, #tpu.memory_space<semaphore_mem>>
        %dma_start3A = arith.constant 0 : i32
        %dma_start3A_38 = tpu.memref_slice %arg14[%add3A_35, %dma_start3A] : memref<50000x8xf32, #tpu.memory_space<vmem_shared>> -> memref<1280x8xf32, #tpu.memory_space<vmem_shared>>
        %dma_start3A_39 = arith.constant 0 : i32
        %dma_start3A_40 = tpu.memref_slice %arg14[%add3A_35, %dma_start3A_39] : memref<50000x8xf32, #tpu.memory_space<vmem_shared>> -> memref<1280x8xf32, #tpu.memory_space<vmem_shared>>
        tpu.enqueue_dma source(%arg12 : memref<1280x8xf32, #tpu.memory_space<vmem>>) target(%dma_start3A_40 : memref<1280x8xf32, #tpu.memory_space<vmem_shared>>) target_semaphore(%run_scoped3A : memref<!tpu.dma_semaphore, #tpu.memory_space<semaphore_mem>>)
        %dma_wait3A = arith.constant 0 : i32
        %dma_wait3A_41 = tpu.memref_slice %arg14[%add3A_35, %dma_wait3A] : memref<50000x8xf32, #tpu.memory_space<vmem_shared>> -> memref<1280x8xf32, #tpu.memory_space<vmem_shared>>
        %dma_wait3A_42 = arith.constant 0 : i32
        %dma_wait3A_43 = tpu.memref_slice %arg14[%add3A_35, %dma_wait3A_42] : memref<50000x8xf32, #tpu.memory_space<vmem_shared>> -> memref<1280x8xf32, #tpu.memory_space<vmem_shared>>
        tpu.wait_dma2 semaphore(%run_scoped3A : memref<!tpu.dma_semaphore, #tpu.memory_space<semaphore_mem>>) src(%arg12 : memref<1280x8xf32, #tpu.memory_space<vmem>>) dst(%dma_wait3A_43 : memref<1280x8xf32, #tpu.memory_space<vmem_shared>>)
        tpu.yield
      }) : () -> ()
      %add3A_36 = arith.constant 2560 : i32
      %add3A_37 = arith.addi %mul3A_8, %add3A_36 : i32
      "tpu.region"() ({
        %run_scoped3A = tpu.sem_alloc : memref<!tpu.dma_semaphore, #tpu.memory_space<semaphore_mem>>
        %dma_start3A = arith.constant 0 : i32
        %dma_start3A_38 = arith.constant 0 : i32
        %dma_start3A_39 = tpu.memref_slice %arg12[%dma_start3A, %dma_start3A_38] : memref<1280x8xf32, #tpu.memory_space<vmem>> -> memref<576x8xf32, #tpu.memory_space<vmem>>
        %dma_start3A_40 = arith.constant 0 : i32
        %dma_start3A_41 = tpu.memref_slice %arg14[%add3A_37, %dma_start3A_40] : memref<50000x8xf32, #tpu.memory_space<vmem_shared>> -> memref<576x8xf32, #tpu.memory_space<vmem_shared>>
        %dma_start3A_42 = arith.constant 0 : i32
        %dma_start3A_43 = tpu.memref_slice %arg14[%add3A_37, %dma_start3A_42] : memref<50000x8xf32, #tpu.memory_space<vmem_shared>> -> memref<576x8xf32, #tpu.memory_space<vmem_shared>>
        %dma_start3A_44 = arith.constant 0 : i32
        %dma_start3A_45 = arith.constant 0 : i32
        %dma_start3A_46 = tpu.memref_slice %arg12[%dma_start3A_44, %dma_start3A_45] : memref<1280x8xf32, #tpu.memory_space<vmem>> -> memref<576x8xf32, #tpu.memory_space<vmem>>
        tpu.enqueue_dma source(%dma_start3A_46 : memref<576x8xf32, #tpu.memory_space<vmem>>) target(%dma_start3A_43 : memref<576x8xf32, #tpu.memory_space<vmem_shared>>) target_semaphore(%run_scoped3A : memref<!tpu.dma_semaphore, #tpu.memory_space<semaphore_mem>>)
        %dma_wait3A = arith.constant 0 : i32
        %dma_wait3A_47 = arith.constant 0 : i32
        %dma_wait3A_48 = tpu.memref_slice %arg12[%dma_wait3A, %dma_wait3A_47] : memref<1280x8xf32, #tpu.memory_space<vmem>> -> memref<576x8xf32, #tpu.memory_space<vmem>>
        %dma_wait3A_49 = arith.constant 0 : i32
        %dma_wait3A_50 = tpu.memref_slice %arg14[%add3A_37, %dma_wait3A_49] : memref<50000x8xf32, #tpu.memory_space<vmem_shared>> -> memref<576x8xf32, #tpu.memory_space<vmem_shared>>
        %dma_wait3A_51 = arith.constant 0 : i32
        %dma_wait3A_52 = tpu.memref_slice %arg14[%add3A_37, %dma_wait3A_51] : memref<50000x8xf32, #tpu.memory_space<vmem_shared>> -> memref<576x8xf32, #tpu.memory_space<vmem_shared>>
        %dma_wait3A_53 = arith.constant 0 : i32
        %dma_wait3A_54 = arith.constant 0 : i32
        %dma_wait3A_55 = tpu.memref_slice %arg12[%dma_wait3A_53, %dma_wait3A_54] : memref<1280x8xf32, #tpu.memory_space<vmem>> -> memref<576x8xf32, #tpu.memory_space<vmem>>
        tpu.wait_dma2 semaphore(%run_scoped3A : memref<!tpu.dma_semaphore, #tpu.memory_space<semaphore_mem>>) src(%dma_wait3A_55 : memref<576x8xf32, #tpu.memory_space<vmem>>) dst(%dma_wait3A_52 : memref<576x8xf32, #tpu.memory_space<vmem_shared>>)
        tpu.yield
      }) : () -> ()
    } else {
    }
    %eq3A = arith.constant 15 : i32
    %eq3A_11 = arith.cmpi eq, %arg1, %eq3A : i32
    %convert_element_type3A_12 = arith.extui %eq3A_11 : i1 to i32
    %cond3A_13 = arith.constant 0 : i32
    %cond3A_14 = arith.cmpi ne, %convert_element_type3A_12, %cond3A_13 : i32
    scf.if %cond3A_14 {
      %add3A_32 = arith.constant 0 : i32
      %add3A_33 = arith.addi %mul3A_8, %add3A_32 : i32
      "tpu.region"() ({
        %run_scoped3A = tpu.sem_alloc : memref<!tpu.dma_semaphore, #tpu.memory_space<semaphore_mem>>
        %dma_start3A = arith.constant 0 : i32
        %dma_start3A_38 = tpu.memref_slice %arg14[%add3A_33, %dma_start3A] : memref<50000x8xf32, #tpu.memory_space<vmem_shared>> -> memref<1280x8xf32, #tpu.memory_space<vmem_shared>>
        %dma_start3A_39 = arith.constant 0 : i32
        %dma_start3A_40 = tpu.memref_slice %arg14[%add3A_33, %dma_start3A_39] : memref<50000x8xf32, #tpu.memory_space<vmem_shared>> -> memref<1280x8xf32, #tpu.memory_space<vmem_shared>>
        tpu.enqueue_dma source(%arg12 : memref<1280x8xf32, #tpu.memory_space<vmem>>) target(%dma_start3A_40 : memref<1280x8xf32, #tpu.memory_space<vmem_shared>>) target_semaphore(%run_scoped3A : memref<!tpu.dma_semaphore, #tpu.memory_space<semaphore_mem>>)
        %dma_wait3A = arith.constant 0 : i32
        %dma_wait3A_41 = tpu.memref_slice %arg14[%add3A_33, %dma_wait3A] : memref<50000x8xf32, #tpu.memory_space<vmem_shared>> -> memref<1280x8xf32, #tpu.memory_space<vmem_shared>>
        %dma_wait3A_42 = arith.constant 0 : i32
        %dma_wait3A_43 = tpu.memref_slice %arg14[%add3A_33, %dma_wait3A_42] : memref<50000x8xf32, #tpu.memory_space<vmem_shared>> -> memref<1280x8xf32, #tpu.memory_space<vmem_shared>>
        tpu.wait_dma2 semaphore(%run_scoped3A : memref<!tpu.dma_semaphore, #tpu.memory_space<semaphore_mem>>) src(%arg12 : memref<1280x8xf32, #tpu.memory_space<vmem>>) dst(%dma_wait3A_43 : memref<1280x8xf32, #tpu.memory_space<vmem_shared>>)
        tpu.yield
      }) : () -> ()
      %add3A_34 = arith.constant 1280 : i32
      %add3A_35 = arith.addi %mul3A_8, %add3A_34 : i32
      "tpu.region"() ({
        %run_scoped3A = tpu.sem_alloc : memref<!tpu.dma_semaphore, #tpu.memory_space<semaphore_mem>>
        %dma_start3A = arith.constant 0 : i32
        %dma_start3A_38 = tpu.memref_slice %arg14[%add3A_35, %dma_start3A] : memref<50000x8xf32, #tpu.memory_space<vmem_shared>> -> memref<1280x8xf32, #tpu.memory_space<vmem_shared>>
        %dma_start3A_39 = arith.constant 0 : i32
        %dma_start3A_40 = tpu.memref_slice %arg14[%add3A_35, %dma_start3A_39] : memref<50000x8xf32, #tpu.memory_space<vmem_shared>> -> memref<1280x8xf32, #tpu.memory_space<vmem_shared>>
        tpu.enqueue_dma source(%arg12 : memref<1280x8xf32, #tpu.memory_space<vmem>>) target(%dma_start3A_40 : memref<1280x8xf32, #tpu.memory_space<vmem_shared>>) target_semaphore(%run_scoped3A : memref<!tpu.dma_semaphore, #tpu.memory_space<semaphore_mem>>)
        %dma_wait3A = arith.constant 0 : i32
        %dma_wait3A_41 = tpu.memref_slice %arg14[%add3A_35, %dma_wait3A] : memref<50000x8xf32, #tpu.memory_space<vmem_shared>> -> memref<1280x8xf32, #tpu.memory_space<vmem_shared>>
        %dma_wait3A_42 = arith.constant 0 : i32
        %dma_wait3A_43 = tpu.memref_slice %arg14[%add3A_35, %dma_wait3A_42] : memref<50000x8xf32, #tpu.memory_space<vmem_shared>> -> memref<1280x8xf32, #tpu.memory_space<vmem_shared>>
        tpu.wait_dma2 semaphore(%run_scoped3A : memref<!tpu.dma_semaphore, #tpu.memory_space<semaphore_mem>>) src(%arg12 : memref<1280x8xf32, #tpu.memory_space<vmem>>) dst(%dma_wait3A_43 : memref<1280x8xf32, #tpu.memory_space<vmem_shared>>)
        tpu.yield
      }) : () -> ()
      %add3A_36 = arith.constant 2560 : i32
      %add3A_37 = arith.addi %mul3A_8, %add3A_36 : i32
      "tpu.region"() ({
        %run_scoped3A = tpu.sem_alloc : memref<!tpu.dma_semaphore, #tpu.memory_space<semaphore_mem>>
        %dma_start3A = arith.constant 0 : i32
        %dma_start3A_38 = arith.constant 0 : i32
        %dma_start3A_39 = tpu.memref_slice %arg12[%dma_start3A, %dma_start3A_38] : memref<1280x8xf32, #tpu.memory_space<vmem>> -> memref<400x8xf32, #tpu.memory_space<vmem>>
        %dma_start3A_40 = arith.constant 0 : i32
        %dma_start3A_41 = tpu.memref_slice %arg14[%add3A_37, %dma_start3A_40] : memref<50000x8xf32, #tpu.memory_space<vmem_shared>> -> memref<400x8xf32, #tpu.memory_space<vmem_shared>>
        %dma_start3A_42 = arith.constant 0 : i32
        %dma_start3A_43 = tpu.memref_slice %arg14[%add3A_37, %dma_start3A_42] : memref<50000x8xf32, #tpu.memory_space<vmem_shared>> -> memref<400x8xf32, #tpu.memory_space<vmem_shared>>
        %dma_start3A_44 = arith.constant 0 : i32
        %dma_start3A_45 = arith.constant 0 : i32
        %dma_start3A_46 = tpu.memref_slice %arg12[%dma_start3A_44, %dma_start3A_45] : memref<1280x8xf32, #tpu.memory_space<vmem>> -> memref<400x8xf32, #tpu.memory_space<vmem>>
        tpu.enqueue_dma source(%dma_start3A_46 : memref<400x8xf32, #tpu.memory_space<vmem>>) target(%dma_start3A_43 : memref<400x8xf32, #tpu.memory_space<vmem_shared>>) target_semaphore(%run_scoped3A : memref<!tpu.dma_semaphore, #tpu.memory_space<semaphore_mem>>)
        %dma_wait3A = arith.constant 0 : i32
        %dma_wait3A_47 = arith.constant 0 : i32
        %dma_wait3A_48 = tpu.memref_slice %arg12[%dma_wait3A, %dma_wait3A_47] : memref<1280x8xf32, #tpu.memory_space<vmem>> -> memref<400x8xf32, #tpu.memory_space<vmem>>
        %dma_wait3A_49 = arith.constant 0 : i32
        %dma_wait3A_50 = tpu.memref_slice %arg14[%add3A_37, %dma_wait3A_49] : memref<50000x8xf32, #tpu.memory_space<vmem_shared>> -> memref<400x8xf32, #tpu.memory_space<vmem_shared>>
        %dma_wait3A_51 = arith.constant 0 : i32
        %dma_wait3A_52 = tpu.memref_slice %arg14[%add3A_37, %dma_wait3A_51] : memref<50000x8xf32, #tpu.memory_space<vmem_shared>> -> memref<400x8xf32, #tpu.memory_space<vmem_shared>>
        %dma_wait3A_53 = arith.constant 0 : i32
        %dma_wait3A_54 = arith.constant 0 : i32
        %dma_wait3A_55 = tpu.memref_slice %arg12[%dma_wait3A_53, %dma_wait3A_54] : memref<1280x8xf32, #tpu.memory_space<vmem>> -> memref<400x8xf32, #tpu.memory_space<vmem>>
        tpu.wait_dma2 semaphore(%run_scoped3A : memref<!tpu.dma_semaphore, #tpu.memory_space<semaphore_mem>>) src(%dma_wait3A_55 : memref<400x8xf32, #tpu.memory_space<vmem>>) dst(%dma_wait3A_52 : memref<400x8xf32, #tpu.memory_space<vmem_shared>>)
        tpu.yield
      }) : () -> ()
    } else {
    }
    %barrier3A = arith.constant 0 : index
    tpu.barrier barrier_id(%barrier3A)
    %scan3A_15 = arith.constant 0 : i32
    %scan3A_16 = arith.constant 0 : i32
    %scan3A_17 = arith.constant 20 : i32
    %scan3A_18 = arith.addi %scan3A_16, %scan3A_17 : i32
    %scan3A_19 = arith.constant 1 : i32
    scf.for %scan3A_32 = %scan3A_16 to %scan3A_18 step %scan3A_19  : i32 {
      %mul3A_33 = arith.constant 200 : i32
      %mul3A_34 = arith.muli %add3A, %mul3A_33 : i32
      %mul3A_35 = arith.constant 10 : i32
      %mul3A_36 = arith.muli %scan3A_32, %mul3A_35 : i32
      %add3A_37 = arith.addi %mul3A_34, %mul3A_36 : i32
      "tpu.region"() ({
        %run_scoped3A_76 = tpu.sem_alloc : memref<!tpu.dma_semaphore, #tpu.memory_space<semaphore_mem>>
        %dma_start3A_77 = arith.constant 0 : i32
        %dma_start3A_78 = arith.constant 0 : i32
        %dma_start3A_79 = tpu.memref_slice %arg3[%add3A_37, %dma_start3A_77, %dma_start3A_78] : memref<6400x3x128xi32, #tpu.memory_space<hbm>> -> memref<10x3x128xi32, #tpu.memory_space<hbm>>
        %dma_start3A_80 = arith.constant 0 : i32
        %dma_start3A_81 = arith.constant 0 : i32
        %dma_start3A_82 = tpu.memref_slice %arg3[%add3A_37, %dma_start3A_80, %dma_start3A_81] : memref<6400x3x128xi32, #tpu.memory_space<hbm>> -> memref<10x3x128xi32, #tpu.memory_space<hbm>>
        tpu.enqueue_dma source(%dma_start3A_82 : memref<10x3x128xi32, #tpu.memory_space<hbm>>) target(%arg6 : memref<10x3x128xi32, #tpu.memory_space<vmem>>) target_semaphore(%run_scoped3A_76 : memref<!tpu.dma_semaphore, #tpu.memory_space<semaphore_mem>>)
        %dma_wait3A_83 = arith.constant 0 : i32
        %dma_wait3A_84 = arith.constant 0 : i32
        %dma_wait3A_85 = tpu.memref_slice %arg3[%add3A_37, %dma_wait3A_83, %dma_wait3A_84] : memref<6400x3x128xi32, #tpu.memory_space<hbm>> -> memref<10x3x128xi32, #tpu.memory_space<hbm>>
        %dma_wait3A_86 = arith.constant 0 : i32
        %dma_wait3A_87 = arith.constant 0 : i32
        %dma_wait3A_88 = tpu.memref_slice %arg3[%add3A_37, %dma_wait3A_86, %dma_wait3A_87] : memref<6400x3x128xi32, #tpu.memory_space<hbm>> -> memref<10x3x128xi32, #tpu.memory_space<hbm>>
        tpu.wait_dma2 semaphore(%run_scoped3A_76 : memref<!tpu.dma_semaphore, #tpu.memory_space<semaphore_mem>>) src(%dma_wait3A_88 : memref<10x3x128xi32, #tpu.memory_space<hbm>>) dst(%arg6 : memref<10x3x128xi32, #tpu.memory_space<vmem>>)
        tpu.yield
      }) : () -> ()
      %scan3A_38 = arith.constant 0 : i32
      %scan3A_39 = arith.constant 0 : i32
      %scan3A_40 = arith.constant 80 : i32
      %scan3A_41 = arith.addi %scan3A_39, %scan3A_40 : i32
      %scan3A_42 = arith.constant 1 : i32
      scf.for %scan3A_76 = %scan3A_39 to %scan3A_41 step %scan3A_42  : i32 {
        %jit3A = arith.constant 8 : i32
        %div3A = arith.divsi %scan3A_76, %jit3A : i32
        %sign3A = arith.constant 0 : i32
        %sign3A_77 = arith.cmpi sgt, %scan3A_76, %sign3A : i32
        %sign3A_78 = arith.extui %sign3A_77 : i1 to i32
        %sign3A_79 = arith.constant 0 : i32
        %sign3A_80 = arith.cmpi slt, %scan3A_76, %sign3A_79 : i32
        %sign3A_81 = arith.extui %sign3A_80 : i1 to i32
        %sign3A_82 = arith.subi %sign3A_78, %sign3A_81 : i32
        %sign3A_83 = arith.constant 0 : i32
        %sign3A_84 = arith.cmpi sgt, %jit3A, %sign3A_83 : i32
        %sign3A_85 = arith.extui %sign3A_84 : i1 to i32
        %sign3A_86 = arith.constant 0 : i32
        %sign3A_87 = arith.cmpi slt, %jit3A, %sign3A_86 : i32
        %sign3A_88 = arith.extui %sign3A_87 : i1 to i32
        %sign3A_89 = arith.subi %sign3A_85, %sign3A_88 : i32
        %ne3A = arith.cmpi ne, %sign3A_82, %sign3A_89 : i32
        %rem3A = arith.remsi %scan3A_76, %jit3A : i32
        %ne3A_90 = arith.constant 0 : i32
        %ne3A_91 = arith.cmpi ne, %rem3A, %ne3A_90 : i32
        %and3A = arith.andi %ne3A, %ne3A_91 : i1
        %sub3A = arith.constant 1 : i32
        %sub3A_92 = arith.subi %div3A, %sub3A : i32
        %select_n3A = arith.select %and3A, %sub3A_92, %div3A : i32
        %jit3A_93 = arith.constant 8 : i32
        %eq3A_94 = arith.constant 0 : i32
        %eq3A_95 = arith.cmpi eq, %jit3A_93, %eq3A_94 : i32
        %jit3A_96 = arith.constant 1 : i32
        %select_n3A_97 = arith.select %eq3A_95, %jit3A_96, %jit3A_93 : i32
        %rem3A_98 = arith.remsi %scan3A_76, %select_n3A_97 : i32
        %ne3A_99 = arith.constant 0 : i32
        %ne3A_100 = arith.cmpi ne, %rem3A_98, %ne3A_99 : i32
        %lt3A_101 = arith.constant 0 : i32
        %lt3A_102 = arith.cmpi slt, %rem3A_98, %lt3A_101 : i32
        %lt3A_103 = arith.constant 0 : i32
        %lt3A_104 = arith.cmpi slt, %select_n3A_97, %lt3A_103 : i32
        %ne3A_105 = arith.xori %lt3A_102, %lt3A_104 : i1
        %and3A_106 = arith.andi %ne3A_105, %ne3A_100 : i1
        %add3A_107 = arith.addi %rem3A_98, %select_n3A_97 : i32
        %select_n3A_108 = arith.select %and3A_106, %add3A_107, %rem3A_98 : i32
        %mul3A_109 = arith.constant 16 : i32
        %mul3A_110 = arith.muli %select_n3A_108, %mul3A_109 : i32
        %get3A = arith.constant 0 : i32
        %get3A_111 = arith.index_cast %select_n3A : i32 to index
        %get3A_112 = arith.index_cast %get3A : i32 to index
        %get3A_113 = arith.index_cast %mul3A_110 : i32 to index
        %get3A_114 = tpu.vector_load %arg6[%get3A_111, %get3A_112, %get3A_113] {strides = array<i32>} : memref<10x3x128xi32, #tpu.memory_space<vmem>>, vector<16xi32>,
        %get3A_115 = arith.constant 1 : i32
        %get3A_116 = arith.index_cast %select_n3A : i32 to index
        %get3A_117 = arith.index_cast %get3A_115 : i32 to index
        %get3A_118 = arith.index_cast %mul3A_110 : i32 to index
        %get3A_119 = tpu.vector_load %arg6[%get3A_116, %get3A_117, %get3A_118] {strides = array<i32>} : memref<10x3x128xi32, #tpu.memory_space<vmem>>, vector<16xi32>,
        %get3A_120 = arith.constant 2 : i32
        %get3A_121 = arith.index_cast %select_n3A : i32 to index
        %get3A_122 = arith.index_cast %get3A_120 : i32 to index
        %get3A_123 = arith.index_cast %mul3A_110 : i32 to index
        %get3A_124 = tpu.vector_load %arg6[%get3A_121, %get3A_122, %get3A_123] {strides = array<i32>} : memref<10x3x128xi32, #tpu.memory_space<vmem>>, vector<16xi32>,
        %mul3A_125 = arith.constant 50000 : i32
        %mul3A_126 = vector.broadcast %mul3A_125 : i32 to vector<16xi32>
        %mul3A_127 = arith.muli %get3A_124, %mul3A_126 : vector<16xi32>
        %add3A_128 = arith.addi %mul3A_127, %get3A_119 : vector<16xi32>
        %mul3A_129 = arith.constant 16 : i32
        %mul3A_130 = arith.muli %scan3A_76, %mul3A_129 : i32
        %swap3A = arith.index_cast %mul3A_130 : i32 to index
        %swap3A_131 = tpu.vector_load %arg7[%swap3A] {strides = array<i32>} : memref<1280xi32, #tpu.memory_space<vmem>>, vector<16xi32>,
        tpu.vector_store %arg7[%swap3A], %add3A_128 {strides = array<i32>} : memref<1280xi32, #tpu.memory_space<vmem>>, vector<16xi32>,
        %add3A_132 = arith.addi %mul3A_127, %get3A_114 : vector<16xi32>
        %mul3A_133 = arith.constant 16 : i32
        %mul3A_134 = arith.muli %scan3A_76, %mul3A_133 : i32
        %swap3A_135 = arith.index_cast %mul3A_134 : i32 to index
        %swap3A_136 = tpu.vector_load %arg8[%swap3A_135] {strides = array<i32>} : memref<1280xi32, #tpu.memory_space<vmem>>, vector<16xi32>,
        tpu.vector_store %arg8[%swap3A_135], %add3A_132 {strides = array<i32>} : memref<1280xi32, #tpu.memory_space<vmem>>, vector<16xi32>,
        %mul3A_137 = arith.constant 16 : i32
        %mul3A_138 = arith.muli %scan3A_76, %mul3A_137 : i32
        %swap3A_139 = arith.index_cast %mul3A_138 : i32 to index
        %swap3A_140 = tpu.vector_load %arg9[%swap3A_139] {strides = array<i32>} : memref<1280xi32, #tpu.memory_space<vmem>>, vector<16xi32>,
        tpu.vector_store %arg9[%swap3A_139], %get3A_119 {strides = array<i32>} : memref<1280xi32, #tpu.memory_space<vmem>>, vector<16xi32>,
      }
      %scan3A_43 = arith.constant 80 : i32
      %dma_start3A = arith.constant 0 : i32
      %dma_start3A_44 = arith.constant 0 : i32
      %dma_start3A_45 = tpu.memref_slice %arg2[%dma_start3A, %dma_start3A_44] : memref<200000x16xf32, #tpu.memory_space<hbm>> -> memref<200000x16xf32, #tpu.memory_space<hbm>>
      tpu.enqueue_indirect_dma source(%dma_start3A_45 : memref<200000x16xf32, #tpu.memory_space<hbm>>) target(%arg10 : memref<1280x16xf32, #tpu.memory_space<vmem>>) offsets(%arg7 : memref<1280xi32, #tpu.memory_space<vmem>>) semaphore(%arg15 : memref<!tpu.dma_semaphore, #tpu.memory_space<semaphore_mem>>)
      %dma_start3A_46 = arith.constant 0 : i32
      %dma_start3A_47 = arith.constant 0 : i32
      %dma_start3A_48 = tpu.memref_slice %arg2[%dma_start3A_46, %dma_start3A_47] : memref<200000x16xf32, #tpu.memory_space<hbm>> -> memref<200000x16xf32, #tpu.memory_space<hbm>>
      tpu.enqueue_indirect_dma source(%dma_start3A_48 : memref<200000x16xf32, #tpu.memory_space<hbm>>) target(%arg11 : memref<1280x16xf32, #tpu.memory_space<vmem>>) offsets(%arg8 : memref<1280xi32, #tpu.memory_space<vmem>>) semaphore(%arg16 : memref<!tpu.dma_semaphore, #tpu.memory_space<semaphore_mem>>)
      %dma_wait3A = arith.constant 0 : i32
      %dma_wait3A_49 = arith.constant 0 : i32
      %dma_wait3A_50 = tpu.memref_slice %arg2[%dma_wait3A, %dma_wait3A_49] : memref<200000x16xf32, #tpu.memory_space<hbm>> -> memref<200000x16xf32, #tpu.memory_space<hbm>>
      tpu.wait_indirect_dma semaphore(%arg15 : memref<!tpu.dma_semaphore, #tpu.memory_space<semaphore_mem>>) src(%dma_wait3A_50 : memref<200000x16xf32, #tpu.memory_space<hbm>>) dst(%arg10 : memref<1280x16xf32, #tpu.memory_space<vmem>>)
      %dma_wait3A_51 = arith.constant 0 : i32
      %dma_wait3A_52 = arith.constant 0 : i32
      %dma_wait3A_53 = tpu.memref_slice %arg2[%dma_wait3A_51, %dma_wait3A_52] : memref<200000x16xf32, #tpu.memory_space<hbm>> -> memref<200000x16xf32, #tpu.memory_space<hbm>>
      tpu.wait_indirect_dma semaphore(%arg16 : memref<!tpu.dma_semaphore, #tpu.memory_space<semaphore_mem>>) src(%dma_wait3A_53 : memref<200000x16xf32, #tpu.memory_space<hbm>>) dst(%arg11 : memref<1280x16xf32, #tpu.memory_space<vmem>>)
      %mul3A_54 = arith.constant 200 : i32
      %mul3A_55 = arith.muli %add3A, %mul3A_54 : i32
      %mul3A_56 = arith.constant 10 : i32
      %mul3A_57 = arith.muli %scan3A_32, %mul3A_56 : i32
      %add3A_58 = arith.addi %mul3A_55, %mul3A_57 : i32
      %mul3A_59 = arith.constant 128 : i32
      %mul3A_60 = arith.muli %add3A_58, %mul3A_59 : i32
      %scan3A_61 = arith.constant 0 : i32
      %scan3A_62 = arith.constant 0 : i32
      %scan3A_63 = arith.constant 80 : i32
      %scan3A_64 = arith.addi %scan3A_62, %scan3A_63 : i32
      %scan3A_65 = arith.constant 1 : i32
      scf.for %scan3A_76 = %scan3A_62 to %scan3A_64 step %scan3A_65  : i32 {
        %mul3A_77 = arith.constant 16 : i32
        %mul3A_78 = arith.muli %scan3A_76, %mul3A_77 : i32
        %iota3A = tpu.iota {dimensions = array<i32: 0>} : vector<16xi32>
        %add3A_79 = vector.broadcast %mul3A_78 : i32 to vector<16xi32>
        %add3A_80 = arith.addi %add3A_79, %iota3A : vector<16xi32>
        %add3A_81 = vector.broadcast %mul3A_60 : i32 to vector<16xi32>
        %add3A_82 = arith.addi %add3A_81, %add3A_80 : vector<16xi32>
        %lt3A_83 = arith.constant 800000 : i32
        %lt3A_84 = vector.broadcast %lt3A_83 : i32 to vector<16xi32>
        %lt3A_85 = arith.cmpi slt, %add3A_82, %lt3A_84 : vector<16xi32>
        %broadcast_in_dim3A_86 = arith.constant 0 : i32
        %broadcast_in_dim3A_87 = vector.broadcast %broadcast_in_dim3A_86 : i32 to vector<16xi32>
        %gather3A = tpu.vector_load_idx %arg10[%add3A_80, %broadcast_in_dim3A_87] : memref<1280x16xf32, #tpu.memory_space<vmem>>[vector<16xi32>, vector<16xi32>], vector<16xf32>,
        %broadcast_in_dim3A_88 = arith.constant 2 : i32
        %broadcast_in_dim3A_89 = vector.broadcast %broadcast_in_dim3A_88 : i32 to vector<16xi32>
        %gather3A_90 = tpu.vector_load_idx %arg11[%add3A_80, %broadcast_in_dim3A_89] : memref<1280x16xf32, #tpu.memory_space<vmem>>[vector<16xi32>, vector<16xi32>], vector<16xf32>,
        %add3A_91 = arith.addf %gather3A, %gather3A_90 : vector<16xf32>
        %ge3A = arith.constant 0.000000e+00 : f32
        %ge3A_92 = vector.broadcast %ge3A : f32 to vector<16xf32>
        %ge3A_93 = arith.cmpf oge, %add3A_91, %ge3A_92 : vector<16xf32>
        %mul3A_94 = arith.constant 2.000000e-01 : f32
        %mul3A_95 = vector.broadcast %mul3A_94 : f32 to vector<16xf32>
        %mul3A_96 = arith.mulf %mul3A_95, %add3A_91 : vector<16xf32>
        %select_n3A = arith.select %ge3A_93, %add3A_91, %mul3A_96 : vector<16xi1>, vector<16xf32>
        %exp3A = math.exp %select_n3A : vector<16xf32>
        %jit3A = arith.constant 0.000000e+00 : f32
        %broadcast_in_dim3A_97 = vector.broadcast %jit3A : f32 to vector<16xf32>
        %select_n3A_98 = arith.select %lt3A_85, %exp3A, %broadcast_in_dim3A_97 : vector<16xi1>, vector<16xf32>
        %mul3A_99 = arith.constant 16 : i32
        %mul3A_100 = arith.muli %scan3A_76, %mul3A_99 : i32
        %swap3A = arith.constant 0 : i32
        %swap3A_101 = arith.index_cast %swap3A : i32 to index
        %swap3A_102 = arith.index_cast %mul3A_100 : i32 to index
        %swap3A_103 = tpu.vector_load %arg13[%swap3A_101, %swap3A_102] {strides = array<i32>} : memref<2x1280xf32, #tpu.memory_space<vmem>>, vector<16xf32>,
        tpu.vector_store %arg13[%swap3A_101, %swap3A_102], %select_n3A_98 {strides = array<i32>} : memref<2x1280xf32, #tpu.memory_space<vmem>>, vector<16xf32>,
        %broadcast_in_dim3A_104 = arith.constant 0 : i32
        %broadcast_in_dim3A_105 = vector.broadcast %broadcast_in_dim3A_104 : i32 to vector<16xi32>
        tpu.vector_store_idx %arg12[%add3A_80, %broadcast_in_dim3A_105], %select_n3A_98 : memref<1280x8xf32, #tpu.memory_space<vmem>>[vector<16xi32>, vector<16xi32>], vector<16xf32>,
        %broadcast_in_dim3A_106 = arith.constant 1 : i32
        %broadcast_in_dim3A_107 = vector.broadcast %broadcast_in_dim3A_106 : i32 to vector<16xi32>
        %gather3A_108 = tpu.vector_load_idx %arg10[%add3A_80, %broadcast_in_dim3A_107] : memref<1280x16xf32, #tpu.memory_space<vmem>>[vector<16xi32>, vector<16xi32>], vector<16xf32>,
        %broadcast_in_dim3A_109 = arith.constant 3 : i32
        %broadcast_in_dim3A_110 = vector.broadcast %broadcast_in_dim3A_109 : i32 to vector<16xi32>
        %gather3A_111 = tpu.vector_load_idx %arg11[%add3A_80, %broadcast_in_dim3A_110] : memref<1280x16xf32, #tpu.memory_space<vmem>>[vector<16xi32>, vector<16xi32>], vector<16xf32>,
        %add3A_112 = arith.addf %gather3A_108, %gather3A_111 : vector<16xf32>
        %ge3A_113 = arith.constant 0.000000e+00 : f32
        %ge3A_114 = vector.broadcast %ge3A_113 : f32 to vector<16xf32>
        %ge3A_115 = arith.cmpf oge, %add3A_112, %ge3A_114 : vector<16xf32>
        %mul3A_116 = arith.constant 2.000000e-01 : f32
        %mul3A_117 = vector.broadcast %mul3A_116 : f32 to vector<16xf32>
        %mul3A_118 = arith.mulf %mul3A_117, %add3A_112 : vector<16xf32>
        %select_n3A_119 = arith.select %ge3A_115, %add3A_112, %mul3A_118 : vector<16xi1>, vector<16xf32>
        %exp3A_120 = math.exp %select_n3A_119 : vector<16xf32>
        %jit3A_121 = arith.constant 0.000000e+00 : f32
        %broadcast_in_dim3A_122 = vector.broadcast %jit3A_121 : f32 to vector<16xf32>
        %select_n3A_123 = arith.select %lt3A_85, %exp3A_120, %broadcast_in_dim3A_122 : vector<16xi1>, vector<16xf32>
        %mul3A_124 = arith.constant 16 : i32
        %mul3A_125 = arith.muli %scan3A_76, %mul3A_124 : i32
        %swap3A_126 = arith.constant 1 : i32
        %swap3A_127 = arith.index_cast %swap3A_126 : i32 to index
        %swap3A_128 = arith.index_cast %mul3A_125 : i32 to index
        %swap3A_129 = tpu.vector_load %arg13[%swap3A_127, %swap3A_128] {strides = array<i32>} : memref<2x1280xf32, #tpu.memory_space<vmem>>, vector<16xf32>,
        tpu.vector_store %arg13[%swap3A_127, %swap3A_128], %select_n3A_123 {strides = array<i32>} : memref<2x1280xf32, #tpu.memory_space<vmem>>, vector<16xf32>,
        %broadcast_in_dim3A_130 = arith.constant 1 : i32
        %broadcast_in_dim3A_131 = vector.broadcast %broadcast_in_dim3A_130 : i32 to vector<16xi32>
        tpu.vector_store_idx %arg12[%add3A_80, %broadcast_in_dim3A_131], %select_n3A_123 : memref<1280x8xf32, #tpu.memory_space<vmem>>[vector<16xi32>, vector<16xi32>], vector<16xf32>,
      }
      %scan3A_66 = arith.constant 80 : i32
      %run_scoped3A = arith.constant 0 : i32
      %run_scoped3A_67 = arith.constant 0 : i32
      "tpu.region"() ({
        %run_scoped3A_76 = tpu.sem_alloc : memref<!tpu.dma_semaphore, #tpu.memory_space<semaphore_mem>>
        %dma_start3A_77 = arith.constant 0 : i32
        %dma_start3A_78 = tpu.memref_slice %arg13[%run_scoped3A, %dma_start3A_77] : memref<2x1280xf32, #tpu.memory_space<vmem>> -> memref<1x1280xf32, #tpu.memory_space<vmem>>
        %dma_start3A_79 = tpu.memref_squeeze %dma_start3A_78 : memref<1x1280xf32, #tpu.memory_space<vmem>> -> memref<1280xf32, #tpu.memory_space<vmem>>
        %dma_start3A_80 = tpu.memref_slice %arg4[%run_scoped3A_67, %mul3A_60] : memref<2x819200xf32, #tpu.memory_space<hbm>> -> memref<1x1280xf32, #tpu.memory_space<hbm>>
        %dma_start3A_81 = tpu.memref_squeeze %dma_start3A_80 : memref<1x1280xf32, #tpu.memory_space<hbm>> -> memref<1280xf32, #tpu.memory_space<hbm>>
        %dma_start3A_82 = tpu.memref_slice %arg4[%run_scoped3A_67, %mul3A_60] : memref<2x819200xf32, #tpu.memory_space<hbm>> -> memref<1x1280xf32, #tpu.memory_space<hbm>>
        %dma_start3A_83 = tpu.memref_squeeze %dma_start3A_82 : memref<1x1280xf32, #tpu.memory_space<hbm>> -> memref<1280xf32, #tpu.memory_space<hbm>>
        %dma_start3A_84 = arith.constant 0 : i32
        %dma_start3A_85 = tpu.memref_slice %arg13[%run_scoped3A, %dma_start3A_84] : memref<2x1280xf32, #tpu.memory_space<vmem>> -> memref<1x1280xf32, #tpu.memory_space<vmem>>
        %dma_start3A_86 = tpu.memref_squeeze %dma_start3A_85 : memref<1x1280xf32, #tpu.memory_space<vmem>> -> memref<1280xf32, #tpu.memory_space<vmem>>
        tpu.enqueue_dma source(%dma_start3A_86 : memref<1280xf32, #tpu.memory_space<vmem>>) target(%dma_start3A_83 : memref<1280xf32, #tpu.memory_space<hbm>>) target_semaphore(%run_scoped3A_76 : memref<!tpu.dma_semaphore, #tpu.memory_space<semaphore_mem>>)
        %dma_wait3A_87 = arith.constant 0 : i32
        %dma_wait3A_88 = tpu.memref_slice %arg13[%run_scoped3A, %dma_wait3A_87] : memref<2x1280xf32, #tpu.memory_space<vmem>> -> memref<1x1280xf32, #tpu.memory_space<vmem>>
        %dma_wait3A_89 = tpu.memref_squeeze %dma_wait3A_88 : memref<1x1280xf32, #tpu.memory_space<vmem>> -> memref<1280xf32, #tpu.memory_space<vmem>>
        %dma_wait3A_90 = tpu.memref_slice %arg4[%run_scoped3A_67, %mul3A_60] : memref<2x819200xf32, #tpu.memory_space<hbm>> -> memref<1x1280xf32, #tpu.memory_space<hbm>>
        %dma_wait3A_91 = tpu.memref_squeeze %dma_wait3A_90 : memref<1x1280xf32, #tpu.memory_space<hbm>> -> memref<1280xf32, #tpu.memory_space<hbm>>
        %dma_wait3A_92 = tpu.memref_slice %arg4[%run_scoped3A_67, %mul3A_60] : memref<2x819200xf32, #tpu.memory_space<hbm>> -> memref<1x1280xf32, #tpu.memory_space<hbm>>
        %dma_wait3A_93 = tpu.memref_squeeze %dma_wait3A_92 : memref<1x1280xf32, #tpu.memory_space<hbm>> -> memref<1280xf32, #tpu.memory_space<hbm>>
        %dma_wait3A_94 = arith.constant 0 : i32
        %dma_wait3A_95 = tpu.memref_slice %arg13[%run_scoped3A, %dma_wait3A_94] : memref<2x1280xf32, #tpu.memory_space<vmem>> -> memref<1x1280xf32, #tpu.memory_space<vmem>>
        %dma_wait3A_96 = tpu.memref_squeeze %dma_wait3A_95 : memref<1x1280xf32, #tpu.memory_space<vmem>> -> memref<1280xf32, #tpu.memory_space<vmem>>
        tpu.wait_dma2 semaphore(%run_scoped3A_76 : memref<!tpu.dma_semaphore, #tpu.memory_space<semaphore_mem>>) src(%dma_wait3A_96 : memref<1280xf32, #tpu.memory_space<vmem>>) dst(%dma_wait3A_93 : memref<1280xf32, #tpu.memory_space<hbm>>)
        tpu.yield
      }) : () -> ()
      %run_scoped3A_68 = arith.constant 1 : i32
      %run_scoped3A_69 = arith.constant 1 : i32
      "tpu.region"() ({
        %run_scoped3A_76 = tpu.sem_alloc : memref<!tpu.dma_semaphore, #tpu.memory_space<semaphore_mem>>
        %dma_start3A_77 = arith.constant 0 : i32
        %dma_start3A_78 = tpu.memref_slice %arg13[%run_scoped3A_68, %dma_start3A_77] : memref<2x1280xf32, #tpu.memory_space<vmem>> -> memref<1x1280xf32, #tpu.memory_space<vmem>>
        %dma_start3A_79 = tpu.memref_squeeze %dma_start3A_78 : memref<1x1280xf32, #tpu.memory_space<vmem>> -> memref<1280xf32, #tpu.memory_space<vmem>>
        %dma_start3A_80 = tpu.memref_slice %arg4[%run_scoped3A_69, %mul3A_60] : memref<2x819200xf32, #tpu.memory_space<hbm>> -> memref<1x1280xf32, #tpu.memory_space<hbm>>
        %dma_start3A_81 = tpu.memref_squeeze %dma_start3A_80 : memref<1x1280xf32, #tpu.memory_space<hbm>> -> memref<1280xf32, #tpu.memory_space<hbm>>
        %dma_start3A_82 = tpu.memref_slice %arg4[%run_scoped3A_69, %mul3A_60] : memref<2x819200xf32, #tpu.memory_space<hbm>> -> memref<1x1280xf32, #tpu.memory_space<hbm>>
        %dma_start3A_83 = tpu.memref_squeeze %dma_start3A_82 : memref<1x1280xf32, #tpu.memory_space<hbm>> -> memref<1280xf32, #tpu.memory_space<hbm>>
        %dma_start3A_84 = arith.constant 0 : i32
        %dma_start3A_85 = tpu.memref_slice %arg13[%run_scoped3A_68, %dma_start3A_84] : memref<2x1280xf32, #tpu.memory_space<vmem>> -> memref<1x1280xf32, #tpu.memory_space<vmem>>
        %dma_start3A_86 = tpu.memref_squeeze %dma_start3A_85 : memref<1x1280xf32, #tpu.memory_space<vmem>> -> memref<1280xf32, #tpu.memory_space<vmem>>
        tpu.enqueue_dma source(%dma_start3A_86 : memref<1280xf32, #tpu.memory_space<vmem>>) target(%dma_start3A_83 : memref<1280xf32, #tpu.memory_space<hbm>>) target_semaphore(%run_scoped3A_76 : memref<!tpu.dma_semaphore, #tpu.memory_space<semaphore_mem>>)
        %dma_wait3A_87 = arith.constant 0 : i32
        %dma_wait3A_88 = tpu.memref_slice %arg13[%run_scoped3A_68, %dma_wait3A_87] : memref<2x1280xf32, #tpu.memory_space<vmem>> -> memref<1x1280xf32, #tpu.memory_space<vmem>>
        %dma_wait3A_89 = tpu.memref_squeeze %dma_wait3A_88 : memref<1x1280xf32, #tpu.memory_space<vmem>> -> memref<1280xf32, #tpu.memory_space<vmem>>
        %dma_wait3A_90 = tpu.memref_slice %arg4[%run_scoped3A_69, %mul3A_60] : memref<2x819200xf32, #tpu.memory_space<hbm>> -> memref<1x1280xf32, #tpu.memory_space<hbm>>
        %dma_wait3A_91 = tpu.memref_squeeze %dma_wait3A_90 : memref<1x1280xf32, #tpu.memory_space<hbm>> -> memref<1280xf32, #tpu.memory_space<hbm>>
        %dma_wait3A_92 = tpu.memref_slice %arg4[%run_scoped3A_69, %mul3A_60] : memref<2x819200xf32, #tpu.memory_space<hbm>> -> memref<1x1280xf32, #tpu.memory_space<hbm>>
        %dma_wait3A_93 = tpu.memref_squeeze %dma_wait3A_92 : memref<1x1280xf32, #tpu.memory_space<hbm>> -> memref<1280xf32, #tpu.memory_space<hbm>>
        %dma_wait3A_94 = arith.constant 0 : i32
        %dma_wait3A_95 = tpu.memref_slice %arg13[%run_scoped3A_68, %dma_wait3A_94] : memref<2x1280xf32, #tpu.memory_space<vmem>> -> memref<1x1280xf32, #tpu.memory_space<vmem>>
        %dma_wait3A_96 = tpu.memref_squeeze %dma_wait3A_95 : memref<1x1280xf32, #tpu.memory_space<vmem>> -> memref<1280xf32, #tpu.memory_space<vmem>>
        tpu.wait_dma2 semaphore(%run_scoped3A_76 : memref<!tpu.dma_semaphore, #tpu.memory_space<semaphore_mem>>) src(%dma_wait3A_96 : memref<1280xf32, #tpu.memory_space<vmem>>) dst(%dma_wait3A_93 : memref<1280xf32, #tpu.memory_space<hbm>>)
        tpu.yield
      }) : () -> ()
      %dma_start3A_70 = arith.constant 0 : i32
      %dma_start3A_71 = arith.constant 0 : i32
      %dma_start3A_72 = tpu.memref_slice %arg14[%dma_start3A_70, %dma_start3A_71] : memref<50000x8xf32, #tpu.memory_space<vmem_shared>> -> memref<50000x8xf32, #tpu.memory_space<vmem_shared>>
      tpu.enqueue_indirect_dma source(%arg12 : memref<1280x8xf32, #tpu.memory_space<vmem>>) target(%dma_start3A_72 : memref<50000x8xf32, #tpu.memory_space<vmem_shared>>) offsets(%arg9 : memref<1280xi32, #tpu.memory_space<vmem>>) semaphore(%arg15 : memref<!tpu.dma_semaphore, #tpu.memory_space<semaphore_mem>>) {add = true}
      %dma_wait3A_73 = arith.constant 0 : i32
      %dma_wait3A_74 = arith.constant 0 : i32
      %dma_wait3A_75 = tpu.memref_slice %arg14[%dma_wait3A_73, %dma_wait3A_74] : memref<50000x8xf32, #tpu.memory_space<vmem_shared>> -> memref<50000x8xf32, #tpu.memory_space<vmem_shared>>
      tpu.wait_indirect_dma semaphore(%arg15 : memref<!tpu.dma_semaphore, #tpu.memory_space<semaphore_mem>>) src(%arg12 : memref<1280x8xf32, #tpu.memory_space<vmem>>) dst(%dma_wait3A_75 : memref<50000x8xf32, #tpu.memory_space<vmem_shared>>)
    }
    %scan3A_20 = arith.constant 20 : i32
    %barrier3A_21 = arith.constant 0 : index
    tpu.barrier barrier_id(%barrier3A_21)
    %lt3A_22 = arith.constant 15 : i32
    %lt3A_23 = arith.cmpi slt, %arg1, %lt3A_22 : i32
    %convert_element_type3A_24 = arith.extui %lt3A_23 : i1 to i32
    %cond3A_25 = arith.constant 0 : i32
    %cond3A_26 = arith.cmpi ne, %convert_element_type3A_24, %cond3A_25 : i32
    scf.if %cond3A_26 {
      %mul3A_32 = arith.constant 3136 : i32
      %mul3A_33 = arith.muli %arg1, %mul3A_32 : i32
      %mul3A_34 = arith.constant 3136 : i32
      %mul3A_35 = arith.muli %arg1, %mul3A_34 : i32
      "tpu.region"() ({
        %run_scoped3A = tpu.sem_alloc : memref<!tpu.dma_semaphore, #tpu.memory_space<semaphore_mem>>
        %dma_start3A = arith.constant 0 : i32
        %dma_start3A_36 = tpu.memref_slice %arg5[%arg0, %mul3A_35, %dma_start3A] : memref<2x50000x8xf32, #tpu.memory_space<hbm>> -> memref<1x3136x8xf32, #tpu.memory_space<hbm>>
        %dma_start3A_37 = tpu.memref_squeeze %dma_start3A_36 : memref<1x3136x8xf32, #tpu.memory_space<hbm>> -> memref<3136x8xf32, #tpu.memory_space<hbm>>
        %dma_start3A_38 = arith.constant 0 : i32
        %dma_start3A_39 = tpu.memref_slice %arg14[%mul3A_33, %dma_start3A_38] : memref<50000x8xf32, #tpu.memory_space<vmem_shared>> -> memref<3136x8xf32, #tpu.memory_space<vmem_shared>>
        tpu.enqueue_dma source(%dma_start3A_39 : memref<3136x8xf32, #tpu.memory_space<vmem_shared>>) target(%dma_start3A_37 : memref<3136x8xf32, #tpu.memory_space<hbm>>) target_semaphore(%run_scoped3A : memref<!tpu.dma_semaphore, #tpu.memory_space<semaphore_mem>>)
        %dma_wait3A = arith.constant 0 : i32
        %dma_wait3A_40 = tpu.memref_slice %arg5[%arg0, %mul3A_35, %dma_wait3A] : memref<2x50000x8xf32, #tpu.memory_space<hbm>> -> memref<1x3136x8xf32, #tpu.memory_space<hbm>>
        %dma_wait3A_41 = tpu.memref_squeeze %dma_wait3A_40 : memref<1x3136x8xf32, #tpu.memory_space<hbm>> -> memref<3136x8xf32, #tpu.memory_space<hbm>>
        %dma_wait3A_42 = arith.constant 0 : i32
        %dma_wait3A_43 = tpu.memref_slice %arg14[%mul3A_33, %dma_wait3A_42] : memref<50000x8xf32, #tpu.memory_space<vmem_shared>> -> memref<3136x8xf32, #tpu.memory_space<vmem_shared>>
        tpu.wait_dma2 semaphore(%run_scoped3A : memref<!tpu.dma_semaphore, #tpu.memory_space<semaphore_mem>>) src(%dma_wait3A_43 : memref<3136x8xf32, #tpu.memory_space<vmem_shared>>) dst(%dma_wait3A_41 : memref<3136x8xf32, #tpu.memory_space<hbm>>)
        tpu.yield
      }) : () -> ()
    } else {
    }
    %eq3A_27 = arith.constant 15 : i32
    %eq3A_28 = arith.cmpi eq, %arg1, %eq3A_27 : i32
    %convert_element_type3A_29 = arith.extui %eq3A_28 : i1 to i32
    %cond3A_30 = arith.constant 0 : i32
    %cond3A_31 = arith.cmpi ne, %convert_element_type3A_29, %cond3A_30 : i32
    scf.if %cond3A_31 {
      "tpu.region"() ({
        %run_scoped3A = tpu.sem_alloc : memref<!tpu.dma_semaphore, #tpu.memory_space<semaphore_mem>>
        %dma_start3A = arith.constant 47040 : i32
        %dma_start3A_32 = arith.constant 0 : i32
        %dma_start3A_33 = tpu.memref_slice %arg5[%arg0, %dma_start3A, %dma_start3A_32] : memref<2x50000x8xf32, #tpu.memory_space<hbm>> -> memref<1x2960x8xf32, #tpu.memory_space<hbm>>
        %dma_start3A_34 = tpu.memref_squeeze %dma_start3A_33 : memref<1x2960x8xf32, #tpu.memory_space<hbm>> -> memref<2960x8xf32, #tpu.memory_space<hbm>>
        %dma_start3A_35 = arith.constant 47040 : i32
        %dma_start3A_36 = arith.constant 0 : i32
        %dma_start3A_37 = tpu.memref_slice %arg14[%dma_start3A_35, %dma_start3A_36] : memref<50000x8xf32, #tpu.memory_space<vmem_shared>> -> memref<2960x8xf32, #tpu.memory_space<vmem_shared>>
        tpu.enqueue_dma source(%dma_start3A_37 : memref<2960x8xf32, #tpu.memory_space<vmem_shared>>) target(%dma_start3A_34 : memref<2960x8xf32, #tpu.memory_space<hbm>>) target_semaphore(%run_scoped3A : memref<!tpu.dma_semaphore, #tpu.memory_space<semaphore_mem>>)
        %dma_wait3A = arith.constant 47040 : i32
        %dma_wait3A_38 = arith.constant 0 : i32
        %dma_wait3A_39 = tpu.memref_slice %arg5[%arg0, %dma_wait3A, %dma_wait3A_38] : memref<2x50000x8xf32, #tpu.memory_space<hbm>> -> memref<1x2960x8xf32, #tpu.memory_space<hbm>>
        %dma_wait3A_40 = tpu.memref_squeeze %dma_wait3A_39 : memref<1x2960x8xf32, #tpu.memory_space<hbm>> -> memref<2960x8xf32, #tpu.memory_space<hbm>>
        %dma_wait3A_41 = arith.constant 47040 : i32
        %dma_wait3A_42 = arith.constant 0 : i32
        %dma_wait3A_43 = tpu.memref_slice %arg14[%dma_wait3A_41, %dma_wait3A_42] : memref<50000x8xf32, #tpu.memory_space<vmem_shared>> -> memref<2960x8xf32, #tpu.memory_space<vmem_shared>>
        tpu.wait_dma2 semaphore(%run_scoped3A : memref<!tpu.dma_semaphore, #tpu.memory_space<semaphore_mem>>) src(%dma_wait3A_43 : memref<2960x8xf32, #tpu.memory_space<vmem_shared>>) dst(%dma_wait3A_40 : memref<2960x8xf32, #tpu.memory_space<hbm>>)
        tpu.yield
      }) : () -> ()
    } else {
    }
    return
  }
}

#map = affine_map<(d0, d1) -> (0, 0)>
#map1 = affine_map<(d0, d1) -> (0, 0, 0)>
module attributes {stable_mosaic.version = 14 : i64} {
  func.func @k2(%arg0: i32, %arg1: i32, %arg2: memref<400000x32xf32, #tpu.memory_space<hbm>>, %arg3: memref<6400x3x128xi32, #tpu.memory_space<hbm>>, %arg4: memref<2x819200xf32, #tpu.memory_space<hbm>>, %arg5: memref<2x50000x32xf32, #tpu.memory_space<hbm>>, %arg6: memref<5x3x128xi32, #tpu.memory_space<vmem>>, %arg7: memref<640xi32, #tpu.memory_space<vmem>>, %arg8: memref<640xi32, #tpu.memory_space<vmem>>, %arg9: memref<640x32xf32, #tpu.memory_space<vmem>>, %arg10: memref<640xf32, #tpu.memory_space<vmem>>, %arg11: memref<50000x32xf32, #tpu.memory_space<vmem_shared>>, %arg12: memref<!tpu.dma_semaphore, #tpu.memory_space<semaphore_mem>>, %arg13: memref<!tpu.dma_semaphore, #tpu.memory_space<semaphore_mem>>) attributes {dimension_semantics = [#tpu.dimension_semantics<core_parallel>, #tpu.dimension_semantics<subcore_parallel>], iteration_bounds = array<i64: 2, 16>, scalar_prefetch = 0 : i64, scratch_operands = 8 : i64, tpu.core_type = #tpu.core_type<sc_vector_subcore>, window_params = [{transform_indices = #map}, {transform_indices = #map1}, {transform_indices = #map}, {transform_indices = #map1}]} {
    %mul3A = arith.constant 200000 : i32
    %mul3A_0 = arith.muli %arg0, %mul3A : i32
    %scan3A = arith.constant 0 : i32
    %scan3A_1 = arith.constant 0 : i32
    %scan3A_2 = arith.constant 1280 : i32
    %scan3A_3 = arith.addi %scan3A_1, %scan3A_2 : i32
    %scan3A_4 = arith.constant 1 : i32
    scf.for %scan3A_31 = %scan3A_1 to %scan3A_3 step %scan3A_4  : i32 {
      %jit3A = arith.constant 2 : i32
      %div3A = arith.divsi %scan3A_31, %jit3A : i32
      %sign3A = arith.constant 0 : i32
      %sign3A_32 = arith.cmpi sgt, %scan3A_31, %sign3A : i32
      %sign3A_33 = arith.extui %sign3A_32 : i1 to i32
      %sign3A_34 = arith.constant 0 : i32
      %sign3A_35 = arith.cmpi slt, %scan3A_31, %sign3A_34 : i32
      %sign3A_36 = arith.extui %sign3A_35 : i1 to i32
      %sign3A_37 = arith.subi %sign3A_33, %sign3A_36 : i32
      %sign3A_38 = arith.constant 0 : i32
      %sign3A_39 = arith.cmpi sgt, %jit3A, %sign3A_38 : i32
      %sign3A_40 = arith.extui %sign3A_39 : i1 to i32
      %sign3A_41 = arith.constant 0 : i32
      %sign3A_42 = arith.cmpi slt, %jit3A, %sign3A_41 : i32
      %sign3A_43 = arith.extui %sign3A_42 : i1 to i32
      %sign3A_44 = arith.subi %sign3A_40, %sign3A_43 : i32
      %ne3A = arith.cmpi ne, %sign3A_37, %sign3A_44 : i32
      %rem3A = arith.remsi %scan3A_31, %jit3A : i32
      %ne3A_45 = arith.constant 0 : i32
      %ne3A_46 = arith.cmpi ne, %rem3A, %ne3A_45 : i32
      %and3A = arith.andi %ne3A, %ne3A_46 : i1
      %sub3A = arith.constant 1 : i32
      %sub3A_47 = arith.subi %div3A, %sub3A : i32
      %select_n3A = arith.select %and3A, %sub3A_47, %div3A : i32
      %jit3A_48 = arith.constant 2 : i32
      %eq3A_49 = arith.constant 0 : i32
      %eq3A_50 = arith.cmpi eq, %jit3A_48, %eq3A_49 : i32
      %jit3A_51 = arith.constant 1 : i32
      %select_n3A_52 = arith.select %eq3A_50, %jit3A_51, %jit3A_48 : i32
      %rem3A_53 = arith.remsi %scan3A_31, %select_n3A_52 : i32
      %ne3A_54 = arith.constant 0 : i32
      %ne3A_55 = arith.cmpi ne, %rem3A_53, %ne3A_54 : i32
      %lt3A_56 = arith.constant 0 : i32
      %lt3A_57 = arith.cmpi slt, %rem3A_53, %lt3A_56 : i32
      %lt3A_58 = arith.constant 0 : i32
      %lt3A_59 = arith.cmpi slt, %select_n3A_52, %lt3A_58 : i32
      %ne3A_60 = arith.xori %lt3A_57, %lt3A_59 : i1
      %and3A_61 = arith.andi %ne3A_60, %ne3A_55 : i1
      %add3A = arith.addi %rem3A_53, %select_n3A_52 : i32
      %select_n3A_62 = arith.select %and3A_61, %add3A, %rem3A_53 : i32
      %mul3A_63 = arith.constant 16 : i32
      %mul3A_64 = arith.muli %select_n3A_62, %mul3A_63 : i32
      %broadcast_in_dim3A = arith.constant 0.000000e+00 : f32
      %broadcast_in_dim3A_65 = vector.broadcast %broadcast_in_dim3A : f32 to vector<16xf32>
      %swap3A = arith.index_cast %select_n3A : i32 to index
      %swap3A_66 = arith.index_cast %mul3A_64 : i32 to index
      %swap3A_67 = tpu.vector_load %arg9[%swap3A, %swap3A_66] {strides = array<i32>} : memref<640x32xf32, #tpu.memory_space<vmem>>, vector<16xf32>,
      tpu.vector_store %arg9[%swap3A, %swap3A_66], %broadcast_in_dim3A_65 {strides = array<i32>} : memref<640x32xf32, #tpu.memory_space<vmem>>, vector<16xf32>,
    }
    %scan3A_5 = arith.constant 1280 : i32
    %mul3A_6 = arith.constant 3136 : i32
    %mul3A_7 = arith.muli %arg1, %mul3A_6 : i32
    %lt3A = arith.constant 15 : i32
    %lt3A_8 = arith.cmpi slt, %arg1, %lt3A : i32
    %convert_element_type3A = arith.extui %lt3A_8 : i1 to i32
    %cond3A = arith.constant 0 : i32
    %cond3A_9 = arith.cmpi ne, %convert_element_type3A, %cond3A : i32
    scf.if %cond3A_9 {
      %add3A = arith.constant 0 : i32
      %add3A_31 = arith.addi %mul3A_7, %add3A : i32
      "tpu.region"() ({
        %run_scoped3A = tpu.sem_alloc : memref<!tpu.dma_semaphore, #tpu.memory_space<semaphore_mem>>
        %dma_start3A = arith.constant 0 : i32
        %dma_start3A_40 = tpu.memref_slice %arg11[%add3A_31, %dma_start3A] : memref<50000x32xf32, #tpu.memory_space<vmem_shared>> -> memref<640x32xf32, #tpu.memory_space<vmem_shared>>
        %dma_start3A_41 = arith.constant 0 : i32
        %dma_start3A_42 = tpu.memref_slice %arg11[%add3A_31, %dma_start3A_41] : memref<50000x32xf32, #tpu.memory_space<vmem_shared>> -> memref<640x32xf32, #tpu.memory_space<vmem_shared>>
        tpu.enqueue_dma source(%arg9 : memref<640x32xf32, #tpu.memory_space<vmem>>) target(%dma_start3A_42 : memref<640x32xf32, #tpu.memory_space<vmem_shared>>) target_semaphore(%run_scoped3A : memref<!tpu.dma_semaphore, #tpu.memory_space<semaphore_mem>>)
        %dma_wait3A = arith.constant 0 : i32
        %dma_wait3A_43 = tpu.memref_slice %arg11[%add3A_31, %dma_wait3A] : memref<50000x32xf32, #tpu.memory_space<vmem_shared>> -> memref<640x32xf32, #tpu.memory_space<vmem_shared>>
        %dma_wait3A_44 = arith.constant 0 : i32
        %dma_wait3A_45 = tpu.memref_slice %arg11[%add3A_31, %dma_wait3A_44] : memref<50000x32xf32, #tpu.memory_space<vmem_shared>> -> memref<640x32xf32, #tpu.memory_space<vmem_shared>>
        tpu.wait_dma2 semaphore(%run_scoped3A : memref<!tpu.dma_semaphore, #tpu.memory_space<semaphore_mem>>) src(%arg9 : memref<640x32xf32, #tpu.memory_space<vmem>>) dst(%dma_wait3A_45 : memref<640x32xf32, #tpu.memory_space<vmem_shared>>)
        tpu.yield
      }) : () -> ()
      %add3A_32 = arith.constant 640 : i32
      %add3A_33 = arith.addi %mul3A_7, %add3A_32 : i32
      "tpu.region"() ({
        %run_scoped3A = tpu.sem_alloc : memref<!tpu.dma_semaphore, #tpu.memory_space<semaphore_mem>>
        %dma_start3A = arith.constant 0 : i32
        %dma_start3A_40 = tpu.memref_slice %arg11[%add3A_33, %dma_start3A] : memref<50000x32xf32, #tpu.memory_space<vmem_shared>> -> memref<640x32xf32, #tpu.memory_space<vmem_shared>>
        %dma_start3A_41 = arith.constant 0 : i32
        %dma_start3A_42 = tpu.memref_slice %arg11[%add3A_33, %dma_start3A_41] : memref<50000x32xf32, #tpu.memory_space<vmem_shared>> -> memref<640x32xf32, #tpu.memory_space<vmem_shared>>
        tpu.enqueue_dma source(%arg9 : memref<640x32xf32, #tpu.memory_space<vmem>>) target(%dma_start3A_42 : memref<640x32xf32, #tpu.memory_space<vmem_shared>>) target_semaphore(%run_scoped3A : memref<!tpu.dma_semaphore, #tpu.memory_space<semaphore_mem>>)
        %dma_wait3A = arith.constant 0 : i32
        %dma_wait3A_43 = tpu.memref_slice %arg11[%add3A_33, %dma_wait3A] : memref<50000x32xf32, #tpu.memory_space<vmem_shared>> -> memref<640x32xf32, #tpu.memory_space<vmem_shared>>
        %dma_wait3A_44 = arith.constant 0 : i32
        %dma_wait3A_45 = tpu.memref_slice %arg11[%add3A_33, %dma_wait3A_44] : memref<50000x32xf32, #tpu.memory_space<vmem_shared>> -> memref<640x32xf32, #tpu.memory_space<vmem_shared>>
        tpu.wait_dma2 semaphore(%run_scoped3A : memref<!tpu.dma_semaphore, #tpu.memory_space<semaphore_mem>>) src(%arg9 : memref<640x32xf32, #tpu.memory_space<vmem>>) dst(%dma_wait3A_45 : memref<640x32xf32, #tpu.memory_space<vmem_shared>>)
        tpu.yield
      }) : () -> ()
      %add3A_34 = arith.constant 1280 : i32
      %add3A_35 = arith.addi %mul3A_7, %add3A_34 : i32
      "tpu.region"() ({
        %run_scoped3A = tpu.sem_alloc : memref<!tpu.dma_semaphore, #tpu.memory_space<semaphore_mem>>
        %dma_start3A = arith.constant 0 : i32
        %dma_start3A_40 = tpu.memref_slice %arg11[%add3A_35, %dma_start3A] : memref<50000x32xf32, #tpu.memory_space<vmem_shared>> -> memref<640x32xf32, #tpu.memory_space<vmem_shared>>
        %dma_start3A_41 = arith.constant 0 : i32
        %dma_start3A_42 = tpu.memref_slice %arg11[%add3A_35, %dma_start3A_41] : memref<50000x32xf32, #tpu.memory_space<vmem_shared>> -> memref<640x32xf32, #tpu.memory_space<vmem_shared>>
        tpu.enqueue_dma source(%arg9 : memref<640x32xf32, #tpu.memory_space<vmem>>) target(%dma_start3A_42 : memref<640x32xf32, #tpu.memory_space<vmem_shared>>) target_semaphore(%run_scoped3A : memref<!tpu.dma_semaphore, #tpu.memory_space<semaphore_mem>>)
        %dma_wait3A = arith.constant 0 : i32
        %dma_wait3A_43 = tpu.memref_slice %arg11[%add3A_35, %dma_wait3A] : memref<50000x32xf32, #tpu.memory_space<vmem_shared>> -> memref<640x32xf32, #tpu.memory_space<vmem_shared>>
        %dma_wait3A_44 = arith.constant 0 : i32
        %dma_wait3A_45 = tpu.memref_slice %arg11[%add3A_35, %dma_wait3A_44] : memref<50000x32xf32, #tpu.memory_space<vmem_shared>> -> memref<640x32xf32, #tpu.memory_space<vmem_shared>>
        tpu.wait_dma2 semaphore(%run_scoped3A : memref<!tpu.dma_semaphore, #tpu.memory_space<semaphore_mem>>) src(%arg9 : memref<640x32xf32, #tpu.memory_space<vmem>>) dst(%dma_wait3A_45 : memref<640x32xf32, #tpu.memory_space<vmem_shared>>)
        tpu.yield
      }) : () -> ()
      %add3A_36 = arith.constant 1920 : i32
      %add3A_37 = arith.addi %mul3A_7, %add3A_36 : i32
      "tpu.region"() ({
        %run_scoped3A = tpu.sem_alloc : memref<!tpu.dma_semaphore, #tpu.memory_space<semaphore_mem>>
        %dma_start3A = arith.constant 0 : i32
        %dma_start3A_40 = tpu.memref_slice %arg11[%add3A_37, %dma_start3A] : memref<50000x32xf32, #tpu.memory_space<vmem_shared>> -> memref<640x32xf32, #tpu.memory_space<vmem_shared>>
        %dma_start3A_41 = arith.constant 0 : i32
        %dma_start3A_42 = tpu.memref_slice %arg11[%add3A_37, %dma_start3A_41] : memref<50000x32xf32, #tpu.memory_space<vmem_shared>> -> memref<640x32xf32, #tpu.memory_space<vmem_shared>>
        tpu.enqueue_dma source(%arg9 : memref<640x32xf32, #tpu.memory_space<vmem>>) target(%dma_start3A_42 : memref<640x32xf32, #tpu.memory_space<vmem_shared>>) target_semaphore(%run_scoped3A : memref<!tpu.dma_semaphore, #tpu.memory_space<semaphore_mem>>)
        %dma_wait3A = arith.constant 0 : i32
        %dma_wait3A_43 = tpu.memref_slice %arg11[%add3A_37, %dma_wait3A] : memref<50000x32xf32, #tpu.memory_space<vmem_shared>> -> memref<640x32xf32, #tpu.memory_space<vmem_shared>>
        %dma_wait3A_44 = arith.constant 0 : i32
        %dma_wait3A_45 = tpu.memref_slice %arg11[%add3A_37, %dma_wait3A_44] : memref<50000x32xf32, #tpu.memory_space<vmem_shared>> -> memref<640x32xf32, #tpu.memory_space<vmem_shared>>
        tpu.wait_dma2 semaphore(%run_scoped3A : memref<!tpu.dma_semaphore, #tpu.memory_space<semaphore_mem>>) src(%arg9 : memref<640x32xf32, #tpu.memory_space<vmem>>) dst(%dma_wait3A_45 : memref<640x32xf32, #tpu.memory_space<vmem_shared>>)
        tpu.yield
      }) : () -> ()
      %add3A_38 = arith.constant 2560 : i32
      %add3A_39 = arith.addi %mul3A_7, %add3A_38 : i32
      "tpu.region"() ({
        %run_scoped3A = tpu.sem_alloc : memref<!tpu.dma_semaphore, #tpu.memory_space<semaphore_mem>>
        %dma_start3A = arith.constant 0 : i32
        %dma_start3A_40 = arith.constant 0 : i32
        %dma_start3A_41 = tpu.memref_slice %arg9[%dma_start3A, %dma_start3A_40] : memref<640x32xf32, #tpu.memory_space<vmem>> -> memref<576x32xf32, #tpu.memory_space<vmem>>
        %dma_start3A_42 = arith.constant 0 : i32
        %dma_start3A_43 = tpu.memref_slice %arg11[%add3A_39, %dma_start3A_42] : memref<50000x32xf32, #tpu.memory_space<vmem_shared>> -> memref<576x32xf32, #tpu.memory_space<vmem_shared>>
        %dma_start3A_44 = arith.constant 0 : i32
        %dma_start3A_45 = tpu.memref_slice %arg11[%add3A_39, %dma_start3A_44] : memref<50000x32xf32, #tpu.memory_space<vmem_shared>> -> memref<576x32xf32, #tpu.memory_space<vmem_shared>>
        %dma_start3A_46 = arith.constant 0 : i32
        %dma_start3A_47 = arith.constant 0 : i32
        %dma_start3A_48 = tpu.memref_slice %arg9[%dma_start3A_46, %dma_start3A_47] : memref<640x32xf32, #tpu.memory_space<vmem>> -> memref<576x32xf32, #tpu.memory_space<vmem>>
        tpu.enqueue_dma source(%dma_start3A_48 : memref<576x32xf32, #tpu.memory_space<vmem>>) target(%dma_start3A_45 : memref<576x32xf32, #tpu.memory_space<vmem_shared>>) target_semaphore(%run_scoped3A : memref<!tpu.dma_semaphore, #tpu.memory_space<semaphore_mem>>)
        %dma_wait3A = arith.constant 0 : i32
        %dma_wait3A_49 = arith.constant 0 : i32
        %dma_wait3A_50 = tpu.memref_slice %arg9[%dma_wait3A, %dma_wait3A_49] : memref<640x32xf32, #tpu.memory_space<vmem>> -> memref<576x32xf32, #tpu.memory_space<vmem>>
        %dma_wait3A_51 = arith.constant 0 : i32
        %dma_wait3A_52 = tpu.memref_slice %arg11[%add3A_39, %dma_wait3A_51] : memref<50000x32xf32, #tpu.memory_space<vmem_shared>> -> memref<576x32xf32, #tpu.memory_space<vmem_shared>>
        %dma_wait3A_53 = arith.constant 0 : i32
        %dma_wait3A_54 = tpu.memref_slice %arg11[%add3A_39, %dma_wait3A_53] : memref<50000x32xf32, #tpu.memory_space<vmem_shared>> -> memref<576x32xf32, #tpu.memory_space<vmem_shared>>
        %dma_wait3A_55 = arith.constant 0 : i32
        %dma_wait3A_56 = arith.constant 0 : i32
        %dma_wait3A_57 = tpu.memref_slice %arg9[%dma_wait3A_55, %dma_wait3A_56] : memref<640x32xf32, #tpu.memory_space<vmem>> -> memref<576x32xf32, #tpu.memory_space<vmem>>
        tpu.wait_dma2 semaphore(%run_scoped3A : memref<!tpu.dma_semaphore, #tpu.memory_space<semaphore_mem>>) src(%dma_wait3A_57 : memref<576x32xf32, #tpu.memory_space<vmem>>) dst(%dma_wait3A_54 : memref<576x32xf32, #tpu.memory_space<vmem_shared>>)
        tpu.yield
      }) : () -> ()
    } else {
    }
    %eq3A = arith.constant 15 : i32
    %eq3A_10 = arith.cmpi eq, %arg1, %eq3A : i32
    %convert_element_type3A_11 = arith.extui %eq3A_10 : i1 to i32
    %cond3A_12 = arith.constant 0 : i32
    %cond3A_13 = arith.cmpi ne, %convert_element_type3A_11, %cond3A_12 : i32
    scf.if %cond3A_13 {
      %add3A = arith.constant 0 : i32
      %add3A_31 = arith.addi %mul3A_7, %add3A : i32
      "tpu.region"() ({
        %run_scoped3A = tpu.sem_alloc : memref<!tpu.dma_semaphore, #tpu.memory_space<semaphore_mem>>
        %dma_start3A = arith.constant 0 : i32
        %dma_start3A_40 = tpu.memref_slice %arg11[%add3A_31, %dma_start3A] : memref<50000x32xf32, #tpu.memory_space<vmem_shared>> -> memref<640x32xf32, #tpu.memory_space<vmem_shared>>
        %dma_start3A_41 = arith.constant 0 : i32
        %dma_start3A_42 = tpu.memref_slice %arg11[%add3A_31, %dma_start3A_41] : memref<50000x32xf32, #tpu.memory_space<vmem_shared>> -> memref<640x32xf32, #tpu.memory_space<vmem_shared>>
        tpu.enqueue_dma source(%arg9 : memref<640x32xf32, #tpu.memory_space<vmem>>) target(%dma_start3A_42 : memref<640x32xf32, #tpu.memory_space<vmem_shared>>) target_semaphore(%run_scoped3A : memref<!tpu.dma_semaphore, #tpu.memory_space<semaphore_mem>>)
        %dma_wait3A = arith.constant 0 : i32
        %dma_wait3A_43 = tpu.memref_slice %arg11[%add3A_31, %dma_wait3A] : memref<50000x32xf32, #tpu.memory_space<vmem_shared>> -> memref<640x32xf32, #tpu.memory_space<vmem_shared>>
        %dma_wait3A_44 = arith.constant 0 : i32
        %dma_wait3A_45 = tpu.memref_slice %arg11[%add3A_31, %dma_wait3A_44] : memref<50000x32xf32, #tpu.memory_space<vmem_shared>> -> memref<640x32xf32, #tpu.memory_space<vmem_shared>>
        tpu.wait_dma2 semaphore(%run_scoped3A : memref<!tpu.dma_semaphore, #tpu.memory_space<semaphore_mem>>) src(%arg9 : memref<640x32xf32, #tpu.memory_space<vmem>>) dst(%dma_wait3A_45 : memref<640x32xf32, #tpu.memory_space<vmem_shared>>)
        tpu.yield
      }) : () -> ()
      %add3A_32 = arith.constant 640 : i32
      %add3A_33 = arith.addi %mul3A_7, %add3A_32 : i32
      "tpu.region"() ({
        %run_scoped3A = tpu.sem_alloc : memref<!tpu.dma_semaphore, #tpu.memory_space<semaphore_mem>>
        %dma_start3A = arith.constant 0 : i32
        %dma_start3A_40 = tpu.memref_slice %arg11[%add3A_33, %dma_start3A] : memref<50000x32xf32, #tpu.memory_space<vmem_shared>> -> memref<640x32xf32, #tpu.memory_space<vmem_shared>>
        %dma_start3A_41 = arith.constant 0 : i32
        %dma_start3A_42 = tpu.memref_slice %arg11[%add3A_33, %dma_start3A_41] : memref<50000x32xf32, #tpu.memory_space<vmem_shared>> -> memref<640x32xf32, #tpu.memory_space<vmem_shared>>
        tpu.enqueue_dma source(%arg9 : memref<640x32xf32, #tpu.memory_space<vmem>>) target(%dma_start3A_42 : memref<640x32xf32, #tpu.memory_space<vmem_shared>>) target_semaphore(%run_scoped3A : memref<!tpu.dma_semaphore, #tpu.memory_space<semaphore_mem>>)
        %dma_wait3A = arith.constant 0 : i32
        %dma_wait3A_43 = tpu.memref_slice %arg11[%add3A_33, %dma_wait3A] : memref<50000x32xf32, #tpu.memory_space<vmem_shared>> -> memref<640x32xf32, #tpu.memory_space<vmem_shared>>
        %dma_wait3A_44 = arith.constant 0 : i32
        %dma_wait3A_45 = tpu.memref_slice %arg11[%add3A_33, %dma_wait3A_44] : memref<50000x32xf32, #tpu.memory_space<vmem_shared>> -> memref<640x32xf32, #tpu.memory_space<vmem_shared>>
        tpu.wait_dma2 semaphore(%run_scoped3A : memref<!tpu.dma_semaphore, #tpu.memory_space<semaphore_mem>>) src(%arg9 : memref<640x32xf32, #tpu.memory_space<vmem>>) dst(%dma_wait3A_45 : memref<640x32xf32, #tpu.memory_space<vmem_shared>>)
        tpu.yield
      }) : () -> ()
      %add3A_34 = arith.constant 1280 : i32
      %add3A_35 = arith.addi %mul3A_7, %add3A_34 : i32
      "tpu.region"() ({
        %run_scoped3A = tpu.sem_alloc : memref<!tpu.dma_semaphore, #tpu.memory_space<semaphore_mem>>
        %dma_start3A = arith.constant 0 : i32
        %dma_start3A_40 = tpu.memref_slice %arg11[%add3A_35, %dma_start3A] : memref<50000x32xf32, #tpu.memory_space<vmem_shared>> -> memref<640x32xf32, #tpu.memory_space<vmem_shared>>
        %dma_start3A_41 = arith.constant 0 : i32
        %dma_start3A_42 = tpu.memref_slice %arg11[%add3A_35, %dma_start3A_41] : memref<50000x32xf32, #tpu.memory_space<vmem_shared>> -> memref<640x32xf32, #tpu.memory_space<vmem_shared>>
        tpu.enqueue_dma source(%arg9 : memref<640x32xf32, #tpu.memory_space<vmem>>) target(%dma_start3A_42 : memref<640x32xf32, #tpu.memory_space<vmem_shared>>) target_semaphore(%run_scoped3A : memref<!tpu.dma_semaphore, #tpu.memory_space<semaphore_mem>>)
        %dma_wait3A = arith.constant 0 : i32
        %dma_wait3A_43 = tpu.memref_slice %arg11[%add3A_35, %dma_wait3A] : memref<50000x32xf32, #tpu.memory_space<vmem_shared>> -> memref<640x32xf32, #tpu.memory_space<vmem_shared>>
        %dma_wait3A_44 = arith.constant 0 : i32
        %dma_wait3A_45 = tpu.memref_slice %arg11[%add3A_35, %dma_wait3A_44] : memref<50000x32xf32, #tpu.memory_space<vmem_shared>> -> memref<640x32xf32, #tpu.memory_space<vmem_shared>>
        tpu.wait_dma2 semaphore(%run_scoped3A : memref<!tpu.dma_semaphore, #tpu.memory_space<semaphore_mem>>) src(%arg9 : memref<640x32xf32, #tpu.memory_space<vmem>>) dst(%dma_wait3A_45 : memref<640x32xf32, #tpu.memory_space<vmem_shared>>)
        tpu.yield
      }) : () -> ()
      %add3A_36 = arith.constant 1920 : i32
      %add3A_37 = arith.addi %mul3A_7, %add3A_36 : i32
      "tpu.region"() ({
        %run_scoped3A = tpu.sem_alloc : memref<!tpu.dma_semaphore, #tpu.memory_space<semaphore_mem>>
        %dma_start3A = arith.constant 0 : i32
        %dma_start3A_40 = tpu.memref_slice %arg11[%add3A_37, %dma_start3A] : memref<50000x32xf32, #tpu.memory_space<vmem_shared>> -> memref<640x32xf32, #tpu.memory_space<vmem_shared>>
        %dma_start3A_41 = arith.constant 0 : i32
        %dma_start3A_42 = tpu.memref_slice %arg11[%add3A_37, %dma_start3A_41] : memref<50000x32xf32, #tpu.memory_space<vmem_shared>> -> memref<640x32xf32, #tpu.memory_space<vmem_shared>>
        tpu.enqueue_dma source(%arg9 : memref<640x32xf32, #tpu.memory_space<vmem>>) target(%dma_start3A_42 : memref<640x32xf32, #tpu.memory_space<vmem_shared>>) target_semaphore(%run_scoped3A : memref<!tpu.dma_semaphore, #tpu.memory_space<semaphore_mem>>)
        %dma_wait3A = arith.constant 0 : i32
        %dma_wait3A_43 = tpu.memref_slice %arg11[%add3A_37, %dma_wait3A] : memref<50000x32xf32, #tpu.memory_space<vmem_shared>> -> memref<640x32xf32, #tpu.memory_space<vmem_shared>>
        %dma_wait3A_44 = arith.constant 0 : i32
        %dma_wait3A_45 = tpu.memref_slice %arg11[%add3A_37, %dma_wait3A_44] : memref<50000x32xf32, #tpu.memory_space<vmem_shared>> -> memref<640x32xf32, #tpu.memory_space<vmem_shared>>
        tpu.wait_dma2 semaphore(%run_scoped3A : memref<!tpu.dma_semaphore, #tpu.memory_space<semaphore_mem>>) src(%arg9 : memref<640x32xf32, #tpu.memory_space<vmem>>) dst(%dma_wait3A_45 : memref<640x32xf32, #tpu.memory_space<vmem_shared>>)
        tpu.yield
      }) : () -> ()
      %add3A_38 = arith.constant 2560 : i32
      %add3A_39 = arith.addi %mul3A_7, %add3A_38 : i32
      "tpu.region"() ({
        %run_scoped3A = tpu.sem_alloc : memref<!tpu.dma_semaphore, #tpu.memory_space<semaphore_mem>>
        %dma_start3A = arith.constant 0 : i32
        %dma_start3A_40 = arith.constant 0 : i32
        %dma_start3A_41 = tpu.memref_slice %arg9[%dma_start3A, %dma_start3A_40] : memref<640x32xf32, #tpu.memory_space<vmem>> -> memref<400x32xf32, #tpu.memory_space<vmem>>
        %dma_start3A_42 = arith.constant 0 : i32
        %dma_start3A_43 = tpu.memref_slice %arg11[%add3A_39, %dma_start3A_42] : memref<50000x32xf32, #tpu.memory_space<vmem_shared>> -> memref<400x32xf32, #tpu.memory_space<vmem_shared>>
        %dma_start3A_44 = arith.constant 0 : i32
        %dma_start3A_45 = tpu.memref_slice %arg11[%add3A_39, %dma_start3A_44] : memref<50000x32xf32, #tpu.memory_space<vmem_shared>> -> memref<400x32xf32, #tpu.memory_space<vmem_shared>>
        %dma_start3A_46 = arith.constant 0 : i32
        %dma_start3A_47 = arith.constant 0 : i32
        %dma_start3A_48 = tpu.memref_slice %arg9[%dma_start3A_46, %dma_start3A_47] : memref<640x32xf32, #tpu.memory_space<vmem>> -> memref<400x32xf32, #tpu.memory_space<vmem>>
        tpu.enqueue_dma source(%dma_start3A_48 : memref<400x32xf32, #tpu.memory_space<vmem>>) target(%dma_start3A_45 : memref<400x32xf32, #tpu.memory_space<vmem_shared>>) target_semaphore(%run_scoped3A : memref<!tpu.dma_semaphore, #tpu.memory_space<semaphore_mem>>)
        %dma_wait3A = arith.constant 0 : i32
        %dma_wait3A_49 = arith.constant 0 : i32
        %dma_wait3A_50 = tpu.memref_slice %arg9[%dma_wait3A, %dma_wait3A_49] : memref<640x32xf32, #tpu.memory_space<vmem>> -> memref<400x32xf32, #tpu.memory_space<vmem>>
        %dma_wait3A_51 = arith.constant 0 : i32
        %dma_wait3A_52 = tpu.memref_slice %arg11[%add3A_39, %dma_wait3A_51] : memref<50000x32xf32, #tpu.memory_space<vmem_shared>> -> memref<400x32xf32, #tpu.memory_space<vmem_shared>>
        %dma_wait3A_53 = arith.constant 0 : i32
        %dma_wait3A_54 = tpu.memref_slice %arg11[%add3A_39, %dma_wait3A_53] : memref<50000x32xf32, #tpu.memory_space<vmem_shared>> -> memref<400x32xf32, #tpu.memory_space<vmem_shared>>
        %dma_wait3A_55 = arith.constant 0 : i32
        %dma_wait3A_56 = arith.constant 0 : i32
        %dma_wait3A_57 = tpu.memref_slice %arg9[%dma_wait3A_55, %dma_wait3A_56] : memref<640x32xf32, #tpu.memory_space<vmem>> -> memref<400x32xf32, #tpu.memory_space<vmem>>
        tpu.wait_dma2 semaphore(%run_scoped3A : memref<!tpu.dma_semaphore, #tpu.memory_space<semaphore_mem>>) src(%dma_wait3A_57 : memref<400x32xf32, #tpu.memory_space<vmem>>) dst(%dma_wait3A_54 : memref<400x32xf32, #tpu.memory_space<vmem_shared>>)
        tpu.yield
      }) : () -> ()
    } else {
    }
    %barrier3A = arith.constant 0 : index
    tpu.barrier barrier_id(%barrier3A)
    %scan3A_14 = arith.constant 0 : i32
    %scan3A_15 = arith.constant 0 : i32
    %scan3A_16 = arith.constant 80 : i32
    %scan3A_17 = arith.addi %scan3A_15, %scan3A_16 : i32
    %scan3A_18 = arith.constant 1 : i32
    scf.for %scan3A_31 = %scan3A_15 to %scan3A_17 step %scan3A_18  : i32 {
      %mul3A_32 = arith.constant 400 : i32
      %mul3A_33 = arith.muli %arg1, %mul3A_32 : i32
      %mul3A_34 = arith.constant 5 : i32
      %mul3A_35 = arith.muli %scan3A_31, %mul3A_34 : i32
      %add3A = arith.addi %mul3A_33, %mul3A_35 : i32
      "tpu.region"() ({
        %run_scoped3A = tpu.sem_alloc : memref<!tpu.dma_semaphore, #tpu.memory_space<semaphore_mem>>
        %dma_start3A_68 = arith.constant 0 : i32
        %dma_start3A_69 = arith.constant 0 : i32
        %dma_start3A_70 = tpu.memref_slice %arg3[%add3A, %dma_start3A_68, %dma_start3A_69] : memref<6400x3x128xi32, #tpu.memory_space<hbm>> -> memref<5x3x128xi32, #tpu.memory_space<hbm>>
        %dma_start3A_71 = arith.constant 0 : i32
        %dma_start3A_72 = arith.constant 0 : i32
        %dma_start3A_73 = tpu.memref_slice %arg3[%add3A, %dma_start3A_71, %dma_start3A_72] : memref<6400x3x128xi32, #tpu.memory_space<hbm>> -> memref<5x3x128xi32, #tpu.memory_space<hbm>>
        tpu.enqueue_dma source(%dma_start3A_73 : memref<5x3x128xi32, #tpu.memory_space<hbm>>) target(%arg6 : memref<5x3x128xi32, #tpu.memory_space<vmem>>) target_semaphore(%run_scoped3A : memref<!tpu.dma_semaphore, #tpu.memory_space<semaphore_mem>>)
        %dma_wait3A_74 = arith.constant 0 : i32
        %dma_wait3A_75 = arith.constant 0 : i32
        %dma_wait3A_76 = tpu.memref_slice %arg3[%add3A, %dma_wait3A_74, %dma_wait3A_75] : memref<6400x3x128xi32, #tpu.memory_space<hbm>> -> memref<5x3x128xi32, #tpu.memory_space<hbm>>
        %dma_wait3A_77 = arith.constant 0 : i32
        %dma_wait3A_78 = arith.constant 0 : i32
        %dma_wait3A_79 = tpu.memref_slice %arg3[%add3A, %dma_wait3A_77, %dma_wait3A_78] : memref<6400x3x128xi32, #tpu.memory_space<hbm>> -> memref<5x3x128xi32, #tpu.memory_space<hbm>>
        tpu.wait_dma2 semaphore(%run_scoped3A : memref<!tpu.dma_semaphore, #tpu.memory_space<semaphore_mem>>) src(%dma_wait3A_79 : memref<5x3x128xi32, #tpu.memory_space<hbm>>) dst(%arg6 : memref<5x3x128xi32, #tpu.memory_space<vmem>>)
        tpu.yield
      }) : () -> ()
      %scan3A_36 = arith.constant 0 : i32
      %scan3A_37 = arith.constant 0 : i32
      %scan3A_38 = arith.constant 40 : i32
      %scan3A_39 = arith.addi %scan3A_37, %scan3A_38 : i32
      %scan3A_40 = arith.constant 1 : i32
      scf.for %scan3A_68 = %scan3A_37 to %scan3A_39 step %scan3A_40  : i32 {
        %jit3A = arith.constant 8 : i32
        %div3A = arith.divsi %scan3A_68, %jit3A : i32
        %sign3A = arith.constant 0 : i32
        %sign3A_69 = arith.cmpi sgt, %scan3A_68, %sign3A : i32
        %sign3A_70 = arith.extui %sign3A_69 : i1 to i32
        %sign3A_71 = arith.constant 0 : i32
        %sign3A_72 = arith.cmpi slt, %scan3A_68, %sign3A_71 : i32
        %sign3A_73 = arith.extui %sign3A_72 : i1 to i32
        %sign3A_74 = arith.subi %sign3A_70, %sign3A_73 : i32
        %sign3A_75 = arith.constant 0 : i32
        %sign3A_76 = arith.cmpi sgt, %jit3A, %sign3A_75 : i32
        %sign3A_77 = arith.extui %sign3A_76 : i1 to i32
        %sign3A_78 = arith.constant 0 : i32
        %sign3A_79 = arith.cmpi slt, %jit3A, %sign3A_78 : i32
        %sign3A_80 = arith.extui %sign3A_79 : i1 to i32
        %sign3A_81 = arith.subi %sign3A_77, %sign3A_80 : i32
        %ne3A = arith.cmpi ne, %sign3A_74, %sign3A_81 : i32
        %rem3A = arith.remsi %scan3A_68, %jit3A : i32
        %ne3A_82 = arith.constant 0 : i32
        %ne3A_83 = arith.cmpi ne, %rem3A, %ne3A_82 : i32
        %and3A = arith.andi %ne3A, %ne3A_83 : i1
        %sub3A = arith.constant 1 : i32
        %sub3A_84 = arith.subi %div3A, %sub3A : i32
        %select_n3A = arith.select %and3A, %sub3A_84, %div3A : i32
        %jit3A_85 = arith.constant 8 : i32
        %eq3A_86 = arith.constant 0 : i32
        %eq3A_87 = arith.cmpi eq, %jit3A_85, %eq3A_86 : i32
        %jit3A_88 = arith.constant 1 : i32
        %select_n3A_89 = arith.select %eq3A_87, %jit3A_88, %jit3A_85 : i32
        %rem3A_90 = arith.remsi %scan3A_68, %select_n3A_89 : i32
        %ne3A_91 = arith.constant 0 : i32
        %ne3A_92 = arith.cmpi ne, %rem3A_90, %ne3A_91 : i32
        %lt3A_93 = arith.constant 0 : i32
        %lt3A_94 = arith.cmpi slt, %rem3A_90, %lt3A_93 : i32
        %lt3A_95 = arith.constant 0 : i32
        %lt3A_96 = arith.cmpi slt, %select_n3A_89, %lt3A_95 : i32
        %ne3A_97 = arith.xori %lt3A_94, %lt3A_96 : i1
        %and3A_98 = arith.andi %ne3A_97, %ne3A_92 : i1
        %add3A_99 = arith.addi %rem3A_90, %select_n3A_89 : i32
        %select_n3A_100 = arith.select %and3A_98, %add3A_99, %rem3A_90 : i32
        %mul3A_101 = arith.constant 16 : i32
        %mul3A_102 = arith.muli %select_n3A_100, %mul3A_101 : i32
        %get3A = arith.constant 0 : i32
        %get3A_103 = arith.index_cast %select_n3A : i32 to index
        %get3A_104 = arith.index_cast %get3A : i32 to index
        %get3A_105 = arith.index_cast %mul3A_102 : i32 to index
        %get3A_106 = tpu.vector_load %arg6[%get3A_103, %get3A_104, %get3A_105] {strides = array<i32>} : memref<5x3x128xi32, #tpu.memory_space<vmem>>, vector<16xi32>,
        %get3A_107 = arith.constant 2 : i32
        %get3A_108 = arith.index_cast %select_n3A : i32 to index
        %get3A_109 = arith.index_cast %get3A_107 : i32 to index
        %get3A_110 = arith.index_cast %mul3A_102 : i32 to index
        %get3A_111 = tpu.vector_load %arg6[%get3A_108, %get3A_109, %get3A_110] {strides = array<i32>} : memref<5x3x128xi32, #tpu.memory_space<vmem>>, vector<16xi32>,
        %mul3A_112 = arith.constant 50000 : i32
        %mul3A_113 = vector.broadcast %mul3A_112 : i32 to vector<16xi32>
        %mul3A_114 = arith.muli %get3A_111, %mul3A_113 : vector<16xi32>
        %add3A_115 = vector.broadcast %mul3A_0 : i32 to vector<16xi32>
        %add3A_116 = arith.addi %add3A_115, %mul3A_114 : vector<16xi32>
        %add3A_117 = arith.addi %add3A_116, %get3A_106 : vector<16xi32>
        %mul3A_118 = arith.constant 16 : i32
        %mul3A_119 = arith.muli %scan3A_68, %mul3A_118 : i32
        %swap3A = arith.index_cast %mul3A_119 : i32 to index
        %swap3A_120 = tpu.vector_load %arg7[%swap3A] {strides = array<i32>} : memref<640xi32, #tpu.memory_space<vmem>>, vector<16xi32>,
        tpu.vector_store %arg7[%swap3A], %add3A_117 {strides = array<i32>} : memref<640xi32, #tpu.memory_space<vmem>>, vector<16xi32>,
        %get3A_121 = arith.constant 1 : i32
        %get3A_122 = arith.index_cast %select_n3A : i32 to index
        %get3A_123 = arith.index_cast %get3A_121 : i32 to index
        %get3A_124 = arith.index_cast %mul3A_102 : i32 to index
        %get3A_125 = tpu.vector_load %arg6[%get3A_122, %get3A_123, %get3A_124] {strides = array<i32>} : memref<5x3x128xi32, #tpu.memory_space<vmem>>, vector<16xi32>,
        %mul3A_126 = arith.constant 16 : i32
        %mul3A_127 = arith.muli %scan3A_68, %mul3A_126 : i32
        %swap3A_128 = arith.index_cast %mul3A_127 : i32 to index
        %swap3A_129 = tpu.vector_load %arg8[%swap3A_128] {strides = array<i32>} : memref<640xi32, #tpu.memory_space<vmem>>, vector<16xi32>,
        tpu.vector_store %arg8[%swap3A_128], %get3A_125 {strides = array<i32>} : memref<640xi32, #tpu.memory_space<vmem>>, vector<16xi32>,
      }
      %scan3A_41 = arith.constant 40 : i32
      %mul3A_42 = arith.constant 128 : i32
      %mul3A_43 = arith.muli %add3A, %mul3A_42 : i32
      %dma_start3A = tpu.memref_slice %arg4[%arg0, %mul3A_43] : memref<2x819200xf32, #tpu.memory_space<hbm>> -> memref<1x640xf32, #tpu.memory_space<hbm>>
      %dma_start3A_44 = tpu.memref_squeeze %dma_start3A : memref<1x640xf32, #tpu.memory_space<hbm>> -> memref<640xf32, #tpu.memory_space<hbm>>
      %dma_start3A_45 = tpu.memref_slice %arg4[%arg0, %mul3A_43] : memref<2x819200xf32, #tpu.memory_space<hbm>> -> memref<1x640xf32, #tpu.memory_space<hbm>>
      %dma_start3A_46 = tpu.memref_squeeze %dma_start3A_45 : memref<1x640xf32, #tpu.memory_space<hbm>> -> memref<640xf32, #tpu.memory_space<hbm>>
      tpu.enqueue_dma source(%dma_start3A_46 : memref<640xf32, #tpu.memory_space<hbm>>) target(%arg10 : memref<640xf32, #tpu.memory_space<vmem>>) target_semaphore(%arg13 : memref<!tpu.dma_semaphore, #tpu.memory_space<semaphore_mem>>)
      %dma_start3A_47 = arith.constant 0 : i32
      %dma_start3A_48 = arith.constant 0 : i32
      %dma_start3A_49 = tpu.memref_slice %arg2[%dma_start3A_47, %dma_start3A_48] : memref<400000x32xf32, #tpu.memory_space<hbm>> -> memref<400000x32xf32, #tpu.memory_space<hbm>>
      tpu.enqueue_indirect_dma source(%dma_start3A_49 : memref<400000x32xf32, #tpu.memory_space<hbm>>) target(%arg9 : memref<640x32xf32, #tpu.memory_space<vmem>>) offsets(%arg7 : memref<640xi32, #tpu.memory_space<vmem>>) semaphore(%arg12 : memref<!tpu.dma_semaphore, #tpu.memory_space<semaphore_mem>>)
      %dma_wait3A = tpu.memref_slice %arg4[%arg0, %mul3A_43] : memref<2x819200xf32, #tpu.memory_space<hbm>> -> memref<1x640xf32, #tpu.memory_space<hbm>>
      %dma_wait3A_50 = tpu.memref_squeeze %dma_wait3A : memref<1x640xf32, #tpu.memory_space<hbm>> -> memref<640xf32, #tpu.memory_space<hbm>>
      %dma_wait3A_51 = tpu.memref_slice %arg4[%arg0, %mul3A_43] : memref<2x819200xf32, #tpu.memory_space<hbm>> -> memref<1x640xf32, #tpu.memory_space<hbm>>
      %dma_wait3A_52 = tpu.memref_squeeze %dma_wait3A_51 : memref<1x640xf32, #tpu.memory_space<hbm>> -> memref<640xf32, #tpu.memory_space<hbm>>
      tpu.wait_dma2 semaphore(%arg13 : memref<!tpu.dma_semaphore, #tpu.memory_space<semaphore_mem>>) src(%dma_wait3A_52 : memref<640xf32, #tpu.memory_space<hbm>>) dst(%arg10 : memref<640xf32, #tpu.memory_space<vmem>>)
      %dma_wait3A_53 = arith.constant 0 : i32
      %dma_wait3A_54 = arith.constant 0 : i32
      %dma_wait3A_55 = tpu.memref_slice %arg2[%dma_wait3A_53, %dma_wait3A_54] : memref<400000x32xf32, #tpu.memory_space<hbm>> -> memref<400000x32xf32, #tpu.memory_space<hbm>>
      tpu.wait_indirect_dma semaphore(%arg12 : memref<!tpu.dma_semaphore, #tpu.memory_space<semaphore_mem>>) src(%dma_wait3A_55 : memref<400000x32xf32, #tpu.memory_space<hbm>>) dst(%arg9 : memref<640x32xf32, #tpu.memory_space<vmem>>)
      %scan3A_56 = arith.constant 0 : i32
      %scan3A_57 = arith.constant 0 : i32
      %scan3A_58 = arith.constant 160 : i32
      %scan3A_59 = arith.addi %scan3A_57, %scan3A_58 : i32
      %scan3A_60 = arith.constant 1 : i32
      scf.for %scan3A_68 = %scan3A_57 to %scan3A_59 step %scan3A_60  : i32 {
        %mul3A_69 = arith.constant 4 : i32
        %mul3A_70 = arith.muli %scan3A_68, %mul3A_69 : i32
        %add3A_71 = arith.constant 0 : i32
        %add3A_72 = arith.addi %mul3A_70, %add3A_71 : i32
        %broadcast_in_dim3A = vector.broadcast %add3A_72 : i32 to vector<16xi32>
        %gather3A = tpu.vector_load_idx %arg10[%broadcast_in_dim3A] : memref<640xf32, #tpu.memory_space<vmem>>[vector<16xi32>], vector<16xf32>,
        %get3A = arith.index_cast %add3A_72 : i32 to index
        %get3A_73 = arith.constant 0 : index
        %get3A_74 = tpu.vector_load %arg9[%get3A, %get3A_73] {strides = array<i32>} : memref<640x32xf32, #tpu.memory_space<vmem>>, vector<16xf32>,
        %mul3A_75 = arith.mulf %get3A_74, %gather3A : vector<16xf32>
        %swap3A = arith.index_cast %add3A_72 : i32 to index
        %swap3A_76 = arith.constant 0 : index
        %swap3A_77 = tpu.vector_load %arg9[%swap3A, %swap3A_76] {strides = array<i32>} : memref<640x32xf32, #tpu.memory_space<vmem>>, vector<16xf32>,
        tpu.vector_store %arg9[%swap3A, %swap3A_76], %mul3A_75 {strides = array<i32>} : memref<640x32xf32, #tpu.memory_space<vmem>>, vector<16xf32>,
        %get3A_78 = arith.index_cast %add3A_72 : i32 to index
        %get3A_79 = arith.constant 16 : index
        %get3A_80 = tpu.vector_load %arg9[%get3A_78, %get3A_79] {strides = array<i32>} : memref<640x32xf32, #tpu.memory_space<vmem>>, vector<16xf32>,
        %mul3A_81 = arith.mulf %get3A_80, %gather3A : vector<16xf32>
        %swap3A_82 = arith.index_cast %add3A_72 : i32 to index
        %swap3A_83 = arith.constant 16 : index
        %swap3A_84 = tpu.vector_load %arg9[%swap3A_82, %swap3A_83] {strides = array<i32>} : memref<640x32xf32, #tpu.memory_space<vmem>>, vector<16xf32>,
        tpu.vector_store %arg9[%swap3A_82, %swap3A_83], %mul3A_81 {strides = array<i32>} : memref<640x32xf32, #tpu.memory_space<vmem>>, vector<16xf32>,
        %mul3A_85 = arith.constant 4 : i32
        %mul3A_86 = arith.muli %scan3A_68, %mul3A_85 : i32
        %add3A_87 = arith.constant 1 : i32
        %add3A_88 = arith.addi %mul3A_86, %add3A_87 : i32
        %broadcast_in_dim3A_89 = vector.broadcast %add3A_88 : i32 to vector<16xi32>
        %gather3A_90 = tpu.vector_load_idx %arg10[%broadcast_in_dim3A_89] : memref<640xf32, #tpu.memory_space<vmem>>[vector<16xi32>], vector<16xf32>,
        %get3A_91 = arith.index_cast %add3A_88 : i32 to index
        %get3A_92 = arith.constant 0 : index
        %get3A_93 = tpu.vector_load %arg9[%get3A_91, %get3A_92] {strides = array<i32>} : memref<640x32xf32, #tpu.memory_space<vmem>>, vector<16xf32>,
        %mul3A_94 = arith.mulf %get3A_93, %gather3A_90 : vector<16xf32>
        %swap3A_95 = arith.index_cast %add3A_88 : i32 to index
        %swap3A_96 = arith.constant 0 : index
        %swap3A_97 = tpu.vector_load %arg9[%swap3A_95, %swap3A_96] {strides = array<i32>} : memref<640x32xf32, #tpu.memory_space<vmem>>, vector<16xf32>,
        tpu.vector_store %arg9[%swap3A_95, %swap3A_96], %mul3A_94 {strides = array<i32>} : memref<640x32xf32, #tpu.memory_space<vmem>>, vector<16xf32>,
        %get3A_98 = arith.index_cast %add3A_88 : i32 to index
        %get3A_99 = arith.constant 16 : index
        %get3A_100 = tpu.vector_load %arg9[%get3A_98, %get3A_99] {strides = array<i32>} : memref<640x32xf32, #tpu.memory_space<vmem>>, vector<16xf32>,
        %mul3A_101 = arith.mulf %get3A_100, %gather3A_90 : vector<16xf32>
        %swap3A_102 = arith.index_cast %add3A_88 : i32 to index
        %swap3A_103 = arith.constant 16 : index
        %swap3A_104 = tpu.vector_load %arg9[%swap3A_102, %swap3A_103] {strides = array<i32>} : memref<640x32xf32, #tpu.memory_space<vmem>>, vector<16xf32>,
        tpu.vector_store %arg9[%swap3A_102, %swap3A_103], %mul3A_101 {strides = array<i32>} : memref<640x32xf32, #tpu.memory_space<vmem>>, vector<16xf32>,
        %mul3A_105 = arith.constant 4 : i32
        %mul3A_106 = arith.muli %scan3A_68, %mul3A_105 : i32
        %add3A_107 = arith.constant 2 : i32
        %add3A_108 = arith.addi %mul3A_106, %add3A_107 : i32
        %broadcast_in_dim3A_109 = vector.broadcast %add3A_108 : i32 to vector<16xi32>
        %gather3A_110 = tpu.vector_load_idx %arg10[%broadcast_in_dim3A_109] : memref<640xf32, #tpu.memory_space<vmem>>[vector<16xi32>], vector<16xf32>,
        %get3A_111 = arith.index_cast %add3A_108 : i32 to index
        %get3A_112 = arith.constant 0 : index
        %get3A_113 = tpu.vector_load %arg9[%get3A_111, %get3A_112] {strides = array<i32>} : memref<640x32xf32, #tpu.memory_space<vmem>>, vector<16xf32>,
        %mul3A_114 = arith.mulf %get3A_113, %gather3A_110 : vector<16xf32>
        %swap3A_115 = arith.index_cast %add3A_108 : i32 to index
        %swap3A_116 = arith.constant 0 : index
        %swap3A_117 = tpu.vector_load %arg9[%swap3A_115, %swap3A_116] {strides = array<i32>} : memref<640x32xf32, #tpu.memory_space<vmem>>, vector<16xf32>,
        tpu.vector_store %arg9[%swap3A_115, %swap3A_116], %mul3A_114 {strides = array<i32>} : memref<640x32xf32, #tpu.memory_space<vmem>>, vector<16xf32>,
        %get3A_118 = arith.index_cast %add3A_108 : i32 to index
        %get3A_119 = arith.constant 16 : index
        %get3A_120 = tpu.vector_load %arg9[%get3A_118, %get3A_119] {strides = array<i32>} : memref<640x32xf32, #tpu.memory_space<vmem>>, vector<16xf32>,
        %mul3A_121 = arith.mulf %get3A_120, %gather3A_110 : vector<16xf32>
        %swap3A_122 = arith.index_cast %add3A_108 : i32 to index
        %swap3A_123 = arith.constant 16 : index
        %swap3A_124 = tpu.vector_load %arg9[%swap3A_122, %swap3A_123] {strides = array<i32>} : memref<640x32xf32, #tpu.memory_space<vmem>>, vector<16xf32>,
        tpu.vector_store %arg9[%swap3A_122, %swap3A_123], %mul3A_121 {strides = array<i32>} : memref<640x32xf32, #tpu.memory_space<vmem>>, vector<16xf32>,
        %mul3A_125 = arith.constant 4 : i32
        %mul3A_126 = arith.muli %scan3A_68, %mul3A_125 : i32
        %add3A_127 = arith.constant 3 : i32
        %add3A_128 = arith.addi %mul3A_126, %add3A_127 : i32
        %broadcast_in_dim3A_129 = vector.broadcast %add3A_128 : i32 to vector<16xi32>
        %gather3A_130 = tpu.vector_load_idx %arg10[%broadcast_in_dim3A_129] : memref<640xf32, #tpu.memory_space<vmem>>[vector<16xi32>], vector<16xf32>,
        %get3A_131 = arith.index_cast %add3A_128 : i32 to index
        %get3A_132 = arith.constant 0 : index
        %get3A_133 = tpu.vector_load %arg9[%get3A_131, %get3A_132] {strides = array<i32>} : memref<640x32xf32, #tpu.memory_space<vmem>>, vector<16xf32>,
        %mul3A_134 = arith.mulf %get3A_133, %gather3A_130 : vector<16xf32>
        %swap3A_135 = arith.index_cast %add3A_128 : i32 to index
        %swap3A_136 = arith.constant 0 : index
        %swap3A_137 = tpu.vector_load %arg9[%swap3A_135, %swap3A_136] {strides = array<i32>} : memref<640x32xf32, #tpu.memory_space<vmem>>, vector<16xf32>,
        tpu.vector_store %arg9[%swap3A_135, %swap3A_136], %mul3A_134 {strides = array<i32>} : memref<640x32xf32, #tpu.memory_space<vmem>>, vector<16xf32>,
        %get3A_138 = arith.index_cast %add3A_128 : i32 to index
        %get3A_139 = arith.constant 16 : index
        %get3A_140 = tpu.vector_load %arg9[%get3A_138, %get3A_139] {strides = array<i32>} : memref<640x32xf32, #tpu.memory_space<vmem>>, vector<16xf32>,
        %mul3A_141 = arith.mulf %get3A_140, %gather3A_130 : vector<16xf32>
        %swap3A_142 = arith.index_cast %add3A_128 : i32 to index
        %swap3A_143 = arith.constant 16 : index
        %swap3A_144 = tpu.vector_load %arg9[%swap3A_142, %swap3A_143] {strides = array<i32>} : memref<640x32xf32, #tpu.memory_space<vmem>>, vector<16xf32>,
        tpu.vector_store %arg9[%swap3A_142, %swap3A_143], %mul3A_141 {strides = array<i32>} : memref<640x32xf32, #tpu.memory_space<vmem>>, vector<16xf32>,
      }
      %scan3A_61 = arith.constant 160 : i32
      %dma_start3A_62 = arith.constant 0 : i32
      %dma_start3A_63 = arith.constant 0 : i32
      %dma_start3A_64 = tpu.memref_slice %arg11[%dma_start3A_62, %dma_start3A_63] : memref<50000x32xf32, #tpu.memory_space<vmem_shared>> -> memref<50000x32xf32, #tpu.memory_space<vmem_shared>>
      tpu.enqueue_indirect_dma source(%arg9 : memref<640x32xf32, #tpu.memory_space<vmem>>) target(%dma_start3A_64 : memref<50000x32xf32, #tpu.memory_space<vmem_shared>>) offsets(%arg8 : memref<640xi32, #tpu.memory_space<vmem>>) semaphore(%arg12 : memref<!tpu.dma_semaphore, #tpu.memory_space<semaphore_mem>>) {add = true}
      %dma_wait3A_65 = arith.constant 0 : i32
      %dma_wait3A_66 = arith.constant 0 : i32
      %dma_wait3A_67 = tpu.memref_slice %arg11[%dma_wait3A_65, %dma_wait3A_66] : memref<50000x32xf32, #tpu.memory_space<vmem_shared>> -> memref<50000x32xf32, #tpu.memory_space<vmem_shared>>
      tpu.wait_indirect_dma semaphore(%arg12 : memref<!tpu.dma_semaphore, #tpu.memory_space<semaphore_mem>>) src(%arg9 : memref<640x32xf32, #tpu.memory_space<vmem>>) dst(%dma_wait3A_67 : memref<50000x32xf32, #tpu.memory_space<vmem_shared>>)
    }
    %scan3A_19 = arith.constant 80 : i32
    %barrier3A_20 = arith.constant 0 : index
    tpu.barrier barrier_id(%barrier3A_20)
    %lt3A_21 = arith.constant 15 : i32
    %lt3A_22 = arith.cmpi slt, %arg1, %lt3A_21 : i32
    %convert_element_type3A_23 = arith.extui %lt3A_22 : i1 to i32
    %cond3A_24 = arith.constant 0 : i32
    %cond3A_25 = arith.cmpi ne, %convert_element_type3A_23, %cond3A_24 : i32
    scf.if %cond3A_25 {
      "tpu.region"() ({
        %run_scoped3A = tpu.sem_alloc : memref<!tpu.dma_semaphore, #tpu.memory_space<semaphore_mem>>
        %dma_start3A = arith.constant 0 : i32
        %dma_start3A_31 = tpu.memref_slice %arg5[%arg0, %mul3A_7, %dma_start3A] : memref<2x50000x32xf32, #tpu.memory_space<hbm>> -> memref<1x3136x32xf32, #tpu.memory_space<hbm>>
        %dma_start3A_32 = tpu.memref_squeeze %dma_start3A_31 : memref<1x3136x32xf32, #tpu.memory_space<hbm>> -> memref<3136x32xf32, #tpu.memory_space<hbm>>
        %dma_start3A_33 = arith.constant 0 : i32
        %dma_start3A_34 = tpu.memref_slice %arg11[%mul3A_7, %dma_start3A_33] : memref<50000x32xf32, #tpu.memory_space<vmem_shared>> -> memref<3136x32xf32, #tpu.memory_space<vmem_shared>>
        tpu.enqueue_dma source(%dma_start3A_34 : memref<3136x32xf32, #tpu.memory_space<vmem_shared>>) target(%dma_start3A_32 : memref<3136x32xf32, #tpu.memory_space<hbm>>) target_semaphore(%run_scoped3A : memref<!tpu.dma_semaphore, #tpu.memory_space<semaphore_mem>>)
        %dma_wait3A = arith.constant 0 : i32
        %dma_wait3A_35 = tpu.memref_slice %arg5[%arg0, %mul3A_7, %dma_wait3A] : memref<2x50000x32xf32, #tpu.memory_space<hbm>> -> memref<1x3136x32xf32, #tpu.memory_space<hbm>>
        %dma_wait3A_36 = tpu.memref_squeeze %dma_wait3A_35 : memref<1x3136x32xf32, #tpu.memory_space<hbm>> -> memref<3136x32xf32, #tpu.memory_space<hbm>>
        %dma_wait3A_37 = arith.constant 0 : i32
        %dma_wait3A_38 = tpu.memref_slice %arg11[%mul3A_7, %dma_wait3A_37] : memref<50000x32xf32, #tpu.memory_space<vmem_shared>> -> memref<3136x32xf32, #tpu.memory_space<vmem_shared>>
        tpu.wait_dma2 semaphore(%run_scoped3A : memref<!tpu.dma_semaphore, #tpu.memory_space<semaphore_mem>>) src(%dma_wait3A_38 : memref<3136x32xf32, #tpu.memory_space<vmem_shared>>) dst(%dma_wait3A_36 : memref<3136x32xf32, #tpu.memory_space<hbm>>)
        tpu.yield
      }) : () -> ()
    } else {
    }
    %eq3A_26 = arith.constant 15 : i32
    %eq3A_27 = arith.cmpi eq, %arg1, %eq3A_26 : i32
    %convert_element_type3A_28 = arith.extui %eq3A_27 : i1 to i32
    %cond3A_29 = arith.constant 0 : i32
    %cond3A_30 = arith.cmpi ne, %convert_element_type3A_28, %cond3A_29 : i32
    scf.if %cond3A_30 {
      "tpu.region"() ({
        %run_scoped3A = tpu.sem_alloc : memref<!tpu.dma_semaphore, #tpu.memory_space<semaphore_mem>>
        %dma_start3A = arith.constant 0 : i32
        %dma_start3A_31 = tpu.memref_slice %arg5[%arg0, %mul3A_7, %dma_start3A] : memref<2x50000x32xf32, #tpu.memory_space<hbm>> -> memref<1x2960x32xf32, #tpu.memory_space<hbm>>
        %dma_start3A_32 = tpu.memref_squeeze %dma_start3A_31 : memref<1x2960x32xf32, #tpu.memory_space<hbm>> -> memref<2960x32xf32, #tpu.memory_space<hbm>>
        %dma_start3A_33 = arith.constant 0 : i32
        %dma_start3A_34 = tpu.memref_slice %arg11[%mul3A_7, %dma_start3A_33] : memref<50000x32xf32, #tpu.memory_space<vmem_shared>> -> memref<2960x32xf32, #tpu.memory_space<vmem_shared>>
        tpu.enqueue_dma source(%dma_start3A_34 : memref<2960x32xf32, #tpu.memory_space<vmem_shared>>) target(%dma_start3A_32 : memref<2960x32xf32, #tpu.memory_space<hbm>>) target_semaphore(%run_scoped3A : memref<!tpu.dma_semaphore, #tpu.memory_space<semaphore_mem>>)
        %dma_wait3A = arith.constant 0 : i32
        %dma_wait3A_35 = tpu.memref_slice %arg5[%arg0, %mul3A_7, %dma_wait3A] : memref<2x50000x32xf32, #tpu.memory_space<hbm>> -> memref<1x2960x32xf32, #tpu.memory_space<hbm>>
        %dma_wait3A_36 = tpu.memref_squeeze %dma_wait3A_35 : memref<1x2960x32xf32, #tpu.memory_space<hbm>> -> memref<2960x32xf32, #tpu.memory_space<hbm>>
        %dma_wait3A_37 = arith.constant 0 : i32
        %dma_wait3A_38 = tpu.memref_slice %arg11[%mul3A_7, %dma_wait3A_37] : memref<50000x32xf32, #tpu.memory_space<vmem_shared>> -> memref<2960x32xf32, #tpu.memory_space<vmem_shared>>
        tpu.wait_dma2 semaphore(%run_scoped3A : memref<!tpu.dma_semaphore, #tpu.memory_space<semaphore_mem>>) src(%dma_wait3A_38 : memref<2960x32xf32, #tpu.memory_space<vmem_shared>>) dst(%dma_wait3A_36 : memref<2960x32xf32, #tpu.memory_space<hbm>>)
        tpu.yield
      }) : () -> ()
    } else {
    }
    return
  }
}

module attributes {stable_mosaic.version = 14 : i64} {
  func.func @body(%arg0: i32, %arg1: i32, %arg2: memref<1x1000x256xf32, #tpu.memory_space<vmem>>, %arg3: memref<1x256x64xf32, #tpu.memory_space<vmem>>, %arg4: memref<1x1x64xf32, #tpu.memory_space<vmem>>, %arg5: memref<1x1000x64xf32, #tpu.memory_space<vmem>>) attributes {dimension_semantics = [#tpu.dimension_semantics<arbitrary>, #tpu.dimension_semantics<arbitrary>], iteration_bounds = array<i64: 2, 25>, scalar_prefetch = 0 : i64, scratch_operands = 0 : i64, tpu.core_type = #tpu.core_type<tc>, window_params = [{transform_indices = @transform_0, window_bounds = array<i64: 1, 1000, 256>}, {transform_indices = @transform_1, window_bounds = array<i64: 1, 256, 64>}, {transform_indices = @transform_2, window_bounds = array<i64: 1, 1, 64>}, {transform_indices = @transform_3, window_bounds = array<i64: 1, 1000, 64>}]} {
    %get3A = arith.constant 0 : index
    %get3A_0 = arith.constant 0 : index
    %get3A_1 = arith.constant 0 : index
    %get3A_2 = vector.load %arg2[%get3A, %get3A_0, %get3A_1] : memref<1x1000x256xf32, #tpu.memory_space<vmem>>, vector<1x1000x256xf32>
    %get3A_3 = vector.shape_cast %get3A_2 : vector<1x1000x256xf32> to vector<1000x256xf32>
    %get3A_4 = arith.constant 0 : index
    %get3A_5 = arith.constant 0 : index
    %get3A_6 = arith.constant 0 : index
    %get3A_7 = vector.load %arg3[%get3A_4, %get3A_5, %get3A_6] : memref<1x256x64xf32, #tpu.memory_space<vmem>>, vector<1x256x64xf32>
    %get3A_8 = vector.shape_cast %get3A_7 : vector<1x256x64xf32> to vector<256x64xf32>
    %dot_general3A = arith.constant dense<0.000000e+00> : vector<1000x64xf32>
    %dot_general3A_9 = tpu.matmul %get3A_3, %get3A_8, %dot_general3A {dimension_numbers = #tpu.dot_dimension_numbers<[1], [0], [0], [1], [0, 0, 1, 1], [], []>, transpose_lhs_hint = false} : vector<1000x256xf32>, vector<256x64xf32>, vector<1000x64xf32> -> vector<1000x64xf32>
    %get3A_10 = arith.constant 0 : index
    %get3A_11 = arith.constant 0 : index
    %get3A_12 = arith.constant 0 : index
    %get3A_13 = vector.load %arg4[%get3A_10, %get3A_11, %get3A_12] : memref<1x1x64xf32, #tpu.memory_space<vmem>>, vector<1x1x64xf32>
    %get3A_14 = vector.shape_cast %get3A_13 : vector<1x1x64xf32> to vector<64xf32>
    %broadcast_in_dim3A = vector.shape_cast %get3A_14 : vector<64xf32> to vector<1x64xf32>
    %add3A = vector.broadcast %broadcast_in_dim3A : vector<1x64xf32> to vector<1000x64xf32>
    %add3A_15 = arith.addf %dot_general3A_9, %add3A : vector<1000x64xf32>
    %max3A = arith.constant 0.000000e+00 : f32
    %max3A_16 = vector.broadcast %max3A : f32 to vector<1000x64xf32>
    %max3A_17 = arith.maximumf %add3A_15, %max3A_16 : vector<1000x64xf32>
    %swap3A = arith.constant 0 : index
    %swap3A_18 = arith.constant 0 : index
    %swap3A_19 = arith.constant 0 : index
    %swap3A_20 = vector.load %arg5[%swap3A, %swap3A_18, %swap3A_19] : memref<1x1000x64xf32, #tpu.memory_space<vmem>>, vector<1x1000x64xf32>
    %swap3A_21 = vector.shape_cast %swap3A_20 : vector<1x1000x64xf32> to vector<1000x64xf32>
    %swap3A_22 = vector.shape_cast %max3A_17 : vector<1000x64xf32> to vector<1x1000x64xf32>
    tpu.vector_store %arg5[%swap3A, %swap3A_18, %swap3A_19], %swap3A_22 {strides = array<i32>} : memref<1x1000x64xf32, #tpu.memory_space<vmem>>, vector<1x1000x64xf32>,
    return
  }
  func.func @transform_0(%arg0: i32, %arg1: i32) -> (i32, i32, i32) {
    %c0_i32 = arith.constant 0 : i32
    %c0_i32_0 = arith.constant 0 : i32
    return %arg0, %arg1, %c0_i32 : i32, i32, i32
  }
  func.func @transform_1(%arg0: i32, %arg1: i32) -> (i32, i32, i32) {
    %c0_i32 = arith.constant 0 : i32
    %c0_i32_0 = arith.constant 0 : i32
    %c0_i32_1 = arith.constant 0 : i32
    return %arg0, %c0_i32, %c0_i32_0 : i32, i32, i32
  }
  func.func @transform_2(%arg0: i32, %arg1: i32) -> (i32, i32, i32) {
    %c0_i32 = arith.constant 0 : i32
    %c0_i32_0 = arith.constant 0 : i32
    %c0_i32_1 = arith.constant 0 : i32
    return %arg0, %c0_i32, %c0_i32_0 : i32, i32, i32
  }
  func.func @transform_3(%arg0: i32, %arg1: i32) -> (i32, i32, i32) {
    %c0_i32 = arith.constant 0 : i32
    %c0_i32_0 = arith.constant 0 : i32
    return %arg0, %arg1, %c0_i32 : i32, i32, i32
  }
}

module attributes {stable_mosaic.version = 14 : i64} {
  func.func @body(%arg0: i32, %arg1: i32, %arg2: memref<2000x64xf32, #tpu.memory_space<vmem>>, %arg3: memref<1x64x64xf32, #tpu.memory_space<vmem>>, %arg4: memref<1x64x16xf32, #tpu.memory_space<vmem>>, %arg5: memref<2x1x2000x32xf32, #tpu.memory_space<vmem>>, %arg6: memref<1x2000x16xf32, #tpu.memory_space<vmem>>) attributes {dimension_semantics = [#tpu.dimension_semantics<arbitrary>, #tpu.dimension_semantics<arbitrary>], iteration_bounds = array<i64: 4, 25>, scalar_prefetch = 0 : i64, scratch_operands = 0 : i64, tpu.core_type = #tpu.core_type<tc>, window_params = [{transform_indices = @transform_0, window_bounds = array<i64: 2000, 64>}, {transform_indices = @transform_1, window_bounds = array<i64: 1, 64, 64>}, {transform_indices = @transform_2, window_bounds = array<i64: 1, 64, 16>}, {transform_indices = @transform_3, window_bounds = array<i64: 2, 1, 2000, 32>}, {transform_indices = @transform_4, window_bounds = array<i64: 1, 2000, 16>}]} {
    %get3A = arith.constant 0 : index
    %get3A_0 = arith.constant 0 : index
    %get3A_1 = vector.load %arg2[%get3A, %get3A_0] : memref<2000x64xf32, #tpu.memory_space<vmem>>, vector<2000x64xf32>
    %get3A_2 = arith.constant 0 : index
    %get3A_3 = arith.constant 0 : index
    %get3A_4 = arith.constant 0 : index
    %get3A_5 = vector.load %arg3[%get3A_2, %get3A_3, %get3A_4] : memref<1x64x64xf32, #tpu.memory_space<vmem>>, vector<1x64x64xf32>
    %get3A_6 = vector.shape_cast %get3A_5 : vector<1x64x64xf32> to vector<64x64xf32>
    %dot_general3A = arith.constant dense<0.000000e+00> : vector<2000x64xf32>
    %dot_general3A_7 = tpu.matmul %get3A_1, %get3A_6, %dot_general3A {dimension_numbers = #tpu.dot_dimension_numbers<[1], [0], [0], [1], [0, 0, 1, 1], [], []>, transpose_lhs_hint = false} : vector<2000x64xf32>, vector<64x64xf32>, vector<2000x64xf32> -> vector<2000x64xf32>
    %slice3A = vector.extract_strided_slice %dot_general3A_7 {offsets = [0, 0], sizes = [2000, 32], strides = [1, 1]} : vector<2000x64xf32> to vector<2000x32xf32>
    %swap3A = arith.constant 0 : index
    %swap3A_8 = arith.constant 0 : index
    %swap3A_9 = arith.constant 0 : index
    %swap3A_10 = arith.constant 0 : index
    %swap3A_11 = vector.load %arg5[%swap3A, %swap3A_8, %swap3A_9, %swap3A_10] : memref<2x1x2000x32xf32, #tpu.memory_space<vmem>>, vector<1x1x2000x32xf32>
    %swap3A_12 = vector.shape_cast %swap3A_11 : vector<1x1x2000x32xf32> to vector<2000x32xf32>
    %swap3A_13 = vector.shape_cast %slice3A : vector<2000x32xf32> to vector<1x1x2000x32xf32>
    tpu.vector_store %arg5[%swap3A, %swap3A_8, %swap3A_9, %swap3A_10], %swap3A_13 {strides = array<i32>} : memref<2x1x2000x32xf32, #tpu.memory_space<vmem>>, vector<1x1x2000x32xf32>,
    %slice3A_14 = vector.extract_strided_slice %dot_general3A_7 {offsets = [0, 32], sizes = [2000, 32], strides = [1, 1]} : vector<2000x64xf32> to vector<2000x32xf32>
    %swap3A_15 = arith.constant 1 : index
    %swap3A_16 = arith.constant 0 : index
    %swap3A_17 = arith.constant 0 : index
    %swap3A_18 = arith.constant 0 : index
    %swap3A_19 = vector.load %arg5[%swap3A_15, %swap3A_16, %swap3A_17, %swap3A_18] : memref<2x1x2000x32xf32, #tpu.memory_space<vmem>>, vector<1x1x2000x32xf32>
    %swap3A_20 = vector.shape_cast %swap3A_19 : vector<1x1x2000x32xf32> to vector<2000x32xf32>
    %swap3A_21 = vector.shape_cast %slice3A_14 : vector<2000x32xf32> to vector<1x1x2000x32xf32>
    tpu.vector_store %arg5[%swap3A_15, %swap3A_16, %swap3A_17, %swap3A_18], %swap3A_21 {strides = array<i32>} : memref<2x1x2000x32xf32, #tpu.memory_space<vmem>>, vector<1x1x2000x32xf32>,
    %get3A_22 = arith.constant 0 : index
    %get3A_23 = arith.constant 0 : index
    %get3A_24 = vector.load %arg2[%get3A_22, %get3A_23] : memref<2000x64xf32, #tpu.memory_space<vmem>>, vector<2000x64xf32>
    %get3A_25 = arith.constant 0 : index
    %get3A_26 = arith.constant 0 : index
    %get3A_27 = arith.constant 0 : index
    %get3A_28 = vector.load %arg4[%get3A_25, %get3A_26, %get3A_27] : memref<1x64x16xf32, #tpu.memory_space<vmem>>, vector<1x64x16xf32>
    %get3A_29 = vector.shape_cast %get3A_28 : vector<1x64x16xf32> to vector<64x16xf32>
    %dot_general3A_30 = arith.constant dense<0.000000e+00> : vector<2000x16xf32>
    %dot_general3A_31 = tpu.matmul %get3A_24, %get3A_29, %dot_general3A_30 {dimension_numbers = #tpu.dot_dimension_numbers<[1], [0], [0], [1], [0, 0, 1, 1], [], []>, transpose_lhs_hint = false} : vector<2000x64xf32>, vector<64x16xf32>, vector<2000x16xf32> -> vector<2000x16xf32>
    %swap3A_32 = arith.constant 0 : index
    %swap3A_33 = arith.constant 0 : index
    %swap3A_34 = arith.constant 0 : index
    %swap3A_35 = vector.load %arg6[%swap3A_32, %swap3A_33, %swap3A_34] : memref<1x2000x16xf32, #tpu.memory_space<vmem>>, vector<1x2000x16xf32>
    %swap3A_36 = vector.shape_cast %swap3A_35 : vector<1x2000x16xf32> to vector<2000x16xf32>
    %swap3A_37 = vector.shape_cast %dot_general3A_31 : vector<2000x16xf32> to vector<1x2000x16xf32>
    tpu.vector_store %arg6[%swap3A_32, %swap3A_33, %swap3A_34], %swap3A_37 {strides = array<i32>} : memref<1x2000x16xf32, #tpu.memory_space<vmem>>, vector<1x2000x16xf32>,
    return
  }
  func.func @transform_0(%arg0: i32, %arg1: i32) -> (i32, i32) {
    %c0_i32 = arith.constant 0 : i32
    %c0_i32_0 = arith.constant 0 : i32
    return %arg1, %c0_i32 : i32, i32
  }
  func.func @transform_1(%arg0: i32, %arg1: i32) -> (i32, i32, i32) {
    %c0_i32 = arith.constant 0 : i32
    %c0_i32_0 = arith.constant 0 : i32
    %c0_i32_1 = arith.constant 0 : i32
    return %arg0, %c0_i32, %c0_i32_0 : i32, i32, i32
  }
  func.func @transform_2(%arg0: i32, %arg1: i32) -> (i32, i32, i32) {
    %c0_i32 = arith.constant 0 : i32
    %c0_i32_0 = arith.constant 0 : i32
    %c0_i32_1 = arith.constant 0 : i32
    return %arg0, %c0_i32, %c0_i32_0 : i32, i32, i32
  }
  func.func @transform_3(%arg0: i32, %arg1: i32) -> (i32, i32, i32, i32) {
    %c0_i32 = arith.constant 0 : i32
    %c0_i32_0 = arith.constant 0 : i32
    %c0_i32_1 = arith.constant 0 : i32
    return %c0_i32, %arg0, %arg1, %c0_i32_0 : i32, i32, i32, i32
  }
  func.func @transform_4(%arg0: i32, %arg1: i32) -> (i32, i32, i32) {
    %c0_i32 = arith.constant 0 : i32
    %c0_i32_0 = arith.constant 0 : i32
    return %arg0, %arg1, %c0_i32 : i32, i32, i32
  }
}

module attributes {stable_mosaic.version = 14 : i64} {
  func.func @body(%arg0: i32, %arg1: memref<2x2000x32xf32, #tpu.memory_space<vmem>>, %arg2: memref<2x2000x8xf32, #tpu.memory_space<vmem>>, %arg3: memref<64xf32, #tpu.memory_space<vmem>>, %arg4: memref<2000x64xf32, #tpu.memory_space<vmem>>) attributes {dimension_semantics = [#tpu.dimension_semantics<arbitrary>], iteration_bounds = array<i64: 25>, scalar_prefetch = 0 : i64, scratch_operands = 0 : i64, tpu.core_type = #tpu.core_type<tc>, window_params = [{transform_indices = @transform_0, window_bounds = array<i64: 2, 2000, 32>}, {transform_indices = @transform_1, window_bounds = array<i64: 2, 2000, 8>}, {pipeline_mode = #tpu.pipeline_mode<synchronous>, transform_indices = @transform_2, window_bounds = array<i64: 64>}, {transform_indices = @transform_3, window_bounds = array<i64: 2000, 64>}]} {
    %get3A = arith.constant 0 : index
    %get3A_0 = arith.constant 0 : index
    %get3A_1 = arith.constant 0 : index
    %get3A_2 = vector.load %arg2[%get3A, %get3A_0, %get3A_1] : memref<2x2000x8xf32, #tpu.memory_space<vmem>>, vector<1x2000x8xf32>
    %get3A_3 = vector.shape_cast %get3A_2 : vector<1x2000x8xf32> to vector<2000x8xf32>
    %get3A_4 = arith.constant 1 : index
    %get3A_5 = arith.constant 0 : index
    %get3A_6 = arith.constant 0 : index
    %get3A_7 = vector.load %arg2[%get3A_4, %get3A_5, %get3A_6] : memref<2x2000x8xf32, #tpu.memory_space<vmem>>, vector<1x2000x8xf32>
    %get3A_8 = vector.shape_cast %get3A_7 : vector<1x2000x8xf32> to vector<2000x8xf32>
    %add3A = arith.addf %get3A_3, %get3A_8 : vector<2000x8xf32>
    %slice3A = vector.extract_strided_slice %add3A {offsets = [0, 0], sizes = [2000, 1], strides = [1, 1]} : vector<2000x8xf32> to vector<2000x1xf32>
    %add3A_9 = arith.constant 1.000000e-16 : f32
    %add3A_10 = vector.broadcast %add3A_9 : f32 to vector<2000x1xf32>
    %add3A_11 = arith.addf %slice3A, %add3A_10 : vector<2000x1xf32>
    %div3A = arith.constant 1.000000e+00 : f32
    %div3A_12 = vector.broadcast %div3A : f32 to vector<2000x1xf32>
    %div3A_13 = arith.divf %div3A_12, %add3A_11 : vector<2000x1xf32>
    %slice3A_14 = vector.extract_strided_slice %add3A {offsets = [0, 1], sizes = [2000, 1], strides = [1, 1]} : vector<2000x8xf32> to vector<2000x1xf32>
    %add3A_15 = arith.constant 1.000000e-16 : f32
    %add3A_16 = vector.broadcast %add3A_15 : f32 to vector<2000x1xf32>
    %add3A_17 = arith.addf %slice3A_14, %add3A_16 : vector<2000x1xf32>
    %div3A_18 = arith.constant 1.000000e+00 : f32
    %div3A_19 = vector.broadcast %div3A_18 : f32 to vector<2000x1xf32>
    %div3A_20 = arith.divf %div3A_19, %add3A_17 : vector<2000x1xf32>
    %get3A_21 = arith.constant 0 : index
    %get3A_22 = arith.constant 0 : index
    %get3A_23 = arith.constant 0 : index
    %get3A_24 = vector.load %arg1[%get3A_21, %get3A_22, %get3A_23] : memref<2x2000x32xf32, #tpu.memory_space<vmem>>, vector<1x2000x32xf32>
    %get3A_25 = vector.shape_cast %get3A_24 : vector<1x2000x32xf32> to vector<2000x32xf32>
    %mul3A = vector.broadcast %div3A_13 : vector<2000x1xf32> to vector<2000x32xf32>
    %mul3A_26 = arith.mulf %get3A_25, %mul3A : vector<2000x32xf32>
    %get3A_27 = arith.constant 1 : index
    %get3A_28 = arith.constant 0 : index
    %get3A_29 = arith.constant 0 : index
    %get3A_30 = vector.load %arg1[%get3A_27, %get3A_28, %get3A_29] : memref<2x2000x32xf32, #tpu.memory_space<vmem>>, vector<1x2000x32xf32>
    %get3A_31 = vector.shape_cast %get3A_30 : vector<1x2000x32xf32> to vector<2000x32xf32>
    %mul3A_32 = vector.broadcast %div3A_20 : vector<2000x1xf32> to vector<2000x32xf32>
    %mul3A_33 = arith.mulf %get3A_31, %mul3A_32 : vector<2000x32xf32>
    %concatenate3A = tpu.concatenate %mul3A_26, %mul3A_33 in 1 : vector<2000x32xf32>, vector<2000x32xf32> -> vector<2000x64xf32>
    %get3A_34 = arith.constant 0 : index
    %get3A_35 = vector.load %arg3[%get3A_34] : memref<64xf32, #tpu.memory_space<vmem>>, vector<64xf32>
    %broadcast_in_dim3A = vector.shape_cast %get3A_35 : vector<64xf32> to vector<1x64xf32>
    %add3A_36 = vector.broadcast %broadcast_in_dim3A : vector<1x64xf32> to vector<2000x64xf32>
    %add3A_37 = arith.addf %concatenate3A, %add3A_36 : vector<2000x64xf32>
    %max3A = arith.constant 0.000000e+00 : f32
    %max3A_38 = vector.broadcast %max3A : f32 to vector<2000x64xf32>
    %max3A_39 = arith.maximumf %add3A_37, %max3A_38 : vector<2000x64xf32>
    %swap3A = arith.constant 0 : index
    %swap3A_40 = arith.constant 0 : index
    %swap3A_41 = vector.load %arg4[%swap3A, %swap3A_40] : memref<2000x64xf32, #tpu.memory_space<vmem>>, vector<2000x64xf32>
    tpu.vector_store %arg4[%swap3A, %swap3A_40], %max3A_39 {strides = array<i32>} : memref<2000x64xf32, #tpu.memory_space<vmem>>, vector<2000x64xf32>,
    return
  }
  func.func @transform_0(%arg0: i32) -> (i32, i32, i32) {
    %c0_i32 = arith.constant 0 : i32
    %c0_i32_0 = arith.constant 0 : i32
    %c0_i32_1 = arith.constant 0 : i32
    return %c0_i32, %arg0, %c0_i32_0 : i32, i32, i32
  }
  func.func @transform_1(%arg0: i32) -> (i32, i32, i32) {
    %c0_i32 = arith.constant 0 : i32
    %c0_i32_0 = arith.constant 0 : i32
    %c0_i32_1 = arith.constant 0 : i32
    return %c0_i32, %arg0, %c0_i32_0 : i32, i32, i32
  }
  func.func @transform_2(%arg0: i32) -> i32 {
    %c0_i32 = arith.constant 0 : i32
    %c0_i32_0 = arith.constant 0 : i32
    return %c0_i32 : i32
  }
  func.func @transform_3(%arg0: i32) -> (i32, i32) {
    %c0_i32 = arith.constant 0 : i32
    %c0_i32_0 = arith.constant 0 : i32
    return %arg0, %c0_i32 : i32, i32
  }
}

module attributes {stable_mosaic.version = 14 : i64} {
  func.func @body(%arg0: i32, %arg1: i32, %arg2: memref<2000x64xf32, #tpu.memory_space<vmem>>, %arg3: memref<1x64x32xf32, #tpu.memory_space<vmem>>, %arg4: memref<1x64x16xf32, #tpu.memory_space<vmem>>, %arg5: memref<2x1x2000x16xf32, #tpu.memory_space<vmem>>, %arg6: memref<1x2000x16xf32, #tpu.memory_space<vmem>>) attributes {dimension_semantics = [#tpu.dimension_semantics<arbitrary>, #tpu.dimension_semantics<arbitrary>], iteration_bounds = array<i64: 4, 25>, scalar_prefetch = 0 : i64, scratch_operands = 0 : i64, tpu.core_type = #tpu.core_type<tc>, window_params = [{transform_indices = @transform_0, window_bounds = array<i64: 2000, 64>}, {transform_indices = @transform_1, window_bounds = array<i64: 1, 64, 32>}, {transform_indices = @transform_2, window_bounds = array<i64: 1, 64, 16>}, {transform_indices = @transform_3, window_bounds = array<i64: 2, 1, 2000, 16>}, {transform_indices = @transform_4, window_bounds = array<i64: 1, 2000, 16>}]} {
    %get3A = arith.constant 0 : index
    %get3A_0 = arith.constant 0 : index
    %get3A_1 = vector.load %arg2[%get3A, %get3A_0] : memref<2000x64xf32, #tpu.memory_space<vmem>>, vector<2000x64xf32>
    %get3A_2 = arith.constant 0 : index
    %get3A_3 = arith.constant 0 : index
    %get3A_4 = arith.constant 0 : index
    %get3A_5 = vector.load %arg3[%get3A_2, %get3A_3, %get3A_4] : memref<1x64x32xf32, #tpu.memory_space<vmem>>, vector<1x64x32xf32>
    %get3A_6 = vector.shape_cast %get3A_5 : vector<1x64x32xf32> to vector<64x32xf32>
    %dot_general3A = arith.constant dense<0.000000e+00> : vector<2000x32xf32>
    %dot_general3A_7 = tpu.matmul %get3A_1, %get3A_6, %dot_general3A {dimension_numbers = #tpu.dot_dimension_numbers<[1], [0], [0], [1], [0, 0, 1, 1], [], []>, transpose_lhs_hint = false} : vector<2000x64xf32>, vector<64x32xf32>, vector<2000x32xf32> -> vector<2000x32xf32>
    %slice3A = vector.extract_strided_slice %dot_general3A_7 {offsets = [0, 0], sizes = [2000, 16], strides = [1, 1]} : vector<2000x32xf32> to vector<2000x16xf32>
    %swap3A = arith.constant 0 : index
    %swap3A_8 = arith.constant 0 : index
    %swap3A_9 = arith.constant 0 : index
    %swap3A_10 = arith.constant 0 : index
    %swap3A_11 = vector.load %arg5[%swap3A, %swap3A_8, %swap3A_9, %swap3A_10] : memref<2x1x2000x16xf32, #tpu.memory_space<vmem>>, vector<1x1x2000x16xf32>
    %swap3A_12 = vector.shape_cast %swap3A_11 : vector<1x1x2000x16xf32> to vector<2000x16xf32>
    %swap3A_13 = vector.shape_cast %slice3A : vector<2000x16xf32> to vector<1x1x2000x16xf32>
    tpu.vector_store %arg5[%swap3A, %swap3A_8, %swap3A_9, %swap3A_10], %swap3A_13 {strides = array<i32>} : memref<2x1x2000x16xf32, #tpu.memory_space<vmem>>, vector<1x1x2000x16xf32>,
    %slice3A_14 = vector.extract_strided_slice %dot_general3A_7 {offsets = [0, 16], sizes = [2000, 16], strides = [1, 1]} : vector<2000x32xf32> to vector<2000x16xf32>
    %swap3A_15 = arith.constant 1 : index
    %swap3A_16 = arith.constant 0 : index
    %swap3A_17 = arith.constant 0 : index
    %swap3A_18 = arith.constant 0 : index
    %swap3A_19 = vector.load %arg5[%swap3A_15, %swap3A_16, %swap3A_17, %swap3A_18] : memref<2x1x2000x16xf32, #tpu.memory_space<vmem>>, vector<1x1x2000x16xf32>
    %swap3A_20 = vector.shape_cast %swap3A_19 : vector<1x1x2000x16xf32> to vector<2000x16xf32>
    %swap3A_21 = vector.shape_cast %slice3A_14 : vector<2000x16xf32> to vector<1x1x2000x16xf32>
    tpu.vector_store %arg5[%swap3A_15, %swap3A_16, %swap3A_17, %swap3A_18], %swap3A_21 {strides = array<i32>} : memref<2x1x2000x16xf32, #tpu.memory_space<vmem>>, vector<1x1x2000x16xf32>,
    %get3A_22 = arith.constant 0 : index
    %get3A_23 = arith.constant 0 : index
    %get3A_24 = vector.load %arg2[%get3A_22, %get3A_23] : memref<2000x64xf32, #tpu.memory_space<vmem>>, vector<2000x64xf32>
    %get3A_25 = arith.constant 0 : index
    %get3A_26 = arith.constant 0 : index
    %get3A_27 = arith.constant 0 : index
    %get3A_28 = vector.load %arg4[%get3A_25, %get3A_26, %get3A_27] : memref<1x64x16xf32, #tpu.memory_space<vmem>>, vector<1x64x16xf32>
    %get3A_29 = vector.shape_cast %get3A_28 : vector<1x64x16xf32> to vector<64x16xf32>
    %dot_general3A_30 = arith.constant dense<0.000000e+00> : vector<2000x16xf32>
    %dot_general3A_31 = tpu.matmul %get3A_24, %get3A_29, %dot_general3A_30 {dimension_numbers = #tpu.dot_dimension_numbers<[1], [0], [0], [1], [0, 0, 1, 1], [], []>, transpose_lhs_hint = false} : vector<2000x64xf32>, vector<64x16xf32>, vector<2000x16xf32> -> vector<2000x16xf32>
    %swap3A_32 = arith.constant 0 : index
    %swap3A_33 = arith.constant 0 : index
    %swap3A_34 = arith.constant 0 : index
    %swap3A_35 = vector.load %arg6[%swap3A_32, %swap3A_33, %swap3A_34] : memref<1x2000x16xf32, #tpu.memory_space<vmem>>, vector<1x2000x16xf32>
    %swap3A_36 = vector.shape_cast %swap3A_35 : vector<1x2000x16xf32> to vector<2000x16xf32>
    %swap3A_37 = vector.shape_cast %dot_general3A_31 : vector<2000x16xf32> to vector<1x2000x16xf32>
    tpu.vector_store %arg6[%swap3A_32, %swap3A_33, %swap3A_34], %swap3A_37 {strides = array<i32>} : memref<1x2000x16xf32, #tpu.memory_space<vmem>>, vector<1x2000x16xf32>,
    return
  }
  func.func @transform_0(%arg0: i32, %arg1: i32) -> (i32, i32) {
    %c0_i32 = arith.constant 0 : i32
    %c0_i32_0 = arith.constant 0 : i32
    return %arg1, %c0_i32 : i32, i32
  }
  func.func @transform_1(%arg0: i32, %arg1: i32) -> (i32, i32, i32) {
    %c0_i32 = arith.constant 0 : i32
    %c0_i32_0 = arith.constant 0 : i32
    %c0_i32_1 = arith.constant 0 : i32
    return %arg0, %c0_i32, %c0_i32_0 : i32, i32, i32
  }
  func.func @transform_2(%arg0: i32, %arg1: i32) -> (i32, i32, i32) {
    %c0_i32 = arith.constant 0 : i32
    %c0_i32_0 = arith.constant 0 : i32
    %c0_i32_1 = arith.constant 0 : i32
    return %arg0, %c0_i32, %c0_i32_0 : i32, i32, i32
  }
  func.func @transform_3(%arg0: i32, %arg1: i32) -> (i32, i32, i32, i32) {
    %c0_i32 = arith.constant 0 : i32
    %c0_i32_0 = arith.constant 0 : i32
    %c0_i32_1 = arith.constant 0 : i32
    return %c0_i32, %arg0, %arg1, %c0_i32_0 : i32, i32, i32, i32
  }
  func.func @transform_4(%arg0: i32, %arg1: i32) -> (i32, i32, i32) {
    %c0_i32 = arith.constant 0 : i32
    %c0_i32_0 = arith.constant 0 : i32
    return %arg0, %arg1, %c0_i32 : i32, i32, i32
  }
}

module attributes {stable_mosaic.version = 14 : i64} {
  func.func @body(%arg0: i32, %arg1: memref<2x1000x16xf32, #tpu.memory_space<vmem>>, %arg2: memref<2x1000x8xf32, #tpu.memory_space<vmem>>, %arg3: memref<32xf32, #tpu.memory_space<vmem>>, %arg4: memref<32x8xf32, #tpu.memory_space<vmem>>, %arg5: memref<8xf32, #tpu.memory_space<vmem>>, %arg6: memref<1000x8xf32, #tpu.memory_space<vmem>>) attributes {dimension_semantics = [#tpu.dimension_semantics<arbitrary>], iteration_bounds = array<i64: 25>, scalar_prefetch = 0 : i64, scratch_operands = 0 : i64, tpu.core_type = #tpu.core_type<tc>, window_params = [{transform_indices = @transform_0, window_bounds = array<i64: 2, 1000, 16>}, {transform_indices = @transform_1, window_bounds = array<i64: 2, 1000, 8>}, {pipeline_mode = #tpu.pipeline_mode<synchronous>, transform_indices = @transform_2, window_bounds = array<i64: 32>}, {pipeline_mode = #tpu.pipeline_mode<synchronous>, transform_indices = @transform_3, window_bounds = array<i64: 32, 8>}, {pipeline_mode = #tpu.pipeline_mode<synchronous>, transform_indices = @transform_4, window_bounds = array<i64: 8>}, {transform_indices = @transform_5, window_bounds = array<i64: 1000, 8>}]} {
    %get3A = arith.constant 0 : index
    %get3A_0 = arith.constant 0 : index
    %get3A_1 = arith.constant 0 : index
    %get3A_2 = vector.load %arg2[%get3A, %get3A_0, %get3A_1] : memref<2x1000x8xf32, #tpu.memory_space<vmem>>, vector<1x1000x8xf32>
    %get3A_3 = vector.shape_cast %get3A_2 : vector<1x1000x8xf32> to vector<1000x8xf32>
    %slice3A = vector.extract_strided_slice %get3A_3 {offsets = [0, 0], sizes = [1000, 1], strides = [1, 1]} : vector<1000x8xf32> to vector<1000x1xf32>
    %add3A = arith.constant 1.000000e-16 : f32
    %add3A_4 = vector.broadcast %add3A : f32 to vector<1000x1xf32>
    %add3A_5 = arith.addf %slice3A, %add3A_4 : vector<1000x1xf32>
    %div3A = arith.constant 1.000000e+00 : f32
    %div3A_6 = vector.broadcast %div3A : f32 to vector<1000x1xf32>
    %div3A_7 = arith.divf %div3A_6, %add3A_5 : vector<1000x1xf32>
    %get3A_8 = arith.constant 0 : index
    %get3A_9 = arith.constant 0 : index
    %get3A_10 = arith.constant 0 : index
    %get3A_11 = vector.load %arg1[%get3A_8, %get3A_9, %get3A_10] : memref<2x1000x16xf32, #tpu.memory_space<vmem>>, vector<1x1000x16xf32>
    %get3A_12 = vector.shape_cast %get3A_11 : vector<1x1000x16xf32> to vector<1000x16xf32>
    %get3A_13 = arith.constant 1 : index
    %get3A_14 = arith.constant 0 : index
    %get3A_15 = arith.constant 0 : index
    %get3A_16 = vector.load %arg1[%get3A_13, %get3A_14, %get3A_15] : memref<2x1000x16xf32, #tpu.memory_space<vmem>>, vector<1x1000x16xf32>
    %get3A_17 = vector.shape_cast %get3A_16 : vector<1x1000x16xf32> to vector<1000x16xf32>
    %concatenate3A = tpu.concatenate %get3A_12, %get3A_17 in 1 : vector<1000x16xf32>, vector<1000x16xf32> -> vector<1000x32xf32>
    %mul3A = vector.broadcast %div3A_7 : vector<1000x1xf32> to vector<1000x32xf32>
    %mul3A_18 = arith.mulf %concatenate3A, %mul3A : vector<1000x32xf32>
    %get3A_19 = arith.constant 0 : index
    %get3A_20 = vector.load %arg3[%get3A_19] : memref<32xf32, #tpu.memory_space<vmem>>, vector<32xf32>
    %broadcast_in_dim3A = vector.shape_cast %get3A_20 : vector<32xf32> to vector<1x32xf32>
    %add3A_21 = vector.broadcast %broadcast_in_dim3A : vector<1x32xf32> to vector<1000x32xf32>
    %add3A_22 = arith.addf %mul3A_18, %add3A_21 : vector<1000x32xf32>
    %max3A = arith.constant 0.000000e+00 : f32
    %max3A_23 = vector.broadcast %max3A : f32 to vector<1000x32xf32>
    %max3A_24 = arith.maximumf %add3A_22, %max3A_23 : vector<1000x32xf32>
    %get3A_25 = arith.constant 0 : index
    %get3A_26 = arith.constant 0 : index
    %get3A_27 = vector.load %arg4[%get3A_25, %get3A_26] : memref<32x8xf32, #tpu.memory_space<vmem>>, vector<32x8xf32>
    %dot_general3A = arith.constant dense<0.000000e+00> : vector<1000x8xf32>
    %dot_general3A_28 = tpu.matmul %max3A_24, %get3A_27, %dot_general3A {dimension_numbers = #tpu.dot_dimension_numbers<[1], [0], [0], [1], [0, 0, 1, 1], [], []>, transpose_lhs_hint = false} : vector<1000x32xf32>, vector<32x8xf32>, vector<1000x8xf32> -> vector<1000x8xf32>
    %get3A_29 = arith.constant 0 : index
    %get3A_30 = vector.load %arg5[%get3A_29] : memref<8xf32, #tpu.memory_space<vmem>>, vector<8xf32>
    %broadcast_in_dim3A_31 = vector.shape_cast %get3A_30 : vector<8xf32> to vector<1x8xf32>
    %add3A_32 = vector.broadcast %broadcast_in_dim3A_31 : vector<1x8xf32> to vector<1000x8xf32>
    %add3A_33 = arith.addf %dot_general3A_28, %add3A_32 : vector<1000x8xf32>
    %swap3A = arith.constant 0 : index
    %swap3A_34 = arith.constant 0 : index
    %swap3A_35 = vector.load %arg6[%swap3A, %swap3A_34] : memref<1000x8xf32, #tpu.memory_space<vmem>>, vector<1000x8xf32>
    tpu.vector_store %arg6[%swap3A, %swap3A_34], %add3A_33 {strides = array<i32>} : memref<1000x8xf32, #tpu.memory_space<vmem>>, vector<1000x8xf32>,
    return
  }
  func.func @transform_0(%arg0: i32) -> (i32, i32, i32) {
    %c0_i32 = arith.constant 0 : i32
    %c0_i32_0 = arith.constant 0 : i32
    %c0_i32_1 = arith.constant 0 : i32
    return %c0_i32, %arg0, %c0_i32_0 : i32, i32, i32
  }
  func.func @transform_1(%arg0: i32) -> (i32, i32, i32) {
    %c0_i32 = arith.constant 0 : i32
    %c0_i32_0 = arith.constant 0 : i32
    %c0_i32_1 = arith.constant 0 : i32
    return %c0_i32, %arg0, %c0_i32_0 : i32, i32, i32
  }
  func.func @transform_2(%arg0: i32) -> i32 {
    %c0_i32 = arith.constant 0 : i32
    %c0_i32_0 = arith.constant 0 : i32
    return %c0_i32 : i32
  }
  func.func @transform_3(%arg0: i32) -> (i32, i32) {
    %c0_i32 = arith.constant 0 : i32
    %c0_i32_0 = arith.constant 0 : i32
    %c0_i32_1 = arith.constant 0 : i32
    return %c0_i32, %c0_i32_0 : i32, i32
  }
  func.func @transform_4(%arg0: i32) -> i32 {
    %c0_i32 = arith.constant 0 : i32
    %c0_i32_0 = arith.constant 0 : i32
    return %c0_i32 : i32
  }
  func.func @transform_5(%arg0: i32) -> (i32, i32) {
    %c0_i32 = arith.constant 0 : i32
    %c0_i32_0 = arith.constant 0 : i32
    return %arg0, %c0_i32 : i32, i32
  }
}

</mosaic_0001>

<sc_bundles>
// kernel: kernel.10.cloned.1.call-start
scs
__scs_entry_jumppad:
0x0: {  	(pc) =	sbr.rel $0x88, $3  }
0x1: {  	(tag) =	ssettag $0x0;
	lr =	simm.s32 $0x1  }
0x2: {  	[smem:$0x3F8F] =	sst lr;
	_ =	strace $0xD0000000  }
0x3: {  	_ = 	snop  }
0x4: {  	_ = 	snop  }
0x5: {  	_ = 	snop  }
0x6: {  	_ = 	snop  }
0x7: {  	_ = 	snop  }
__scs_overlays_trampoline_lowered:
0x8: {  	[smem:$0x3F9E] =	sst s0  }
0x9: {  	[smem:$0x3F9F] =	sst s1  }
0xa: {  	[smem:$0x3FA0] =	sst s2  }
0xb: {  	[smem:$0x3FA1] =	sst s3  }
0xc: {  	[smem:$0x3FA2] =	sst s4  }
0xd: {  	[smem:$0x3FA3] =	sst s5  }
0xe: {  	[smem:$0x3FA4] =	sst s6  }
0xf: {  	[smem:$0x3FA5] =	sst s7  }
0x10: {  	[smem:$0x3FA6] =	sst s8  }
0x11: {  	[smem:$0x3FA7] =	sst s9;
	s0 =	simm.s32 @!p0 $0x0  }
0x12: {  	s1 =	sld [smem:$0x3F8D];
	s0 =	simm.s32 @p0 $0x1  }
0x13: {  	[smem:$0x3FA8] =	sst s0;
	s0 =	simm.s32 @!p1 $0x0  }
0x14: {  	s2 =	sld [smem:$0x3F8C];
	s0 =	simm.s32 @p1 $0x1  }
0x15: {  	[smem:$0x3FA9] =	sst s0;
	s0 =	simm.s32 @!p2 $0x0  }
0x16: {  	s3 =	sld [smem:$0x3FDB];
	s0 =	simm.s32 @p2 $0x1  }
0x17: {  	s4 =	simm.s32 $0x1BF5;
	[smem:$0x3FAB] =	sst s0  }
0x18: {  	s0 =	sld [smem:$0x3F8E];
	_ =	swait.ge [sflag:s4], $0x0  }
0x19: {  	s7 =	sld [smem:$0x3F8F]  }
0x1a: {  	s8 =	sadd.s32 $0xFFFFE003, lr  }
0x1b: {  	s9 =	sadd.s32 $0xFFFFFEF7, lr;
	s5 =	simm.s32 $0xFFFFFFFF;
	p2 =	slt.u32 s8, $0xFFFFF086  }
0x1c: {  	p1 =	slt.u32 s9, $0xF7A;
	s5 =	simm.s32 @!p2 $0x0  }
0x1d: {  	s5 =	simm.s32 @p1 $0x1;
	p0 =	seq.s32 s7, s2  }
0x1e: {  	s7 =	smul.u32 @!p0 $0xF7A, s2;
	p2 =	seq.s32 @!p0 s5, $0x0  }
0x1f: {  	s9 =	smul.u32 $0xF7A, s1;
	s8 =	simm.s32 @!p0 $0x1BF5;
	p2 =	por !p2, p0  }
0x20: {  	[sflag:s8] =	ssyncset.s32 @!p0 $0xFFFFF086;
	s6 =	sadd.s32 @!p0 s3, s7;
	s7 =	simm.s32 @!p0 $0x108  }
0x21: {  	s3 =	sadd.s32 s3, s9;
	s6 =	sadd.s32 @!p0 $0x88, s6;
	s7 =	simm.s32 @p2 $0x1082  }
0x22: {  	[simem:s7], [sflag:s8] =	dma.local @!p0 [hbm:s6], $0xF7A  }
0x23: {  	s9 =	sor.u32 $0xD0000000, s2;
	s6 =	simm.s32 $0x108;
	_ =	swait.ge @!p0 [sflag:s8], $0x0  }
0x24: {  	s3 =	sadd.s32 $0x88, s3;
	s6 =	simm.s32 @!p1 $0x1082;
	[sflag:s4] =	ssyncset.s32 $0xFFFFF086  }
0x25: {  	[simem:s6], [sflag:s4] =	dma.local [hbm:s3], $0xF7A  }
0x26: {  	[smem:$0x3F8F] =	sst s1;
	(tag) =	ssettag s2;
	_ =	strace s9  }
0x27: {  	s1 =	sld [smem:$0x3F9F]  }
0x28: {  	s2 =	sld [smem:$0x3FA0]  }
0x29: {  	s4 =	sld [smem:$0x3FA2]  }
0x2a: {  	p0 =	seq.s32 s5, $0x0;
	s5 =	sld [smem:$0x3FA3]  }
0x2b: {  	s6 =	sld [smem:$0x3FA4]  }
0x2c: {  	s7 =	sld [smem:$0x3FA5]  }
0x2d: {  	s3 =	simm.s32 $0x108;
	s8 =	sld [smem:$0x3FA6]  }
0x2e: {  	s3 =	simm.s32 @!p0 $0x1082;
	s9 =	sld [smem:$0x3FA7]  }
0x2f: {  	lr =	sadd.s32 s0, s3;
	s0 =	sld [smem:$0x3F9E]  }
0x30: {  	s3 =	sld [smem:$0x3FA1]  }
0x31: {  	[smem:$0x3FAA] =	sst s10  }
0x32: {  	s10 =	sld [smem:$0x3FA8];
	_ =	sdelay $0x3  }
0x33: {  	p0 =	seq.s32 s10, $0x1;
	s10 =	sld [smem:$0x3FAA];
	_ =	sdelay $0x3  }
0x34: {  	[smem:$0x3FAA] =	sst s10  }
0x35: {  	s10 =	sld [smem:$0x3FA9];
	_ =	sdelay $0x3  }
0x36: {  	p1 =	seq.s32 s10, $0x1;
	s10 =	sld [smem:$0x3FAA];
	_ =	sdelay $0x3  }
0x37: {  	[smem:$0x3FAA] =	sst s10  }
0x38: {  	s10 =	sld [smem:$0x3FAB]  }
0x39: {  	_ = 	snop;
	(pc) =	sbr.ind lr, $3  }
0x3a: {  	_ = 	snop  }
0x3b: {  	_ = 	snop  }
0x3c: {  	p2 =	seq.s32 s10, $0x1;
	s10 =	sld [smem:$0x3FAA]  }
0x3d: {  	_ =	shalt  }
0x3e: {  	_ =	shalt  }
0x3f: {  	_ =	shalt  }
0x40: {  	_ =	shalt  }
0x41: {  	_ =	shalt  }
0x42: {  	_ =	shalt  }
0x43: {  	_ =	shalt  }
0x44: {  	_ =	shalt  }
0x45: {  	_ =	shalt  }
0x46: {  	_ =	shalt  }
0x47: {  	_ =	shalt  }
0x48: {  	_ =	shalt  }
0x49: {  	_ =	shalt  }
0x4a: {  	_ =	shalt  }
0x4b: {  	_ =	shalt  }
0x4c: {  	_ =	shalt  }
0x4d: {  	_ =	shalt  }
0x4e: {  	_ =	shalt  }
0x4f: {  	_ =	shalt  }
0x50: {  	_ =	shalt  }
0x51: {  	_ =	shalt  }
0x52: {  	_ =	shalt  }
0x53: {  	_ =	shalt  }
0x54: {  	_ =	shalt  }
0x55: {  	_ =	shalt  }
0x56: {  	_ =	shalt  }
0x57: {  	_ =	shalt  }
0x58: {  	_ =	shalt  }
0x59: {  	_ =	shalt  }
0x5a: {  	_ =	shalt  }
0x5b: {  	_ =	shalt  }
0x5c: {  	_ =	shalt  }
0x5d: {  	_ =	shalt  }
0x5e: {  	_ =	shalt  }
0x5f: {  	_ =	shalt  }
0x60: {  	_ =	shalt  }
0x61: {  	_ =	shalt  }
0x62: {  	_ =	shalt  }
0x63: {  	_ =	shalt  }
0x64: {  	_ =	shalt  }
0x65: {  	_ =	shalt  }
0x66: {  	_ =	shalt  }
0x67: {  	_ =	shalt  }
0x68: {  	_ =	shalt  }
0x69: {  	_ =	shalt  }
0x6a: {  	_ =	shalt  }
0x6b: {  	_ =	shalt  }
0x6c: {  	_ =	shalt  }
0x6d: {  	_ =	shalt  }
0x6e: {  	_ =	shalt  }
0x6f: {  	_ =	shalt  }
0x70: {  	_ =	shalt  }
0x71: {  	_ =	shalt  }
0x72: {  	_ =	shalt  }
0x73: {  	_ =	shalt  }
0x74: {  	_ =	shalt  }
0x75: {  	_ =	shalt  }
0x76: {  	_ =	shalt  }
0x77: {  	_ =	shalt  }
0x78: {  	_ =	shalt  }
0x79: {  	_ =	shalt  }
0x7a: {  	_ =	shalt  }
0x7b: {  	_ =	shalt  }
0x7c: {  	_ =	shalt  }
0x7d: {  	_ =	shalt  }
0x7e: {  	_ =	shalt  }
0x7f: {  	_ =	shalt  }
0x80: {  	_ =	shalt  }
0x81: {  	_ =	shalt  }
0x82: {  	_ =	shalt  }
0x83: {  	_ =	shalt  }
0x84: {  	_ =	shalt  }
0x85: {  	_ =	shalt  }
0x86: {  	_ =	shalt  }
0x87: {  	_ =	shalt  }
.Lfunc_end0:
.L_simem_size_0:
called_computation_lowered:
.L_overlay_start_0:
0x88: {  	s2 =	sld [smem:$0x3FD9]  }
0x89: {  	s3 =	sld [smem:$0x3FFE];
	_ =	sdelay $0x1  }
0x8a: {  	s1 =	srdreg.scid  }
0x8b: {  	s0 =	sand.u32 $0x1, s1  }
0x8c: {  	s16 =	sshll.u32 s0, $0xA;
	s2 =	sadd.s32 s3, s2  }
0x8d: {  	s2 =	sadd.s32 s2, s16  }
0x8e: {  	[smem:$0x3FB6] =	sst s2  }
0x8f: {  	_ = 	snop  }
0x90: {  	(tm) =	ssettm $0x1  }
0x91: {  	s17 =	sld [smem:$0x3FFB];
	_ =	sdelay $0x3  }
0x92: {  	_ =	strace s17  }
0x93: {  	s2 =	sld [smem:$0x3FFC];
	_ =	sdelay $0x3  }
0x94: {  	_ =	strace s2  }
0x95: {  	s2 =	sld [smem:$0x3FFD];
	_ =	sdelay $0x3  }
0x96: {  	_ =	strace s2  }
0x97: {  	_ =	strace $0x8FFFFFFF  }
0x98: {  	s18 =	sld [smem:$0x3FDB];
	_ =	sdelay $0x1  }
0x99: {  	s19 =	simm.s32 $_scs_section_size  }
0x9a: {  	s4 =	simm.s32 $_size__tile_overlayer_lowered;
	s5 =	simm.s32 $_tile_overlayer_lowered  }
0x9b: {  	s22 =	simm.s32 $0x1BFF;
	s21 =	sshll.u32 s5, $0x1;
	s2 =	sadd.s32 s19, s18  }
0x9c: {  	s6 =	simm.s32 $0x0;
	s20 =	sshll.u32 s4, $0x1;
	s4 =	sadd.s32 s21, s2  }
0x9d: {  	[timem:s6], [sflag:s22] =	dma.local [hbm:s4], s20  }
0x9e: {  	_ =	swait.ge [sflag:s22], s20  }
0x9f: {  	s3 =	ssub.s32 $0x0, s20;
	[sflag:s22] =	ssyncset.done $0x0  }
0xa0: {  	[sflag:s22] =	ssyncadd.s32 s3;
	_ =	sdelay $0x1  }
0xa1: {  	s23 =	simm.s32 $0x1B8B  }
0xa2: {  	_ =	swait.ge [sflag:s23], $0x1  }
0xa3: {  	[sflag:s23] =	ssyncset.done $0x0  }
0xa4: {  	s25 =	simm.s32 $0x1B8E;
	s24 =	sld [smem:$0x3FFE];
	[sflag:s23] =	ssyncadd.s32 $0xFFFFFFFF  }
0xa5: {  	s26 =	simm.s32 $execute0_lowered;
	[smem:$0x3FD2] =	sst s25  }
0xa6: {  	s4 =	sshll.u32 s26, $0x1;
	_ =	strace $0x80000046;
	[dreg:$0x1] =	wrdreg $0xFFFFFFFF  }
0xa7: {  	s28 =	simm.s32 $_size_execute0_lowered;
	s2 =	sadd.s32 s2, s4;
	[dreg:$0x0] =	wrdreg $0x0  }
0xa8: {  	s4 =	sshll.u32 s28, $0x1;
	[dreg:$0x2] =	wrdreg s2  }
0xa9: {  	[dreg:$0x3] =	wrdreg s4  }
0xaa: {  	[dreg:$0x4] =	wrdreg $0xC0  }
0xab: {  	_ =	task [dreg:s6], $0x5FFFF  }
0xac: {  	[dreg:$0x1] =	wrdreg $0xFFFFFFFF  }
0xad: {  	[dreg:$0x0] =	wrdreg $0x60  }
0xae: {  	[dreg:$0x2] =	wrdreg s24  }
0xaf: {  	[dreg:$0x3] =	wrdreg $0xF0000  }
0xb0: {  	[dreg:$0x4] =	wrdreg $0x9  }
0xb1: {  	_ =	task.clear_ibuf [dreg:s6], $0x5FFFF;
	_ =	strace $0x90000046  }
0xb2: {  	s29 =	simm.s32 $0x9;
	_ =	strace $0x80000048  }
0xb3: {  	_ =	swait.ge [sflag:s29], $0x1  }
0xb4: {  	[sflag:s29] =	ssyncadd.s32 $0xFFFFFFFF  }
0xb5: {  	_ =	strace $0x90000048  }
0xb6: {  	_ =	sfence  }
0xb7: {  	s30 =	sld [smem:$0x0];
	_ =	sdelay $0x2  }
0xb8: {  	s31 =	sshll.u32 s1, $0xD;
	s1 =	sshrl.u32 s1, $0x2  }
0xb9: {  	s3 =	sand.u32 $0x4000, s31;
	s1 =	sadd.s32 s1, s30  }
0xba: {  	s0 =	sor.u32 s3, s0;
	s1 =	sshll.u32 s1, $0x11  }
0xbb: {  	s0 =	sor.u32 s1, s0  }
0xbc: {  	s0 =	sadd.s32 $0x8F2B, s0  }
0xbd: {  	[sflag:s0] =	ssyncadd.remote.s32 $0x1  }
0xbe: {  	_ =	sfence.sel $0xFFFF  }
0xbf: {  	[dreg:$0x0] =	wrdreg $0xFFFFFFFF;
	(pc) =	sbr.abs _section_cstart, $3  }
0xc0: {  	[dreg:$0x1] =	wrdreg $0xFFFFFFFF  }
0xc1: {  	_ =	task.clear_ibuf [dreg:s6], $0x2FFFF;
	_ =	strace $0x9FFFFFFF  }
0xc2: {  	(tm) =	ssettm $0x7FFFFFFF  }
0xc3: {  	_ =	shalt  }
tec
execute0_lowered:
.L_overlay_start_1:
0x0: {  	(tag) =	ssettag $0x1  }
0x1: {  	s0 =	rddreg [dreg:$0x0]  }
0x2: {  	s1 =	rddreg [dreg:$0x1]  }
0x3: {  	s2 =	simm.s32 $0x0;
	s3 =	srdreg.scid;
	s14 =	stileid.u32  }
0x4: {  	s17 =	simm.s32 $0xBE00;
	s18 =	simm.s32 $0x3;
	s19 =	simm.s32 $0x500  }
0x5: {  	s28 =	simm.s32 $0xE600;
	s29 =	simm.s32 $0xEB00;
	s30 =	simm.s32 $0x1900  }
0x6: {  	s31 =	simm.s32 $0x0;
	[smem:$0x7FF] =	sst s2;
	s4 =	sadd.s32 $0x4E200, s0  }
0x7: {  	s3 =	sand.u32 $0x1, s3;
	s5 =	sadd.s32 $0x3200, s0;
	s8 =	smul.u32 $0x18800, s14  }
0x8: {  	s6 =	sadd.s32 $0xC8600, s0;
	s0 =	sadd.s32 $0xAFE00, s0;
	s10 =	sshll.u32 s14, $0x1  }
0x9: {  	s11 =	smul.u32 $0x6200, s14;
	s23 =	sadd.s32 $0x5E600, s1;
	s24 =	sadd.s32 $0x60E00, s1  }
0xa: {  	p0 =	seq.s32 s14, $0xF;
	_ =	strace $0x80000047;
	s7 =	ssub.s32 $0x2, s3  }
0xb: {  	s21 =	smul.u32 $0x61A80, s3;
	s3 =	sor.u32 s3, s10;
	[dreg:$0x6] =	wrdreg s23  }
0xc: {  	s10 =	sadd.s32 $0x5BE00, s1;
	[dreg:$0x7] =	wrdreg s24;
	s23 =	simm.s32 $0x6E00  }
0xd: {  	s24 =	simm.s32 $0x1;
	s9 =	sshrl.u32 s7, $0x1;
	s20 =	sshrl.u32 s8, $0x2  }
0xe: {  	s13 =	smul.u32 $0xC8, s3;
	s3 =	sadd.s32 s11, s1;
	s9 =	ssub.s32 s7, s9  }
0xf: {  	s7 =	sadd.s32 s20, s1;
	s12 =	sadd.s32 s11, s21;
	s8 =	sshrl.u32 s21, $0x3  }
0x10: {  	s20 =	simm.s32 $0xF00;
	s22 =	sadd.s32 $0x2800, s7;
	[dreg:$0x3] =	wrdreg s7  }
0x11: {  	s21 =	simm.s32 $0x1E00;
	s7 =	sadd.s32 $0x5000, s7;
	[dreg:$0x4] =	wrdreg s22  }
0x12: {  	s12 =	sshrl.u32 s12, $0x3;
	s26 =	smax.u32 s9, $0x1;
	[dreg:$0x5] =	wrdreg s7  }
0x13: {  	vm0 =	vcmask $0x3F24;
	s25 =	sadd.s32 s0, s12;
	s0 =	sadd.s32 s0, s8;
	[dreg:$0xa] =	wrdreg s26  }
0x14: {  	vm1 =	vcmask $0x1F04;
	v0 =	vlaneseq.u32;
	v1 =	vimm.s32 $0x0;
	s22 =	simm.s32 $0x1400;
	[dreg:$0x8] =	wrdreg s25;
	s0 =	sadd.s32 $0xB7C0, s0  }
0x15: {  	v3 =	vimm.f32 $0.0e+00;
	vm0 =	vmor vm1, vm0;
	v2 =	vand.u32 $0x7, v0;
	s26 =	simm.s32 $0x2;
	s25 =	sshrl.u32 @!p0 s3, $0x3;
	[dreg:$0x9] =	wrdreg s0  }
.LBB2_1:
0x16: {  	v4 =	vmov s2  }
0x17: {  	vm1 =	veq.s32 v4, v0  }
0x18: {  	vm1 =	vmand vm1, vm0  }
0x19: {  	v4 =	vsel vm1, $0xFFFFFFFF, v1  }
0x1a: {  	v4 =	vshll.u32 v4, $0x3  }
0x1b: {  	s3 =	simm.s32 $0x10;
	v4 =	vadd.s32 s2, v4  }
0x1c: {  	v5 =	vmov s3;
	v4 =	vadd.s32 v0, v4  }
0x1d: {  	vm1 =	veq.s32 v5, v0;
	v4 =	vand.u32 $0xFFFFFFF8, v4  }
0x1e: {  	vm1 =	vmand vm1, vm0;
	v4 =	vor.u32 v2, v4  }
0x1f: {  	v5 =	vsel vm1, $0xFFFFFFFF, v1  }
0x20: {  	v5 =	vshll.u32 v5, $0x3  }
0x21: {  	s0 =	simm.s32 $0x20;
	v5 =	vadd.s32 s3, v5  }
.LBB2_2:
0x22: {  	v6 =	vmov s0;
	p1 =	sne.s32 s0, $0x27F0;
	v5 =	vadd.s32 v0, v5;
	s3 =	smov.u32 s0;
	s0 =	sadd.s32 $0x10, s0  }
.Ltmp0:
0x23: {  	vm1 =	veq.s32 v6, v0;
	v5 =	vand.u32 $0xFFFFFFF8, v5;
	[tilespmem:v4+s17+$0x0] =	vst.idx.msk $0xffff, v3;
	(pc) =	sbr.rel @p1 .LBB2_2-.Ltmp0, $4  }
0x24: {  	vm1 =	vmand vm1, vm0;
	v4 =	vor.u32 v2, v5  }
0x25: {  	v5 =	vsel vm1, $0xFFFFFFFF, v1  }
0x26: {  	v5 =	vshll.u32 v5, $0x3  }
0x27: {  	v5 =	vadd.s32 s3, v5  }
0x28: {  	v5 =	vadd.s32 v0, v5  }
0x29: {  	v5 =	vand.u32 $0xFFFFFFF8, v5  }
0x2a: {  	v5 =	vor.u32 v2, v5;
	_ =	sdelay $0x3  }
0x2b: {  	[tilespmem:v4+s17+$0x0] =	vst.idx.msk $0xffff, v3  }
0x2c: {  	s0 =	simm.s32 @p0 $0xBE00;
	s3 =	simm.s32 @p0 $0x3;
	[tilespmem:v5+s17+$0x0] =	vst.idx.msk $0xffff, v3  }
0x2d: {  	[spmem:s10] =	stream.linear.scatter @p0 [tilespmem:s0], [sflag:$0x3], $0x2800, $0x38;
	[tilespmem:$0x151A8] =	vst v63  }
0x2e: {  	_ =	swait.ge @p0 [sflag:s3], $0x2800  }
0x2f: {  	[sflag:s3] =	ssyncset.done @p0 $0x0  }
0x30: {  	s7 =	rddreg [dreg:$0x6];
	[sflag:s3] =	ssyncadd.s32 @p0 $0xFFFFD800  }
0x31: {  	[spmem:s7] =	stream.linear.scatter @p0 [tilespmem:s0], [sflag:$0x3], $0x2800, $0x38;
	[tilespmem:$0x151A8] =	vst v63  }
0x32: {  	_ =	swait.ge @p0 [sflag:s3], $0x2800  }
0x33: {  	[sflag:s3] =	ssyncset.done @p0 $0x0  }
0x34: {  	s7 =	rddreg [dreg:$0x7];
	[sflag:s3] =	ssyncadd.s32 @p0 $0xFFFFD800  }
0x35: {  	[spmem:s7] =	stream.linear.scatter @p0 [tilespmem:s0], [sflag:$0x3], $0xC80, $0x38;
	[tilespmem:$0x151A8] =	vst v63  }
0x36: {  	_ =	swait.ge @p0 [sflag:s3], $0xC80  }
0x37: {  	[sflag:s3] =	ssyncset.done @p0 $0x0  }
0x38: {  	s0 =	simm.s32 @!p0 $0xBE00;
	[sflag:s3] =	ssyncadd.s32 @p0 $0xFFFFF380;
	s3 =	rddreg [dreg:$0x3]  }
0x39: {  	[spmem:s3] =	stream.linear.scatter @!p0 [tilespmem:s0], [sflag:$0x3], $0x2800, $0x38;
	[tilespmem:$0x151A8] =	vst v63  }
0x3a: {  	s3 =	simm.s32 @!p0 $0x3  }
0x3b: {  	_ =	swait.ge @!p0 [sflag:s3], $0x2800  }
0x3c: {  	[sflag:s3] =	ssyncset.done @!p0 $0x0  }
0x3d: {  	s7 =	rddreg [dreg:$0x4];
	[sflag:s3] =	ssyncadd.s32 @!p0 $0xFFFFD800  }
0x3e: {  	[spmem:s7] =	stream.linear.scatter @!p0 [tilespmem:s0], [sflag:$0x3], $0x2800, $0x38;
	[tilespmem:$0x151A8] =	vst v63  }
0x3f: {  	_ =	swait.ge @!p0 [sflag:s3], $0x2800  }
0x40: {  	[sflag:s3] =	ssyncset.done @!p0 $0x0  }
0x41: {  	s7 =	rddreg [dreg:$0x5];
	[sflag:s3] =	ssyncadd.s32 @!p0 $0xFFFFD800  }
0x42: {  	[spmem:s7] =	stream.linear.scatter @!p0 [tilespmem:s0], [sflag:$0x3], $0x1200, $0x38;
	[tilespmem:$0x151A8] =	vst v63  }
0x43: {  	_ =	swait.ge @!p0 [sflag:s3], $0x1200  }
0x44: {  	[sflag:s3] =	ssyncset.done @!p0 $0x0  }
0x45: {  	[sflag:s3] =	ssyncadd.s32 @!p0 $0xFFFFEE00  }
0x46: {  	s0 =	simm.s32 $0x0;
	s3 =	simm.s32 $0x0;
	[bflag:$0x0] =	sbarrier.arrive $0xFFFF  }
.LBB2_4:
0x47: {  	s8 =	smul.u32 $0xA, s3;
	_ =	sdelay $0x1  }
0x48: {  	s8 =	sadd.s32 s13, s8  }
0x49: {  	s9 =	smul.u32 $0x30, s8;
	_ =	sdelay $0x1  }
0x4a: {  	s16 =	simm.s32 $0x0;
	s9 =	sadd.s32 s5, s9  }
0x4b: {  	[tilespmem:s0], [sflag:$0x3] =	stream.linear.gather [hbm4b:s9+s0], $0xF00, $0x38;
	[tilespmem:$0x151A8] =	vst v63  }
0x4c: {  	s9 =	smul.u32 $0x600, s16  }
0x4d: {  	_ =	swait.ge [sflag:s18], $0xF00  }
0x4e: {  	s11 =	sand.u32 $0x70, s0;
	[sflag:s18] =	ssyncset.done $0x0;
	s9 =	sshra.s32 s9, $0x2  }
0x4f: {  	[sflag:s18] =	ssyncadd.s32 $0xFFFFF100;
	s9 =	sor.u32 s11, s9  }
0x50: {  	v5 =	vld [tilespmem:s9+$0x100];
	_ =	sdelay $0x1  }
0x51: {  	v4 =	vld [tilespmem:s9+$0x80]  }
0x52: {  	v6 =	vld [tilespmem:s9+$0x0];
	_ =	sdelay $0x1  }
0x53: {  	v5 =	vmul.u32 $0xC350, v5  }
0x54: {  	s14 =	simm.s32 $0x0  }
0x55: {  	s12 =	simm.s32 $0xF00;
	s15 =	simm.s32 $0x10;
	s16 =	smul.u32 $0x600, s14;
	v7 =	vadd.s32 v4, v5  }
0x56: {  	s14 =	simm.s32 $0x2;
	s11 =	simm.s32 $0x1400;
	s9 =	simm.s32 $0x1900;
	v5 =	vadd.s32 v6, v5;
	[tilespmem:s12+$0x0] =	vst v7  }
.LBB2_5:
0x57: {  	p1 =	sne.s32 s14, $0x4F;
	s7 =	sand.u32 $0x70, s15;
	s16 =	sshra.s32 s16, $0x2;
	[tilespmem:s11+$0x0] =	vst v5  }
0x58: {  	s7 =	sor.u32 s7, s16;
	[tilespmem:s9+$0x0] =	vst v4  }
0x59: {  	v5 =	vld [tilespmem:s7+$0x100]  }
0x5a: {  	v6 =	vld [tilespmem:s7+$0x0]  }
0x5b: {  	v4 =	vld [tilespmem:s7+$0x80];
	_ =	sdelay $0x1  }
.Ltmp1:
0x5c: {  	(pc) =	sbr.rel @p1 .LBB2_5-.Ltmp1, $4  }
0x5d: {  	v5 =	vmul.u32 $0xC350, v5  }
0x5e: {  	s7 =	sshrl.u32 s14, $0x3  }
0x5f: {  	s12 =	sadd.s32 $0x10, s12;
	s9 =	sadd.s32 $0x10, s9;
	s16 =	smul.u32 $0x600, s7;
	v7 =	vadd.s32 v4, v5  }
0x60: {  	s15 =	sadd.s32 $0x10, s15;
	s11 =	sadd.s32 $0x10, s11;
	s14 =	sadd.s32 $0x1, s14;
	v5 =	vadd.s32 v6, v5;
	[tilespmem:s12+$0x0] =	vst v7  }
0x61: {  	s7 =	sand.u32 $0x70, s15;
	s14 =	sshra.s32 s16, $0x2;
	[tilespmem:s11+$0x0] =	vst v5  }
0x62: {  	s7 =	sor.u32 s7, s14;
	[tilespmem:s9+$0x0] =	vst v4  }
0x63: {  	v4 =	vld [tilespmem:s7+$0x100];
	_ =	sdelay $0x1  }
0x64: {  	v5 =	vld [tilespmem:s7+$0x80]  }
0x65: {  	v6 =	vld [tilespmem:s7+$0x0];
	_ =	sdelay $0x1  }
0x66: {  	v4 =	vmul.u32 $0xC350, v4;
	_ =	sdelay $0x1  }
0x67: {  	s16 =	sadd.s32 $0x10, s12;
	v7 =	vadd.s32 v5, v4  }
0x68: {  	s12 =	sadd.s32 $0x10, s11;
	v4 =	vadd.s32 v6, v4;
	[tilespmem:s16+$0x0] =	vst v7  }
0x69: {  	s14 =	sadd.s32 $0x10, s9;
	[tilespmem:s12+$0x0] =	vst v4  }
0x6a: {  	[tilespmem:s14+$0x0] =	vst v5  }
0x6b: {  	[tilespmem:s21], [sflag:$0x1] =	stream.indirect.gather [hbm4b:s4+s19], $0x10, s20, s19, $0xb8;
	[tilespmem:$0x151A8] =	vst v63  }
0x6c: {  	s15 =	simm.s32 $0x0  }
0x6d: {  	[tilespmem:s23], [sflag:$0x2] =	stream.indirect.gather [hbm4b:s4+s19], $0x10, s22, s19, $0xb8;
	[tilespmem:$0x151A8] =	vst v63  }
0x6e: {  	v5 =	vor.u32 s15, v0;
	_ =	swait.ge [sflag:s24], $0x5000  }
0x6f: {  	v6 =	vshll.u32 v5, $0x4;
	[sflag:s24] =	ssyncset.done $0x0  }
0x70: {  	v4 =	vor.u32 $0x2, v6;
	[sflag:s24] =	ssyncadd.s32 $0xFFFFB000  }
0x71: {  	_ =	swait.ge [sflag:s26], $0x5000  }
0x72: {  	[sflag:s26] =	ssyncset.done $0x0  }
0x73: {  	[sflag:s26] =	ssyncadd.s32 $0xFFFFB000  }
0x74: {  	v7 =	vld.idx.msk [tilespmem:v6+s21+$0x0], $0xffff  }
0x75: {  	v4 =	vld.idx.msk [tilespmem:v4+s23+$0x0], $0xffff;
	_ =	sdelay $0x4  }
0x76: {  	v4 =	vadd.f32 v4, v7;
	_ =	sdelay $0x1  }
0x77: {  	v7 =	vmul.f32 $2.000000030e-01, v4  }
0x78: {  	vm1 =	vge.f32 v4, $0.0e+00  }
0x79: {  	v4 =	vsel vm1, v4, v7  }
0x7a: {  	v4 =	vmul.f32 $1.442695020e+00, v4;
	_ =	sdelay $0x1  }
0x7b: {  	(erf) = vpow2.f32 v4;
	_ =	sdelay $0x3  }
0x7c: {  	s9 =	sshll.u32 s8, $0x7  }
0x7d: {  	v4 =	vmov s9  }
0x7e: {  	v8 =	vshll.u32 v5, $0x3;
	v5 =	vadd.s32 v4, v5;
	_ =	sdelay $0x1  }
0x7f: {  	v7 =	vor.u32 $0x1, v6  }
0x80: {  	v6 =	vor.u32 $0x3, v6;
	vm1 =	vlt.s32 v5, $0xC3500;
	v5 =	vpop (erf)  }
0x81: {  	s11 =	simm.s32 $0xEB00;
	v5 =	vnsel vm1, $0x0, v5  }
0x82: {  	[tilespmem:s11+$0xFFFFFB00] =	vst v5  }
0x83: {  	[tilespmem:v8+s17+$0x0] =	vst.idx.msk $0xffff, v5  }
0x84: {  	v5 =	vld.idx.msk [tilespmem:v7+s21+$0x0], $0xffff  }
0x85: {  	v6 =	vld.idx.msk [tilespmem:v6+s23+$0x0], $0xffff;
	_ =	sdelay $0x4  }
0x86: {  	v5 =	vadd.f32 v6, v5;
	_ =	sdelay $0x1  }
0x87: {  	v6 =	vmul.f32 $2.000000030e-01, v5  }
0x88: {  	vm2 =	vge.f32 v5, $0.0e+00  }
0x89: {  	v5 =	vsel vm2, v5, v6  }
0x8a: {  	v5 =	vmul.f32 $1.442695020e+00, v5;
	_ =	sdelay $0x1  }
0x8b: {  	(erf) = vpow2.f32 v5;
	_ =	sdelay $0x6  }
0x8c: {  	s16 =	simm.s32 $0x10  }
0x8d: {  	v8 =	vor.u32 $0x1, v8;
	v7 =	vor.u32 s16, v0  }
0x8e: {  	v6 =	vshll.u32 v7, $0x4;
	v10 =	vpop (erf)  }
0x8f: {  	s12 =	simm.s32 $0x20;
	v9 =	vor.u32 $0x2, v6;
	v5 =	vadd.s32 v4, v7;
	v10 =	vnsel vm1, $0x0, v10  }
.LBB2_7:
0x90: {  	p1 =	sne.s32 s12, $0x4F0  }
0x91: {  	[tilespmem:s11+$0x0] =	vst v10;
	s11 =	sadd.s32 $0x10, s11;
	s14 =	smov.u32 s12;
	s12 =	sadd.s32 $0x10, s12  }
0x92: {  	[tilespmem:v8+s17+$0x0] =	vst.idx.msk $0xffff, v10  }
0x93: {  	v8 =	vld.idx.msk [tilespmem:v6+s21+$0x0], $0xffff  }
0x94: {  	v9 =	vld.idx.msk [tilespmem:v9+s23+$0x0], $0xffff;
	_ =	sdelay $0x5  }
0x95: {  	v8 =	vadd.f32 v9, v8;
	_ =	sdelay $0x1  }
0x96: {  	v9 =	vmul.f32 $2.000000030e-01, v8  }
0x97: {  	vm1 =	vge.f32 v8, $0.0e+00  }
0x98: {  	v8 =	vsel vm1, v8, v9  }
0x99: {  	v8 =	vmul.f32 $1.442695020e+00, v8;
	_ =	sdelay $0x1  }
0x9a: {  	(erf) = vpow2.f32 v8;
	_ =	sdelay $0x6  }
0x9b: {  	v7 =	vshll.u32 v7, $0x3  }
0x9c: {  	v8 =	vor.u32 $0x1, v6;
	v6 =	vor.u32 $0x3, v6  }
0x9d: {  	vm1 =	vlt.s32 v5, $0xC3500;
	v5 =	vpop (erf)  }
0x9e: {  	v5 =	vnsel vm1, $0x0, v5  }
0x9f: {  	[tilespmem:s11+$0xFFFFFB00] =	vst v5  }
0xa0: {  	[tilespmem:v7+s17+$0x0] =	vst.idx.msk $0xffff, v5  }
0xa1: {  	v5 =	vld.idx.msk [tilespmem:v8+s21+$0x0], $0xffff  }
0xa2: {  	v6 =	vld.idx.msk [tilespmem:v6+s23+$0x0], $0xffff;
	_ =	sdelay $0x5  }
0xa3: {  	v5 =	vadd.f32 v6, v5;
	_ =	sdelay $0x1  }
0xa4: {  	vm2 =	vge.f32 v5, $0.0e+00;
	v6 =	vmul.f32 $2.000000030e-01, v5;
	_ =	sdelay $0x1  }
0xa5: {  	v5 =	vsel vm2, v5, v6  }
0xa6: {  	v5 =	vmul.f32 $1.442695020e+00, v5;
	_ =	sdelay $0x1  }
0xa7: {  	(erf) = vpow2.f32 v5;
	_ =	sdelay $0x5  }
.Ltmp2:
0xa8: {  	v8 =	vor.u32 $0x1, v7;
	(pc) =	sbr.rel @p1 .LBB2_7-.Ltmp2, $4  }
0xa9: {  	v7 =	vor.u32 s14, v0  }
0xaa: {  	v6 =	vshll.u32 v7, $0x4;
	v5 =	vadd.s32 v4, v7  }
0xab: {  	v9 =	vor.u32 $0x2, v6;
	v10 =	vpop (erf)  }
0xac: {  	v10 =	vnsel vm1, $0x0, v10  }
0xad: {  	_ =	sdelay $0x2  }
0xae: {  	[tilespmem:s11+$0x0] =	vst v10  }
0xaf: {  	[tilespmem:v8+s17+$0x0] =	vst.idx.msk $0xffff, v10  }
0xb0: {  	v4 =	vld.idx.msk [tilespmem:v6+s21+$0x0], $0xffff  }
0xb1: {  	v8 =	vld.idx.msk [tilespmem:v9+s23+$0x0], $0xffff;
	_ =	sdelay $0x4  }
0xb2: {  	v4 =	vadd.f32 v8, v4;
	_ =	sdelay $0x1  }
0xb3: {  	v8 =	vmul.f32 $2.000000030e-01, v4  }
0xb4: {  	vm1 =	vge.f32 v4, $0.0e+00  }
0xb5: {  	v4 =	vsel vm1, v4, v8  }
0xb6: {  	v4 =	vmul.f32 $1.442695020e+00, v4;
	_ =	sdelay $0x1  }
0xb7: {  	(erf) = vpow2.f32 v4;
	_ =	sdelay $0x6  }
0xb8: {  	v4 =	vshll.u32 v7, $0x3  }
0xb9: {  	v62 =	vor.u32 $0x1, v6  }
0xba: {  	v63 =	vor.u32 $0x3, v6;
	vm1 =	vlt.s32 v5, $0xC3500;
	v5 =	vpop (erf)  }
0xbb: {  	s7 =	sadd.s32 $0x10, s11;
	v5 =	vnsel vm1, $0x0, v5  }
0xbc: {  	[tilespmem:s7+$0xFFFFFB00] =	vst v5  }
0xbd: {  	[tilespmem:v4+s17+$0x0] =	vst.idx.msk $0xffff, v5  }
0xbe: {  	v5 =	vld.idx.msk [tilespmem:v62+s21+$0x0], $0xffff  }
0xbf: {  	v6 =	vld.idx.msk [tilespmem:v63+s23+$0x0], $0xffff;
	_ =	sdelay $0x4  }
0xc0: {  	v5 =	vadd.f32 v6, v5;
	_ =	sdelay $0x1  }
0xc1: {  	v6 =	vmul.f32 $2.000000030e-01, v5  }
0xc2: {  	vm2 =	vge.f32 v5, $0.0e+00  }
0xc3: {  	v5 =	vsel vm2, v5, v6  }
0xc4: {  	v5 =	vmul.f32 $1.442695020e+00, v5;
	_ =	sdelay $0x1  }
0xc5: {  	(erf) = vpow2.f32 v5;
	_ =	sdelay $0x6  }
0xc6: {  	v4 =	vor.u32 $0x1, v4;
	_ =	sdelay $0x1  }
0xc7: {  	v5 =	vpop (erf)  }
0xc8: {  	v5 =	vnsel vm1, $0x0, v5  }
0xc9: {  	s15 =	sshll.u32 s8, $0x4;
	[tilespmem:s7+$0x0] =	vst v5  }
0xca: {  	s7 =	sadd.s32 s6, s15;
	[tilespmem:v4+s17+$0x0] =	vst.idx.msk $0xffff, v5  }
0xcb: {  	[hbm4b:s7+s2] =	stream.linear.scatter [tilespmem:s28], [sflag:$0x3], $0x500, $0x38;
	[tilespmem:$0x151A8] =	vst v63  }
0xcc: {  	s16 =	sshrl.u32 s9, $0x3;
	_ =	swait.ge [sflag:s18], $0x500  }
0xcd: {  	s7 =	sadd.s32 s6, s16;
	[sflag:s18] =	ssyncset.done $0x0  }
0xce: {  	s7 =	sadd.s32 $0x19000, s7;
	[sflag:s18] =	ssyncadd.s32 $0xFFFFFB00  }
0xcf: {  	[hbm4b:s7+s2] =	stream.linear.scatter [tilespmem:s29], [sflag:$0x3], $0x500, $0x38;
	[tilespmem:$0x151A8] =	vst v63  }
0xd0: {  	s3 =	sadd.s32 $0x1, s3;
	_ =	swait.ge [sflag:s18], $0x500  }
0xd1: {  	p1 =	sne.s32 s3, $0x14;
	[sflag:s18] =	ssyncset.done $0x0  }
.Ltmp3:
0xd2: {  	[sflag:s18] =	ssyncadd.s32 $0xFFFFFB00;
	(pc) =	sbr.rel @p1 .LBB2_4-.Ltmp3, $4  }
0xd3: {  	[spmem:s1] =	stream.indirect.scatter.add.f32 [tilespmem:s17], [sflag:$0x1], $0x8, s30, s19, $0xb8;
	[tilespmem:$0x151A8] =	vst v63  }
0xd4: {  	_ =	swait.ge [sflag:s24], $0x2800  }
0xd5: {  	[sflag:s24] =	ssyncset.done $0x0  }
0xd6: {  	[sflag:s24] =	ssyncadd.s32 $0xFFFFD800  }
0xd7: {  	[bflag:$0x0] =	sbarrier.arrive $0xFFFF  }
0xd8: {  	s0 =	sshrl.u32 @p0 s10, $0x3;
	s3 =	simm.s32 @p0 $0x1FC3;
	s7 =	rddreg [dreg:$0x9]  }
0xd9: {  	[hbm:s7], [sflag:s3] =	dma.local @p0 [spmem:s0], $0xB90  }
0xda: {  	s0 =	simm.s32 @p0 $0x3  }
0xdb: {  	s3 =	stileid.u32;
	_ =	swait.ge @p0 [sflag:s0], $0xB90  }
0xdc: {  	s3 =	sshll.u32 @!p0 s3, $0x6;
	[sflag:s0] =	ssyncset.done @p0 $0x0  }
0xdd: {  	[sflag:s0] =	ssyncadd.s32 @p0 $0xFFFFF470;
	s0 =	sor.u32 @!p0 $0x1C03, s3;
	s3 =	rddreg [dreg:$0x8]  }
0xde: {  	[hbm:s3], [sflag:s0] =	dma.local @!p0 [spmem:s25], $0xC40  }
0xdf: {  	s0 =	simm.s32 @!p0 $0x3  }
0xe0: {  	_ =	swait.ge @!p0 [sflag:s0], $0xC40  }
0xe1: {  	s31 =	sadd.s32 $0x1, s31;
	s16 =	rddreg [dreg:$0xa]  }
0xe2: {  	p1 =	sne.s32 s31, s16  }
.Ltmp4:
0xe3: {  	_ = 	snop;
	(pc) =	sbr.rel @p1 .LBB2_1-.Ltmp4, $3  }
0xe4: {  	_ =	sdelay $0x1  }
0xe5: {  	[sflag:s0] =	ssyncset.done @!p0 $0x0  }
0xe6: {  	[sflag:s0] =	ssyncadd.s32 @!p0 $0xFFFFF3C0  }
0xe7: {  	_ =	sfence.sel $0x180000  }
0xe8: {  	[bflag:$0x0] =	sbarrier.arrive $0xFFFF  }
0xe9: {  	_ =	strace $0x90000047  }
0xea: {  	s0 =	stileid.u32;
	[bflag:$0x2] =	sbarrier.arrive $0xFFFF  }
0xeb: {  	p0 =	sne.s32 s0, $0x0;
	s0 =	rddreg [dreg:$0x2]  }
0xec: {  	s0 =	sadd.s32 @!p0 $0x100000, s0  }
0xed: {  	[sflag:s0] =	ssyncadd.tile.s32 @!p0 $0x1;
	_ =	shalt  }
.Lfunc_end2:
_tile_overlayer_lowered:
.L_overlay_start_2:
0xee: {  	(tag) =	ssettag $0x2  }
0xef: {  	s0 =	rddreg [dreg:$0x0];
	s2 =	stileid.u32  }
0xf0: {  	s1 =	rddreg [dreg:$0x1];
	p0 =	sne.s32 s2, $0x0  }
0xf1: {  	s3 =	rddreg [dreg:$0x2];
	[bflag:$0x3] =	sbarrier.arrive $0xFFFF;
	s2 =	simm.s32 @!p0 $0x1C03  }
0xf2: {  	[timem:s3], [sflag:s2] =	dma.local @!p0 [hbm:s0], s1  }
0xf3: {  	s0 =	simm.s32 @!p0 $0x3  }
0xf4: {  	_ =	swait.ge @!p0 [sflag:s0], s1  }
0xf5: {  	s1 =	ssub.s32 @!p0 $0x0, s1;
	[sflag:s0] =	ssyncset.done @!p0 $0x0  }
0xf6: {  	[sflag:s0] =	ssyncadd.s32 @!p0 s1  }
0xf7: {  	[bflag:$0x3] =	sbarrier.arrive $0xFFFF  }
0xf8: {  	_ =	shalt  }

// kernel: kernel.13.cloned.1.call-start
scs
__scs_entry_jumppad:
0x0: {  	(pc) =	sbr.rel $0x88, $3  }
0x1: {  	(tag) =	ssettag $0x0;
	lr =	simm.s32 $0x1  }
0x2: {  	[smem:$0x3F8F] =	sst lr;
	_ =	strace $0xD0000000  }
0x3: {  	_ = 	snop  }
0x4: {  	_ = 	snop  }
0x5: {  	_ = 	snop  }
0x6: {  	_ = 	snop  }
0x7: {  	_ = 	snop  }
__scs_overlays_trampoline_lowered:
0x8: {  	[smem:$0x3F9E] =	sst s0  }
0x9: {  	[smem:$0x3F9F] =	sst s1  }
0xa: {  	[smem:$0x3FA0] =	sst s2  }
0xb: {  	[smem:$0x3FA1] =	sst s3  }
0xc: {  	[smem:$0x3FA2] =	sst s4  }
0xd: {  	[smem:$0x3FA3] =	sst s5  }
0xe: {  	[smem:$0x3FA4] =	sst s6  }
0xf: {  	[smem:$0x3FA5] =	sst s7  }
0x10: {  	[smem:$0x3FA6] =	sst s8  }
0x11: {  	[smem:$0x3FA7] =	sst s9;
	s0 =	simm.s32 @!p0 $0x0  }
0x12: {  	s1 =	sld [smem:$0x3F8D];
	s0 =	simm.s32 @p0 $0x1  }
0x13: {  	[smem:$0x3FA8] =	sst s0;
	s0 =	simm.s32 @!p1 $0x0  }
0x14: {  	s2 =	sld [smem:$0x3F8C];
	s0 =	simm.s32 @p1 $0x1  }
0x15: {  	[smem:$0x3FA9] =	sst s0;
	s0 =	simm.s32 @!p2 $0x0  }
0x16: {  	s3 =	sld [smem:$0x3FDB];
	s0 =	simm.s32 @p2 $0x1  }
0x17: {  	s4 =	simm.s32 $0x1BF5;
	[smem:$0x3FAB] =	sst s0  }
0x18: {  	s0 =	sld [smem:$0x3F8E];
	_ =	swait.ge [sflag:s4], $0x0  }
0x19: {  	s7 =	sld [smem:$0x3F8F]  }
0x1a: {  	s8 =	sadd.s32 $0xFFFFE003, lr  }
0x1b: {  	s9 =	sadd.s32 $0xFFFFFEF7, lr;
	s5 =	simm.s32 $0xFFFFFFFF;
	p2 =	slt.u32 s8, $0xFFFFF086  }
0x1c: {  	p1 =	slt.u32 s9, $0xF7A;
	s5 =	simm.s32 @!p2 $0x0  }
0x1d: {  	s5 =	simm.s32 @p1 $0x1;
	p0 =	seq.s32 s7, s2  }
0x1e: {  	s7 =	smul.u32 @!p0 $0xF7A, s2;
	p2 =	seq.s32 @!p0 s5, $0x0  }
0x1f: {  	s9 =	smul.u32 $0xF7A, s1;
	s8 =	simm.s32 @!p0 $0x1BF5;
	p2 =	por !p2, p0  }
0x20: {  	[sflag:s8] =	ssyncset.s32 @!p0 $0xFFFFF086;
	s6 =	sadd.s32 @!p0 s3, s7;
	s7 =	simm.s32 @!p0 $0x108  }
0x21: {  	s3 =	sadd.s32 s3, s9;
	s6 =	sadd.s32 @!p0 $0x88, s6;
	s7 =	simm.s32 @p2 $0x1082  }
0x22: {  	[simem:s7], [sflag:s8] =	dma.local @!p0 [hbm:s6], $0xF7A  }
0x23: {  	s9 =	sor.u32 $0xD0000000, s2;
	s6 =	simm.s32 $0x108;
	_ =	swait.ge @!p0 [sflag:s8], $0x0  }
0x24: {  	s3 =	sadd.s32 $0x88, s3;
	s6 =	simm.s32 @!p1 $0x1082;
	[sflag:s4] =	ssyncset.s32 $0xFFFFF086  }
0x25: {  	[simem:s6], [sflag:s4] =	dma.local [hbm:s3], $0xF7A  }
0x26: {  	[smem:$0x3F8F] =	sst s1;
	(tag) =	ssettag s2;
	_ =	strace s9  }
0x27: {  	s1 =	sld [smem:$0x3F9F]  }
0x28: {  	s2 =	sld [smem:$0x3FA0]  }
0x29: {  	s4 =	sld [smem:$0x3FA2]  }
0x2a: {  	p0 =	seq.s32 s5, $0x0;
	s5 =	sld [smem:$0x3FA3]  }
0x2b: {  	s6 =	sld [smem:$0x3FA4]  }
0x2c: {  	s7 =	sld [smem:$0x3FA5]  }
0x2d: {  	s3 =	simm.s32 $0x108;
	s8 =	sld [smem:$0x3FA6]  }
0x2e: {  	s3 =	simm.s32 @!p0 $0x1082;
	s9 =	sld [smem:$0x3FA7]  }
0x2f: {  	lr =	sadd.s32 s0, s3;
	s0 =	sld [smem:$0x3F9E]  }
0x30: {  	s3 =	sld [smem:$0x3FA1]  }
0x31: {  	[smem:$0x3FAA] =	sst s10  }
0x32: {  	s10 =	sld [smem:$0x3FA8];
	_ =	sdelay $0x3  }
0x33: {  	p0 =	seq.s32 s10, $0x1;
	s10 =	sld [smem:$0x3FAA];
	_ =	sdelay $0x3  }
0x34: {  	[smem:$0x3FAA] =	sst s10  }
0x35: {  	s10 =	sld [smem:$0x3FA9];
	_ =	sdelay $0x3  }
0x36: {  	p1 =	seq.s32 s10, $0x1;
	s10 =	sld [smem:$0x3FAA];
	_ =	sdelay $0x3  }
0x37: {  	[smem:$0x3FAA] =	sst s10  }
0x38: {  	s10 =	sld [smem:$0x3FAB]  }
0x39: {  	_ = 	snop;
	(pc) =	sbr.ind lr, $3  }
0x3a: {  	_ = 	snop  }
0x3b: {  	_ = 	snop  }
0x3c: {  	p2 =	seq.s32 s10, $0x1;
	s10 =	sld [smem:$0x3FAA]  }
0x3d: {  	_ =	shalt  }
0x3e: {  	_ =	shalt  }
0x3f: {  	_ =	shalt  }
0x40: {  	_ =	shalt  }
0x41: {  	_ =	shalt  }
0x42: {  	_ =	shalt  }
0x43: {  	_ =	shalt  }
0x44: {  	_ =	shalt  }
0x45: {  	_ =	shalt  }
0x46: {  	_ =	shalt  }
0x47: {  	_ =	shalt  }
0x48: {  	_ =	shalt  }
0x49: {  	_ =	shalt  }
0x4a: {  	_ =	shalt  }
0x4b: {  	_ =	shalt  }
0x4c: {  	_ =	shalt  }
0x4d: {  	_ =	shalt  }
0x4e: {  	_ =	shalt  }
0x4f: {  	_ =	shalt  }
0x50: {  	_ =	shalt  }
0x51: {  	_ =	shalt  }
0x52: {  	_ =	shalt  }
0x53: {  	_ =	shalt  }
0x54: {  	_ =	shalt  }
0x55: {  	_ =	shalt  }
0x56: {  	_ =	shalt  }
0x57: {  	_ =	shalt  }
0x58: {  	_ =	shalt  }
0x59: {  	_ =	shalt  }
0x5a: {  	_ =	shalt  }
0x5b: {  	_ =	shalt  }
0x5c: {  	_ =	shalt  }
0x5d: {  	_ =	shalt  }
0x5e: {  	_ =	shalt  }
0x5f: {  	_ =	shalt  }
0x60: {  	_ =	shalt  }
0x61: {  	_ =	shalt  }
0x62: {  	_ =	shalt  }
0x63: {  	_ =	shalt  }
0x64: {  	_ =	shalt  }
0x65: {  	_ =	shalt  }
0x66: {  	_ =	shalt  }
0x67: {  	_ =	shalt  }
0x68: {  	_ =	shalt  }
0x69: {  	_ =	shalt  }
0x6a: {  	_ =	shalt  }
0x6b: {  	_ =	shalt  }
0x6c: {  	_ =	shalt  }
0x6d: {  	_ =	shalt  }
0x6e: {  	_ =	shalt  }
0x6f: {  	_ =	shalt  }
0x70: {  	_ =	shalt  }
0x71: {  	_ =	shalt  }
0x72: {  	_ =	shalt  }
0x73: {  	_ =	shalt  }
0x74: {  	_ =	shalt  }
0x75: {  	_ =	shalt  }
0x76: {  	_ =	shalt  }
0x77: {  	_ =	shalt  }
0x78: {  	_ =	shalt  }
0x79: {  	_ =	shalt  }
0x7a: {  	_ =	shalt  }
0x7b: {  	_ =	shalt  }
0x7c: {  	_ =	shalt  }
0x7d: {  	_ =	shalt  }
0x7e: {  	_ =	shalt  }
0x7f: {  	_ =	shalt  }
0x80: {  	_ =	shalt  }
0x81: {  	_ =	shalt  }
0x82: {  	_ =	shalt  }
0x83: {  	_ =	shalt  }
0x84: {  	_ =	shalt  }
0x85: {  	_ =	shalt  }
0x86: {  	_ =	shalt  }
0x87: {  	_ =	shalt  }
.Lfunc_end0:
.L_simem_size_0:
called_computation.1_lowered:
.L_overlay_start_0:
0x88: {  	s2 =	sld [smem:$0x3FD9]  }
0x89: {  	s3 =	sld [smem:$0x3FFE];
	_ =	sdelay $0x1  }
0x8a: {  	s1 =	srdreg.scid  }
0x8b: {  	s0 =	sand.u32 $0x1, s1  }
0x8c: {  	s16 =	sshll.u32 s0, $0xA;
	s2 =	sadd.s32 s3, s2  }
0x8d: {  	s2 =	sadd.s32 s2, s16  }
0x8e: {  	[smem:$0x3FB6] =	sst s2  }
0x8f: {  	_ = 	snop  }
0x90: {  	(tm) =	ssettm $0x1  }
0x91: {  	s17 =	sld [smem:$0x3FFB];
	_ =	sdelay $0x3  }
0x92: {  	_ =	strace s17  }
0x93: {  	s2 =	sld [smem:$0x3FFC];
	_ =	sdelay $0x3  }
0x94: {  	_ =	strace s2  }
0x95: {  	s2 =	sld [smem:$0x3FFD];
	_ =	sdelay $0x3  }
0x96: {  	_ =	strace s2  }
0x97: {  	_ =	strace $0x8FFFFFFF  }
0x98: {  	s18 =	sld [smem:$0x3FDB];
	_ =	sdelay $0x1  }
0x99: {  	s19 =	simm.s32 $_scs_section_size  }
0x9a: {  	s4 =	simm.s32 $_size__tile_overlayer_lowered;
	s5 =	simm.s32 $_tile_overlayer_lowered  }
0x9b: {  	s22 =	simm.s32 $0x1BFF;
	s21 =	sshll.u32 s5, $0x1;
	s2 =	sadd.s32 s19, s18  }
0x9c: {  	s6 =	simm.s32 $0x0;
	s20 =	sshll.u32 s4, $0x1;
	s4 =	sadd.s32 s21, s2  }
0x9d: {  	[timem:s6], [sflag:s22] =	dma.local [hbm:s4], s20  }
0x9e: {  	_ =	swait.ge [sflag:s22], s20  }
0x9f: {  	s3 =	ssub.s32 $0x0, s20;
	[sflag:s22] =	ssyncset.done $0x0  }
0xa0: {  	[sflag:s22] =	ssyncadd.s32 s3;
	_ =	sdelay $0x1  }
0xa1: {  	s23 =	simm.s32 $0x1B8B  }
0xa2: {  	_ =	swait.ge [sflag:s23], $0x1  }
0xa3: {  	[sflag:s23] =	ssyncset.done $0x0  }
0xa4: {  	s25 =	simm.s32 $0x1B8E;
	s24 =	sld [smem:$0x3FFE];
	[sflag:s23] =	ssyncadd.s32 $0xFFFFFFFF  }
0xa5: {  	s26 =	simm.s32 $execute0_lowered;
	[smem:$0x3FD2] =	sst s25  }
0xa6: {  	s4 =	sshll.u32 s26, $0x1;
	_ =	strace $0x80000049;
	[dreg:$0x1] =	wrdreg $0xFFFFFFFF  }
0xa7: {  	s28 =	simm.s32 $_size_execute0_lowered;
	s2 =	sadd.s32 s2, s4;
	[dreg:$0x0] =	wrdreg $0x0  }
0xa8: {  	s4 =	sshll.u32 s28, $0x1;
	[dreg:$0x2] =	wrdreg s2  }
0xa9: {  	[dreg:$0x3] =	wrdreg s4  }
0xaa: {  	[dreg:$0x4] =	wrdreg $0xC0  }
0xab: {  	_ =	task [dreg:s6], $0x5FFFF  }
0xac: {  	[dreg:$0x1] =	wrdreg $0xFFFFFFFF  }
0xad: {  	[dreg:$0x0] =	wrdreg $0x60  }
0xae: {  	[dreg:$0x2] =	wrdreg s24  }
0xaf: {  	[dreg:$0x3] =	wrdreg $0x5F000  }
0xb0: {  	[dreg:$0x4] =	wrdreg $0x9  }
0xb1: {  	_ =	task.clear_ibuf [dreg:s6], $0x5FFFF;
	_ =	strace $0x90000049  }
0xb2: {  	s29 =	simm.s32 $0x9;
	_ =	strace $0x8000004B  }
0xb3: {  	_ =	swait.ge [sflag:s29], $0x1  }
0xb4: {  	[sflag:s29] =	ssyncadd.s32 $0xFFFFFFFF  }
0xb5: {  	_ =	strace $0x9000004B  }
0xb6: {  	_ =	sfence  }
0xb7: {  	s30 =	sld [smem:$0x0];
	_ =	sdelay $0x2  }
0xb8: {  	s31 =	sshll.u32 s1, $0xD;
	s1 =	sshrl.u32 s1, $0x2  }
0xb9: {  	s3 =	sand.u32 $0x4000, s31;
	s1 =	sadd.s32 s1, s30  }
0xba: {  	s0 =	sor.u32 s3, s0;
	s1 =	sshll.u32 s1, $0x11  }
0xbb: {  	s0 =	sor.u32 s1, s0  }
0xbc: {  	s0 =	sadd.s32 $0x8F2B, s0  }
0xbd: {  	[sflag:s0] =	ssyncadd.remote.s32 $0x1  }
0xbe: {  	_ =	sfence.sel $0xFFFF  }
0xbf: {  	[dreg:$0x0] =	wrdreg $0xFFFFFFFF;
	(pc) =	sbr.abs _section_cstart, $3  }
0xc0: {  	[dreg:$0x1] =	wrdreg $0xFFFFFFFF  }
0xc1: {  	_ =	task.clear_ibuf [dreg:s6], $0x2FFFF;
	_ =	strace $0x9FFFFFFF  }
0xc2: {  	(tm) =	ssettm $0x7FFFFFFF  }
0xc3: {  	_ =	shalt  }
tec
execute0_lowered:
.L_overlay_start_1:
0x0: {  	(tag) =	ssettag $0x1  }
0x1: {  	s0 =	rddreg [dreg:$0x0]  }
0x2: {  	s2 =	rddreg [dreg:$0x1];
	s3 =	simm.s32 $0x0  }
0x3: {  	s14 =	stileid.u32;
	s7 =	srdreg.scid;
	s28 =	simm.s32 $0xC80  }
0x4: {  	s29 =	simm.s32 $0x2;
	s31 =	simm.s32 $0xA00;
	[smem:$0x7FF] =	sst s3  }
0x5: {  	s1 =	smul.u32 $0x62000, s14;
	s4 =	sadd.s32 $0xFA600, s0;
	s5 =	sadd.s32 $0x3200, s0  }
0x6: {  	s6 =	sadd.s32 $0xC8600, s0;
	s0 =	sadd.s32 $0x4E200, s0;
	s11 =	sadd.s32 $0x16F800, s2  }
0x7: {  	s30 =	simm.s32 $0x1;
	s12 =	sadd.s32 $0x174800, s2;
	s20 =	sadd.s32 $0x179800, s2  }
0x8: {  	s8 =	sand.u32 $0x1, s7;
	s21 =	smul.u32 $0x18800, s14;
	s22 =	sadd.s32 $0x17E800, s2  }
0x9: {  	s23 =	sadd.s32 $0x183800, s2;
	_ =	strace $0x8000004A;
	[dreg:$0x6] =	wrdreg s12  }
0xa: {  	p0 =	seq.s32 s14, $0xF;
	s9 =	smul.u32 $0x30D40, s8;
	[dreg:$0x8] =	wrdreg s20  }
0xb: {  	s15 =	ssub.s32 $0x2, s8;
	s19 =	smul.u32 $0x186A00, s8;
	[dreg:$0x9] =	wrdreg s22  }
0xc: {  	[dreg:$0xa] =	wrdreg s23;
	s22 =	simm.s32 $0x3;
	s1 =	sshrl.u32 s1, $0x2  }
0xd: {  	s23 =	simm.s32 $0x5C80;
	s18 =	sshrl.u32 s15, $0x1;
	s7 =	sadd.s32 s1, s2  }
0xe: {  	s1 =	ssub.s32 s15, s18;
	s24 =	sadd.s32 s21, s19;
	s10 =	sadd.s32 $0x5000, s7  }
0xf: {  	s12 =	sshrl.u32 s19, $0x3;
	s16 =	sadd.s32 $0xA000, s7;
	[dreg:$0x3] =	wrdreg s10  }
0x10: {  	s18 =	smul.u32 $0xC8000, s8;
	s17 =	sadd.s32 $0xF000, s7;
	[dreg:$0x4] =	wrdreg s16  }
0x11: {  	s13 =	sadd.s32 $0x14000, s7;
	s25 =	sshrl.u32 s24, $0x3;
	[dreg:$0x5] =	wrdreg s17  }
0x12: {  	s26 =	sadd.s32 s0, s12;
	[dreg:$0x7] =	wrdreg s13;
	s17 =	smul.u32 $0x190, s14  }
0x13: {  	s0 =	sadd.s32 s0, s25;
	s20 =	sadd.s32 $0x2DF00, s26;
	s25 =	simm.s32 $0x280  }
0x14: {  	s26 =	simm.s32 $0x780;
	[dreg:$0xb] =	wrdreg s0;
	s0 =	sadd.s32 s21, s2  }
0x15: {  	v1 =	vimm.f32 $0.0e+00;
	v0 =	vmov s9;
	s21 =	smax.u32 s1, $0x1;
	s24 =	sshrl.u32 @!p0 s0, $0x3;
	s0 =	simm.s32 $0x0  }
.LBB2_1:
0x16: {  	s1 =	sand.u32 $0x1FF80, s3  }
0x17: {  	s8 =	sand.u32 $0x10, s3;
	s9 =	sshrl.u32 s1, $0x2  }
0x18: {  	s1 =	simm.s32 $0x40;
	s9 =	sor.u32 s8, s9;
	s8 =	simm.s32 $0x0  }
.LBB2_2:
0x19: {  	p1 =	sne.s32 s1, $0x13FC0  }
0x1a: {  	[tilespmem:s9+$0xC80] =	vst v1;
	s8 =	sadd.s32 $0x10, s8;
	s9 =	smov.u32 s1;
	s1 =	sadd.s32 $0x40, s1  }
.Ltmp0:
0x1b: {  	(pc) =	sbr.rel @p1 .LBB2_2-.Ltmp0, $4  }
0x1c: {  	_ = 	snop  }
0x1d: {  	s9 =	sand.u32 $0x1FF80, s9  }
0x1e: {  	s10 =	sand.u32 $0x10, s8;
	s9 =	sshrl.u32 s9, $0x2  }
0x1f: {  	s9 =	sor.u32 s10, s9  }
0x20: {  	[tilespmem:s9+$0xC80] =	vst v1;
	s1 =	simm.s32 @p0 $0xC80;
	s8 =	simm.s32 @p0 $0x3  }
0x21: {  	[spmem:s11] =	stream.linear.scatter @p0 [tilespmem:s1], [sflag:$0x3], $0x5000, $0x38;
	[tilespmem:$0x1E5A0] =	vst v63  }
0x22: {  	_ =	swait.ge @p0 [sflag:s8], $0x5000  }
0x23: {  	[sflag:s8] =	ssyncset.done @p0 $0x0  }
0x24: {  	s9 =	rddreg [dreg:$0x6];
	[sflag:s8] =	ssyncadd.s32 @p0 $0xFFFFB000  }
0x25: {  	[spmem:s9] =	stream.linear.scatter @p0 [tilespmem:s1], [sflag:$0x3], $0x5000, $0x38;
	[tilespmem:$0x1E5A0] =	vst v63  }
0x26: {  	_ =	swait.ge @p0 [sflag:s8], $0x5000  }
0x27: {  	[sflag:s8] =	ssyncset.done @p0 $0x0  }
0x28: {  	s9 =	rddreg [dreg:$0x8];
	[sflag:s8] =	ssyncadd.s32 @p0 $0xFFFFB000  }
0x29: {  	[spmem:s9] =	stream.linear.scatter @p0 [tilespmem:s1], [sflag:$0x3], $0x5000, $0x38;
	[tilespmem:$0x1E5A0] =	vst v63  }
0x2a: {  	_ =	swait.ge @p0 [sflag:s8], $0x5000  }
0x2b: {  	[sflag:s8] =	ssyncset.done @p0 $0x0  }
0x2c: {  	s9 =	rddreg [dreg:$0x9];
	[sflag:s8] =	ssyncadd.s32 @p0 $0xFFFFB000  }
0x2d: {  	[spmem:s9] =	stream.linear.scatter @p0 [tilespmem:s1], [sflag:$0x3], $0x5000, $0x38;
	[tilespmem:$0x1E5A0] =	vst v63  }
0x2e: {  	_ =	swait.ge @p0 [sflag:s8], $0x5000  }
0x2f: {  	[sflag:s8] =	ssyncset.done @p0 $0x0  }
0x30: {  	s9 =	rddreg [dreg:$0xa];
	[sflag:s8] =	ssyncadd.s32 @p0 $0xFFFFB000  }
0x31: {  	[spmem:s9] =	stream.linear.scatter @p0 [tilespmem:s1], [sflag:$0x3], $0x3200, $0x38;
	[tilespmem:$0x1E5A0] =	vst v63  }
0x32: {  	_ =	swait.ge @p0 [sflag:s8], $0x3200  }
0x33: {  	[sflag:s8] =	ssyncset.done @p0 $0x0  }
0x34: {  	s1 =	simm.s32 @!p0 $0xC80;
	[sflag:s8] =	ssyncadd.s32 @p0 $0xFFFFCE00;
	s8 =	simm.s32 @!p0 $0x3  }
0x35: {  	[spmem:s7] =	stream.linear.scatter @!p0 [tilespmem:s1], [sflag:$0x3], $0x5000, $0x38;
	[tilespmem:$0x1E5A0] =	vst v63  }
0x36: {  	_ =	swait.ge @!p0 [sflag:s8], $0x5000  }
0x37: {  	[sflag:s8] =	ssyncset.done @!p0 $0x0  }
0x38: {  	s9 =	rddreg [dreg:$0x3];
	[sflag:s8] =	ssyncadd.s32 @!p0 $0xFFFFB000  }
0x39: {  	[spmem:s9] =	stream.linear.scatter @!p0 [tilespmem:s1], [sflag:$0x3], $0x5000, $0x38;
	[tilespmem:$0x1E5A0] =	vst v63  }
0x3a: {  	_ =	swait.ge @!p0 [sflag:s8], $0x5000  }
0x3b: {  	[sflag:s8] =	ssyncset.done @!p0 $0x0  }
0x3c: {  	s9 =	rddreg [dreg:$0x4];
	[sflag:s8] =	ssyncadd.s32 @!p0 $0xFFFFB000  }
0x3d: {  	[spmem:s9] =	stream.linear.scatter @!p0 [tilespmem:s1], [sflag:$0x3], $0x5000, $0x38;
	[tilespmem:$0x1E5A0] =	vst v63  }
0x3e: {  	_ =	swait.ge @!p0 [sflag:s8], $0x5000  }
0x3f: {  	[sflag:s8] =	ssyncset.done @!p0 $0x0  }
0x40: {  	s9 =	rddreg [dreg:$0x5];
	[sflag:s8] =	ssyncadd.s32 @!p0 $0xFFFFB000  }
0x41: {  	[spmem:s9] =	stream.linear.scatter @!p0 [tilespmem:s1], [sflag:$0x3], $0x5000, $0x38;
	[tilespmem:$0x1E5A0] =	vst v63  }
0x42: {  	_ =	swait.ge @!p0 [sflag:s8], $0x5000  }
0x43: {  	[sflag:s8] =	ssyncset.done @!p0 $0x0  }
0x44: {  	s9 =	rddreg [dreg:$0x7];
	[sflag:s8] =	ssyncadd.s32 @!p0 $0xFFFFB000  }
0x45: {  	[spmem:s9] =	stream.linear.scatter @!p0 [tilespmem:s1], [sflag:$0x3], $0x4800, $0x38;
	[tilespmem:$0x1E5A0] =	vst v63  }
0x46: {  	_ =	swait.ge @!p0 [sflag:s8], $0x4800  }
0x47: {  	[sflag:s8] =	ssyncset.done @!p0 $0x0  }
0x48: {  	[sflag:s8] =	ssyncadd.s32 @!p0 $0xFFFFB800  }
0x49: {  	s1 =	simm.s32 $0x0;
	s8 =	simm.s32 $0x0;
	[bflag:$0x0] =	sbarrier.arrive $0xFFFF  }
.LBB2_4:
0x4a: {  	s9 =	smul.u32 $0x5, s8;
	_ =	sdelay $0x1  }
0x4b: {  	s9 =	sadd.s32 s17, s9  }
0x4c: {  	s10 =	smul.u32 $0x30, s9;
	_ =	sdelay $0x1  }
0x4d: {  	s16 =	simm.s32 $0x0;
	s10 =	sadd.s32 s5, s10  }
0x4e: {  	[tilespmem:s1], [sflag:$0x3] =	stream.linear.gather [hbm4b:s10+s1], $0x780, $0x38;
	[tilespmem:$0x1E5A0] =	vst v63  }
0x4f: {  	s10 =	smul.u32 $0x600, s16  }
0x50: {  	_ =	swait.ge [sflag:s22], $0x780  }
0x51: {  	s12 =	sand.u32 $0x70, s1;
	[sflag:s22] =	ssyncset.done $0x0;
	s10 =	sshra.s32 s10, $0x2  }
0x52: {  	[sflag:s22] =	ssyncadd.s32 $0xFFFFF880;
	s12 =	sor.u32 s12, s10  }
0x53: {  	v2 =	vld [tilespmem:s12+$0x100]  }
0x54: {  	v3 =	vld [tilespmem:s12+$0x0];
	_ =	sdelay $0x3  }
0x55: {  	v2 =	vmul.u32 $0xC350, v2  }
0x56: {  	v3 =	vadd.s32 v0, v3  }
0x57: {  	s13 =	simm.s32 $0x780;
	v2 =	vadd.s32 v2, v3  }
0x58: {  	s19 =	simm.s32 $0x0;
	[tilespmem:s13+$0x0] =	vst v2  }
0x59: {  	s16 =	smul.u32 $0x600, s19;
	v2 =	vld [tilespmem:s12+$0x80];
	_ =	sdelay $0x1  }
0x5a: {  	s14 =	simm.s32 $0x2;
	s16 =	sshra.s32 s16, $0x2;
	s13 =	simm.s32 $0x10  }
0x5b: {  	s10 =	simm.s32 $0xA00;
	s15 =	sand.u32 $0x70, s13;
	s12 =	simm.s32 $0x790  }
.LBB2_5:
0x5c: {  	s15 =	sor.u32 s15, s16  }
0x5d: {  	[tilespmem:s10+$0x0] =	vst v2;
	s10 =	sadd.s32 $0x10, s10;
	s16 =	smov.u32 s14;
	s19 =	sadd.s32 $0x1, s14  }
0x5e: {  	p1 =	sne.s32 s14, $0x27;
	v2 =	vld [tilespmem:s15+$0x100]  }
0x5f: {  	v3 =	vld [tilespmem:s15+$0x0];
	_ =	sdelay $0x3  }
0x60: {  	v2 =	vmul.u32 $0xC350, v2  }
0x61: {  	v3 =	vadd.s32 v0, v3  }
0x62: {  	v2 =	vadd.s32 v2, v3  }
0x63: {  	[tilespmem:s12+$0x0] =	vst v2  }
.Ltmp1:
0x64: {  	s14 =	sshrl.u32 s16, $0x3;
	v2 =	vld [tilespmem:s15+$0x80];
	(pc) =	sbr.rel @p1 .LBB2_5-.Ltmp1, $3  }
0x65: {  	s14 =	smul.u32 $0x600, s14;
	_ =	sdelay $0x1  }
0x66: {  	s13 =	sadd.s32 $0x10, s13;
	s16 =	sshra.s32 s14, $0x2  }
0x67: {  	s14 =	smov.u32 s19;
	s12 =	sadd.s32 $0x10, s12;
	s15 =	sand.u32 $0x70, s13  }
0x68: {  	s13 =	sor.u32 s15, s16;
	[tilespmem:s10+$0x0] =	vst v2  }
0x69: {  	v2 =	vld [tilespmem:s13+$0x100]  }
0x6a: {  	v3 =	vld [tilespmem:s13+$0x0];
	_ =	sdelay $0x3  }
0x6b: {  	v2 =	vmul.u32 $0xC350, v2  }
0x6c: {  	v3 =	vadd.s32 v0, v3  }
0x6d: {  	v2 =	vadd.s32 v2, v3  }
0x6e: {  	[tilespmem:s12+$0x0] =	vst v2  }
0x6f: {  	v2 =	vld [tilespmem:s13+$0x80];
	_ =	sdelay $0x1  }
0x70: {  	s9 =	sshll.u32 s9, $0x7  }
0x71: {  	s9 =	sadd.s32 s18, s9  }
0x72: {  	s9 =	sshrl.u32 s9, $0x3;
	s12 =	sadd.s32 $0x10, s10  }
0x73: {  	s9 =	sadd.s32 s6, s9;
	s13 =	simm.s32 $0x0;
	[tilespmem:s12+$0x0] =	vst v2  }
0x74: {  	[tilespmem:s23], [sflag:$0x2] =	stream.linear.gather [hbm4b:s9+s3], $0x280, $0x38;
	[tilespmem:$0x1E5A0] =	vst v63  }
0x75: {  	v2 =	vmov s13  }
0x76: {  	v2 =	vand.u32 $0xFFFFFFFC, v2;
	[tilespmem:s28], [sflag:$0x1] =	stream.indirect.gather [hbm4b:s4+s25], $0x20, s26, s25, $0xb8;
	[tilespmem:$0x1E5A0] =	vst v63  }
0x77: {  	v2 =	vbroadcast v2, $0x0;
	_ =	swait.ge [sflag:s29], $0x280  }
0x78: {  	[sflag:s29] =	ssyncset.done $0x0  }
0x79: {  	[sflag:s29] =	ssyncadd.s32 $0xFFFFFD80  }
0x7a: {  	_ =	swait.ge [sflag:s30], $0x5000  }
0x7b: {  	[sflag:s30] =	ssyncset.done $0x0  }
0x7c: {  	[sflag:s30] =	ssyncadd.s32 $0xFFFFB000  }
0x7d: {  	s9 =	simm.s32 $0xCC0;
	v2 =	vld.idx.msk [tilespmem:v2+s23+$0x0], $0xffff  }
0x7e: {  	s14 =	simm.s32 $0x1;
	v3 =	vld [tilespmem:s9+$0xFFFFFFC0]  }
0x7f: {  	v5 =	vmov s14;
	v4 =	vld [tilespmem:s9+$0xFFFFFFD0]  }
0x80: {  	v5 =	vand.u32 $0xFFFFFFFD, v5  }
0x81: {  	v5 =	vbroadcast v5, $0x0;
	_ =	sdelay $0x1  }
0x82: {  	v3 =	vmul.f32 v3, v2  }
0x83: {  	v2 =	vmul.f32 v4, v2  }
0x84: {  	[tilespmem:s9+$0xFFFFFFC0] =	vst v3  }
0x85: {  	[tilespmem:s9+$0xFFFFFFD0] =	vst v2;
	v3 =	vld [tilespmem:s9+$0xFFFFFFE0]  }
0x86: {  	s15 =	simm.s32 $0x2;
	v2 =	vld.idx.msk [tilespmem:v5+s23+$0x0], $0xffff  }
0x87: {  	v4 =	vld [tilespmem:s9+$0xFFFFFFF0];
	v5 =	vmov s15  }
0x88: {  	v5 =	vand.u32 $0xFFFFFFFE, v5  }
0x89: {  	v5 =	vbroadcast v5, $0x0;
	_ =	sdelay $0x1  }
0x8a: {  	v3 =	vmul.f32 v3, v2  }
0x8b: {  	v2 =	vmul.f32 v4, v2  }
0x8c: {  	[tilespmem:s9+$0xFFFFFFE0] =	vst v3  }
0x8d: {  	[tilespmem:s9+$0xFFFFFFF0] =	vst v2;
	v2 =	vld [tilespmem:s9+$0x10]  }
0x8e: {  	v3 =	vld.idx.msk [tilespmem:v5+s23+$0x0], $0xffff  }
0x8f: {  	v4 =	vld [tilespmem:s9+$0x0];
	_ =	sdelay $0x1  }
0x90: {  	s16 =	simm.s32 $0x3  }
0x91: {  	v5 =	vmov s16  }
0x92: {  	v2 =	vmul.f32 v2, v3  }
0x93: {  	v3 =	vmul.f32 v4, v3  }
0x94: {  	v4 =	vld [tilespmem:s9+$0x20];
	[tilespmem:s9+$0x10] =	vst v2  }
0x95: {  	[tilespmem:s9+$0x0] =	vst v3;
	v2 =	vld [tilespmem:s9+$0x30]  }
0x96: {  	s19 =	simm.s32 $0x4;
	v3 =	vld.idx.msk [tilespmem:v5+s23+$0x0], $0xffff  }
0x97: {  	v5 =	vmov s19  }
0x98: {  	s10 =	simm.s32 $0x7;
	s12 =	simm.s32 $0xB;
	v5 =	vand.u32 $0xFFFFFFFC, v5  }
.LBB2_7:
0x99: {  	p1 =	sne.s32 s12, $0x27F;
	v5 =	vbroadcast v5, $0x0;
	_ =	sdelay $0x1  }
0x9a: {  	v2 =	vmul.f32 v2, v3;
	v4 =	vmul.f32 v4, v3;
	_ =	sdelay $0x1  }
0x9b: {  	[tilespmem:s9+$0x20] =	vst v4  }
0x9c: {  	[tilespmem:s9+$0x30] =	vst v2  }
0x9d: {  	s9 =	sadd.s32 $0x80, s9;
	v2 =	vld.idx.msk [tilespmem:v5+s23+$0x0], $0xffff  }
0x9e: {  	s13 =	sadd.s32 $0xFFFFFFFE, s10;
	v3 =	vld [tilespmem:s9+$0xFFFFFFC0]  }
0x9f: {  	v5 =	vmov s13;
	v4 =	vld [tilespmem:s9+$0xFFFFFFD0]  }
0xa0: {  	v5 =	vand.u32 $0xFFFFFFFD, v5  }
0xa1: {  	v5 =	vbroadcast v5, $0x0;
	_ =	sdelay $0x1  }
0xa2: {  	v3 =	vmul.f32 v3, v2  }
0xa3: {  	v2 =	vmul.f32 v4, v2  }
0xa4: {  	[tilespmem:s9+$0xFFFFFFC0] =	vst v3  }
0xa5: {  	[tilespmem:s9+$0xFFFFFFD0] =	vst v2  }
0xa6: {  	v2 =	vld.idx.msk [tilespmem:v5+s23+$0x0], $0xffff  }
0xa7: {  	s13 =	sadd.s32 $0xFFFFFFFF, s10;
	v3 =	vld [tilespmem:s9+$0xFFFFFFE0]  }
0xa8: {  	v5 =	vmov s13;
	v4 =	vld [tilespmem:s9+$0xFFFFFFF0]  }
0xa9: {  	v5 =	vand.u32 $0xFFFFFFFE, v5  }
0xaa: {  	v5 =	vbroadcast v5, $0x0;
	_ =	sdelay $0x1  }
0xab: {  	v3 =	vmul.f32 v3, v2  }
0xac: {  	v2 =	vmul.f32 v4, v2  }
0xad: {  	[tilespmem:s9+$0xFFFFFFE0] =	vst v3  }
0xae: {  	[tilespmem:s9+$0xFFFFFFF0] =	vst v2;
	v2 =	vld [tilespmem:s9+$0x10]  }
0xaf: {  	v3 =	vld.idx.msk [tilespmem:v5+s23+$0x0], $0xffff  }
0xb0: {  	v4 =	vld [tilespmem:s9+$0x0];
	_ =	sdelay $0x3  }
0xb1: {  	v5 =	vmov s10;
	s10 =	smov.u32 s12  }
0xb2: {  	v2 =	vmul.f32 v2, v3;
	v4 =	vmul.f32 v4, v3;
	_ =	sdelay $0x1  }
0xb3: {  	[tilespmem:s9+$0x10] =	vst v2  }
.Ltmp2:
0xb4: {  	[tilespmem:s9+$0x0] =	vst v4;
	v2 =	vld [tilespmem:s9+$0x30];
	(pc) =	sbr.rel @p1 .LBB2_7-.Ltmp2, $4  }
0xb5: {  	v3 =	vld.idx.msk [tilespmem:v5+s23+$0x0], $0xffff  }
0xb6: {  	s13 =	sadd.s32 $0xFFFFFFFD, s12;
	v4 =	vld [tilespmem:s9+$0x20]  }
0xb7: {  	v5 =	vmov s13  }
0xb8: {  	s12 =	sadd.s32 $0x4, s12;
	v5 =	vand.u32 $0xFFFFFFFC, v5  }
0xb9: {  	v5 =	vbroadcast v5, $0x0;
	_ =	sdelay $0x1  }
0xba: {  	v2 =	vmul.f32 v2, v3  }
0xbb: {  	v4 =	vmul.f32 v4, v3  }
0xbc: {  	s16 =	sadd.s32 $0x80, s9;
	[tilespmem:s9+$0x30] =	vst v2  }
0xbd: {  	v3 =	vld [tilespmem:s16+$0xFFFFFFC0];
	[tilespmem:s9+$0x20] =	vst v4  }
0xbe: {  	s12 =	sadd.s32 $0xFFFFFFFE, s10;
	v2 =	vld.idx.msk [tilespmem:v5+s23+$0x0], $0xffff  }
0xbf: {  	v57 =	vld [tilespmem:s16+$0xFFFFFFD0];
	v58 =	vmov s12  }
0xc0: {  	v5 =	vand.u32 $0xFFFFFFFD, v58  }
0xc1: {  	v5 =	vbroadcast v5, $0x0;
	_ =	sdelay $0x1  }
0xc2: {  	v3 =	vmul.f32 v3, v2  }
0xc3: {  	v2 =	vmul.f32 v57, v2  }
0xc4: {  	[tilespmem:s16+$0xFFFFFFC0] =	vst v3  }
0xc5: {  	[tilespmem:s16+$0xFFFFFFD0] =	vst v2;
	v3 =	vld [tilespmem:s16+$0xFFFFFFE0]  }
0xc6: {  	s19 =	sadd.s32 $0xFFFFFFFF, s10;
	v2 =	vld.idx.msk [tilespmem:v5+s23+$0x0], $0xffff  }
0xc7: {  	v60 =	vmov s19;
	v59 =	vld [tilespmem:s16+$0xFFFFFFF0]  }
0xc8: {  	v5 =	vand.u32 $0xFFFFFFFE, v60  }
0xc9: {  	v5 =	vbroadcast v5, $0x0;
	_ =	sdelay $0x1  }
0xca: {  	v3 =	vmul.f32 v3, v2  }
0xcb: {  	v2 =	vmul.f32 v59, v2  }
0xcc: {  	[tilespmem:s16+$0xFFFFFFE0] =	vst v3  }
0xcd: {  	[tilespmem:s16+$0xFFFFFFF0] =	vst v2;
	v2 =	vld [tilespmem:s16+$0x10]  }
0xce: {  	v3 =	vld.idx.msk [tilespmem:v5+s23+$0x0], $0xffff  }
0xcf: {  	v61 =	vld [tilespmem:s16+$0x0];
	_ =	sdelay $0x2  }
0xd0: {  	v62 =	vmov s10  }
0xd1: {  	v2 =	vmul.f32 v2, v3  }
0xd2: {  	v3 =	vmul.f32 v61, v3  }
0xd3: {  	[tilespmem:s16+$0x10] =	vst v2  }
0xd4: {  	[tilespmem:s16+$0x0] =	vst v3;
	v3 =	vld [tilespmem:s16+$0x20]  }
0xd5: {  	v2 =	vld.idx.msk [tilespmem:v62+s23+$0x0], $0xffff  }
0xd6: {  	v63 =	vld [tilespmem:s16+$0x30];
	_ =	sdelay $0x3  }
0xd7: {  	v3 =	vmul.f32 v3, v2  }
0xd8: {  	s8 =	sadd.s32 $0x1, s8;
	v2 =	vmul.f32 v63, v2  }
0xd9: {  	p1 =	sne.s32 s8, $0x50;
	[tilespmem:s16+$0x20] =	vst v3  }
.Ltmp3:
0xda: {  	[tilespmem:s16+$0x30] =	vst v2;
	(pc) =	sbr.rel @p1 .LBB2_4-.Ltmp3, $4  }
0xdb: {  	[spmem:s2] =	stream.indirect.scatter.add.f32 [tilespmem:s28], [sflag:$0x1], $0x20, s31, s25, $0xb8;
	[tilespmem:$0x1E5A0] =	vst v63  }
0xdc: {  	_ =	swait.ge [sflag:s30], $0x5000  }
0xdd: {  	[sflag:s30] =	ssyncset.done $0x0  }
0xde: {  	[sflag:s30] =	ssyncadd.s32 $0xFFFFB000  }
0xdf: {  	[bflag:$0x0] =	sbarrier.arrive $0xFFFF;
	s1 =	sshrl.u32 @p0 s11, $0x3;
	s8 =	simm.s32 @p0 $0x1FC3  }
0xe0: {  	[hbm:s20], [sflag:s8] =	dma.local @p0 [spmem:s1], $0x2E40  }
0xe1: {  	s1 =	simm.s32 @p0 $0x3  }
0xe2: {  	s0 =	sadd.s32 $0x1, s0;
	s8 =	stileid.u32;
	_ =	swait.ge @p0 [sflag:s1], $0x2E40  }
0xe3: {  	p1 =	sne.s32 s0, s21;
	s8 =	sshll.u32 @!p0 s8, $0x6;
	[sflag:s1] =	ssyncset.done @p0 $0x0  }
0xe4: {  	[sflag:s1] =	ssyncadd.s32 @p0 $0xFFFFD1C0;
	s1 =	sor.u32 @!p0 $0x1C03, s8;
	s8 =	rddreg [dreg:$0xb]  }
0xe5: {  	[hbm:s8], [sflag:s1] =	dma.local @!p0 [spmem:s24], $0x3100  }
.Ltmp4:
0xe6: {  	_ = 	snop;
	(pc) =	sbr.rel @p1 .LBB2_1-.Ltmp4, $4  }
0xe7: {  	s1 =	simm.s32 @!p0 $0x3  }
0xe8: {  	_ =	swait.ge @!p0 [sflag:s1], $0x3100  }
0xe9: {  	[sflag:s1] =	ssyncset.done @!p0 $0x0  }
0xea: {  	[sflag:s1] =	ssyncadd.s32 @!p0 $0xFFFFCF00  }
0xeb: {  	_ =	sfence.sel $0x180000  }
0xec: {  	[bflag:$0x0] =	sbarrier.arrive $0xFFFF  }
0xed: {  	_ =	strace $0x9000004A  }
0xee: {  	s0 =	stileid.u32;
	[bflag:$0x2] =	sbarrier.arrive $0xFFFF  }
0xef: {  	p0 =	sne.s32 s0, $0x0;
	s0 =	rddreg [dreg:$0x2]  }
0xf0: {  	s0 =	sadd.s32 @!p0 $0x100000, s0  }
0xf1: {  	[sflag:s0] =	ssyncadd.tile.s32 @!p0 $0x1;
	_ =	shalt  }
.Lfunc_end2:
_tile_overlayer_lowered:
.L_overlay_start_2:
0xf2: {  	(tag) =	ssettag $0x2  }
0xf3: {  	s0 =	rddreg [dreg:$0x0];
	s2 =	stileid.u32  }
0xf4: {  	s1 =	rddreg [dreg:$0x1];
	p0 =	sne.s32 s2, $0x0  }
0xf5: {  	s3 =	rddreg [dreg:$0x2];
	[bflag:$0x3] =	sbarrier.arrive $0xFFFF;
	s2 =	simm.s32 @!p0 $0x1C03  }
0xf6: {  	[timem:s3], [sflag:s2] =	dma.local @!p0 [hbm:s0], s1  }
0xf7: {  	s0 =	simm.s32 @!p0 $0x3  }
0xf8: {  	_ =	swait.ge @!p0 [sflag:s0], s1  }
0xf9: {  	s1 =	ssub.s32 @!p0 $0x0, s1;
	[sflag:s0] =	ssyncset.done @!p0 $0x0  }
0xfa: {  	[sflag:s0] =	ssyncadd.s32 @!p0 s1  }
0xfb: {  	[bflag:$0x3] =	sbarrier.arrive $0xFFFF  }
0xfc: {  	_ =	shalt  }

// kernel: kernel.16.cloned.1.call-start
scs
__scs_entry_jumppad:
0x0: {  	(pc) =	sbr.rel $0x88, $3  }
0x1: {  	(tag) =	ssettag $0x0;
	lr =	simm.s32 $0x1  }
0x2: {  	[smem:$0x3F8F] =	sst lr;
	_ =	strace $0xD0000000  }
0x3: {  	_ = 	snop  }
0x4: {  	_ = 	snop  }
0x5: {  	_ = 	snop  }
0x6: {  	_ = 	snop  }
0x7: {  	_ = 	snop  }
__scs_overlays_trampoline_lowered:
0x8: {  	[smem:$0x3F9E] =	sst s0  }
0x9: {  	[smem:$0x3F9F] =	sst s1  }
0xa: {  	[smem:$0x3FA0] =	sst s2  }
0xb: {  	[smem:$0x3FA1] =	sst s3  }
0xc: {  	[smem:$0x3FA2] =	sst s4  }
0xd: {  	[smem:$0x3FA3] =	sst s5  }
0xe: {  	[smem:$0x3FA4] =	sst s6  }
0xf: {  	[smem:$0x3FA5] =	sst s7  }
0x10: {  	[smem:$0x3FA6] =	sst s8  }
0x11: {  	[smem:$0x3FA7] =	sst s9;
	s0 =	simm.s32 @!p0 $0x0  }
0x12: {  	s1 =	sld [smem:$0x3F8D];
	s0 =	simm.s32 @p0 $0x1  }
0x13: {  	[smem:$0x3FA8] =	sst s0;
	s0 =	simm.s32 @!p1 $0x0  }
0x14: {  	s2 =	sld [smem:$0x3F8C];
	s0 =	simm.s32 @p1 $0x1  }
0x15: {  	[smem:$0x3FA9] =	sst s0;
	s0 =	simm.s32 @!p2 $0x0  }
0x16: {  	s3 =	sld [smem:$0x3FDB];
	s0 =	simm.s32 @p2 $0x1  }
0x17: {  	s4 =	simm.s32 $0x1BF5;
	[smem:$0x3FAB] =	sst s0  }
0x18: {  	s0 =	sld [smem:$0x3F8E];
	_ =	swait.ge [sflag:s4], $0x0  }
0x19: {  	s7 =	sld [smem:$0x3F8F]  }
0x1a: {  	s8 =	sadd.s32 $0xFFFFE003, lr  }
0x1b: {  	s9 =	sadd.s32 $0xFFFFFEF7, lr;
	s5 =	simm.s32 $0xFFFFFFFF;
	p2 =	slt.u32 s8, $0xFFFFF086  }
0x1c: {  	p1 =	slt.u32 s9, $0xF7A;
	s5 =	simm.s32 @!p2 $0x0  }
0x1d: {  	s5 =	simm.s32 @p1 $0x1;
	p0 =	seq.s32 s7, s2  }
0x1e: {  	s7 =	smul.u32 @!p0 $0xF7A, s2;
	p2 =	seq.s32 @!p0 s5, $0x0  }
0x1f: {  	s9 =	smul.u32 $0xF7A, s1;
	s8 =	simm.s32 @!p0 $0x1BF5;
	p2 =	por !p2, p0  }
0x20: {  	[sflag:s8] =	ssyncset.s32 @!p0 $0xFFFFF086;
	s6 =	sadd.s32 @!p0 s3, s7;
	s7 =	simm.s32 @!p0 $0x108  }
0x21: {  	s3 =	sadd.s32 s3, s9;
	s6 =	sadd.s32 @!p0 $0x88, s6;
	s7 =	simm.s32 @p2 $0x1082  }
0x22: {  	[simem:s7], [sflag:s8] =	dma.local @!p0 [hbm:s6], $0xF7A  }
0x23: {  	s9 =	sor.u32 $0xD0000000, s2;
	s6 =	simm.s32 $0x108;
	_ =	swait.ge @!p0 [sflag:s8], $0x0  }
0x24: {  	s3 =	sadd.s32 $0x88, s3;
	s6 =	simm.s32 @!p1 $0x1082;
	[sflag:s4] =	ssyncset.s32 $0xFFFFF086  }
0x25: {  	[simem:s6], [sflag:s4] =	dma.local [hbm:s3], $0xF7A  }
0x26: {  	[smem:$0x3F8F] =	sst s1;
	(tag) =	ssettag s2;
	_ =	strace s9  }
0x27: {  	s1 =	sld [smem:$0x3F9F]  }
0x28: {  	s2 =	sld [smem:$0x3FA0]  }
0x29: {  	s4 =	sld [smem:$0x3FA2]  }
0x2a: {  	p0 =	seq.s32 s5, $0x0;
	s5 =	sld [smem:$0x3FA3]  }
0x2b: {  	s6 =	sld [smem:$0x3FA4]  }
0x2c: {  	s7 =	sld [smem:$0x3FA5]  }
0x2d: {  	s3 =	simm.s32 $0x108;
	s8 =	sld [smem:$0x3FA6]  }
0x2e: {  	s3 =	simm.s32 @!p0 $0x1082;
	s9 =	sld [smem:$0x3FA7]  }
0x2f: {  	lr =	sadd.s32 s0, s3;
	s0 =	sld [smem:$0x3F9E]  }
0x30: {  	s3 =	sld [smem:$0x3FA1]  }
0x31: {  	[smem:$0x3FAA] =	sst s10  }
0x32: {  	s10 =	sld [smem:$0x3FA8];
	_ =	sdelay $0x3  }
0x33: {  	p0 =	seq.s32 s10, $0x1;
	s10 =	sld [smem:$0x3FAA];
	_ =	sdelay $0x3  }
0x34: {  	[smem:$0x3FAA] =	sst s10  }
0x35: {  	s10 =	sld [smem:$0x3FA9];
	_ =	sdelay $0x3  }
0x36: {  	p1 =	seq.s32 s10, $0x1;
	s10 =	sld [smem:$0x3FAA];
	_ =	sdelay $0x3  }
0x37: {  	[smem:$0x3FAA] =	sst s10  }
0x38: {  	s10 =	sld [smem:$0x3FAB]  }
0x39: {  	_ = 	snop;
	(pc) =	sbr.ind lr, $3  }
0x3a: {  	_ = 	snop  }
0x3b: {  	_ = 	snop  }
0x3c: {  	p2 =	seq.s32 s10, $0x1;
	s10 =	sld [smem:$0x3FAA]  }
0x3d: {  	_ =	shalt  }
0x3e: {  	_ =	shalt  }
0x3f: {  	_ =	shalt  }
0x40: {  	_ =	shalt  }
0x41: {  	_ =	shalt  }
0x42: {  	_ =	shalt  }
0x43: {  	_ =	shalt  }
0x44: {  	_ =	shalt  }
0x45: {  	_ =	shalt  }
0x46: {  	_ =	shalt  }
0x47: {  	_ =	shalt  }
0x48: {  	_ =	shalt  }
0x49: {  	_ =	shalt  }
0x4a: {  	_ =	shalt  }
0x4b: {  	_ =	shalt  }
0x4c: {  	_ =	shalt  }
0x4d: {  	_ =	shalt  }
0x4e: {  	_ =	shalt  }
0x4f: {  	_ =	shalt  }
0x50: {  	_ =	shalt  }
0x51: {  	_ =	shalt  }
0x52: {  	_ =	shalt  }
0x53: {  	_ =	shalt  }
0x54: {  	_ =	shalt  }
0x55: {  	_ =	shalt  }
0x56: {  	_ =	shalt  }
0x57: {  	_ =	shalt  }
0x58: {  	_ =	shalt  }
0x59: {  	_ =	shalt  }
0x5a: {  	_ =	shalt  }
0x5b: {  	_ =	shalt  }
0x5c: {  	_ =	shalt  }
0x5d: {  	_ =	shalt  }
0x5e: {  	_ =	shalt  }
0x5f: {  	_ =	shalt  }
0x60: {  	_ =	shalt  }
0x61: {  	_ =	shalt  }
0x62: {  	_ =	shalt  }
0x63: {  	_ =	shalt  }
0x64: {  	_ =	shalt  }
0x65: {  	_ =	shalt  }
0x66: {  	_ =	shalt  }
0x67: {  	_ =	shalt  }
0x68: {  	_ =	shalt  }
0x69: {  	_ =	shalt  }
0x6a: {  	_ =	shalt  }
0x6b: {  	_ =	shalt  }
0x6c: {  	_ =	shalt  }
0x6d: {  	_ =	shalt  }
0x6e: {  	_ =	shalt  }
0x6f: {  	_ =	shalt  }
0x70: {  	_ =	shalt  }
0x71: {  	_ =	shalt  }
0x72: {  	_ =	shalt  }
0x73: {  	_ =	shalt  }
0x74: {  	_ =	shalt  }
0x75: {  	_ =	shalt  }
0x76: {  	_ =	shalt  }
0x77: {  	_ =	shalt  }
0x78: {  	_ =	shalt  }
0x79: {  	_ =	shalt  }
0x7a: {  	_ =	shalt  }
0x7b: {  	_ =	shalt  }
0x7c: {  	_ =	shalt  }
0x7d: {  	_ =	shalt  }
0x7e: {  	_ =	shalt  }
0x7f: {  	_ =	shalt  }
0x80: {  	_ =	shalt  }
0x81: {  	_ =	shalt  }
0x82: {  	_ =	shalt  }
0x83: {  	_ =	shalt  }
0x84: {  	_ =	shalt  }
0x85: {  	_ =	shalt  }
0x86: {  	_ =	shalt  }
0x87: {  	_ =	shalt  }
.Lfunc_end0:
.L_simem_size_0:
called_computation.2_lowered:
.L_overlay_start_0:
0x88: {  	s2 =	sld [smem:$0x3FD9]  }
0x89: {  	s3 =	sld [smem:$0x3FFE];
	_ =	sdelay $0x1  }
0x8a: {  	s1 =	srdreg.scid  }
0x8b: {  	s0 =	sand.u32 $0x1, s1  }
0x8c: {  	s16 =	sshll.u32 s0, $0xA;
	s2 =	sadd.s32 s3, s2  }
0x8d: {  	s2 =	sadd.s32 s2, s16  }
0x8e: {  	[smem:$0x3FB6] =	sst s2  }
0x8f: {  	_ = 	snop  }
0x90: {  	(tm) =	ssettm $0x1  }
0x91: {  	s17 =	sld [smem:$0x3FFB];
	_ =	sdelay $0x3  }
0x92: {  	_ =	strace s17  }
0x93: {  	s2 =	sld [smem:$0x3FFC];
	_ =	sdelay $0x3  }
0x94: {  	_ =	strace s2  }
0x95: {  	s2 =	sld [smem:$0x3FFD];
	_ =	sdelay $0x3  }
0x96: {  	_ =	strace s2  }
0x97: {  	_ =	strace $0x8FFFFFFF  }
0x98: {  	s18 =	sld [smem:$0x3FDB];
	_ =	sdelay $0x1  }
0x99: {  	s19 =	simm.s32 $_scs_section_size  }
0x9a: {  	s4 =	simm.s32 $_size__tile_overlayer_lowered;
	s5 =	simm.s32 $_tile_overlayer_lowered  }
0x9b: {  	s22 =	simm.s32 $0x1BFF;
	s21 =	sshll.u32 s5, $0x1;
	s2 =	sadd.s32 s19, s18  }
0x9c: {  	s6 =	simm.s32 $0x0;
	s20 =	sshll.u32 s4, $0x1;
	s4 =	sadd.s32 s21, s2  }
0x9d: {  	[timem:s6], [sflag:s22] =	dma.local [hbm:s4], s20  }
0x9e: {  	_ =	swait.ge [sflag:s22], s20  }
0x9f: {  	s3 =	ssub.s32 $0x0, s20;
	[sflag:s22] =	ssyncset.done $0x0  }
0xa0: {  	[sflag:s22] =	ssyncadd.s32 s3;
	_ =	sdelay $0x1  }
0xa1: {  	s23 =	simm.s32 $0x1B8B  }
0xa2: {  	_ =	swait.ge [sflag:s23], $0x1  }
0xa3: {  	[sflag:s23] =	ssyncset.done $0x0  }
0xa4: {  	s25 =	simm.s32 $0x1B8E;
	s24 =	sld [smem:$0x3FFE];
	[sflag:s23] =	ssyncadd.s32 $0xFFFFFFFF  }
0xa5: {  	s26 =	simm.s32 $execute0_lowered;
	[smem:$0x3FD2] =	sst s25  }
0xa6: {  	s4 =	sshll.u32 s26, $0x1;
	_ =	strace $0x8000004C;
	[dreg:$0x1] =	wrdreg $0xFFFFFFFF  }
0xa7: {  	s28 =	simm.s32 $_size_execute0_lowered;
	s2 =	sadd.s32 s2, s4;
	[dreg:$0x0] =	wrdreg $0x0  }
0xa8: {  	s4 =	sshll.u32 s28, $0x1;
	[dreg:$0x2] =	wrdreg s2  }
0xa9: {  	[dreg:$0x3] =	wrdreg s4  }
0xaa: {  	[dreg:$0x4] =	wrdreg $0xC0  }
0xab: {  	_ =	task [dreg:s6], $0x5FFFF  }
0xac: {  	[dreg:$0x1] =	wrdreg $0xFFFFFFFF  }
0xad: {  	[dreg:$0x0] =	wrdreg $0x60  }
0xae: {  	[dreg:$0x2] =	wrdreg s24  }
0xaf: {  	[dreg:$0x3] =	wrdreg $0xA0000  }
0xb0: {  	[dreg:$0x4] =	wrdreg $0x163500  }
0xb1: {  	[dreg:$0x5] =	wrdreg $0x9  }
0xb2: {  	_ =	task.clear_ibuf [dreg:s6], $0x6FFFF;
	_ =	strace $0x9000004C  }
0xb3: {  	s29 =	simm.s32 $0x9;
	_ =	strace $0x8000004E  }
0xb4: {  	_ =	swait.ge [sflag:s29], $0x1  }
0xb5: {  	[sflag:s29] =	ssyncadd.s32 $0xFFFFFFFF  }
0xb6: {  	_ =	strace $0x9000004E  }
0xb7: {  	_ =	sfence  }
0xb8: {  	s30 =	sld [smem:$0x0];
	_ =	sdelay $0x2  }
0xb9: {  	s31 =	sshll.u32 s1, $0xD;
	s1 =	sshrl.u32 s1, $0x2  }
0xba: {  	s3 =	sand.u32 $0x4000, s31;
	s1 =	sadd.s32 s1, s30  }
0xbb: {  	s0 =	sor.u32 s3, s0;
	s1 =	sshll.u32 s1, $0x11  }
0xbc: {  	s0 =	sor.u32 s1, s0  }
0xbd: {  	s0 =	sadd.s32 $0x8F2B, s0  }
0xbe: {  	[sflag:s0] =	ssyncadd.remote.s32 $0x1  }
0xbf: {  	_ =	sfence.sel $0xFFFF  }
0xc0: {  	[dreg:$0x0] =	wrdreg $0xFFFFFFFF;
	(pc) =	sbr.abs _section_cstart, $3  }
0xc1: {  	[dreg:$0x1] =	wrdreg $0xFFFFFFFF  }
0xc2: {  	_ =	task.clear_ibuf [dreg:s6], $0x2FFFF;
	_ =	strace $0x9FFFFFFF  }
0xc3: {  	(tm) =	ssettm $0x7FFFFFFF  }
tec
execute0_lowered:
.L_overlay_start_1:
0x0: {  	(tag) =	ssettag $0x1  }
0x1: {  	s0 =	rddreg [dreg:$0x0];
	s17 =	stileid.u32  }
0x2: {  	s1 =	rddreg [dreg:$0x1];
	s8 =	smul.u32 $0xC40, s17  }
0x3: {  	s2 =	rddreg [dreg:$0x2];
	s3 =	simm.s32 $0x0;
	s11 =	smul.u32 $0x31000, s17  }
0x4: {  	s4 =	srdreg.scid;
	s5 =	sadd.s32 $0x35B600, s0;
	s13 =	smul.u32 $0x18800, s17  }
0x5: {  	[smem:$0x7FF] =	sst s3;
	s6 =	sadd.s32 $0x41EC00, s0;
	s14 =	smul.u32 $0xC400, s17  }
0x6: {  	s7 =	sadd.s32 $0x3200, s0;
	s4 =	sand.u32 $0x1, s4;
	s16 =	smul.u32 $0x6200, s17  }
0x7: {  	s9 =	sadd.s32 $0x66A00, s0;
	s0 =	sadd.s32 $0x4E200, s0;
	s15 =	smul.u32 $0x30D40, s4  }
0x8: {  	p0 =	seq.s32 s17, $0xF;
	s10 =	ssub.s32 $0x2, s4;
	s25 =	smul.u32 $0xC3500, s4  }
0x9: {  	_ =	strace $0x8000004D;
	s4 =	smul.u32 $0x61A80, s4;
	s12 =	sshrl.u32 s10, $0x1  }
0xa: {  	s11 =	sshrl.u32 s11, $0x2;
	s18 =	sshrl.u32 s13, $0x2;
	s19 =	sadd.s32 $0x280, s8  }
0xb: {  	s21 =	sadd.s32 $0x500, s8;
	s28 =	sadd.s32 $0x780, s8;
	s8 =	sadd.s32 $0xA00, s8  }
0xc: {  	s10 =	ssub.s32 s10, s12;
	s11 =	sadd.s32 s11, s1;
	s20 =	sshll.u32 s19, $0x4  }
0xd: {  	s22 =	sshll.u32 s19, $0x3;
	s23 =	sshll.u32 s21, $0x4;
	s26 =	sshll.u32 s21, $0x3  }
0xe: {  	s29 =	sshll.u32 s28, $0x4;
	s21 =	sadd.s32 $0xBA400, s1;
	[dreg:$0x4] =	wrdreg s11  }
0xf: {  	s13 =	sshll.u32 s28, $0x3;
	s28 =	sadd.s32 $0xBF400, s1;
	[dreg:$0x17] =	wrdreg s21  }
0x10: {  	s30 =	sadd.s32 s14, s25;
	s11 =	sadd.s32 s18, s2;
	[dreg:$0x1b] =	wrdreg s28  }
0x11: {  	s31 =	sadd.s32 s16, s4;
	s24 =	sadd.s32 s23, s1;
	[dreg:$0x5] =	wrdreg s11  }
0x12: {  	s4 =	sshrl.u32 s4, $0x3;
	s12 =	sadd.s32 s26, s2;
	[dreg:$0x8] =	wrdreg s24  }
0x13: {  	s19 =	sshll.u32 s8, $0x3;
	s18 =	sadd.s32 s13, s2;
	[dreg:$0x9] =	wrdreg s12  }
0x14: {  	v0 =	vmov s15;
	s15 =	simm.s32 $0x1180;
	s23 =	sadd.s32 $0xBCC00, s1;
	[dreg:$0xd] =	wrdreg s18  }
0x15: {  	s26 =	sadd.s32 $0x5E600, s2;
	s13 =	simm.s32 $0x280;
	[dreg:$0x19] =	wrdreg s23  }
0x16: {  	s21 =	simm.s32 $0x2;
	s11 =	sadd.s32 s20, s1;
	[dreg:$0x1a] =	wrdreg s26  }
0x17: {  	s12 =	sadd.s32 s29, s1;
	s20 =	smax.u32 s10, $0x1;
	[dreg:$0x6] =	wrdreg s11  }
0x18: {  	s24 =	sadd.s32 $0xB7C00, s1;
	s29 =	sadd.s32 $0x5FA00, s2;
	[dreg:$0xa] =	wrdreg s12  }
0x19: {  	s10 =	smul.u32 $0x190, s17;
	s17 =	simm.s32 $0x3980;
	[dreg:$0x12] =	wrdreg s20  }
0x1a: {  	s18 =	simm.s32 $0xC80;
	s23 =	simm.s32 $0xF00;
	[dreg:$0x1c] =	wrdreg s29  }
0x1b: {  	s11 =	sadd.s32 s22, s2;
	s12 =	sshrl.u32 s30, $0x3;
	[dreg:$0x15] =	wrdreg s24  }
0x1c: {  	s22 =	sadd.s32 $0x5D200, s2;
	s30 =	sadd.s32 $0xC1C00, s1;
	[dreg:$0x7] =	wrdreg s11  }
0x1d: {  	s20 =	simm.s32 $0x1;
	s11 =	sshrl.u32 s25, $0x3;
	[dreg:$0x18] =	wrdreg s22  }
0x1e: {  	s12 =	sadd.s32 s9, s12;
	s25 =	sadd.s32 $0x5BE00, s2;
	[dreg:$0x1d] =	wrdreg s30  }
0x1f: {  	s22 =	simm.s32 $0x9D80;
	[dreg:$0xb] =	wrdreg s12;
	s9 =	sadd.s32 s9, s11  }
0x20: {  	s11 =	sshrl.u32 s31, $0x3;
	s31 =	sadd.s32 $0x60E00, s2;
	[dreg:$0x16] =	wrdreg s25  }
0x21: {  	s12 =	sshll.u32 s8, $0x4;
	s11 =	sadd.s32 s0, s11;
	[dreg:$0x1e] =	wrdreg s31  }
0x22: {  	s0 =	sadd.s32 s0, s4;
	s4 =	sadd.s32 s12, s1;
	[dreg:$0xc] =	wrdreg s11  }
0x23: {  	s8 =	sadd.s32 s16, s2;
	s9 =	sadd.s32 $0x16F80, s9;
	[dreg:$0xe] =	wrdreg s4  }
0x24: {  	s16 =	simm.s32 $0xA00;
	s4 =	sadd.s32 s19, s2;
	[dreg:$0x10] =	wrdreg s9  }
0x25: {  	s0 =	sadd.s32 $0xB7C0, s0;
	[dreg:$0xf] =	wrdreg s4;
	s4 =	sadd.s32 s14, s1  }
0x26: {  	v1 =	vimm.f32 $0.0e+00;
	s12 =	simm.s32 $0x3;
	[dreg:$0x11] =	wrdreg s0;
	s0 =	sshrl.u32 @!p0 s4, $0x3  }
0x27: {  	v2 =	vlaneseq.u32;
	vm0 =	vcmask $0x3F24;
	vm1 =	vcmask $0x1F04;
	s11 =	simm.s32 $0x8980;
	[dreg:$0x13] =	wrdreg s0;
	s0 =	sshrl.u32 @!p0 s8, $0x3  }
0x28: {  	v3 =	vimm.s32 $0x0;
	vm0 =	vmor vm1, vm0;
	v4 =	vand.u32 $0x7, v2;
	s19 =	simm.s32 $0x6180;
	s14 =	simm.s32 $0x780;
	[dreg:$0x14] =	wrdreg s0  }
.LBB2_1:
0x29: {  	s0 =	simm.s32 $0x0  }
.LBB2_2:
0x2a: {  	p1 =	sne.s32 s0, $0x9FC0  }
.Ltmp0:
0x2b: {  	_ = 	snop;
	(pc) =	sbr.rel @p1 .LBB2_2-.Ltmp0, $3  }
0x2c: {  	_ =	sdelay $0x1  }
0x2d: {  	s4 =	sshra.s32 s0, $0x2  }
0x2e: {  	s0 =	sadd.s32 $0x40, s0;
	[tilespmem:s4+$0x6180] =	vst v1  }
0x2f: {  	s0 =	simm.s32 $0x0  }
0x30: {  	v5 =	vmov s0  }
0x31: {  	vm1 =	veq.s32 v5, v2  }
0x32: {  	vm1 =	vmand vm1, vm0  }
0x33: {  	v5 =	vsel vm1, $0xFFFFFFFF, v3  }
0x34: {  	v5 =	vshll.u32 v5, $0x3  }
0x35: {  	s4 =	simm.s32 $0x10;
	v5 =	vadd.s32 s0, v5  }
0x36: {  	v6 =	vmov s4;
	v5 =	vadd.s32 v2, v5  }
0x37: {  	vm1 =	veq.s32 v6, v2;
	v5 =	vand.u32 $0xFFFFFFF8, v5  }
0x38: {  	vm1 =	vmand vm1, vm0;
	v5 =	vor.u32 v4, v5  }
0x39: {  	v6 =	vsel vm1, $0xFFFFFFFF, v3  }
0x3a: {  	v6 =	vshll.u32 v6, $0x3  }
0x3b: {  	s0 =	simm.s32 $0x20;
	v6 =	vadd.s32 s4, v6  }
.LBB2_4:
0x3c: {  	v7 =	vmov s0;
	p1 =	sne.s32 s0, $0x13F0;
	v6 =	vadd.s32 v2, v6;
	s4 =	smov.u32 s0;
	s0 =	sadd.s32 $0x10, s0  }
.Ltmp1:
0x3d: {  	vm1 =	veq.s32 v7, v2;
	v6 =	vand.u32 $0xFFFFFFF8, v6;
	[tilespmem:v5+s11+$0x0] =	vst.idx.msk $0xffff, v1;
	(pc) =	sbr.rel @p1 .LBB2_4-.Ltmp1, $4  }
0x3e: {  	vm1 =	vmand vm1, vm0;
	v5 =	vor.u32 v4, v6  }
0x3f: {  	v6 =	vsel vm1, $0xFFFFFFFF, v3  }
0x40: {  	v6 =	vshll.u32 v6, $0x3  }
0x41: {  	v6 =	vadd.s32 s4, v6  }
0x42: {  	v6 =	vadd.s32 v2, v6  }
0x43: {  	v6 =	vand.u32 $0xFFFFFFF8, v6  }
0x44: {  	v6 =	vor.u32 v4, v6;
	_ =	sdelay $0x3  }
0x45: {  	[tilespmem:v5+s11+$0x0] =	vst.idx.msk $0xffff, v1  }
0x46: {  	s0 =	simm.s32 @p0 $0x6180;
	s4 =	simm.s32 @p0 $0x3;
	[tilespmem:v6+s11+$0x0] =	vst.idx.msk $0xffff, v1  }
0x47: {  	[spmem:s24] =	stream.linear.scatter @p0 [tilespmem:s0], [sflag:$0x3], $0x2800, $0x38;
	[tilespmem:$0x1C4F8] =	vst v63  }
0x48: {  	_ =	swait.ge @p0 [sflag:s4], $0x2800  }
0x49: {  	[sflag:s4] =	ssyncset.done @p0 $0x0  }
0x4a: {  	s8 =	simm.s32 @p0 $0x8980;
	[sflag:s4] =	ssyncadd.s32 @p0 $0xFFFFD800  }
0x4b: {  	[spmem:s25] =	stream.linear.scatter @p0 [tilespmem:s8], [sflag:$0x3], $0x1400, $0x38;
	[tilespmem:$0x1C4F8] =	vst v63  }
0x4c: {  	_ =	swait.ge @p0 [sflag:s4], $0x1400  }
0x4d: {  	[sflag:s4] =	ssyncset.done @p0 $0x0  }
0x4e: {  	s9 =	rddreg [dreg:$0x17];
	[sflag:s4] =	ssyncadd.s32 @p0 $0xFFFFEC00  }
0x4f: {  	[spmem:s9] =	stream.linear.scatter @p0 [tilespmem:s0], [sflag:$0x3], $0x2800, $0x38;
	[tilespmem:$0x1C4F8] =	vst v63  }
0x50: {  	_ =	swait.ge @p0 [sflag:s4], $0x2800  }
0x51: {  	[sflag:s4] =	ssyncset.done @p0 $0x0  }
0x52: {  	s9 =	rddreg [dreg:$0x18];
	[sflag:s4] =	ssyncadd.s32 @p0 $0xFFFFD800  }
0x53: {  	[spmem:s9] =	stream.linear.scatter @p0 [tilespmem:s8], [sflag:$0x3], $0x1400, $0x38;
	[tilespmem:$0x1C4F8] =	vst v63  }
0x54: {  	_ =	swait.ge @p0 [sflag:s4], $0x1400  }
0x55: {  	[sflag:s4] =	ssyncset.done @p0 $0x0  }
0x56: {  	s9 =	rddreg [dreg:$0x19];
	[sflag:s4] =	ssyncadd.s32 @p0 $0xFFFFEC00  }
0x57: {  	[spmem:s9] =	stream.linear.scatter @p0 [tilespmem:s0], [sflag:$0x3], $0x2800, $0x38;
	[tilespmem:$0x1C4F8] =	vst v63  }
0x58: {  	_ =	swait.ge @p0 [sflag:s4], $0x2800  }
0x59: {  	[sflag:s4] =	ssyncset.done @p0 $0x0  }
0x5a: {  	s9 =	rddreg [dreg:$0x1a];
	[sflag:s4] =	ssyncadd.s32 @p0 $0xFFFFD800  }
0x5b: {  	[spmem:s9] =	stream.linear.scatter @p0 [tilespmem:s8], [sflag:$0x3], $0x1400, $0x38;
	[tilespmem:$0x1C4F8] =	vst v63  }
0x5c: {  	_ =	swait.ge @p0 [sflag:s4], $0x1400  }
0x5d: {  	[sflag:s4] =	ssyncset.done @p0 $0x0  }
0x5e: {  	s9 =	rddreg [dreg:$0x1b];
	[sflag:s4] =	ssyncadd.s32 @p0 $0xFFFFEC00  }
0x5f: {  	[spmem:s9] =	stream.linear.scatter @p0 [tilespmem:s0], [sflag:$0x3], $0x2800, $0x38;
	[tilespmem:$0x1C4F8] =	vst v63  }
0x60: {  	_ =	swait.ge @p0 [sflag:s4], $0x2800  }
0x61: {  	[sflag:s4] =	ssyncset.done @p0 $0x0  }
0x62: {  	s9 =	rddreg [dreg:$0x1c];
	[sflag:s4] =	ssyncadd.s32 @p0 $0xFFFFD800  }
0x63: {  	[spmem:s9] =	stream.linear.scatter @p0 [tilespmem:s8], [sflag:$0x3], $0x1400, $0x38;
	[tilespmem:$0x1C4F8] =	vst v63  }
0x64: {  	_ =	swait.ge @p0 [sflag:s4], $0x1400  }
0x65: {  	[sflag:s4] =	ssyncset.done @p0 $0x0  }
0x66: {  	s9 =	rddreg [dreg:$0x1d];
	[sflag:s4] =	ssyncadd.s32 @p0 $0xFFFFEC00  }
0x67: {  	[spmem:s9] =	stream.linear.scatter @p0 [tilespmem:s0], [sflag:$0x3], $0x1900, $0x38;
	[tilespmem:$0x1C4F8] =	vst v63  }
0x68: {  	_ =	swait.ge @p0 [sflag:s4], $0x1900  }
0x69: {  	[sflag:s4] =	ssyncset.done @p0 $0x0  }
0x6a: {  	s0 =	rddreg [dreg:$0x1e];
	[sflag:s4] =	ssyncadd.s32 @p0 $0xFFFFE700  }
0x6b: {  	[spmem:s0] =	stream.linear.scatter @p0 [tilespmem:s8], [sflag:$0x3], $0xC80, $0x38;
	[tilespmem:$0x1C4F8] =	vst v63  }
0x6c: {  	_ =	swait.ge @p0 [sflag:s4], $0xC80  }
0x6d: {  	[sflag:s4] =	ssyncset.done @p0 $0x0  }
0x6e: {  	s0 =	simm.s32 @!p0 $0x6180;
	[sflag:s4] =	ssyncadd.s32 @p0 $0xFFFFF380;
	s4 =	rddreg [dreg:$0x4]  }
0x6f: {  	[spmem:s4] =	stream.linear.scatter @!p0 [tilespmem:s0], [sflag:$0x3], $0x2800, $0x38;
	[tilespmem:$0x1C4F8] =	vst v63  }
0x70: {  	s4 =	simm.s32 @!p0 $0x3  }
0x71: {  	_ =	swait.ge @!p0 [sflag:s4], $0x2800  }
0x72: {  	[sflag:s4] =	ssyncset.done @!p0 $0x0  }
0x73: {  	s8 =	simm.s32 @!p0 $0x8980;
	s9 =	rddreg [dreg:$0x5];
	[sflag:s4] =	ssyncadd.s32 @!p0 $0xFFFFD800  }
0x74: {  	[spmem:s9] =	stream.linear.scatter @!p0 [tilespmem:s8], [sflag:$0x3], $0x1400, $0x38;
	[tilespmem:$0x1C4F8] =	vst v63  }
0x75: {  	_ =	swait.ge @!p0 [sflag:s4], $0x1400  }
0x76: {  	[sflag:s4] =	ssyncset.done @!p0 $0x0  }
0x77: {  	s9 =	rddreg [dreg:$0x6];
	[sflag:s4] =	ssyncadd.s32 @!p0 $0xFFFFEC00  }
0x78: {  	[spmem:s9] =	stream.linear.scatter @!p0 [tilespmem:s0], [sflag:$0x3], $0x2800, $0x38;
	[tilespmem:$0x1C4F8] =	vst v63  }
0x79: {  	_ =	swait.ge @!p0 [sflag:s4], $0x2800  }
0x7a: {  	[sflag:s4] =	ssyncset.done @!p0 $0x0  }
0x7b: {  	s9 =	rddreg [dreg:$0x7];
	[sflag:s4] =	ssyncadd.s32 @!p0 $0xFFFFD800  }
0x7c: {  	[spmem:s9] =	stream.linear.scatter @!p0 [tilespmem:s8], [sflag:$0x3], $0x1400, $0x38;
	[tilespmem:$0x1C4F8] =	vst v63  }
0x7d: {  	_ =	swait.ge @!p0 [sflag:s4], $0x1400  }
0x7e: {  	[sflag:s4] =	ssyncset.done @!p0 $0x0  }
0x7f: {  	s9 =	rddreg [dreg:$0x8];
	[sflag:s4] =	ssyncadd.s32 @!p0 $0xFFFFEC00  }
0x80: {  	[spmem:s9] =	stream.linear.scatter @!p0 [tilespmem:s0], [sflag:$0x3], $0x2800, $0x38;
	[tilespmem:$0x1C4F8] =	vst v63  }
0x81: {  	_ =	swait.ge @!p0 [sflag:s4], $0x2800  }
0x82: {  	[sflag:s4] =	ssyncset.done @!p0 $0x0  }
0x83: {  	s9 =	rddreg [dreg:$0x9];
	[sflag:s4] =	ssyncadd.s32 @!p0 $0xFFFFD800  }
0x84: {  	[spmem:s9] =	stream.linear.scatter @!p0 [tilespmem:s8], [sflag:$0x3], $0x1400, $0x38;
	[tilespmem:$0x1C4F8] =	vst v63  }
0x85: {  	_ =	swait.ge @!p0 [sflag:s4], $0x1400  }
0x86: {  	[sflag:s4] =	ssyncset.done @!p0 $0x0  }
0x87: {  	s9 =	rddreg [dreg:$0xa];
	[sflag:s4] =	ssyncadd.s32 @!p0 $0xFFFFEC00  }
0x88: {  	[spmem:s9] =	stream.linear.scatter @!p0 [tilespmem:s0], [sflag:$0x3], $0x2800, $0x38;
	[tilespmem:$0x1C4F8] =	vst v63  }
0x89: {  	_ =	swait.ge @!p0 [sflag:s4], $0x2800  }
0x8a: {  	[sflag:s4] =	ssyncset.done @!p0 $0x0  }
0x8b: {  	s9 =	rddreg [dreg:$0xd];
	[sflag:s4] =	ssyncadd.s32 @!p0 $0xFFFFD800  }
0x8c: {  	[spmem:s9] =	stream.linear.scatter @!p0 [tilespmem:s8], [sflag:$0x3], $0x1400, $0x38;
	[tilespmem:$0x1C4F8] =	vst v63  }
0x8d: {  	_ =	swait.ge @!p0 [sflag:s4], $0x1400  }
0x8e: {  	[sflag:s4] =	ssyncset.done @!p0 $0x0  }
0x8f: {  	s9 =	rddreg [dreg:$0xe];
	[sflag:s4] =	ssyncadd.s32 @!p0 $0xFFFFEC00  }
0x90: {  	[spmem:s9] =	stream.linear.scatter @!p0 [tilespmem:s0], [sflag:$0x3], $0x2400, $0x38;
	[tilespmem:$0x1C4F8] =	vst v63  }
0x91: {  	_ =	swait.ge @!p0 [sflag:s4], $0x2400  }
0x92: {  	[sflag:s4] =	ssyncset.done @!p0 $0x0  }
0x93: {  	s0 =	rddreg [dreg:$0xf];
	[sflag:s4] =	ssyncadd.s32 @!p0 $0xFFFFDC00  }
0x94: {  	[spmem:s0] =	stream.linear.scatter @!p0 [tilespmem:s8], [sflag:$0x3], $0x1200, $0x38;
	[tilespmem:$0x1C4F8] =	vst v63  }
0x95: {  	_ =	swait.ge @!p0 [sflag:s4], $0x1200  }
0x96: {  	[sflag:s4] =	ssyncset.done @!p0 $0x0  }
0x97: {  	[sflag:s4] =	ssyncadd.s32 @!p0 $0xFFFFEE00  }
0x98: {  	s28 =	simm.s32 $0x0;
	s24 =	simm.s32 $0x0;
	[bflag:$0x0] =	sbarrier.arrive $0xFFFF  }
.LBB2_6:
0x99: {  	s0 =	smul.u32 $0x5, s28;
	_ =	sdelay $0x1  }
0x9a: {  	s29 =	sadd.s32 s10, s0  }
0x9b: {  	s0 =	smul.u32 $0x30, s29;
	_ =	sdelay $0x1  }
0x9c: {  	s26 =	simm.s32 $0x0;
	s0 =	sadd.s32 s7, s0  }
0x9d: {  	[tilespmem:s24], [sflag:$0x3] =	stream.linear.gather [hbm4b:s0+s24], $0x780, $0x38;
	[tilespmem:$0x1C4F8] =	vst v63  }
0x9e: {  	s0 =	smul.u32 $0x600, s26  }
0x9f: {  	_ =	swait.ge [sflag:s12], $0x780  }
0xa0: {  	s4 =	sand.u32 $0x70, s24;
	[sflag:s12] =	ssyncset.done $0x0;
	s0 =	sshra.s32 s0, $0x2  }
0xa1: {  	[sflag:s12] =	ssyncadd.s32 $0xFFFFF880;
	s0 =	sor.u32 s4, s0  }
0xa2: {  	v6 =	vld [tilespmem:s0+$0x100];
	_ =	sdelay $0x1  }
0xa3: {  	v5 =	vld [tilespmem:s0+$0x80]  }
0xa4: {  	v7 =	vld [tilespmem:s0+$0x0];
	_ =	sdelay $0x1  }
0xa5: {  	v6 =	vmul.u32 $0xC350, v6;
	_ =	sdelay $0x1  }
0xa6: {  	s8 =	simm.s32 $0x0;
	s0 =	simm.s32 $0x780;
	v8 =	vadd.s32 v5, v6  }
0xa7: {  	s30 =	simm.s32 $0xF00;
	s25 =	smul.u32 $0x600, s8;
	s4 =	simm.s32 $0xA00;
	v6 =	vadd.s32 v7, v6;
	[tilespmem:s0+$0x0] =	vst v8  }
0xa8: {  	s31 =	simm.s32 $0xC80;
	s9 =	simm.s32 $0x10;
	s8 =	simm.s32 $0x2;
	[tilespmem:s4+$0x0] =	vst v6;
	v6 =	vadd.s32 v0, v6  }
.LBB2_7:
0xa9: {  	p1 =	sne.s32 s8, $0x27;
	s26 =	sand.u32 $0x70, s9;
	s25 =	sshra.s32 s25, $0x2;
	[tilespmem:s31+$0x0] =	vst v6  }
0xaa: {  	s25 =	sor.u32 s26, s25;
	[tilespmem:s30+$0x0] =	vst v5  }
0xab: {  	v6 =	vld [tilespmem:s25+$0x100]  }
0xac: {  	v7 =	vld [tilespmem:s25+$0x0]  }
0xad: {  	v5 =	vld [tilespmem:s25+$0x80];
	_ =	sdelay $0x2  }
.Ltmp2:
0xae: {  	v6 =	vmul.u32 $0xC350, v6;
	(pc) =	sbr.rel @p1 .LBB2_7-.Ltmp2, $4  }
0xaf: {  	_ = 	snop  }
0xb0: {  	s0 =	sadd.s32 $0x10, s0;
	s25 =	sshrl.u32 s8, $0x3;
	v8 =	vadd.s32 v5, v6  }
0xb1: {  	s4 =	sadd.s32 $0x10, s4;
	s30 =	sadd.s32 $0x10, s30;
	s25 =	smul.u32 $0x600, s25;
	v6 =	vadd.s32 v7, v6;
	[tilespmem:s0+$0x0] =	vst v8  }
0xb2: {  	s9 =	sadd.s32 $0x10, s9;
	s31 =	sadd.s32 $0x10, s31;
	s8 =	sadd.s32 $0x1, s8;
	[tilespmem:s4+$0x0] =	vst v6;
	v6 =	vadd.s32 v0, v6  }
0xb3: {  	s8 =	sand.u32 $0x70, s9;
	s25 =	sshra.s32 s25, $0x2;
	[tilespmem:s31+$0x0] =	vst v6  }
0xb4: {  	s8 =	sor.u32 s8, s25;
	[tilespmem:s30+$0x0] =	vst v5  }
0xb5: {  	v5 =	vld [tilespmem:s8+$0x100];
	_ =	sdelay $0x1  }
0xb6: {  	v6 =	vld [tilespmem:s8+$0x80]  }
0xb7: {  	v7 =	vld [tilespmem:s8+$0x0];
	_ =	sdelay $0x1  }
0xb8: {  	v5 =	vmul.u32 $0xC350, v5;
	_ =	sdelay $0x1  }
0xb9: {  	s0 =	sadd.s32 $0x10, s0;
	v8 =	vadd.s32 v6, v5  }
0xba: {  	s26 =	sadd.s32 $0x10, s4;
	v5 =	vadd.s32 v7, v5;
	[tilespmem:s0+$0x0] =	vst v8  }
0xbb: {  	s4 =	sadd.s32 $0x10, s31;
	[tilespmem:s26+$0x0] =	vst v5;
	v5 =	vadd.s32 v0, v5  }
0xbc: {  	s8 =	sadd.s32 $0x10, s30;
	[tilespmem:s4+$0x0] =	vst v5  }
0xbd: {  	[tilespmem:s8+$0x0] =	vst v6  }
0xbe: {  	[tilespmem:s15], [sflag:$0x1] =	stream.indirect.gather [hbm4b:s6+s13], $0x10, s14, s13, $0xb8;
	[tilespmem:$0x1C4F8] =	vst v63  }
0xbf: {  	_ = 	snop  }
0xc0: {  	[tilespmem:s17], [sflag:$0x1] =	stream.indirect.gather [hbm4b:s6+s13], $0x10, s16, s13, $0xb8;
	[tilespmem:$0x1C4F8] =	vst v63  }
0xc1: {  	_ = 	snop  }
0xc2: {  	[tilespmem:s19], [sflag:$0x2] =	stream.indirect.gather [hbm4b:s5+s13], $0x10, s18, s13, $0xb8;
	[tilespmem:$0x1C4F8] =	vst v63  }
0xc3: {  	_ =	swait.ge [sflag:s20], $0x2800  }
0xc4: {  	s9 =	simm.s32 $0x0;
	[sflag:s20] =	ssyncset.done $0x0  }
0xc5: {  	v5 =	vor.u32 s9, v2;
	[sflag:s20] =	ssyncadd.s32 $0xFFFFD800  }
0xc6: {  	v6 =	vshll.u32 v5, $0x4;
	_ =	swait.ge [sflag:s20], $0x2800  }
0xc7: {  	v7 =	vor.u32 $0x1, v6;
	[sflag:s20] =	ssyncset.done $0x0  }
0xc8: {  	[sflag:s20] =	ssyncadd.s32 $0xFFFFD800  }
0xc9: {  	_ =	swait.ge [sflag:s21], $0x2800  }
0xca: {  	[sflag:s21] =	ssyncset.done $0x0  }
0xcb: {  	[sflag:s21] =	ssyncadd.s32 $0xFFFFD800  }
0xcc: {  	v7 =	vld.idx.msk [tilespmem:v7+s17+$0x0], $0xffff  }
0xcd: {  	v6 =	vld.idx.msk [tilespmem:v6+s15+$0x0], $0xffff;
	_ =	sdelay $0x4  }
0xce: {  	v6 =	vadd.f32 v7, v6;
	_ =	sdelay $0x1  }
0xcf: {  	v7 =	vmul.f32 $2.000000030e-01, v6  }
0xd0: {  	vm1 =	vge.f32 v6, $0.0e+00  }
0xd1: {  	v6 =	vsel vm1, v6, v7  }
0xd2: {  	v6 =	vmul.f32 $1.442695020e+00, v6;
	_ =	sdelay $0x1  }
0xd3: {  	(erf) = vpow2.f32 v6;
	_ =	sdelay $0x4  }
0xd4: {  	s25 =	simm.s32 $0x10  }
0xd5: {  	v7 =	vor.u32 s25, v2  }
0xd6: {  	s29 =	sshll.u32 s29, $0x7;
	v5 =	vshll.u32 v5, $0x3;
	v6 =	vshll.u32 v7, $0x4  }
0xd7: {  	s26 =	sadd.s32 $0x0, s29;
	v8 =	vor.u32 $0x1, v6  }
0xd8: {  	p1 =	slt.u32 s26, $0xC3500;
	v9 =	vpop (erf)  }
0xd9: {  	s31 =	simm.s32 $0x9D80;
	v9 =	vpsel !p1, $0x0, v9  }
0xda: {  	[tilespmem:s31+$0x0] =	vst v9  }
0xdb: {  	[tilespmem:v5+s11+$0x0] =	vst.idx.msk $0xffff, v9  }
0xdc: {  	v5 =	vld.idx.msk [tilespmem:v8+s17+$0x0], $0xffff  }
0xdd: {  	v6 =	vld.idx.msk [tilespmem:v6+s15+$0x0], $0xffff;
	_ =	sdelay $0x4  }
0xde: {  	v5 =	vadd.f32 v5, v6;
	_ =	sdelay $0x1  }
0xdf: {  	v6 =	vmul.f32 $2.000000030e-01, v5  }
0xe0: {  	vm1 =	vge.f32 v5, $0.0e+00  }
0xe1: {  	v5 =	vsel vm1, v5, v6  }
0xe2: {  	v8 =	vmul.f32 $1.442695020e+00, v5;
	_ =	sdelay $0x1  }
0xe3: {  	(erf) = vpow2.f32 v8;
	_ =	sdelay $0x4  }
0xe4: {  	s30 =	simm.s32 $0x20  }
0xe5: {  	v5 =	vor.u32 s30, v2  }
0xe6: {  	v7 =	vshll.u32 v7, $0x3;
	v6 =	vshll.u32 v5, $0x4  }
0xe7: {  	s0 =	simm.s32 $0x30;
	s4 =	sadd.s32 $0x10, s29;
	v8 =	vor.u32 $0x1, v6  }
.LBB2_9:
0xe8: {  	p1 =	sne.s32 s0, $0x270;
	p2 =	slt.u32 s4, $0xC3500;
	v9 =	vpop (erf)  }
0xe9: {  	s31 =	sadd.s32 $0x10, s31;
	v9 =	vpsel !p2, $0x0, v9  }
0xea: {  	[tilespmem:s31+$0x0] =	vst v9  }
0xeb: {  	[tilespmem:v7+s11+$0x0] =	vst.idx.msk $0xffff, v9  }
0xec: {  	v7 =	vld.idx.msk [tilespmem:v8+s17+$0x0], $0xffff  }
0xed: {  	v6 =	vld.idx.msk [tilespmem:v6+s15+$0x0], $0xffff;
	_ =	sdelay $0x5  }
0xee: {  	v6 =	vadd.f32 v7, v6;
	_ =	sdelay $0x1  }
0xef: {  	v7 =	vmul.f32 $2.000000030e-01, v6  }
0xf0: {  	vm1 =	vge.f32 v6, $0.0e+00  }
0xf1: {  	v6 =	vsel vm1, v6, v7  }
0xf2: {  	v6 =	vmul.f32 $1.442695020e+00, v6;
	_ =	sdelay $0x1  }
0xf3: {  	(erf) = vpow2.f32 v6;
	_ =	sdelay $0x3  }
.Ltmp3:
0xf4: {  	(pc) =	sbr.rel @p1 .LBB2_9-.Ltmp3, $4  }
0xf5: {  	_ = 	snop  }
0xf6: {  	v8 =	vor.u32 s0, v2  }
0xf7: {  	v7 =	vshll.u32 v5, $0x3;
	v5 =	vmov v8;
	v6 =	vshll.u32 v8, $0x4  }
0xf8: {  	s4 =	sadd.s32 s29, s30;
	s30 =	smov.u32 s0;
	s0 =	sadd.s32 $0x10, s0;
	v8 =	vor.u32 $0x1, v6  }
0xf9: {  	_ = 	snop  }
0xfa: {  	p1 =	slt.u32 s4, $0xC3500;
	v9 =	vpop (erf)  }
0xfb: {  	s0 =	sadd.s32 $0x10, s31;
	v9 =	vpsel !p1, $0x0, v9  }
0xfc: {  	[tilespmem:s0+$0x0] =	vst v9  }
0xfd: {  	[tilespmem:v7+s11+$0x0] =	vst.idx.msk $0xffff, v9  }
0xfe: {  	v7 =	vld.idx.msk [tilespmem:v8+s17+$0x0], $0xffff  }
0xff: {  	v6 =	vld.idx.msk [tilespmem:v6+s15+$0x0], $0xffff;
	_ =	sdelay $0x4  }
0x100: {  	v6 =	vadd.f32 v7, v6;
	_ =	sdelay $0x1  }
0x101: {  	v7 =	vmul.f32 $2.000000030e-01, v6  }
0x102: {  	vm1 =	vge.f32 v6, $0.0e+00  }
0x103: {  	v6 =	vsel vm1, v6, v7  }
0x104: {  	v6 =	vmul.f32 $1.442695020e+00, v6;
	_ =	sdelay $0x1  }
0x105: {  	(erf) = vpow2.f32 v6;
	_ =	sdelay $0x3  }
0x106: {  	s26 =	simm.s32 $0x0  }
0x107: {  	v6 =	vmov s26  }
0x108: {  	v6 =	vand.u32 $0xFFFFFFFC, v6  }
0x109: {  	v5 =	vshll.u32 v5, $0x3;
	v6 =	vbroadcast v6, $0x0  }
0x10a: {  	s8 =	sadd.s32 s29, s30  }
0x10b: {  	p6 =	slt.u32 s8, $0xC3500;
	v7 =	vpop (erf)  }
0x10c: {  	s0 =	sadd.s32 $0x10, s0;
	v7 =	vpsel !p6, $0x0, v7  }
0x10d: {  	[tilespmem:s0+$0x0] =	vst v7  }
0x10e: {  	[tilespmem:v5+s11+$0x0] =	vst.idx.msk $0xffff, v7  }
0x10f: {  	s29 =	simm.s32 $0x61A0;
	s9 =	simm.s32 $0x1;
	v5 =	vld.idx.msk [tilespmem:v6+s22+$0x0], $0xffff  }
0x110: {  	v7 =	vmov s9;
	v6 =	vld [tilespmem:s29+$0xFFFFFFE0]  }
0x111: {  	v7 =	vand.u32 $0xFFFFFFFD, v7  }
0x112: {  	v7 =	vbroadcast v7, $0x0;
	_ =	sdelay $0x2  }
0x113: {  	v5 =	vmul.f32 v6, v5;
	_ =	sdelay $0x1  }
0x114: {  	s25 =	simm.s32 $0x2;
	v6 =	vld [tilespmem:s29+$0xFFFFFFF0];
	[tilespmem:s29+$0xFFFFFFE0] =	vst v5  }
0x115: {  	v5 =	vld.idx.msk [tilespmem:v7+s22+$0x0], $0xffff;
	v7 =	vmov s25  }
0x116: {  	v7 =	vand.u32 $0xFFFFFFFE, v7  }
0x117: {  	v7 =	vbroadcast v7, $0x0;
	_ =	sdelay $0x2  }
0x118: {  	v5 =	vmul.f32 v6, v5;
	_ =	sdelay $0x1  }
0x119: {  	v6 =	vld [tilespmem:s29+$0x0];
	[tilespmem:s29+$0xFFFFFFF0] =	vst v5  }
0x11a: {  	v5 =	vld.idx.msk [tilespmem:v7+s22+$0x0], $0xffff;
	_ =	sdelay $0x1  }
0x11b: {  	s26 =	simm.s32 $0x3  }
0x11c: {  	v7 =	vmov s26;
	_ =	sdelay $0x1  }
0x11d: {  	v5 =	vmul.f32 v6, v5;
	_ =	sdelay $0x1  }
0x11e: {  	[tilespmem:s29+$0x0] =	vst v5  }
0x11f: {  	s30 =	simm.s32 $0x7;
	s31 =	simm.s32 $0xB;
	s0 =	simm.s32 $0x4;
	v5 =	vld.idx.msk [tilespmem:v7+s22+$0x0], $0xffff  }
.LBB2_11:
0x120: {  	p1 =	sne.s32 s31, $0x27F;
	v6 =	vmov s0;
	v7 =	vld [tilespmem:s29+$0x10]  }
0x121: {  	v6 =	vand.u32 $0xFFFFFFFC, v6  }
0x122: {  	v6 =	vbroadcast v6, $0x0;
	_ =	sdelay $0x2  }
0x123: {  	v5 =	vmul.f32 v7, v5;
	_ =	sdelay $0x1  }
0x124: {  	[tilespmem:s29+$0x10] =	vst v5  }
0x125: {  	s0 =	sadd.s32 $0xFFFFFFFE, s30;
	s29 =	sadd.s32 $0x40, s29;
	v5 =	vld.idx.msk [tilespmem:v6+s22+$0x0], $0xffff  }
0x126: {  	v7 =	vmov s0;
	v6 =	vld [tilespmem:s29+$0xFFFFFFE0]  }
0x127: {  	v7 =	vand.u32 $0xFFFFFFFD, v7  }
0x128: {  	v7 =	vbroadcast v7, $0x0;
	_ =	sdelay $0x2  }
0x129: {  	v5 =	vmul.f32 v6, v5;
	_ =	sdelay $0x1  }
0x12a: {  	[tilespmem:s29+$0xFFFFFFE0] =	vst v5  }
0x12b: {  	s0 =	sadd.s32 $0xFFFFFFFF, s30;
	v5 =	vld.idx.msk [tilespmem:v7+s22+$0x0], $0xffff  }
0x12c: {  	v7 =	vmov s0;
	v6 =	vld [tilespmem:s29+$0xFFFFFFF0]  }
0x12d: {  	v7 =	vand.u32 $0xFFFFFFFE, v7  }
0x12e: {  	v7 =	vbroadcast v7, $0x0;
	_ =	sdelay $0x2  }
0x12f: {  	v5 =	vmul.f32 v6, v5;
	_ =	sdelay $0x1  }
0x130: {  	[tilespmem:s29+$0xFFFFFFF0] =	vst v5  }
0x131: {  	v5 =	vld.idx.msk [tilespmem:v7+s22+$0x0], $0xffff  }
0x132: {  	v6 =	vld [tilespmem:s29+$0x0];
	_ =	sdelay $0x2  }
0x133: {  	v7 =	vmov s30;
	s30 =	smov.u32 s31  }
.Ltmp4:
0x134: {  	(pc) =	sbr.rel @p1 .LBB2_11-.Ltmp4, $3  }
0x135: {  	v5 =	vmul.f32 v6, v5;
	_ =	sdelay $0x1  }
0x136: {  	[tilespmem:s29+$0x0] =	vst v5  }
0x137: {  	s31 =	sadd.s32 $0x4, s31;
	s0 =	sadd.s32 $0xFFFFFFFD, s30;
	v5 =	vld.idx.msk [tilespmem:v7+s22+$0x0], $0xffff  }
0x138: {  	v6 =	vmov s0;
	v7 =	vld [tilespmem:s29+$0x10]  }
0x139: {  	v6 =	vand.u32 $0xFFFFFFFC, v6  }
0x13a: {  	v6 =	vbroadcast v6, $0x0;
	_ =	sdelay $0x2  }
0x13b: {  	v5 =	vmul.f32 v7, v5;
	_ =	sdelay $0x1  }
0x13c: {  	[tilespmem:s29+$0x10] =	vst v5  }
0x13d: {  	s26 =	sadd.s32 $0xFFFFFFFE, s30;
	s4 =	sadd.s32 $0x40, s29;
	v5 =	vld.idx.msk [tilespmem:v6+s22+$0x0], $0xffff  }
0x13e: {  	v7 =	vmov s26;
	v6 =	vld [tilespmem:s4+$0xFFFFFFE0]  }
0x13f: {  	v7 =	vand.u32 $0xFFFFFFFD, v7  }
0x140: {  	v7 =	vbroadcast v7, $0x0;
	_ =	sdelay $0x2  }
0x141: {  	v5 =	vmul.f32 v6, v5;
	_ =	sdelay $0x1  }
0x142: {  	s31 =	sadd.s32 $0xFFFFFFFF, s30;
	v6 =	vld [tilespmem:s4+$0xFFFFFFF0];
	[tilespmem:s4+$0xFFFFFFE0] =	vst v5  }
0x143: {  	v5 =	vld.idx.msk [tilespmem:v7+s22+$0x0], $0xffff;
	v7 =	vmov s31  }
0x144: {  	v7 =	vand.u32 $0xFFFFFFFE, v7  }
0x145: {  	v7 =	vbroadcast v7, $0x0;
	_ =	sdelay $0x2  }
0x146: {  	v5 =	vmul.f32 v6, v5;
	_ =	sdelay $0x1  }
0x147: {  	v6 =	vld [tilespmem:s4+$0x0];
	[tilespmem:s4+$0xFFFFFFF0] =	vst v5  }
0x148: {  	v5 =	vld.idx.msk [tilespmem:v7+s22+$0x0], $0xffff;
	_ =	sdelay $0x2  }
0x149: {  	v7 =	vmov s30;
	_ =	sdelay $0x1  }
0x14a: {  	v5 =	vmul.f32 v6, v5;
	_ =	sdelay $0x1  }
0x14b: {  	v6 =	vld [tilespmem:s4+$0x10];
	[tilespmem:s4+$0x0] =	vst v5  }
0x14c: {  	v5 =	vld.idx.msk [tilespmem:v7+s22+$0x0], $0xffff;
	_ =	sdelay $0x4  }
0x14d: {  	v5 =	vmul.f32 v6, v5;
	_ =	sdelay $0x1  }
0x14e: {  	[tilespmem:s4+$0x10] =	vst v5  }
0x14f: {  	[spmem:s1] =	stream.indirect.scatter.add.f32 [tilespmem:s19], [sflag:$0x1], $0x10, s23, s13, $0xb8;
	[tilespmem:$0x1C4F8] =	vst v63  }
0x150: {  	s28 =	sadd.s32 $0x1, s28  }
0x151: {  	[spmem:s2] =	stream.indirect.scatter.add.f32 [tilespmem:s11], [sflag:$0x2], $0x8, s23, s13, $0xb8;
	[tilespmem:$0x1C4F8] =	vst v63  }
0x152: {  	p1 =	sne.s32 s28, $0x50;
	_ =	swait.ge [sflag:s20], $0x2800  }
.Ltmp5:
0x153: {  	[sflag:s20] =	ssyncset.done $0x0;
	(pc) =	sbr.rel @p1 .LBB2_6-.Ltmp5, $4  }
0x154: {  	[sflag:s20] =	ssyncadd.s32 $0xFFFFD800  }
0x155: {  	_ =	swait.ge [sflag:s21], $0x1400  }
0x156: {  	[sflag:s21] =	ssyncset.done $0x0  }
0x157: {  	[sflag:s21] =	ssyncadd.s32 $0xFFFFEC00  }
0x158: {  	[bflag:$0x0] =	sbarrier.arrive $0xFFFF  }
0x159: {  	s24 =	rddreg [dreg:$0x15]  }
0x15a: {  	s4 =	simm.s32 @p0 $0x1FC3;
	s8 =	rddreg [dreg:$0x10];
	s0 =	sshrl.u32 @p0 s24, $0x3  }
0x15b: {  	[hbm:s8], [sflag:s4] =	dma.local @p0 [spmem:s0], $0x1720  }
0x15c: {  	s0 =	simm.s32 @p0 $0x3  }
0x15d: {  	_ =	swait.ge @p0 [sflag:s0], $0x1720  }
0x15e: {  	[sflag:s0] =	ssyncset.done @p0 $0x0;
	s25 =	rddreg [dreg:$0x16]  }
0x15f: {  	s9 =	rddreg [dreg:$0x11];
	[sflag:s0] =	ssyncadd.s32 @p0 $0xFFFFE8E0;
	s8 =	sshrl.u32 @p0 s25, $0x3  }
0x160: {  	[hbm:s9], [sflag:s4] =	dma.local @p0 [spmem:s8], $0xB90  }
0x161: {  	s4 =	stileid.u32;
	_ =	swait.ge @p0 [sflag:s0], $0xB90  }
0x162: {  	s4 =	sshll.u32 @!p0 s4, $0x6;
	[sflag:s0] =	ssyncset.done @p0 $0x0;
	s8 =	rddreg [dreg:$0x13]  }
0x163: {  	[sflag:s0] =	ssyncadd.s32 @p0 $0xFFFFF470;
	s0 =	sor.u32 @!p0 $0x1C03, s4;
	s4 =	rddreg [dreg:$0xb]  }
0x164: {  	[hbm:s4], [sflag:s0] =	dma.local @!p0 [spmem:s8], $0x1880  }
0x165: {  	s4 =	simm.s32 @!p0 $0x3  }
0x166: {  	_ =	swait.ge @!p0 [sflag:s4], $0x1880  }
0x167: {  	[sflag:s4] =	ssyncset.done @!p0 $0x0;
	s8 =	rddreg [dreg:$0xc]  }
0x168: {  	s9 =	rddreg [dreg:$0x14];
	[sflag:s4] =	ssyncadd.s32 @!p0 $0xFFFFE780  }
0x169: {  	[hbm:s8], [sflag:s0] =	dma.local @!p0 [spmem:s9], $0xC40  }
0x16a: {  	_ =	swait.ge @!p0 [sflag:s4], $0xC40  }
0x16b: {  	s3 =	sadd.s32 $0x1, s3;
	s31 =	rddreg [dreg:$0x12]  }
0x16c: {  	p1 =	sne.s32 s3, s31  }
.Ltmp6:
0x16d: {  	_ = 	snop;
	(pc) =	sbr.rel @p1 .LBB2_1-.Ltmp6, $3  }
0x16e: {  	_ =	sdelay $0x1  }
0x16f: {  	[sflag:s4] =	ssyncset.done @!p0 $0x0  }
0x170: {  	[sflag:s4] =	ssyncadd.s32 @!p0 $0xFFFFF3C0  }
0x171: {  	_ =	sfence.sel $0x180000  }
0x172: {  	[bflag:$0x0] =	sbarrier.arrive $0xFFFF  }
0x173: {  	_ =	strace $0x9000004D  }
0x174: {  	s0 =	stileid.u32;
	[bflag:$0x2] =	sbarrier.arrive $0xFFFF  }
0x175: {  	p0 =	sne.s32 s0, $0x0;
	s0 =	rddreg [dreg:$0x3]  }
0x176: {  	s0 =	sadd.s32 @!p0 $0x100000, s0  }
0x177: {  	[sflag:s0] =	ssyncadd.tile.s32 @!p0 $0x1;
	_ =	shalt  }
.Lfunc_end2:
_tile_overlayer_lowered:
.L_overlay_start_2:
0x178: {  	(tag) =	ssettag $0x2  }
0x179: {  	s0 =	rddreg [dreg:$0x0];
	s2 =	stileid.u32  }
0x17a: {  	s1 =	rddreg [dreg:$0x1];
	p0 =	sne.s32 s2, $0x0  }
0x17b: {  	s3 =	rddreg [dreg:$0x2];
	[bflag:$0x3] =	sbarrier.arrive $0xFFFF;
	s2 =	simm.s32 @!p0 $0x1C03  }
0x17c: {  	[timem:s3], [sflag:s2] =	dma.local @!p0 [hbm:s0], s1  }
0x17d: {  	s0 =	simm.s32 @!p0 $0x3  }
0x17e: {  	_ =	swait.ge @!p0 [sflag:s0], s1  }
0x17f: {  	s1 =	ssub.s32 @!p0 $0x0, s1;
	[sflag:s0] =	ssyncset.done @!p0 $0x0  }
0x180: {  	[sflag:s0] =	ssyncadd.s32 @!p0 s1  }
0x181: {  	[bflag:$0x3] =	sbarrier.arrive $0xFFFF  }
0x182: {  	_ =	shalt  }

</sc_bundles>
